<compile_context>
chip_gen: v7x
topology: tpu7x:2x2x1
jax: 0.10.2.dev20260603
libtpu: 0.0.44.dev20260713+nightly
codegen_flags: <defaults>
</compile_context>

<pallas_src>
import functools

import jax
import jax.numpy as jnp
from jax import lax
from jax.experimental import pallas as pl
from jax.experimental.pallas import tpu as pltpu
from jax.experimental.pallas import tpu_sc as plsc

N_EMBD = 1024
VOCAB = 5
NPAIR = VOCAB * VOCAB
NPAD = 32

ROWS = 4 * 8192
NW = 32
RPW = ROWS // NW
CB = 32
NCH = RPW // CB
LANES = 16


def _combine_body(d_ref, p_ref, out_ref):
    d = d_ref[...]
    p = p_ref[...]
    comb = (d[:, None, :] + p[None, :, :]).reshape(NPAIR, N_EMBD)
    pad = jnp.zeros((NPAD - NPAIR, N_EMBD), jnp.float32)
    padded = jnp.concatenate([comb, pad], axis=0)
    out_ref[...] = jnp.broadcast_to(
        padded[None], (NW, NPAD, N_EMBD)
    ).reshape(NW * NPAD, N_EMBD)


def _combine(diaoemb_weight, phemb_weight):
    return pl.pallas_call(
        _combine_body,
        out_shape=jax.ShapeDtypeStruct((NW * NPAD, N_EMBD), jnp.float32),
    )(diaoemb_weight, phemb_weight)


def _sc_body(comb_hbm, x_hbm, diao_hbm, out_hbm, xv, dv, idxv, bufs, comb_v,
             wsem0, wsem1):
    sid = lax.axis_index("s")
    wid = sid * 2 + lax.axis_index("c")
    base = wid * RPW

    pltpu.sync_copy(comb_hbm.at[pl.ds(wid * NPAD, NPAD)], comb_v)

    pltpu.sync_copy(x_hbm.at[pl.ds(base, RPW)], xv)
    pltpu.sync_copy(diao_hbm.at[pl.ds(base, RPW)], dv)

    for k in range(RPW // LANES):
        s = pl.ds(k * LANES, LANES)
        idxv[s] = dv[s] * VOCAB + xv[s]

    wsems = (wsem0, wsem1)

    @pl.loop(0, NCH, step=2)
    def chunk_pair(i):
        for b in range(2):
            c = i + b

            @pl.when(i > 0)
            def _wait_prev():
                pltpu.make_async_copy(
                    bufs.at[b], out_hbm.at[pl.ds(base, CB)], wsems[b]
                ).wait()

            @plsc.parallel_loop(0, CB, unroll=1)
            def fill_row(r):
                iv = idxv[pl.ds(c * CB + r, LANES)]
                row = iv[0]
                for k in range(N_EMBD // LANES):
                    s = pl.ds(k * LANES, LANES)
                    bufs[b, r, s] = comb_v[row, s]

            pltpu.async_copy(
                bufs.at[b], out_hbm.at[pl.ds(base + c * CB, CB)], wsems[b]
            )

    for b in range(2):
        pltpu.make_async_copy(
            bufs.at[b], out_hbm.at[pl.ds(base, CB)], wsems[b]
        ).wait()


_sc_lookup = functools.partial(
    pl.kernel,
    out_type=jax.ShapeDtypeStruct((ROWS, N_EMBD), jnp.float32),
    mesh=plsc.VectorSubcoreMesh(core_axis_name="c", subcore_axis_name="s"),
    scratch_types=[
        pltpu.VMEM((RPW,), jnp.int32),
        pltpu.VMEM((RPW,), jnp.int32),
        pltpu.VMEM((RPW + LANES,), jnp.int32),
        pltpu.VMEM((2, CB, N_EMBD), jnp.float32),
        pltpu.VMEM((NPAD, N_EMBD), jnp.float32),
        pltpu.SemaphoreType.DMA,
        pltpu.SemaphoreType.DMA,
    ],
)(_sc_body)


@jax.jit
def kernel(x, diao, diaoemb_weight, phemb_weight):
    comb = _combine(diaoemb_weight, phemb_weight)
    xf = x.reshape(ROWS).astype(jnp.int32)
    df = diao.reshape(ROWS).astype(jnp.int32)
    out = _sc_lookup(comb, xf, df)
    return out.reshape(x.shape[0], x.shape[1], N_EMBD)

# --- scband reference (transcript-rebuilt; emitter-appended) ---
"""Pipeline reference for scband-ph-embd-87282325389683 (READ-ONLY COPY).

The authoritative reference and input builder live on the scoring server;
editing this copy changes nothing except your own understanding.
"""

import jax, jax.numpy as jnp
import numpy as np

N_EMBD = 1024
VOCAB = 5

def setup_inputs(seed: int = 0) -> dict:
    key = jax.random.key(seed)
    k1, k2, k3, k4 = jax.random.split(key, 4)
    x = jax.random.randint(k1, (4, 8192), 0, VOCAB, dtype=jnp.int64) if jax.config.jax_enable_x64 else jax.random.randint(k1, (4, 8192), 0, VOCAB, dtype=jnp.int32)
    diao = jax.random.randint(k2, (4, 8192), 0, VOCAB, dtype=jnp.int64) if jax.config.jax_enable_x64 else jax.random.randint(k2, (4, 8192), 0, VOCAB, dtype=jnp.int32)
    # Learned parameters: note the original module assigns diaoemb twice; only the
    # last nn.Embedding(5, n_embd) instance is used. phemb is a separate table.
    diaoemb_weight = jax.random.normal(k3, (VOCAB, N_EMBD), dtype=jnp.float32)
    phemb_weight = jax.random.normal(k4, (VOCAB, N_EMBD), dtype=jnp.float32)
    return {"x": x, "diao": diao, "diaoemb_weight": diaoemb_weight, "phemb_weight": phemb_weight}

def reference(x, diao, diaoemb_weight, phemb_weight):
    # diaoemb(diao) + phemb(x)
    diao_e = jnp.take(diaoemb_weight, diao, axis=0)
    ph_e = jnp.take(phemb_weight, x, axis=0)
    return diao_e + ph_e

if __name__ == "__main__":
    import jax
    _d = setup_inputs()
    print(jax.jit(kernel)(*tuple(_d.values())))

</pallas_src>

<mosaic_0001>
#map = affine_map<(d0, d1) -> (0, 0)>
#map1 = affine_map<(d0, d1) -> (0)>
module attributes {stable_mosaic.version = 14 : i64} {
  func.func @_sc_body(%arg0: i32, %arg1: i32, %arg2: memref<1024x1024xf32, #tpu.memory_space<hbm>>, %arg3: memref<32768xi32, #tpu.memory_space<hbm>>, %arg4: memref<32768xi32, #tpu.memory_space<hbm>>, %arg5: memref<32768x1024xf32, #tpu.memory_space<hbm>>, %arg6: memref<1024xi32, #tpu.memory_space<vmem>>, %arg7: memref<1024xi32, #tpu.memory_space<vmem>>, %arg8: memref<1040xi32, #tpu.memory_space<vmem>>, %arg9: memref<2x32x1024xf32, #tpu.memory_space<vmem>>, %arg10: memref<32x1024xf32, #tpu.memory_space<vmem>>, %arg11: memref<!tpu.dma_semaphore, #tpu.memory_space<semaphore_mem>>, %arg12: memref<!tpu.dma_semaphore, #tpu.memory_space<semaphore_mem>>) attributes {dimension_semantics = [#tpu.dimension_semantics<core_parallel>, #tpu.dimension_semantics<subcore_parallel>], iteration_bounds = array<i64: 2, 16>, scalar_prefetch = 0 : i64, scratch_operands = 7 : i64, tpu.core_type = #tpu.core_type<sc_vector_subcore>, window_params = [{transform_indices = #map}, {transform_indices = #map1}, {transform_indices = #map1}, {transform_indices = #map}]} {
    %mul3A = arith.constant 2 : i32
    %mul3A_0 = arith.muli %arg1, %mul3A : i32
    %add3A = arith.addi %mul3A_0, %arg0 : i32
    %mul3A_1 = arith.constant 1024 : i32
    %mul3A_2 = arith.muli %add3A, %mul3A_1 : i32
    %mul3A_3 = arith.constant 32 : i32
    %mul3A_4 = arith.muli %add3A, %mul3A_3 : i32
    "tpu.region"() ({
      %run_scoped3A = tpu.sem_alloc : memref<!tpu.dma_semaphore, #tpu.memory_space<semaphore_mem>>
      %dma_start3A = arith.constant 0 : i32
      %dma_start3A_928 = tpu.memref_slice %arg2[%mul3A_4, %dma_start3A] : memref<1024x1024xf32, #tpu.memory_space<hbm>> -> memref<32x1024xf32, #tpu.memory_space<hbm>>
      %dma_start3A_929 = arith.constant 0 : i32
      %dma_start3A_930 = tpu.memref_slice %arg2[%mul3A_4, %dma_start3A_929] : memref<1024x1024xf32, #tpu.memory_space<hbm>> -> memref<32x1024xf32, #tpu.memory_space<hbm>>
      tpu.enqueue_dma source(%dma_start3A_930 : memref<32x1024xf32, #tpu.memory_space<hbm>>) target(%arg10 : memref<32x1024xf32, #tpu.memory_space<vmem>>) target_semaphore(%run_scoped3A : memref<!tpu.dma_semaphore, #tpu.memory_space<semaphore_mem>>)
      %dma_wait3A_931 = arith.constant 0 : i32
      %dma_wait3A_932 = tpu.memref_slice %arg2[%mul3A_4, %dma_wait3A_931] : memref<1024x1024xf32, #tpu.memory_space<hbm>> -> memref<32x1024xf32, #tpu.memory_space<hbm>>
      %dma_wait3A_933 = arith.constant 0 : i32
      %dma_wait3A_934 = tpu.memref_slice %arg2[%mul3A_4, %dma_wait3A_933] : memref<1024x1024xf32, #tpu.memory_space<hbm>> -> memref<32x1024xf32, #tpu.memory_space<hbm>>
      tpu.wait_dma2 semaphore(%run_scoped3A : memref<!tpu.dma_semaphore, #tpu.memory_space<semaphore_mem>>) src(%dma_wait3A_934 : memref<32x1024xf32, #tpu.memory_space<hbm>>) dst(%arg10 : memref<32x1024xf32, #tpu.memory_space<vmem>>)
      tpu.yield
    }) : () -> ()
    "tpu.region"() ({
      %run_scoped3A = tpu.sem_alloc : memref<!tpu.dma_semaphore, #tpu.memory_space<semaphore_mem>>
      %dma_start3A = tpu.memref_slice %arg3[%mul3A_2] : memref<32768xi32, #tpu.memory_space<hbm>> -> memref<1024xi32, #tpu.memory_space<hbm>>
      %dma_start3A_928 = tpu.memref_slice %arg3[%mul3A_2] : memref<32768xi32, #tpu.memory_space<hbm>> -> memref<1024xi32, #tpu.memory_space<hbm>>
      tpu.enqueue_dma source(%dma_start3A_928 : memref<1024xi32, #tpu.memory_space<hbm>>) target(%arg6 : memref<1024xi32, #tpu.memory_space<vmem>>) target_semaphore(%run_scoped3A : memref<!tpu.dma_semaphore, #tpu.memory_space<semaphore_mem>>)
      %dma_wait3A_929 = tpu.memref_slice %arg3[%mul3A_2] : memref<32768xi32, #tpu.memory_space<hbm>> -> memref<1024xi32, #tpu.memory_space<hbm>>
      %dma_wait3A_930 = tpu.memref_slice %arg3[%mul3A_2] : memref<32768xi32, #tpu.memory_space<hbm>> -> memref<1024xi32, #tpu.memory_space<hbm>>
      tpu.wait_dma2 semaphore(%run_scoped3A : memref<!tpu.dma_semaphore, #tpu.memory_space<semaphore_mem>>) src(%dma_wait3A_930 : memref<1024xi32, #tpu.memory_space<hbm>>) dst(%arg6 : memref<1024xi32, #tpu.memory_space<vmem>>)
      tpu.yield
    }) : () -> ()
    "tpu.region"() ({
      %run_scoped3A = tpu.sem_alloc : memref<!tpu.dma_semaphore, #tpu.memory_space<semaphore_mem>>
      %dma_start3A = tpu.memref_slice %arg4[%mul3A_2] : memref<32768xi32, #tpu.memory_space<hbm>> -> memref<1024xi32, #tpu.memory_space<hbm>>
      %dma_start3A_928 = tpu.memref_slice %arg4[%mul3A_2] : memref<32768xi32, #tpu.memory_space<hbm>> -> memref<1024xi32, #tpu.memory_space<hbm>>
      tpu.enqueue_dma source(%dma_start3A_928 : memref<1024xi32, #tpu.memory_space<hbm>>) target(%arg7 : memref<1024xi32, #tpu.memory_space<vmem>>) target_semaphore(%run_scoped3A : memref<!tpu.dma_semaphore, #tpu.memory_space<semaphore_mem>>)
      %dma_wait3A_929 = tpu.memref_slice %arg4[%mul3A_2] : memref<32768xi32, #tpu.memory_space<hbm>> -> memref<1024xi32, #tpu.memory_space<hbm>>
      %dma_wait3A_930 = tpu.memref_slice %arg4[%mul3A_2] : memref<32768xi32, #tpu.memory_space<hbm>> -> memref<1024xi32, #tpu.memory_space<hbm>>
      tpu.wait_dma2 semaphore(%run_scoped3A : memref<!tpu.dma_semaphore, #tpu.memory_space<semaphore_mem>>) src(%dma_wait3A_930 : memref<1024xi32, #tpu.memory_space<hbm>>) dst(%arg7 : memref<1024xi32, #tpu.memory_space<vmem>>)
      tpu.yield
    }) : () -> ()
    %get3A = arith.constant 0 : index
    %get3A_5 = tpu.vector_load %arg7[%get3A] {strides = array<i32>} : memref<1024xi32, #tpu.memory_space<vmem>>, vector<16xi32>,
    %get3A_6 = vector.shape_cast %get3A_5 : vector<16xi32> to vector<16xi32>
    %mul3A_7 = arith.constant 5 : i32
    %mul3A_8 = vector.broadcast %mul3A_7 : i32 to vector<16xi32>
    %mul3A_9 = arith.muli %get3A_6, %mul3A_8 : vector<16xi32>
    %get3A_10 = arith.constant 0 : index
    %get3A_11 = tpu.vector_load %arg6[%get3A_10] {strides = array<i32>} : memref<1024xi32, #tpu.memory_space<vmem>>, vector<16xi32>,
    %get3A_12 = vector.shape_cast %get3A_11 : vector<16xi32> to vector<16xi32>
    %add3A_13 = arith.addi %mul3A_9, %get3A_12 : vector<16xi32>
    %swap3A = arith.constant 0 : index
    %swap3A_14 = tpu.vector_load %arg8[%swap3A] {strides = array<i32>} : memref<1040xi32, #tpu.memory_space<vmem>>, vector<16xi32>,
    %swap3A_15 = vector.shape_cast %swap3A_14 : vector<16xi32> to vector<16xi32>
    %swap3A_16 = vector.shape_cast %add3A_13 : vector<16xi32> to vector<16xi32>
    tpu.vector_store %arg8[%swap3A], %swap3A_16 {strides = array<i32>} : memref<1040xi32, #tpu.memory_space<vmem>>, vector<16xi32>,
    %get3A_17 = arith.constant 16 : index
    %get3A_18 = tpu.vector_load %arg7[%get3A_17] {strides = array<i32>} : memref<1024xi32, #tpu.memory_space<vmem>>, vector<16xi32>,
    %get3A_19 = vector.shape_cast %get3A_18 : vector<16xi32> to vector<16xi32>
    %mul3A_20 = arith.constant 5 : i32
    %mul3A_21 = vector.broadcast %mul3A_20 : i32 to vector<16xi32>
    %mul3A_22 = arith.muli %get3A_19, %mul3A_21 : vector<16xi32>
    %get3A_23 = arith.constant 16 : index
    %get3A_24 = tpu.vector_load %arg6[%get3A_23] {strides = array<i32>} : memref<1024xi32, #tpu.memory_space<vmem>>, vector<16xi32>,
    %get3A_25 = vector.shape_cast %get3A_24 : vector<16xi32> to vector<16xi32>
    %add3A_26 = arith.addi %mul3A_22, %get3A_25 : vector<16xi32>
    %swap3A_27 = arith.constant 16 : index
    %swap3A_28 = tpu.vector_load %arg8[%swap3A_27] {strides = array<i32>} : memref<1040xi32, #tpu.memory_space<vmem>>, vector<16xi32>,
    %swap3A_29 = vector.shape_cast %swap3A_28 : vector<16xi32> to vector<16xi32>
    %swap3A_30 = vector.shape_cast %add3A_26 : vector<16xi32> to vector<16xi32>
    tpu.vector_store %arg8[%swap3A_27], %swap3A_30 {strides = array<i32>} : memref<1040xi32, #tpu.memory_space<vmem>>, vector<16xi32>,
    %get3A_31 = arith.constant 32 : index
    %get3A_32 = tpu.vector_load %arg7[%get3A_31] {strides = array<i32>} : memref<1024xi32, #tpu.memory_space<vmem>>, vector<16xi32>,
    %get3A_33 = vector.shape_cast %get3A_32 : vector<16xi32> to vector<16xi32>
    %mul3A_34 = arith.constant 5 : i32
    %mul3A_35 = vector.broadcast %mul3A_34 : i32 to vector<16xi32>
    %mul3A_36 = arith.muli %get3A_33, %mul3A_35 : vector<16xi32>
    %get3A_37 = arith.constant 32 : index
    %get3A_38 = tpu.vector_load %arg6[%get3A_37] {strides = array<i32>} : memref<1024xi32, #tpu.memory_space<vmem>>, vector<16xi32>,
    %get3A_39 = vector.shape_cast %get3A_38 : vector<16xi32> to vector<16xi32>
    %add3A_40 = arith.addi %mul3A_36, %get3A_39 : vector<16xi32>
    %swap3A_41 = arith.constant 32 : index
    %swap3A_42 = tpu.vector_load %arg8[%swap3A_41] {strides = array<i32>} : memref<1040xi32, #tpu.memory_space<vmem>>, vector<16xi32>,
    %swap3A_43 = vector.shape_cast %swap3A_42 : vector<16xi32> to vector<16xi32>
    %swap3A_44 = vector.shape_cast %add3A_40 : vector<16xi32> to vector<16xi32>
    tpu.vector_store %arg8[%swap3A_41], %swap3A_44 {strides = array<i32>} : memref<1040xi32, #tpu.memory_space<vmem>>, vector<16xi32>,
    %get3A_45 = arith.constant 48 : index
    %get3A_46 = tpu.vector_load %arg7[%get3A_45] {strides = array<i32>} : memref<1024xi32, #tpu.memory_space<vmem>>, vector<16xi32>,
    %get3A_47 = vector.shape_cast %get3A_46 : vector<16xi32> to vector<16xi32>
    %mul3A_48 = arith.constant 5 : i32
    %mul3A_49 = vector.broadcast %mul3A_48 : i32 to vector<16xi32>
    %mul3A_50 = arith.muli %get3A_47, %mul3A_49 : vector<16xi32>
    %get3A_51 = arith.constant 48 : index
    %get3A_52 = tpu.vector_load %arg6[%get3A_51] {strides = array<i32>} : memref<1024xi32, #tpu.memory_space<vmem>>, vector<16xi32>,
    %get3A_53 = vector.shape_cast %get3A_52 : vector<16xi32> to vector<16xi32>
    %add3A_54 = arith.addi %mul3A_50, %get3A_53 : vector<16xi32>
    %swap3A_55 = arith.constant 48 : index
    %swap3A_56 = tpu.vector_load %arg8[%swap3A_55] {strides = array<i32>} : memref<1040xi32, #tpu.memory_space<vmem>>, vector<16xi32>,
    %swap3A_57 = vector.shape_cast %swap3A_56 : vector<16xi32> to vector<16xi32>
    %swap3A_58 = vector.shape_cast %add3A_54 : vector<16xi32> to vector<16xi32>
    tpu.vector_store %arg8[%swap3A_55], %swap3A_58 {strides = array<i32>} : memref<1040xi32, #tpu.memory_space<vmem>>, vector<16xi32>,
    %get3A_59 = arith.constant 64 : index
    %get3A_60 = tpu.vector_load %arg7[%get3A_59] {strides = array<i32>} : memref<1024xi32, #tpu.memory_space<vmem>>, vector<16xi32>,
    %get3A_61 = vector.shape_cast %get3A_60 : vector<16xi32> to vector<16xi32>
    %mul3A_62 = arith.constant 5 : i32
    %mul3A_63 = vector.broadcast %mul3A_62 : i32 to vector<16xi32>
    %mul3A_64 = arith.muli %get3A_61, %mul3A_63 : vector<16xi32>
    %get3A_65 = arith.constant 64 : index
    %get3A_66 = tpu.vector_load %arg6[%get3A_65] {strides = array<i32>} : memref<1024xi32, #tpu.memory_space<vmem>>, vector<16xi32>,
    %get3A_67 = vector.shape_cast %get3A_66 : vector<16xi32> to vector<16xi32>
    %add3A_68 = arith.addi %mul3A_64, %get3A_67 : vector<16xi32>
    %swap3A_69 = arith.constant 64 : index
    %swap3A_70 = tpu.vector_load %arg8[%swap3A_69] {strides = array<i32>} : memref<1040xi32, #tpu.memory_space<vmem>>, vector<16xi32>,
    %swap3A_71 = vector.shape_cast %swap3A_70 : vector<16xi32> to vector<16xi32>
    %swap3A_72 = vector.shape_cast %add3A_68 : vector<16xi32> to vector<16xi32>
    tpu.vector_store %arg8[%swap3A_69], %swap3A_72 {strides = array<i32>} : memref<1040xi32, #tpu.memory_space<vmem>>, vector<16xi32>,
    %get3A_73 = arith.constant 80 : index
    %get3A_74 = tpu.vector_load %arg7[%get3A_73] {strides = array<i32>} : memref<1024xi32, #tpu.memory_space<vmem>>, vector<16xi32>,
    %get3A_75 = vector.shape_cast %get3A_74 : vector<16xi32> to vector<16xi32>
    %mul3A_76 = arith.constant 5 : i32
    %mul3A_77 = vector.broadcast %mul3A_76 : i32 to vector<16xi32>
    %mul3A_78 = arith.muli %get3A_75, %mul3A_77 : vector<16xi32>
    %get3A_79 = arith.constant 80 : index
    %get3A_80 = tpu.vector_load %arg6[%get3A_79] {strides = array<i32>} : memref<1024xi32, #tpu.memory_space<vmem>>, vector<16xi32>,
    %get3A_81 = vector.shape_cast %get3A_80 : vector<16xi32> to vector<16xi32>
    %add3A_82 = arith.addi %mul3A_78, %get3A_81 : vector<16xi32>
    %swap3A_83 = arith.constant 80 : index
    %swap3A_84 = tpu.vector_load %arg8[%swap3A_83] {strides = array<i32>} : memref<1040xi32, #tpu.memory_space<vmem>>, vector<16xi32>,
    %swap3A_85 = vector.shape_cast %swap3A_84 : vector<16xi32> to vector<16xi32>
    %swap3A_86 = vector.shape_cast %add3A_82 : vector<16xi32> to vector<16xi32>
    tpu.vector_store %arg8[%swap3A_83], %swap3A_86 {strides = array<i32>} : memref<1040xi32, #tpu.memory_space<vmem>>, vector<16xi32>,
    %get3A_87 = arith.constant 96 : index
    %get3A_88 = tpu.vector_load %arg7[%get3A_87] {strides = array<i32>} : memref<1024xi32, #tpu.memory_space<vmem>>, vector<16xi32>,
    %get3A_89 = vector.shape_cast %get3A_88 : vector<16xi32> to vector<16xi32>
    %mul3A_90 = arith.constant 5 : i32
    %mul3A_91 = vector.broadcast %mul3A_90 : i32 to vector<16xi32>
    %mul3A_92 = arith.muli %get3A_89, %mul3A_91 : vector<16xi32>
    %get3A_93 = arith.constant 96 : index
    %get3A_94 = tpu.vector_load %arg6[%get3A_93] {strides = array<i32>} : memref<1024xi32, #tpu.memory_space<vmem>>, vector<16xi32>,
    %get3A_95 = vector.shape_cast %get3A_94 : vector<16xi32> to vector<16xi32>
    %add3A_96 = arith.addi %mul3A_92, %get3A_95 : vector<16xi32>
    %swap3A_97 = arith.constant 96 : index
    %swap3A_98 = tpu.vector_load %arg8[%swap3A_97] {strides = array<i32>} : memref<1040xi32, #tpu.memory_space<vmem>>, vector<16xi32>,
    %swap3A_99 = vector.shape_cast %swap3A_98 : vector<16xi32> to vector<16xi32>
    %swap3A_100 = vector.shape_cast %add3A_96 : vector<16xi32> to vector<16xi32>
    tpu.vector_store %arg8[%swap3A_97], %swap3A_100 {strides = array<i32>} : memref<1040xi32, #tpu.memory_space<vmem>>, vector<16xi32>,
    %get3A_101 = arith.constant 112 : index
    %get3A_102 = tpu.vector_load %arg7[%get3A_101] {strides = array<i32>} : memref<1024xi32, #tpu.memory_space<vmem>>, vector<16xi32>,
    %get3A_103 = vector.shape_cast %get3A_102 : vector<16xi32> to vector<16xi32>
    %mul3A_104 = arith.constant 5 : i32
    %mul3A_105 = vector.broadcast %mul3A_104 : i32 to vector<16xi32>
    %mul3A_106 = arith.muli %get3A_103, %mul3A_105 : vector<16xi32>
    %get3A_107 = arith.constant 112 : index
    %get3A_108 = tpu.vector_load %arg6[%get3A_107] {strides = array<i32>} : memref<1024xi32, #tpu.memory_space<vmem>>, vector<16xi32>,
    %get3A_109 = vector.shape_cast %get3A_108 : vector<16xi32> to vector<16xi32>
    %add3A_110 = arith.addi %mul3A_106, %get3A_109 : vector<16xi32>
    %swap3A_111 = arith.constant 112 : index
    %swap3A_112 = tpu.vector_load %arg8[%swap3A_111] {strides = array<i32>} : memref<1040xi32, #tpu.memory_space<vmem>>, vector<16xi32>,
    %swap3A_113 = vector.shape_cast %swap3A_112 : vector<16xi32> to vector<16xi32>
    %swap3A_114 = vector.shape_cast %add3A_110 : vector<16xi32> to vector<16xi32>
    tpu.vector_store %arg8[%swap3A_111], %swap3A_114 {strides = array<i32>} : memref<1040xi32, #tpu.memory_space<vmem>>, vector<16xi32>,
    %get3A_115 = arith.constant 128 : index
    %get3A_116 = tpu.vector_load %arg7[%get3A_115] {strides = array<i32>} : memref<1024xi32, #tpu.memory_space<vmem>>, vector<16xi32>,
    %get3A_117 = vector.shape_cast %get3A_116 : vector<16xi32> to vector<16xi32>
    %mul3A_118 = arith.constant 5 : i32
    %mul3A_119 = vector.broadcast %mul3A_118 : i32 to vector<16xi32>
    %mul3A_120 = arith.muli %get3A_117, %mul3A_119 : vector<16xi32>
    %get3A_121 = arith.constant 128 : index
    %get3A_122 = tpu.vector_load %arg6[%get3A_121] {strides = array<i32>} : memref<1024xi32, #tpu.memory_space<vmem>>, vector<16xi32>,
    %get3A_123 = vector.shape_cast %get3A_122 : vector<16xi32> to vector<16xi32>
    %add3A_124 = arith.addi %mul3A_120, %get3A_123 : vector<16xi32>
    %swap3A_125 = arith.constant 128 : index
    %swap3A_126 = tpu.vector_load %arg8[%swap3A_125] {strides = array<i32>} : memref<1040xi32, #tpu.memory_space<vmem>>, vector<16xi32>,
    %swap3A_127 = vector.shape_cast %swap3A_126 : vector<16xi32> to vector<16xi32>
    %swap3A_128 = vector.shape_cast %add3A_124 : vector<16xi32> to vector<16xi32>
    tpu.vector_store %arg8[%swap3A_125], %swap3A_128 {strides = array<i32>} : memref<1040xi32, #tpu.memory_space<vmem>>, vector<16xi32>,
    %get3A_129 = arith.constant 144 : index
    %get3A_130 = tpu.vector_load %arg7[%get3A_129] {strides = array<i32>} : memref<1024xi32, #tpu.memory_space<vmem>>, vector<16xi32>,
    %get3A_131 = vector.shape_cast %get3A_130 : vector<16xi32> to vector<16xi32>
    %mul3A_132 = arith.constant 5 : i32
    %mul3A_133 = vector.broadcast %mul3A_132 : i32 to vector<16xi32>
    %mul3A_134 = arith.muli %get3A_131, %mul3A_133 : vector<16xi32>
    %get3A_135 = arith.constant 144 : index
    %get3A_136 = tpu.vector_load %arg6[%get3A_135] {strides = array<i32>} : memref<1024xi32, #tpu.memory_space<vmem>>, vector<16xi32>,
    %get3A_137 = vector.shape_cast %get3A_136 : vector<16xi32> to vector<16xi32>
    %add3A_138 = arith.addi %mul3A_134, %get3A_137 : vector<16xi32>
    %swap3A_139 = arith.constant 144 : index
    %swap3A_140 = tpu.vector_load %arg8[%swap3A_139] {strides = array<i32>} : memref<1040xi32, #tpu.memory_space<vmem>>, vector<16xi32>,
    %swap3A_141 = vector.shape_cast %swap3A_140 : vector<16xi32> to vector<16xi32>
    %swap3A_142 = vector.shape_cast %add3A_138 : vector<16xi32> to vector<16xi32>
    tpu.vector_store %arg8[%swap3A_139], %swap3A_142 {strides = array<i32>} : memref<1040xi32, #tpu.memory_space<vmem>>, vector<16xi32>,
    %get3A_143 = arith.constant 160 : index
    %get3A_144 = tpu.vector_load %arg7[%get3A_143] {strides = array<i32>} : memref<1024xi32, #tpu.memory_space<vmem>>, vector<16xi32>,
    %get3A_145 = vector.shape_cast %get3A_144 : vector<16xi32> to vector<16xi32>
    %mul3A_146 = arith.constant 5 : i32
    %mul3A_147 = vector.broadcast %mul3A_146 : i32 to vector<16xi32>
    %mul3A_148 = arith.muli %get3A_145, %mul3A_147 : vector<16xi32>
    %get3A_149 = arith.constant 160 : index
    %get3A_150 = tpu.vector_load %arg6[%get3A_149] {strides = array<i32>} : memref<1024xi32, #tpu.memory_space<vmem>>, vector<16xi32>,
    %get3A_151 = vector.shape_cast %get3A_150 : vector<16xi32> to vector<16xi32>
    %add3A_152 = arith.addi %mul3A_148, %get3A_151 : vector<16xi32>
    %swap3A_153 = arith.constant 160 : index
    %swap3A_154 = tpu.vector_load %arg8[%swap3A_153] {strides = array<i32>} : memref<1040xi32, #tpu.memory_space<vmem>>, vector<16xi32>,
    %swap3A_155 = vector.shape_cast %swap3A_154 : vector<16xi32> to vector<16xi32>
    %swap3A_156 = vector.shape_cast %add3A_152 : vector<16xi32> to vector<16xi32>
    tpu.vector_store %arg8[%swap3A_153], %swap3A_156 {strides = array<i32>} : memref<1040xi32, #tpu.memory_space<vmem>>, vector<16xi32>,
    %get3A_157 = arith.constant 176 : index
    %get3A_158 = tpu.vector_load %arg7[%get3A_157] {strides = array<i32>} : memref<1024xi32, #tpu.memory_space<vmem>>, vector<16xi32>,
    %get3A_159 = vector.shape_cast %get3A_158 : vector<16xi32> to vector<16xi32>
    %mul3A_160 = arith.constant 5 : i32
    %mul3A_161 = vector.broadcast %mul3A_160 : i32 to vector<16xi32>
    %mul3A_162 = arith.muli %get3A_159, %mul3A_161 : vector<16xi32>
    %get3A_163 = arith.constant 176 : index
    %get3A_164 = tpu.vector_load %arg6[%get3A_163] {strides = array<i32>} : memref<1024xi32, #tpu.memory_space<vmem>>, vector<16xi32>,
    %get3A_165 = vector.shape_cast %get3A_164 : vector<16xi32> to vector<16xi32>
    %add3A_166 = arith.addi %mul3A_162, %get3A_165 : vector<16xi32>
    %swap3A_167 = arith.constant 176 : index
    %swap3A_168 = tpu.vector_load %arg8[%swap3A_167] {strides = array<i32>} : memref<1040xi32, #tpu.memory_space<vmem>>, vector<16xi32>,
    %swap3A_169 = vector.shape_cast %swap3A_168 : vector<16xi32> to vector<16xi32>
    %swap3A_170 = vector.shape_cast %add3A_166 : vector<16xi32> to vector<16xi32>
    tpu.vector_store %arg8[%swap3A_167], %swap3A_170 {strides = array<i32>} : memref<1040xi32, #tpu.memory_space<vmem>>, vector<16xi32>,
    %get3A_171 = arith.constant 192 : index
    %get3A_172 = tpu.vector_load %arg7[%get3A_171] {strides = array<i32>} : memref<1024xi32, #tpu.memory_space<vmem>>, vector<16xi32>,
    %get3A_173 = vector.shape_cast %get3A_172 : vector<16xi32> to vector<16xi32>
    %mul3A_174 = arith.constant 5 : i32
    %mul3A_175 = vector.broadcast %mul3A_174 : i32 to vector<16xi32>
    %mul3A_176 = arith.muli %get3A_173, %mul3A_175 : vector<16xi32>
    %get3A_177 = arith.constant 192 : index
    %get3A_178 = tpu.vector_load %arg6[%get3A_177] {strides = array<i32>} : memref<1024xi32, #tpu.memory_space<vmem>>, vector<16xi32>,
    %get3A_179 = vector.shape_cast %get3A_178 : vector<16xi32> to vector<16xi32>
    %add3A_180 = arith.addi %mul3A_176, %get3A_179 : vector<16xi32>
    %swap3A_181 = arith.constant 192 : index
    %swap3A_182 = tpu.vector_load %arg8[%swap3A_181] {strides = array<i32>} : memref<1040xi32, #tpu.memory_space<vmem>>, vector<16xi32>,
    %swap3A_183 = vector.shape_cast %swap3A_182 : vector<16xi32> to vector<16xi32>
    %swap3A_184 = vector.shape_cast %add3A_180 : vector<16xi32> to vector<16xi32>
    tpu.vector_store %arg8[%swap3A_181], %swap3A_184 {strides = array<i32>} : memref<1040xi32, #tpu.memory_space<vmem>>, vector<16xi32>,
    %get3A_185 = arith.constant 208 : index
    %get3A_186 = tpu.vector_load %arg7[%get3A_185] {strides = array<i32>} : memref<1024xi32, #tpu.memory_space<vmem>>, vector<16xi32>,
    %get3A_187 = vector.shape_cast %get3A_186 : vector<16xi32> to vector<16xi32>
    %mul3A_188 = arith.constant 5 : i32
    %mul3A_189 = vector.broadcast %mul3A_188 : i32 to vector<16xi32>
    %mul3A_190 = arith.muli %get3A_187, %mul3A_189 : vector<16xi32>
    %get3A_191 = arith.constant 208 : index
    %get3A_192 = tpu.vector_load %arg6[%get3A_191] {strides = array<i32>} : memref<1024xi32, #tpu.memory_space<vmem>>, vector<16xi32>,
    %get3A_193 = vector.shape_cast %get3A_192 : vector<16xi32> to vector<16xi32>
    %add3A_194 = arith.addi %mul3A_190, %get3A_193 : vector<16xi32>
    %swap3A_195 = arith.constant 208 : index
    %swap3A_196 = tpu.vector_load %arg8[%swap3A_195] {strides = array<i32>} : memref<1040xi32, #tpu.memory_space<vmem>>, vector<16xi32>,
    %swap3A_197 = vector.shape_cast %swap3A_196 : vector<16xi32> to vector<16xi32>
    %swap3A_198 = vector.shape_cast %add3A_194 : vector<16xi32> to vector<16xi32>
    tpu.vector_store %arg8[%swap3A_195], %swap3A_198 {strides = array<i32>} : memref<1040xi32, #tpu.memory_space<vmem>>, vector<16xi32>,
    %get3A_199 = arith.constant 224 : index
    %get3A_200 = tpu.vector_load %arg7[%get3A_199] {strides = array<i32>} : memref<1024xi32, #tpu.memory_space<vmem>>, vector<16xi32>,
    %get3A_201 = vector.shape_cast %get3A_200 : vector<16xi32> to vector<16xi32>
    %mul3A_202 = arith.constant 5 : i32
    %mul3A_203 = vector.broadcast %mul3A_202 : i32 to vector<16xi32>
    %mul3A_204 = arith.muli %get3A_201, %mul3A_203 : vector<16xi32>
    %get3A_205 = arith.constant 224 : index
    %get3A_206 = tpu.vector_load %arg6[%get3A_205] {strides = array<i32>} : memref<1024xi32, #tpu.memory_space<vmem>>, vector<16xi32>,
    %get3A_207 = vector.shape_cast %get3A_206 : vector<16xi32> to vector<16xi32>
    %add3A_208 = arith.addi %mul3A_204, %get3A_207 : vector<16xi32>
    %swap3A_209 = arith.constant 224 : index
    %swap3A_210 = tpu.vector_load %arg8[%swap3A_209] {strides = array<i32>} : memref<1040xi32, #tpu.memory_space<vmem>>, vector<16xi32>,
    %swap3A_211 = vector.shape_cast %swap3A_210 : vector<16xi32> to vector<16xi32>
    %swap3A_212 = vector.shape_cast %add3A_208 : vector<16xi32> to vector<16xi32>
    tpu.vector_store %arg8[%swap3A_209], %swap3A_212 {strides = array<i32>} : memref<1040xi32, #tpu.memory_space<vmem>>, vector<16xi32>,
    %get3A_213 = arith.constant 240 : index
    %get3A_214 = tpu.vector_load %arg7[%get3A_213] {strides = array<i32>} : memref<1024xi32, #tpu.memory_space<vmem>>, vector<16xi32>,
    %get3A_215 = vector.shape_cast %get3A_214 : vector<16xi32> to vector<16xi32>
    %mul3A_216 = arith.constant 5 : i32
    %mul3A_217 = vector.broadcast %mul3A_216 : i32 to vector<16xi32>
    %mul3A_218 = arith.muli %get3A_215, %mul3A_217 : vector<16xi32>
    %get3A_219 = arith.constant 240 : index
    %get3A_220 = tpu.vector_load %arg6[%get3A_219] {strides = array<i32>} : memref<1024xi32, #tpu.memory_space<vmem>>, vector<16xi32>,
    %get3A_221 = vector.shape_cast %get3A_220 : vector<16xi32> to vector<16xi32>
    %add3A_222 = arith.addi %mul3A_218, %get3A_221 : vector<16xi32>
    %swap3A_223 = arith.constant 240 : index
    %swap3A_224 = tpu.vector_load %arg8[%swap3A_223] {strides = array<i32>} : memref<1040xi32, #tpu.memory_space<vmem>>, vector<16xi32>,
    %swap3A_225 = vector.shape_cast %swap3A_224 : vector<16xi32> to vector<16xi32>
    %swap3A_226 = vector.shape_cast %add3A_222 : vector<16xi32> to vector<16xi32>
    tpu.vector_store %arg8[%swap3A_223], %swap3A_226 {strides = array<i32>} : memref<1040xi32, #tpu.memory_space<vmem>>, vector<16xi32>,
    %get3A_227 = arith.constant 256 : index
    %get3A_228 = tpu.vector_load %arg7[%get3A_227] {strides = array<i32>} : memref<1024xi32, #tpu.memory_space<vmem>>, vector<16xi32>,
    %get3A_229 = vector.shape_cast %get3A_228 : vector<16xi32> to vector<16xi32>
    %mul3A_230 = arith.constant 5 : i32
    %mul3A_231 = vector.broadcast %mul3A_230 : i32 to vector<16xi32>
    %mul3A_232 = arith.muli %get3A_229, %mul3A_231 : vector<16xi32>
    %get3A_233 = arith.constant 256 : index
    %get3A_234 = tpu.vector_load %arg6[%get3A_233] {strides = array<i32>} : memref<1024xi32, #tpu.memory_space<vmem>>, vector<16xi32>,
    %get3A_235 = vector.shape_cast %get3A_234 : vector<16xi32> to vector<16xi32>
    %add3A_236 = arith.addi %mul3A_232, %get3A_235 : vector<16xi32>
    %swap3A_237 = arith.constant 256 : index
    %swap3A_238 = tpu.vector_load %arg8[%swap3A_237] {strides = array<i32>} : memref<1040xi32, #tpu.memory_space<vmem>>, vector<16xi32>,
    %swap3A_239 = vector.shape_cast %swap3A_238 : vector<16xi32> to vector<16xi32>
    %swap3A_240 = vector.shape_cast %add3A_236 : vector<16xi32> to vector<16xi32>
    tpu.vector_store %arg8[%swap3A_237], %swap3A_240 {strides = array<i32>} : memref<1040xi32, #tpu.memory_space<vmem>>, vector<16xi32>,
    %get3A_241 = arith.constant 272 : index
    %get3A_242 = tpu.vector_load %arg7[%get3A_241] {strides = array<i32>} : memref<1024xi32, #tpu.memory_space<vmem>>, vector<16xi32>,
    %get3A_243 = vector.shape_cast %get3A_242 : vector<16xi32> to vector<16xi32>
    %mul3A_244 = arith.constant 5 : i32
    %mul3A_245 = vector.broadcast %mul3A_244 : i32 to vector<16xi32>
    %mul3A_246 = arith.muli %get3A_243, %mul3A_245 : vector<16xi32>
    %get3A_247 = arith.constant 272 : index
    %get3A_248 = tpu.vector_load %arg6[%get3A_247] {strides = array<i32>} : memref<1024xi32, #tpu.memory_space<vmem>>, vector<16xi32>,
    %get3A_249 = vector.shape_cast %get3A_248 : vector<16xi32> to vector<16xi32>
    %add3A_250 = arith.addi %mul3A_246, %get3A_249 : vector<16xi32>
    %swap3A_251 = arith.constant 272 : index
    %swap3A_252 = tpu.vector_load %arg8[%swap3A_251] {strides = array<i32>} : memref<1040xi32, #tpu.memory_space<vmem>>, vector<16xi32>,
    %swap3A_253 = vector.shape_cast %swap3A_252 : vector<16xi32> to vector<16xi32>
    %swap3A_254 = vector.shape_cast %add3A_250 : vector<16xi32> to vector<16xi32>
    tpu.vector_store %arg8[%swap3A_251], %swap3A_254 {strides = array<i32>} : memref<1040xi32, #tpu.memory_space<vmem>>, vector<16xi32>,
    %get3A_255 = arith.constant 288 : index
    %get3A_256 = tpu.vector_load %arg7[%get3A_255] {strides = array<i32>} : memref<1024xi32, #tpu.memory_space<vmem>>, vector<16xi32>,
    %get3A_257 = vector.shape_cast %get3A_256 : vector<16xi32> to vector<16xi32>
    %mul3A_258 = arith.constant 5 : i32
    %mul3A_259 = vector.broadcast %mul3A_258 : i32 to vector<16xi32>
    %mul3A_260 = arith.muli %get3A_257, %mul3A_259 : vector<16xi32>
    %get3A_261 = arith.constant 288 : index
    %get3A_262 = tpu.vector_load %arg6[%get3A_261] {strides = array<i32>} : memref<1024xi32, #tpu.memory_space<vmem>>, vector<16xi32>,
    %get3A_263 = vector.shape_cast %get3A_262 : vector<16xi32> to vector<16xi32>
    %add3A_264 = arith.addi %mul3A_260, %get3A_263 : vector<16xi32>
    %swap3A_265 = arith.constant 288 : index
    %swap3A_266 = tpu.vector_load %arg8[%swap3A_265] {strides = array<i32>} : memref<1040xi32, #tpu.memory_space<vmem>>, vector<16xi32>,
    %swap3A_267 = vector.shape_cast %swap3A_266 : vector<16xi32> to vector<16xi32>
    %swap3A_268 = vector.shape_cast %add3A_264 : vector<16xi32> to vector<16xi32>
    tpu.vector_store %arg8[%swap3A_265], %swap3A_268 {strides = array<i32>} : memref<1040xi32, #tpu.memory_space<vmem>>, vector<16xi32>,
    %get3A_269 = arith.constant 304 : index
    %get3A_270 = tpu.vector_load %arg7[%get3A_269] {strides = array<i32>} : memref<1024xi32, #tpu.memory_space<vmem>>, vector<16xi32>,
    %get3A_271 = vector.shape_cast %get3A_270 : vector<16xi32> to vector<16xi32>
    %mul3A_272 = arith.constant 5 : i32
    %mul3A_273 = vector.broadcast %mul3A_272 : i32 to vector<16xi32>
    %mul3A_274 = arith.muli %get3A_271, %mul3A_273 : vector<16xi32>
    %get3A_275 = arith.constant 304 : index
    %get3A_276 = tpu.vector_load %arg6[%get3A_275] {strides = array<i32>} : memref<1024xi32, #tpu.memory_space<vmem>>, vector<16xi32>,
    %get3A_277 = vector.shape_cast %get3A_276 : vector<16xi32> to vector<16xi32>
    %add3A_278 = arith.addi %mul3A_274, %get3A_277 : vector<16xi32>
    %swap3A_279 = arith.constant 304 : index
    %swap3A_280 = tpu.vector_load %arg8[%swap3A_279] {strides = array<i32>} : memref<1040xi32, #tpu.memory_space<vmem>>, vector<16xi32>,
    %swap3A_281 = vector.shape_cast %swap3A_280 : vector<16xi32> to vector<16xi32>
    %swap3A_282 = vector.shape_cast %add3A_278 : vector<16xi32> to vector<16xi32>
    tpu.vector_store %arg8[%swap3A_279], %swap3A_282 {strides = array<i32>} : memref<1040xi32, #tpu.memory_space<vmem>>, vector<16xi32>,
    %get3A_283 = arith.constant 320 : index
    %get3A_284 = tpu.vector_load %arg7[%get3A_283] {strides = array<i32>} : memref<1024xi32, #tpu.memory_space<vmem>>, vector<16xi32>,
    %get3A_285 = vector.shape_cast %get3A_284 : vector<16xi32> to vector<16xi32>
    %mul3A_286 = arith.constant 5 : i32
    %mul3A_287 = vector.broadcast %mul3A_286 : i32 to vector<16xi32>
    %mul3A_288 = arith.muli %get3A_285, %mul3A_287 : vector<16xi32>
    %get3A_289 = arith.constant 320 : index
    %get3A_290 = tpu.vector_load %arg6[%get3A_289] {strides = array<i32>} : memref<1024xi32, #tpu.memory_space<vmem>>, vector<16xi32>,
    %get3A_291 = vector.shape_cast %get3A_290 : vector<16xi32> to vector<16xi32>
    %add3A_292 = arith.addi %mul3A_288, %get3A_291 : vector<16xi32>
    %swap3A_293 = arith.constant 320 : index
    %swap3A_294 = tpu.vector_load %arg8[%swap3A_293] {strides = array<i32>} : memref<1040xi32, #tpu.memory_space<vmem>>, vector<16xi32>,
    %swap3A_295 = vector.shape_cast %swap3A_294 : vector<16xi32> to vector<16xi32>
    %swap3A_296 = vector.shape_cast %add3A_292 : vector<16xi32> to vector<16xi32>
    tpu.vector_store %arg8[%swap3A_293], %swap3A_296 {strides = array<i32>} : memref<1040xi32, #tpu.memory_space<vmem>>, vector<16xi32>,
    %get3A_297 = arith.constant 336 : index
    %get3A_298 = tpu.vector_load %arg7[%get3A_297] {strides = array<i32>} : memref<1024xi32, #tpu.memory_space<vmem>>, vector<16xi32>,
    %get3A_299 = vector.shape_cast %get3A_298 : vector<16xi32> to vector<16xi32>
    %mul3A_300 = arith.constant 5 : i32
    %mul3A_301 = vector.broadcast %mul3A_300 : i32 to vector<16xi32>
    %mul3A_302 = arith.muli %get3A_299, %mul3A_301 : vector<16xi32>
    %get3A_303 = arith.constant 336 : index
    %get3A_304 = tpu.vector_load %arg6[%get3A_303] {strides = array<i32>} : memref<1024xi32, #tpu.memory_space<vmem>>, vector<16xi32>,
    %get3A_305 = vector.shape_cast %get3A_304 : vector<16xi32> to vector<16xi32>
    %add3A_306 = arith.addi %mul3A_302, %get3A_305 : vector<16xi32>
    %swap3A_307 = arith.constant 336 : index
    %swap3A_308 = tpu.vector_load %arg8[%swap3A_307] {strides = array<i32>} : memref<1040xi32, #tpu.memory_space<vmem>>, vector<16xi32>,
    %swap3A_309 = vector.shape_cast %swap3A_308 : vector<16xi32> to vector<16xi32>
    %swap3A_310 = vector.shape_cast %add3A_306 : vector<16xi32> to vector<16xi32>
    tpu.vector_store %arg8[%swap3A_307], %swap3A_310 {strides = array<i32>} : memref<1040xi32, #tpu.memory_space<vmem>>, vector<16xi32>,
    %get3A_311 = arith.constant 352 : index
    %get3A_312 = tpu.vector_load %arg7[%get3A_311] {strides = array<i32>} : memref<1024xi32, #tpu.memory_space<vmem>>, vector<16xi32>,
    %get3A_313 = vector.shape_cast %get3A_312 : vector<16xi32> to vector<16xi32>
    %mul3A_314 = arith.constant 5 : i32
    %mul3A_315 = vector.broadcast %mul3A_314 : i32 to vector<16xi32>
    %mul3A_316 = arith.muli %get3A_313, %mul3A_315 : vector<16xi32>
    %get3A_317 = arith.constant 352 : index
    %get3A_318 = tpu.vector_load %arg6[%get3A_317] {strides = array<i32>} : memref<1024xi32, #tpu.memory_space<vmem>>, vector<16xi32>,
    %get3A_319 = vector.shape_cast %get3A_318 : vector<16xi32> to vector<16xi32>
    %add3A_320 = arith.addi %mul3A_316, %get3A_319 : vector<16xi32>
    %swap3A_321 = arith.constant 352 : index
    %swap3A_322 = tpu.vector_load %arg8[%swap3A_321] {strides = array<i32>} : memref<1040xi32, #tpu.memory_space<vmem>>, vector<16xi32>,
    %swap3A_323 = vector.shape_cast %swap3A_322 : vector<16xi32> to vector<16xi32>
    %swap3A_324 = vector.shape_cast %add3A_320 : vector<16xi32> to vector<16xi32>
    tpu.vector_store %arg8[%swap3A_321], %swap3A_324 {strides = array<i32>} : memref<1040xi32, #tpu.memory_space<vmem>>, vector<16xi32>,
    %get3A_325 = arith.constant 368 : index
    %get3A_326 = tpu.vector_load %arg7[%get3A_325] {strides = array<i32>} : memref<1024xi32, #tpu.memory_space<vmem>>, vector<16xi32>,
    %get3A_327 = vector.shape_cast %get3A_326 : vector<16xi32> to vector<16xi32>
    %mul3A_328 = arith.constant 5 : i32
    %mul3A_329 = vector.broadcast %mul3A_328 : i32 to vector<16xi32>
    %mul3A_330 = arith.muli %get3A_327, %mul3A_329 : vector<16xi32>
    %get3A_331 = arith.constant 368 : index
    %get3A_332 = tpu.vector_load %arg6[%get3A_331] {strides = array<i32>} : memref<1024xi32, #tpu.memory_space<vmem>>, vector<16xi32>,
    %get3A_333 = vector.shape_cast %get3A_332 : vector<16xi32> to vector<16xi32>
    %add3A_334 = arith.addi %mul3A_330, %get3A_333 : vector<16xi32>
    %swap3A_335 = arith.constant 368 : index
    %swap3A_336 = tpu.vector_load %arg8[%swap3A_335] {strides = array<i32>} : memref<1040xi32, #tpu.memory_space<vmem>>, vector<16xi32>,
    %swap3A_337 = vector.shape_cast %swap3A_336 : vector<16xi32> to vector<16xi32>
    %swap3A_338 = vector.shape_cast %add3A_334 : vector<16xi32> to vector<16xi32>
    tpu.vector_store %arg8[%swap3A_335], %swap3A_338 {strides = array<i32>} : memref<1040xi32, #tpu.memory_space<vmem>>, vector<16xi32>,
    %get3A_339 = arith.constant 384 : index
    %get3A_340 = tpu.vector_load %arg7[%get3A_339] {strides = array<i32>} : memref<1024xi32, #tpu.memory_space<vmem>>, vector<16xi32>,
    %get3A_341 = vector.shape_cast %get3A_340 : vector<16xi32> to vector<16xi32>
    %mul3A_342 = arith.constant 5 : i32
    %mul3A_343 = vector.broadcast %mul3A_342 : i32 to vector<16xi32>
    %mul3A_344 = arith.muli %get3A_341, %mul3A_343 : vector<16xi32>
    %get3A_345 = arith.constant 384 : index
    %get3A_346 = tpu.vector_load %arg6[%get3A_345] {strides = array<i32>} : memref<1024xi32, #tpu.memory_space<vmem>>, vector<16xi32>,
    %get3A_347 = vector.shape_cast %get3A_346 : vector<16xi32> to vector<16xi32>
    %add3A_348 = arith.addi %mul3A_344, %get3A_347 : vector<16xi32>
    %swap3A_349 = arith.constant 384 : index
    %swap3A_350 = tpu.vector_load %arg8[%swap3A_349] {strides = array<i32>} : memref<1040xi32, #tpu.memory_space<vmem>>, vector<16xi32>,
    %swap3A_351 = vector.shape_cast %swap3A_350 : vector<16xi32> to vector<16xi32>
    %swap3A_352 = vector.shape_cast %add3A_348 : vector<16xi32> to vector<16xi32>
    tpu.vector_store %arg8[%swap3A_349], %swap3A_352 {strides = array<i32>} : memref<1040xi32, #tpu.memory_space<vmem>>, vector<16xi32>,
    %get3A_353 = arith.constant 400 : index
    %get3A_354 = tpu.vector_load %arg7[%get3A_353] {strides = array<i32>} : memref<1024xi32, #tpu.memory_space<vmem>>, vector<16xi32>,
    %get3A_355 = vector.shape_cast %get3A_354 : vector<16xi32> to vector<16xi32>
    %mul3A_356 = arith.constant 5 : i32
    %mul3A_357 = vector.broadcast %mul3A_356 : i32 to vector<16xi32>
    %mul3A_358 = arith.muli %get3A_355, %mul3A_357 : vector<16xi32>
    %get3A_359 = arith.constant 400 : index
    %get3A_360 = tpu.vector_load %arg6[%get3A_359] {strides = array<i32>} : memref<1024xi32, #tpu.memory_space<vmem>>, vector<16xi32>,
    %get3A_361 = vector.shape_cast %get3A_360 : vector<16xi32> to vector<16xi32>
    %add3A_362 = arith.addi %mul3A_358, %get3A_361 : vector<16xi32>
    %swap3A_363 = arith.constant 400 : index
    %swap3A_364 = tpu.vector_load %arg8[%swap3A_363] {strides = array<i32>} : memref<1040xi32, #tpu.memory_space<vmem>>, vector<16xi32>,
    %swap3A_365 = vector.shape_cast %swap3A_364 : vector<16xi32> to vector<16xi32>
    %swap3A_366 = vector.shape_cast %add3A_362 : vector<16xi32> to vector<16xi32>
    tpu.vector_store %arg8[%swap3A_363], %swap3A_366 {strides = array<i32>} : memref<1040xi32, #tpu.memory_space<vmem>>, vector<16xi32>,
    %get3A_367 = arith.constant 416 : index
    %get3A_368 = tpu.vector_load %arg7[%get3A_367] {strides = array<i32>} : memref<1024xi32, #tpu.memory_space<vmem>>, vector<16xi32>,
    %get3A_369 = vector.shape_cast %get3A_368 : vector<16xi32> to vector<16xi32>
    %mul3A_370 = arith.constant 5 : i32
    %mul3A_371 = vector.broadcast %mul3A_370 : i32 to vector<16xi32>
    %mul3A_372 = arith.muli %get3A_369, %mul3A_371 : vector<16xi32>
    %get3A_373 = arith.constant 416 : index
    %get3A_374 = tpu.vector_load %arg6[%get3A_373] {strides = array<i32>} : memref<1024xi32, #tpu.memory_space<vmem>>, vector<16xi32>,
    %get3A_375 = vector.shape_cast %get3A_374 : vector<16xi32> to vector<16xi32>
    %add3A_376 = arith.addi %mul3A_372, %get3A_375 : vector<16xi32>
    %swap3A_377 = arith.constant 416 : index
    %swap3A_378 = tpu.vector_load %arg8[%swap3A_377] {strides = array<i32>} : memref<1040xi32, #tpu.memory_space<vmem>>, vector<16xi32>,
    %swap3A_379 = vector.shape_cast %swap3A_378 : vector<16xi32> to vector<16xi32>
    %swap3A_380 = vector.shape_cast %add3A_376 : vector<16xi32> to vector<16xi32>
    tpu.vector_store %arg8[%swap3A_377], %swap3A_380 {strides = array<i32>} : memref<1040xi32, #tpu.memory_space<vmem>>, vector<16xi32>,
    %get3A_381 = arith.constant 432 : index
    %get3A_382 = tpu.vector_load %arg7[%get3A_381] {strides = array<i32>} : memref<1024xi32, #tpu.memory_space<vmem>>, vector<16xi32>,
    %get3A_383 = vector.shape_cast %get3A_382 : vector<16xi32> to vector<16xi32>
    %mul3A_384 = arith.constant 5 : i32
    %mul3A_385 = vector.broadcast %mul3A_384 : i32 to vector<16xi32>
    %mul3A_386 = arith.muli %get3A_383, %mul3A_385 : vector<16xi32>
    %get3A_387 = arith.constant 432 : index
    %get3A_388 = tpu.vector_load %arg6[%get3A_387] {strides = array<i32>} : memref<1024xi32, #tpu.memory_space<vmem>>, vector<16xi32>,
    %get3A_389 = vector.shape_cast %get3A_388 : vector<16xi32> to vector<16xi32>
    %add3A_390 = arith.addi %mul3A_386, %get3A_389 : vector<16xi32>
    %swap3A_391 = arith.constant 432 : index
    %swap3A_392 = tpu.vector_load %arg8[%swap3A_391] {strides = array<i32>} : memref<1040xi32, #tpu.memory_space<vmem>>, vector<16xi32>,
    %swap3A_393 = vector.shape_cast %swap3A_392 : vector<16xi32> to vector<16xi32>
    %swap3A_394 = vector.shape_cast %add3A_390 : vector<16xi32> to vector<16xi32>
    tpu.vector_store %arg8[%swap3A_391], %swap3A_394 {strides = array<i32>} : memref<1040xi32, #tpu.memory_space<vmem>>, vector<16xi32>,
    %get3A_395 = arith.constant 448 : index
    %get3A_396 = tpu.vector_load %arg7[%get3A_395] {strides = array<i32>} : memref<1024xi32, #tpu.memory_space<vmem>>, vector<16xi32>,
    %get3A_397 = vector.shape_cast %get3A_396 : vector<16xi32> to vector<16xi32>
    %mul3A_398 = arith.constant 5 : i32
    %mul3A_399 = vector.broadcast %mul3A_398 : i32 to vector<16xi32>
    %mul3A_400 = arith.muli %get3A_397, %mul3A_399 : vector<16xi32>
    %get3A_401 = arith.constant 448 : index
    %get3A_402 = tpu.vector_load %arg6[%get3A_401] {strides = array<i32>} : memref<1024xi32, #tpu.memory_space<vmem>>, vector<16xi32>,
    %get3A_403 = vector.shape_cast %get3A_402 : vector<16xi32> to vector<16xi32>
    %add3A_404 = arith.addi %mul3A_400, %get3A_403 : vector<16xi32>
    %swap3A_405 = arith.constant 448 : index
    %swap3A_406 = tpu.vector_load %arg8[%swap3A_405] {strides = array<i32>} : memref<1040xi32, #tpu.memory_space<vmem>>, vector<16xi32>,
    %swap3A_407 = vector.shape_cast %swap3A_406 : vector<16xi32> to vector<16xi32>
    %swap3A_408 = vector.shape_cast %add3A_404 : vector<16xi32> to vector<16xi32>
    tpu.vector_store %arg8[%swap3A_405], %swap3A_408 {strides = array<i32>} : memref<1040xi32, #tpu.memory_space<vmem>>, vector<16xi32>,
    %get3A_409 = arith.constant 464 : index
    %get3A_410 = tpu.vector_load %arg7[%get3A_409] {strides = array<i32>} : memref<1024xi32, #tpu.memory_space<vmem>>, vector<16xi32>,
    %get3A_411 = vector.shape_cast %get3A_410 : vector<16xi32> to vector<16xi32>
    %mul3A_412 = arith.constant 5 : i32
    %mul3A_413 = vector.broadcast %mul3A_412 : i32 to vector<16xi32>
    %mul3A_414 = arith.muli %get3A_411, %mul3A_413 : vector<16xi32>
    %get3A_415 = arith.constant 464 : index
    %get3A_416 = tpu.vector_load %arg6[%get3A_415] {strides = array<i32>} : memref<1024xi32, #tpu.memory_space<vmem>>, vector<16xi32>,
    %get3A_417 = vector.shape_cast %get3A_416 : vector<16xi32> to vector<16xi32>
    %add3A_418 = arith.addi %mul3A_414, %get3A_417 : vector<16xi32>
    %swap3A_419 = arith.constant 464 : index
    %swap3A_420 = tpu.vector_load %arg8[%swap3A_419] {strides = array<i32>} : memref<1040xi32, #tpu.memory_space<vmem>>, vector<16xi32>,
    %swap3A_421 = vector.shape_cast %swap3A_420 : vector<16xi32> to vector<16xi32>
    %swap3A_422 = vector.shape_cast %add3A_418 : vector<16xi32> to vector<16xi32>
    tpu.vector_store %arg8[%swap3A_419], %swap3A_422 {strides = array<i32>} : memref<1040xi32, #tpu.memory_space<vmem>>, vector<16xi32>,
    %get3A_423 = arith.constant 480 : index
    %get3A_424 = tpu.vector_load %arg7[%get3A_423] {strides = array<i32>} : memref<1024xi32, #tpu.memory_space<vmem>>, vector<16xi32>,
    %get3A_425 = vector.shape_cast %get3A_424 : vector<16xi32> to vector<16xi32>
    %mul3A_426 = arith.constant 5 : i32
    %mul3A_427 = vector.broadcast %mul3A_426 : i32 to vector<16xi32>
    %mul3A_428 = arith.muli %get3A_425, %mul3A_427 : vector<16xi32>
    %get3A_429 = arith.constant 480 : index
    %get3A_430 = tpu.vector_load %arg6[%get3A_429] {strides = array<i32>} : memref<1024xi32, #tpu.memory_space<vmem>>, vector<16xi32>,
    %get3A_431 = vector.shape_cast %get3A_430 : vector<16xi32> to vector<16xi32>
    %add3A_432 = arith.addi %mul3A_428, %get3A_431 : vector<16xi32>
    %swap3A_433 = arith.constant 480 : index
    %swap3A_434 = tpu.vector_load %arg8[%swap3A_433] {strides = array<i32>} : memref<1040xi32, #tpu.memory_space<vmem>>, vector<16xi32>,
    %swap3A_435 = vector.shape_cast %swap3A_434 : vector<16xi32> to vector<16xi32>
    %swap3A_436 = vector.shape_cast %add3A_432 : vector<16xi32> to vector<16xi32>
    tpu.vector_store %arg8[%swap3A_433], %swap3A_436 {strides = array<i32>} : memref<1040xi32, #tpu.memory_space<vmem>>, vector<16xi32>,
    %get3A_437 = arith.constant 496 : index
    %get3A_438 = tpu.vector_load %arg7[%get3A_437] {strides = array<i32>} : memref<1024xi32, #tpu.memory_space<vmem>>, vector<16xi32>,
    %get3A_439 = vector.shape_cast %get3A_438 : vector<16xi32> to vector<16xi32>
    %mul3A_440 = arith.constant 5 : i32
    %mul3A_441 = vector.broadcast %mul3A_440 : i32 to vector<16xi32>
    %mul3A_442 = arith.muli %get3A_439, %mul3A_441 : vector<16xi32>
    %get3A_443 = arith.constant 496 : index
    %get3A_444 = tpu.vector_load %arg6[%get3A_443] {strides = array<i32>} : memref<1024xi32, #tpu.memory_space<vmem>>, vector<16xi32>,
    %get3A_445 = vector.shape_cast %get3A_444 : vector<16xi32> to vector<16xi32>
    %add3A_446 = arith.addi %mul3A_442, %get3A_445 : vector<16xi32>
    %swap3A_447 = arith.constant 496 : index
    %swap3A_448 = tpu.vector_load %arg8[%swap3A_447] {strides = array<i32>} : memref<1040xi32, #tpu.memory_space<vmem>>, vector<16xi32>,
    %swap3A_449 = vector.shape_cast %swap3A_448 : vector<16xi32> to vector<16xi32>
    %swap3A_450 = vector.shape_cast %add3A_446 : vector<16xi32> to vector<16xi32>
    tpu.vector_store %arg8[%swap3A_447], %swap3A_450 {strides = array<i32>} : memref<1040xi32, #tpu.memory_space<vmem>>, vector<16xi32>,
    %get3A_451 = arith.constant 512 : index
    %get3A_452 = tpu.vector_load %arg7[%get3A_451] {strides = array<i32>} : memref<1024xi32, #tpu.memory_space<vmem>>, vector<16xi32>,
    %get3A_453 = vector.shape_cast %get3A_452 : vector<16xi32> to vector<16xi32>
    %mul3A_454 = arith.constant 5 : i32
    %mul3A_455 = vector.broadcast %mul3A_454 : i32 to vector<16xi32>
    %mul3A_456 = arith.muli %get3A_453, %mul3A_455 : vector<16xi32>
    %get3A_457 = arith.constant 512 : index
    %get3A_458 = tpu.vector_load %arg6[%get3A_457] {strides = array<i32>} : memref<1024xi32, #tpu.memory_space<vmem>>, vector<16xi32>,
    %get3A_459 = vector.shape_cast %get3A_458 : vector<16xi32> to vector<16xi32>
    %add3A_460 = arith.addi %mul3A_456, %get3A_459 : vector<16xi32>
    %swap3A_461 = arith.constant 512 : index
    %swap3A_462 = tpu.vector_load %arg8[%swap3A_461] {strides = array<i32>} : memref<1040xi32, #tpu.memory_space<vmem>>, vector<16xi32>,
    %swap3A_463 = vector.shape_cast %swap3A_462 : vector<16xi32> to vector<16xi32>
    %swap3A_464 = vector.shape_cast %add3A_460 : vector<16xi32> to vector<16xi32>
    tpu.vector_store %arg8[%swap3A_461], %swap3A_464 {strides = array<i32>} : memref<1040xi32, #tpu.memory_space<vmem>>, vector<16xi32>,
    %get3A_465 = arith.constant 528 : index
    %get3A_466 = tpu.vector_load %arg7[%get3A_465] {strides = array<i32>} : memref<1024xi32, #tpu.memory_space<vmem>>, vector<16xi32>,
    %get3A_467 = vector.shape_cast %get3A_466 : vector<16xi32> to vector<16xi32>
    %mul3A_468 = arith.constant 5 : i32
    %mul3A_469 = vector.broadcast %mul3A_468 : i32 to vector<16xi32>
    %mul3A_470 = arith.muli %get3A_467, %mul3A_469 : vector<16xi32>
    %get3A_471 = arith.constant 528 : index
    %get3A_472 = tpu.vector_load %arg6[%get3A_471] {strides = array<i32>} : memref<1024xi32, #tpu.memory_space<vmem>>, vector<16xi32>,
    %get3A_473 = vector.shape_cast %get3A_472 : vector<16xi32> to vector<16xi32>
    %add3A_474 = arith.addi %mul3A_470, %get3A_473 : vector<16xi32>
    %swap3A_475 = arith.constant 528 : index
    %swap3A_476 = tpu.vector_load %arg8[%swap3A_475] {strides = array<i32>} : memref<1040xi32, #tpu.memory_space<vmem>>, vector<16xi32>,
    %swap3A_477 = vector.shape_cast %swap3A_476 : vector<16xi32> to vector<16xi32>
    %swap3A_478 = vector.shape_cast %add3A_474 : vector<16xi32> to vector<16xi32>
    tpu.vector_store %arg8[%swap3A_475], %swap3A_478 {strides = array<i32>} : memref<1040xi32, #tpu.memory_space<vmem>>, vector<16xi32>,
    %get3A_479 = arith.constant 544 : index
    %get3A_480 = tpu.vector_load %arg7[%get3A_479] {strides = array<i32>} : memref<1024xi32, #tpu.memory_space<vmem>>, vector<16xi32>,
    %get3A_481 = vector.shape_cast %get3A_480 : vector<16xi32> to vector<16xi32>
    %mul3A_482 = arith.constant 5 : i32
    %mul3A_483 = vector.broadcast %mul3A_482 : i32 to vector<16xi32>
    %mul3A_484 = arith.muli %get3A_481, %mul3A_483 : vector<16xi32>
    %get3A_485 = arith.constant 544 : index
    %get3A_486 = tpu.vector_load %arg6[%get3A_485] {strides = array<i32>} : memref<1024xi32, #tpu.memory_space<vmem>>, vector<16xi32>,
    %get3A_487 = vector.shape_cast %get3A_486 : vector<16xi32> to vector<16xi32>
    %add3A_488 = arith.addi %mul3A_484, %get3A_487 : vector<16xi32>
    %swap3A_489 = arith.constant 544 : index
    %swap3A_490 = tpu.vector_load %arg8[%swap3A_489] {strides = array<i32>} : memref<1040xi32, #tpu.memory_space<vmem>>, vector<16xi32>,
    %swap3A_491 = vector.shape_cast %swap3A_490 : vector<16xi32> to vector<16xi32>
    %swap3A_492 = vector.shape_cast %add3A_488 : vector<16xi32> to vector<16xi32>
    tpu.vector_store %arg8[%swap3A_489], %swap3A_492 {strides = array<i32>} : memref<1040xi32, #tpu.memory_space<vmem>>, vector<16xi32>,
    %get3A_493 = arith.constant 560 : index
    %get3A_494 = tpu.vector_load %arg7[%get3A_493] {strides = array<i32>} : memref<1024xi32, #tpu.memory_space<vmem>>, vector<16xi32>,
    %get3A_495 = vector.shape_cast %get3A_494 : vector<16xi32> to vector<16xi32>
    %mul3A_496 = arith.constant 5 : i32
    %mul3A_497 = vector.broadcast %mul3A_496 : i32 to vector<16xi32>
    %mul3A_498 = arith.muli %get3A_495, %mul3A_497 : vector<16xi32>
    %get3A_499 = arith.constant 560 : index
    %get3A_500 = tpu.vector_load %arg6[%get3A_499] {strides = array<i32>} : memref<1024xi32, #tpu.memory_space<vmem>>, vector<16xi32>,
    %get3A_501 = vector.shape_cast %get3A_500 : vector<16xi32> to vector<16xi32>
    %add3A_502 = arith.addi %mul3A_498, %get3A_501 : vector<16xi32>
    %swap3A_503 = arith.constant 560 : index
    %swap3A_504 = tpu.vector_load %arg8[%swap3A_503] {strides = array<i32>} : memref<1040xi32, #tpu.memory_space<vmem>>, vector<16xi32>,
    %swap3A_505 = vector.shape_cast %swap3A_504 : vector<16xi32> to vector<16xi32>
    %swap3A_506 = vector.shape_cast %add3A_502 : vector<16xi32> to vector<16xi32>
    tpu.vector_store %arg8[%swap3A_503], %swap3A_506 {strides = array<i32>} : memref<1040xi32, #tpu.memory_space<vmem>>, vector<16xi32>,
    %get3A_507 = arith.constant 576 : index
    %get3A_508 = tpu.vector_load %arg7[%get3A_507] {strides = array<i32>} : memref<1024xi32, #tpu.memory_space<vmem>>, vector<16xi32>,
    %get3A_509 = vector.shape_cast %get3A_508 : vector<16xi32> to vector<16xi32>
    %mul3A_510 = arith.constant 5 : i32
    %mul3A_511 = vector.broadcast %mul3A_510 : i32 to vector<16xi32>
    %mul3A_512 = arith.muli %get3A_509, %mul3A_511 : vector<16xi32>
    %get3A_513 = arith.constant 576 : index
    %get3A_514 = tpu.vector_load %arg6[%get3A_513] {strides = array<i32>} : memref<1024xi32, #tpu.memory_space<vmem>>, vector<16xi32>,
    %get3A_515 = vector.shape_cast %get3A_514 : vector<16xi32> to vector<16xi32>
    %add3A_516 = arith.addi %mul3A_512, %get3A_515 : vector<16xi32>
    %swap3A_517 = arith.constant 576 : index
    %swap3A_518 = tpu.vector_load %arg8[%swap3A_517] {strides = array<i32>} : memref<1040xi32, #tpu.memory_space<vmem>>, vector<16xi32>,
    %swap3A_519 = vector.shape_cast %swap3A_518 : vector<16xi32> to vector<16xi32>
    %swap3A_520 = vector.shape_cast %add3A_516 : vector<16xi32> to vector<16xi32>
    tpu.vector_store %arg8[%swap3A_517], %swap3A_520 {strides = array<i32>} : memref<1040xi32, #tpu.memory_space<vmem>>, vector<16xi32>,
    %get3A_521 = arith.constant 592 : index
    %get3A_522 = tpu.vector_load %arg7[%get3A_521] {strides = array<i32>} : memref<1024xi32, #tpu.memory_space<vmem>>, vector<16xi32>,
    %get3A_523 = vector.shape_cast %get3A_522 : vector<16xi32> to vector<16xi32>
    %mul3A_524 = arith.constant 5 : i32
    %mul3A_525 = vector.broadcast %mul3A_524 : i32 to vector<16xi32>
    %mul3A_526 = arith.muli %get3A_523, %mul3A_525 : vector<16xi32>
    %get3A_527 = arith.constant 592 : index
    %get3A_528 = tpu.vector_load %arg6[%get3A_527] {strides = array<i32>} : memref<1024xi32, #tpu.memory_space<vmem>>, vector<16xi32>,
    %get3A_529 = vector.shape_cast %get3A_528 : vector<16xi32> to vector<16xi32>
    %add3A_530 = arith.addi %mul3A_526, %get3A_529 : vector<16xi32>
    %swap3A_531 = arith.constant 592 : index
    %swap3A_532 = tpu.vector_load %arg8[%swap3A_531] {strides = array<i32>} : memref<1040xi32, #tpu.memory_space<vmem>>, vector<16xi32>,
    %swap3A_533 = vector.shape_cast %swap3A_532 : vector<16xi32> to vector<16xi32>
    %swap3A_534 = vector.shape_cast %add3A_530 : vector<16xi32> to vector<16xi32>
    tpu.vector_store %arg8[%swap3A_531], %swap3A_534 {strides = array<i32>} : memref<1040xi32, #tpu.memory_space<vmem>>, vector<16xi32>,
    %get3A_535 = arith.constant 608 : index
    %get3A_536 = tpu.vector_load %arg7[%get3A_535] {strides = array<i32>} : memref<1024xi32, #tpu.memory_space<vmem>>, vector<16xi32>,
    %get3A_537 = vector.shape_cast %get3A_536 : vector<16xi32> to vector<16xi32>
    %mul3A_538 = arith.constant 5 : i32
    %mul3A_539 = vector.broadcast %mul3A_538 : i32 to vector<16xi32>
    %mul3A_540 = arith.muli %get3A_537, %mul3A_539 : vector<16xi32>
    %get3A_541 = arith.constant 608 : index
    %get3A_542 = tpu.vector_load %arg6[%get3A_541] {strides = array<i32>} : memref<1024xi32, #tpu.memory_space<vmem>>, vector<16xi32>,
    %get3A_543 = vector.shape_cast %get3A_542 : vector<16xi32> to vector<16xi32>
    %add3A_544 = arith.addi %mul3A_540, %get3A_543 : vector<16xi32>
    %swap3A_545 = arith.constant 608 : index
    %swap3A_546 = tpu.vector_load %arg8[%swap3A_545] {strides = array<i32>} : memref<1040xi32, #tpu.memory_space<vmem>>, vector<16xi32>,
    %swap3A_547 = vector.shape_cast %swap3A_546 : vector<16xi32> to vector<16xi32>
    %swap3A_548 = vector.shape_cast %add3A_544 : vector<16xi32> to vector<16xi32>
    tpu.vector_store %arg8[%swap3A_545], %swap3A_548 {strides = array<i32>} : memref<1040xi32, #tpu.memory_space<vmem>>, vector<16xi32>,
    %get3A_549 = arith.constant 624 : index
    %get3A_550 = tpu.vector_load %arg7[%get3A_549] {strides = array<i32>} : memref<1024xi32, #tpu.memory_space<vmem>>, vector<16xi32>,
    %get3A_551 = vector.shape_cast %get3A_550 : vector<16xi32> to vector<16xi32>
    %mul3A_552 = arith.constant 5 : i32
    %mul3A_553 = vector.broadcast %mul3A_552 : i32 to vector<16xi32>
    %mul3A_554 = arith.muli %get3A_551, %mul3A_553 : vector<16xi32>
    %get3A_555 = arith.constant 624 : index
    %get3A_556 = tpu.vector_load %arg6[%get3A_555] {strides = array<i32>} : memref<1024xi32, #tpu.memory_space<vmem>>, vector<16xi32>,
    %get3A_557 = vector.shape_cast %get3A_556 : vector<16xi32> to vector<16xi32>
    %add3A_558 = arith.addi %mul3A_554, %get3A_557 : vector<16xi32>
    %swap3A_559 = arith.constant 624 : index
    %swap3A_560 = tpu.vector_load %arg8[%swap3A_559] {strides = array<i32>} : memref<1040xi32, #tpu.memory_space<vmem>>, vector<16xi32>,
    %swap3A_561 = vector.shape_cast %swap3A_560 : vector<16xi32> to vector<16xi32>
    %swap3A_562 = vector.shape_cast %add3A_558 : vector<16xi32> to vector<16xi32>
    tpu.vector_store %arg8[%swap3A_559], %swap3A_562 {strides = array<i32>} : memref<1040xi32, #tpu.memory_space<vmem>>, vector<16xi32>,
    %get3A_563 = arith.constant 640 : index
    %get3A_564 = tpu.vector_load %arg7[%get3A_563] {strides = array<i32>} : memref<1024xi32, #tpu.memory_space<vmem>>, vector<16xi32>,
    %get3A_565 = vector.shape_cast %get3A_564 : vector<16xi32> to vector<16xi32>
    %mul3A_566 = arith.constant 5 : i32
    %mul3A_567 = vector.broadcast %mul3A_566 : i32 to vector<16xi32>
    %mul3A_568 = arith.muli %get3A_565, %mul3A_567 : vector<16xi32>
    %get3A_569 = arith.constant 640 : index
    %get3A_570 = tpu.vector_load %arg6[%get3A_569] {strides = array<i32>} : memref<1024xi32, #tpu.memory_space<vmem>>, vector<16xi32>,
    %get3A_571 = vector.shape_cast %get3A_570 : vector<16xi32> to vector<16xi32>
    %add3A_572 = arith.addi %mul3A_568, %get3A_571 : vector<16xi32>
    %swap3A_573 = arith.constant 640 : index
    %swap3A_574 = tpu.vector_load %arg8[%swap3A_573] {strides = array<i32>} : memref<1040xi32, #tpu.memory_space<vmem>>, vector<16xi32>,
    %swap3A_575 = vector.shape_cast %swap3A_574 : vector<16xi32> to vector<16xi32>
    %swap3A_576 = vector.shape_cast %add3A_572 : vector<16xi32> to vector<16xi32>
    tpu.vector_store %arg8[%swap3A_573], %swap3A_576 {strides = array<i32>} : memref<1040xi32, #tpu.memory_space<vmem>>, vector<16xi32>,
    %get3A_577 = arith.constant 656 : index
    %get3A_578 = tpu.vector_load %arg7[%get3A_577] {strides = array<i32>} : memref<1024xi32, #tpu.memory_space<vmem>>, vector<16xi32>,
    %get3A_579 = vector.shape_cast %get3A_578 : vector<16xi32> to vector<16xi32>
    %mul3A_580 = arith.constant 5 : i32
    %mul3A_581 = vector.broadcast %mul3A_580 : i32 to vector<16xi32>
    %mul3A_582 = arith.muli %get3A_579, %mul3A_581 : vector<16xi32>
    %get3A_583 = arith.constant 656 : index
    %get3A_584 = tpu.vector_load %arg6[%get3A_583] {strides = array<i32>} : memref<1024xi32, #tpu.memory_space<vmem>>, vector<16xi32>,
    %get3A_585 = vector.shape_cast %get3A_584 : vector<16xi32> to vector<16xi32>
    %add3A_586 = arith.addi %mul3A_582, %get3A_585 : vector<16xi32>
    %swap3A_587 = arith.constant 656 : index
    %swap3A_588 = tpu.vector_load %arg8[%swap3A_587] {strides = array<i32>} : memref<1040xi32, #tpu.memory_space<vmem>>, vector<16xi32>,
    %swap3A_589 = vector.shape_cast %swap3A_588 : vector<16xi32> to vector<16xi32>
    %swap3A_590 = vector.shape_cast %add3A_586 : vector<16xi32> to vector<16xi32>
    tpu.vector_store %arg8[%swap3A_587], %swap3A_590 {strides = array<i32>} : memref<1040xi32, #tpu.memory_space<vmem>>, vector<16xi32>,
    %get3A_591 = arith.constant 672 : index
    %get3A_592 = tpu.vector_load %arg7[%get3A_591] {strides = array<i32>} : memref<1024xi32, #tpu.memory_space<vmem>>, vector<16xi32>,
    %get3A_593 = vector.shape_cast %get3A_592 : vector<16xi32> to vector<16xi32>
    %mul3A_594 = arith.constant 5 : i32
    %mul3A_595 = vector.broadcast %mul3A_594 : i32 to vector<16xi32>
    %mul3A_596 = arith.muli %get3A_593, %mul3A_595 : vector<16xi32>
    %get3A_597 = arith.constant 672 : index
    %get3A_598 = tpu.vector_load %arg6[%get3A_597] {strides = array<i32>} : memref<1024xi32, #tpu.memory_space<vmem>>, vector<16xi32>,
    %get3A_599 = vector.shape_cast %get3A_598 : vector<16xi32> to vector<16xi32>
    %add3A_600 = arith.addi %mul3A_596, %get3A_599 : vector<16xi32>
    %swap3A_601 = arith.constant 672 : index
    %swap3A_602 = tpu.vector_load %arg8[%swap3A_601] {strides = array<i32>} : memref<1040xi32, #tpu.memory_space<vmem>>, vector<16xi32>,
    %swap3A_603 = vector.shape_cast %swap3A_602 : vector<16xi32> to vector<16xi32>
    %swap3A_604 = vector.shape_cast %add3A_600 : vector<16xi32> to vector<16xi32>
    tpu.vector_store %arg8[%swap3A_601], %swap3A_604 {strides = array<i32>} : memref<1040xi32, #tpu.memory_space<vmem>>, vector<16xi32>,
    %get3A_605 = arith.constant 688 : index
    %get3A_606 = tpu.vector_load %arg7[%get3A_605] {strides = array<i32>} : memref<1024xi32, #tpu.memory_space<vmem>>, vector<16xi32>,
    %get3A_607 = vector.shape_cast %get3A_606 : vector<16xi32> to vector<16xi32>
    %mul3A_608 = arith.constant 5 : i32
    %mul3A_609 = vector.broadcast %mul3A_608 : i32 to vector<16xi32>
    %mul3A_610 = arith.muli %get3A_607, %mul3A_609 : vector<16xi32>
    %get3A_611 = arith.constant 688 : index
    %get3A_612 = tpu.vector_load %arg6[%get3A_611] {strides = array<i32>} : memref<1024xi32, #tpu.memory_space<vmem>>, vector<16xi32>,
    %get3A_613 = vector.shape_cast %get3A_612 : vector<16xi32> to vector<16xi32>
    %add3A_614 = arith.addi %mul3A_610, %get3A_613 : vector<16xi32>
    %swap3A_615 = arith.constant 688 : index
    %swap3A_616 = tpu.vector_load %arg8[%swap3A_615] {strides = array<i32>} : memref<1040xi32, #tpu.memory_space<vmem>>, vector<16xi32>,
    %swap3A_617 = vector.shape_cast %swap3A_616 : vector<16xi32> to vector<16xi32>
    %swap3A_618 = vector.shape_cast %add3A_614 : vector<16xi32> to vector<16xi32>
    tpu.vector_store %arg8[%swap3A_615], %swap3A_618 {strides = array<i32>} : memref<1040xi32, #tpu.memory_space<vmem>>, vector<16xi32>,
    %get3A_619 = arith.constant 704 : index
    %get3A_620 = tpu.vector_load %arg7[%get3A_619] {strides = array<i32>} : memref<1024xi32, #tpu.memory_space<vmem>>, vector<16xi32>,
    %get3A_621 = vector.shape_cast %get3A_620 : vector<16xi32> to vector<16xi32>
    %mul3A_622 = arith.constant 5 : i32
    %mul3A_623 = vector.broadcast %mul3A_622 : i32 to vector<16xi32>
    %mul3A_624 = arith.muli %get3A_621, %mul3A_623 : vector<16xi32>
    %get3A_625 = arith.constant 704 : index
    %get3A_626 = tpu.vector_load %arg6[%get3A_625] {strides = array<i32>} : memref<1024xi32, #tpu.memory_space<vmem>>, vector<16xi32>,
    %get3A_627 = vector.shape_cast %get3A_626 : vector<16xi32> to vector<16xi32>
    %add3A_628 = arith.addi %mul3A_624, %get3A_627 : vector<16xi32>
    %swap3A_629 = arith.constant 704 : index
    %swap3A_630 = tpu.vector_load %arg8[%swap3A_629] {strides = array<i32>} : memref<1040xi32, #tpu.memory_space<vmem>>, vector<16xi32>,
    %swap3A_631 = vector.shape_cast %swap3A_630 : vector<16xi32> to vector<16xi32>
    %swap3A_632 = vector.shape_cast %add3A_628 : vector<16xi32> to vector<16xi32>
    tpu.vector_store %arg8[%swap3A_629], %swap3A_632 {strides = array<i32>} : memref<1040xi32, #tpu.memory_space<vmem>>, vector<16xi32>,
    %get3A_633 = arith.constant 720 : index
    %get3A_634 = tpu.vector_load %arg7[%get3A_633] {strides = array<i32>} : memref<1024xi32, #tpu.memory_space<vmem>>, vector<16xi32>,
    %get3A_635 = vector.shape_cast %get3A_634 : vector<16xi32> to vector<16xi32>
    %mul3A_636 = arith.constant 5 : i32
    %mul3A_637 = vector.broadcast %mul3A_636 : i32 to vector<16xi32>
    %mul3A_638 = arith.muli %get3A_635, %mul3A_637 : vector<16xi32>
    %get3A_639 = arith.constant 720 : index
    %get3A_640 = tpu.vector_load %arg6[%get3A_639] {strides = array<i32>} : memref<1024xi32, #tpu.memory_space<vmem>>, vector<16xi32>,
    %get3A_641 = vector.shape_cast %get3A_640 : vector<16xi32> to vector<16xi32>
    %add3A_642 = arith.addi %mul3A_638, %get3A_641 : vector<16xi32>
    %swap3A_643 = arith.constant 720 : index
    %swap3A_644 = tpu.vector_load %arg8[%swap3A_643] {strides = array<i32>} : memref<1040xi32, #tpu.memory_space<vmem>>, vector<16xi32>,
    %swap3A_645 = vector.shape_cast %swap3A_644 : vector<16xi32> to vector<16xi32>
    %swap3A_646 = vector.shape_cast %add3A_642 : vector<16xi32> to vector<16xi32>
    tpu.vector_store %arg8[%swap3A_643], %swap3A_646 {strides = array<i32>} : memref<1040xi32, #tpu.memory_space<vmem>>, vector<16xi32>,
    %get3A_647 = arith.constant 736 : index
    %get3A_648 = tpu.vector_load %arg7[%get3A_647] {strides = array<i32>} : memref<1024xi32, #tpu.memory_space<vmem>>, vector<16xi32>,
    %get3A_649 = vector.shape_cast %get3A_648 : vector<16xi32> to vector<16xi32>
    %mul3A_650 = arith.constant 5 : i32
    %mul3A_651 = vector.broadcast %mul3A_650 : i32 to vector<16xi32>
    %mul3A_652 = arith.muli %get3A_649, %mul3A_651 : vector<16xi32>
    %get3A_653 = arith.constant 736 : index
    %get3A_654 = tpu.vector_load %arg6[%get3A_653] {strides = array<i32>} : memref<1024xi32, #tpu.memory_space<vmem>>, vector<16xi32>,
    %get3A_655 = vector.shape_cast %get3A_654 : vector<16xi32> to vector<16xi32>
    %add3A_656 = arith.addi %mul3A_652, %get3A_655 : vector<16xi32>
    %swap3A_657 = arith.constant 736 : index
    %swap3A_658 = tpu.vector_load %arg8[%swap3A_657] {strides = array<i32>} : memref<1040xi32, #tpu.memory_space<vmem>>, vector<16xi32>,
    %swap3A_659 = vector.shape_cast %swap3A_658 : vector<16xi32> to vector<16xi32>
    %swap3A_660 = vector.shape_cast %add3A_656 : vector<16xi32> to vector<16xi32>
    tpu.vector_store %arg8[%swap3A_657], %swap3A_660 {strides = array<i32>} : memref<1040xi32, #tpu.memory_space<vmem>>, vector<16xi32>,
    %get3A_661 = arith.constant 752 : index
    %get3A_662 = tpu.vector_load %arg7[%get3A_661] {strides = array<i32>} : memref<1024xi32, #tpu.memory_space<vmem>>, vector<16xi32>,
    %get3A_663 = vector.shape_cast %get3A_662 : vector<16xi32> to vector<16xi32>
    %mul3A_664 = arith.constant 5 : i32
    %mul3A_665 = vector.broadcast %mul3A_664 : i32 to vector<16xi32>
    %mul3A_666 = arith.muli %get3A_663, %mul3A_665 : vector<16xi32>
    %get3A_667 = arith.constant 752 : index
    %get3A_668 = tpu.vector_load %arg6[%get3A_667] {strides = array<i32>} : memref<1024xi32, #tpu.memory_space<vmem>>, vector<16xi32>,
    %get3A_669 = vector.shape_cast %get3A_668 : vector<16xi32> to vector<16xi32>
    %add3A_670 = arith.addi %mul3A_666, %get3A_669 : vector<16xi32>
    %swap3A_671 = arith.constant 752 : index
    %swap3A_672 = tpu.vector_load %arg8[%swap3A_671] {strides = array<i32>} : memref<1040xi32, #tpu.memory_space<vmem>>, vector<16xi32>,
    %swap3A_673 = vector.shape_cast %swap3A_672 : vector<16xi32> to vector<16xi32>
    %swap3A_674 = vector.shape_cast %add3A_670 : vector<16xi32> to vector<16xi32>
    tpu.vector_store %arg8[%swap3A_671], %swap3A_674 {strides = array<i32>} : memref<1040xi32, #tpu.memory_space<vmem>>, vector<16xi32>,
    %get3A_675 = arith.constant 768 : index
    %get3A_676 = tpu.vector_load %arg7[%get3A_675] {strides = array<i32>} : memref<1024xi32, #tpu.memory_space<vmem>>, vector<16xi32>,
    %get3A_677 = vector.shape_cast %get3A_676 : vector<16xi32> to vector<16xi32>
    %mul3A_678 = arith.constant 5 : i32
    %mul3A_679 = vector.broadcast %mul3A_678 : i32 to vector<16xi32>
    %mul3A_680 = arith.muli %get3A_677, %mul3A_679 : vector<16xi32>
    %get3A_681 = arith.constant 768 : index
    %get3A_682 = tpu.vector_load %arg6[%get3A_681] {strides = array<i32>} : memref<1024xi32, #tpu.memory_space<vmem>>, vector<16xi32>,
    %get3A_683 = vector.shape_cast %get3A_682 : vector<16xi32> to vector<16xi32>
    %add3A_684 = arith.addi %mul3A_680, %get3A_683 : vector<16xi32>
    %swap3A_685 = arith.constant 768 : index
    %swap3A_686 = tpu.vector_load %arg8[%swap3A_685] {strides = array<i32>} : memref<1040xi32, #tpu.memory_space<vmem>>, vector<16xi32>,
    %swap3A_687 = vector.shape_cast %swap3A_686 : vector<16xi32> to vector<16xi32>
    %swap3A_688 = vector.shape_cast %add3A_684 : vector<16xi32> to vector<16xi32>
    tpu.vector_store %arg8[%swap3A_685], %swap3A_688 {strides = array<i32>} : memref<1040xi32, #tpu.memory_space<vmem>>, vector<16xi32>,
    %get3A_689 = arith.constant 784 : index
    %get3A_690 = tpu.vector_load %arg7[%get3A_689] {strides = array<i32>} : memref<1024xi32, #tpu.memory_space<vmem>>, vector<16xi32>,
    %get3A_691 = vector.shape_cast %get3A_690 : vector<16xi32> to vector<16xi32>
    %mul3A_692 = arith.constant 5 : i32
    %mul3A_693 = vector.broadcast %mul3A_692 : i32 to vector<16xi32>
    %mul3A_694 = arith.muli %get3A_691, %mul3A_693 : vector<16xi32>
    %get3A_695 = arith.constant 784 : index
    %get3A_696 = tpu.vector_load %arg6[%get3A_695] {strides = array<i32>} : memref<1024xi32, #tpu.memory_space<vmem>>, vector<16xi32>,
    %get3A_697 = vector.shape_cast %get3A_696 : vector<16xi32> to vector<16xi32>
    %add3A_698 = arith.addi %mul3A_694, %get3A_697 : vector<16xi32>
    %swap3A_699 = arith.constant 784 : index
    %swap3A_700 = tpu.vector_load %arg8[%swap3A_699] {strides = array<i32>} : memref<1040xi32, #tpu.memory_space<vmem>>, vector<16xi32>,
    %swap3A_701 = vector.shape_cast %swap3A_700 : vector<16xi32> to vector<16xi32>
    %swap3A_702 = vector.shape_cast %add3A_698 : vector<16xi32> to vector<16xi32>
    tpu.vector_store %arg8[%swap3A_699], %swap3A_702 {strides = array<i32>} : memref<1040xi32, #tpu.memory_space<vmem>>, vector<16xi32>,
    %get3A_703 = arith.constant 800 : index
    %get3A_704 = tpu.vector_load %arg7[%get3A_703] {strides = array<i32>} : memref<1024xi32, #tpu.memory_space<vmem>>, vector<16xi32>,
    %get3A_705 = vector.shape_cast %get3A_704 : vector<16xi32> to vector<16xi32>
    %mul3A_706 = arith.constant 5 : i32
    %mul3A_707 = vector.broadcast %mul3A_706 : i32 to vector<16xi32>
    %mul3A_708 = arith.muli %get3A_705, %mul3A_707 : vector<16xi32>
    %get3A_709 = arith.constant 800 : index
    %get3A_710 = tpu.vector_load %arg6[%get3A_709] {strides = array<i32>} : memref<1024xi32, #tpu.memory_space<vmem>>, vector<16xi32>,
    %get3A_711 = vector.shape_cast %get3A_710 : vector<16xi32> to vector<16xi32>
    %add3A_712 = arith.addi %mul3A_708, %get3A_711 : vector<16xi32>
    %swap3A_713 = arith.constant 800 : index
    %swap3A_714 = tpu.vector_load %arg8[%swap3A_713] {strides = array<i32>} : memref<1040xi32, #tpu.memory_space<vmem>>, vector<16xi32>,
    %swap3A_715 = vector.shape_cast %swap3A_714 : vector<16xi32> to vector<16xi32>
    %swap3A_716 = vector.shape_cast %add3A_712 : vector<16xi32> to vector<16xi32>
    tpu.vector_store %arg8[%swap3A_713], %swap3A_716 {strides = array<i32>} : memref<1040xi32, #tpu.memory_space<vmem>>, vector<16xi32>,
    %get3A_717 = arith.constant 816 : index
    %get3A_718 = tpu.vector_load %arg7[%get3A_717] {strides = array<i32>} : memref<1024xi32, #tpu.memory_space<vmem>>, vector<16xi32>,
    %get3A_719 = vector.shape_cast %get3A_718 : vector<16xi32> to vector<16xi32>
    %mul3A_720 = arith.constant 5 : i32
    %mul3A_721 = vector.broadcast %mul3A_720 : i32 to vector<16xi32>
    %mul3A_722 = arith.muli %get3A_719, %mul3A_721 : vector<16xi32>
    %get3A_723 = arith.constant 816 : index
    %get3A_724 = tpu.vector_load %arg6[%get3A_723] {strides = array<i32>} : memref<1024xi32, #tpu.memory_space<vmem>>, vector<16xi32>,
    %get3A_725 = vector.shape_cast %get3A_724 : vector<16xi32> to vector<16xi32>
    %add3A_726 = arith.addi %mul3A_722, %get3A_725 : vector<16xi32>
    %swap3A_727 = arith.constant 816 : index
    %swap3A_728 = tpu.vector_load %arg8[%swap3A_727] {strides = array<i32>} : memref<1040xi32, #tpu.memory_space<vmem>>, vector<16xi32>,
    %swap3A_729 = vector.shape_cast %swap3A_728 : vector<16xi32> to vector<16xi32>
    %swap3A_730 = vector.shape_cast %add3A_726 : vector<16xi32> to vector<16xi32>
    tpu.vector_store %arg8[%swap3A_727], %swap3A_730 {strides = array<i32>} : memref<1040xi32, #tpu.memory_space<vmem>>, vector<16xi32>,
    %get3A_731 = arith.constant 832 : index
    %get3A_732 = tpu.vector_load %arg7[%get3A_731] {strides = array<i32>} : memref<1024xi32, #tpu.memory_space<vmem>>, vector<16xi32>,
    %get3A_733 = vector.shape_cast %get3A_732 : vector<16xi32> to vector<16xi32>
    %mul3A_734 = arith.constant 5 : i32
    %mul3A_735 = vector.broadcast %mul3A_734 : i32 to vector<16xi32>
    %mul3A_736 = arith.muli %get3A_733, %mul3A_735 : vector<16xi32>
    %get3A_737 = arith.constant 832 : index
    %get3A_738 = tpu.vector_load %arg6[%get3A_737] {strides = array<i32>} : memref<1024xi32, #tpu.memory_space<vmem>>, vector<16xi32>,
    %get3A_739 = vector.shape_cast %get3A_738 : vector<16xi32> to vector<16xi32>
    %add3A_740 = arith.addi %mul3A_736, %get3A_739 : vector<16xi32>
    %swap3A_741 = arith.constant 832 : index
    %swap3A_742 = tpu.vector_load %arg8[%swap3A_741] {strides = array<i32>} : memref<1040xi32, #tpu.memory_space<vmem>>, vector<16xi32>,
    %swap3A_743 = vector.shape_cast %swap3A_742 : vector<16xi32> to vector<16xi32>
    %swap3A_744 = vector.shape_cast %add3A_740 : vector<16xi32> to vector<16xi32>
    tpu.vector_store %arg8[%swap3A_741], %swap3A_744 {strides = array<i32>} : memref<1040xi32, #tpu.memory_space<vmem>>, vector<16xi32>,
    %get3A_745 = arith.constant 848 : index
    %get3A_746 = tpu.vector_load %arg7[%get3A_745] {strides = array<i32>} : memref<1024xi32, #tpu.memory_space<vmem>>, vector<16xi32>,
    %get3A_747 = vector.shape_cast %get3A_746 : vector<16xi32> to vector<16xi32>
    %mul3A_748 = arith.constant 5 : i32
    %mul3A_749 = vector.broadcast %mul3A_748 : i32 to vector<16xi32>
    %mul3A_750 = arith.muli %get3A_747, %mul3A_749 : vector<16xi32>
    %get3A_751 = arith.constant 848 : index
    %get3A_752 = tpu.vector_load %arg6[%get3A_751] {strides = array<i32>} : memref<1024xi32, #tpu.memory_space<vmem>>, vector<16xi32>,
    %get3A_753 = vector.shape_cast %get3A_752 : vector<16xi32> to vector<16xi32>
    %add3A_754 = arith.addi %mul3A_750, %get3A_753 : vector<16xi32>
    %swap3A_755 = arith.constant 848 : index
    %swap3A_756 = tpu.vector_load %arg8[%swap3A_755] {strides = array<i32>} : memref<1040xi32, #tpu.memory_space<vmem>>, vector<16xi32>,
    %swap3A_757 = vector.shape_cast %swap3A_756 : vector<16xi32> to vector<16xi32>
    %swap3A_758 = vector.shape_cast %add3A_754 : vector<16xi32> to vector<16xi32>
    tpu.vector_store %arg8[%swap3A_755], %swap3A_758 {strides = array<i32>} : memref<1040xi32, #tpu.memory_space<vmem>>, vector<16xi32>,
    %get3A_759 = arith.constant 864 : index
    %get3A_760 = tpu.vector_load %arg7[%get3A_759] {strides = array<i32>} : memref<1024xi32, #tpu.memory_space<vmem>>, vector<16xi32>,
    %get3A_761 = vector.shape_cast %get3A_760 : vector<16xi32> to vector<16xi32>
    %mul3A_762 = arith.constant 5 : i32
    %mul3A_763 = vector.broadcast %mul3A_762 : i32 to vector<16xi32>
    %mul3A_764 = arith.muli %get3A_761, %mul3A_763 : vector<16xi32>
    %get3A_765 = arith.constant 864 : index
    %get3A_766 = tpu.vector_load %arg6[%get3A_765] {strides = array<i32>} : memref<1024xi32, #tpu.memory_space<vmem>>, vector<16xi32>,
    %get3A_767 = vector.shape_cast %get3A_766 : vector<16xi32> to vector<16xi32>
    %add3A_768 = arith.addi %mul3A_764, %get3A_767 : vector<16xi32>
    %swap3A_769 = arith.constant 864 : index
    %swap3A_770 = tpu.vector_load %arg8[%swap3A_769] {strides = array<i32>} : memref<1040xi32, #tpu.memory_space<vmem>>, vector<16xi32>,
    %swap3A_771 = vector.shape_cast %swap3A_770 : vector<16xi32> to vector<16xi32>
    %swap3A_772 = vector.shape_cast %add3A_768 : vector<16xi32> to vector<16xi32>
    tpu.vector_store %arg8[%swap3A_769], %swap3A_772 {strides = array<i32>} : memref<1040xi32, #tpu.memory_space<vmem>>, vector<16xi32>,
    %get3A_773 = arith.constant 880 : index
    %get3A_774 = tpu.vector_load %arg7[%get3A_773] {strides = array<i32>} : memref<1024xi32, #tpu.memory_space<vmem>>, vector<16xi32>,
    %get3A_775 = vector.shape_cast %get3A_774 : vector<16xi32> to vector<16xi32>
    %mul3A_776 = arith.constant 5 : i32
    %mul3A_777 = vector.broadcast %mul3A_776 : i32 to vector<16xi32>
    %mul3A_778 = arith.muli %get3A_775, %mul3A_777 : vector<16xi32>
    %get3A_779 = arith.constant 880 : index
    %get3A_780 = tpu.vector_load %arg6[%get3A_779] {strides = array<i32>} : memref<1024xi32, #tpu.memory_space<vmem>>, vector<16xi32>,
    %get3A_781 = vector.shape_cast %get3A_780 : vector<16xi32> to vector<16xi32>
    %add3A_782 = arith.addi %mul3A_778, %get3A_781 : vector<16xi32>
    %swap3A_783 = arith.constant 880 : index
    %swap3A_784 = tpu.vector_load %arg8[%swap3A_783] {strides = array<i32>} : memref<1040xi32, #tpu.memory_space<vmem>>, vector<16xi32>,
    %swap3A_785 = vector.shape_cast %swap3A_784 : vector<16xi32> to vector<16xi32>
    %swap3A_786 = vector.shape_cast %add3A_782 : vector<16xi32> to vector<16xi32>
    tpu.vector_store %arg8[%swap3A_783], %swap3A_786 {strides = array<i32>} : memref<1040xi32, #tpu.memory_space<vmem>>, vector<16xi32>,
    %get3A_787 = arith.constant 896 : index
    %get3A_788 = tpu.vector_load %arg7[%get3A_787] {strides = array<i32>} : memref<1024xi32, #tpu.memory_space<vmem>>, vector<16xi32>,
    %get3A_789 = vector.shape_cast %get3A_788 : vector<16xi32> to vector<16xi32>
    %mul3A_790 = arith.constant 5 : i32
    %mul3A_791 = vector.broadcast %mul3A_790 : i32 to vector<16xi32>
    %mul3A_792 = arith.muli %get3A_789, %mul3A_791 : vector<16xi32>
    %get3A_793 = arith.constant 896 : index
    %get3A_794 = tpu.vector_load %arg6[%get3A_793] {strides = array<i32>} : memref<1024xi32, #tpu.memory_space<vmem>>, vector<16xi32>,
    %get3A_795 = vector.shape_cast %get3A_794 : vector<16xi32> to vector<16xi32>
    %add3A_796 = arith.addi %mul3A_792, %get3A_795 : vector<16xi32>
    %swap3A_797 = arith.constant 896 : index
    %swap3A_798 = tpu.vector_load %arg8[%swap3A_797] {strides = array<i32>} : memref<1040xi32, #tpu.memory_space<vmem>>, vector<16xi32>,
    %swap3A_799 = vector.shape_cast %swap3A_798 : vector<16xi32> to vector<16xi32>
    %swap3A_800 = vector.shape_cast %add3A_796 : vector<16xi32> to vector<16xi32>
    tpu.vector_store %arg8[%swap3A_797], %swap3A_800 {strides = array<i32>} : memref<1040xi32, #tpu.memory_space<vmem>>, vector<16xi32>,
    %get3A_801 = arith.constant 912 : index
    %get3A_802 = tpu.vector_load %arg7[%get3A_801] {strides = array<i32>} : memref<1024xi32, #tpu.memory_space<vmem>>, vector<16xi32>,
    %get3A_803 = vector.shape_cast %get3A_802 : vector<16xi32> to vector<16xi32>
    %mul3A_804 = arith.constant 5 : i32
    %mul3A_805 = vector.broadcast %mul3A_804 : i32 to vector<16xi32>
    %mul3A_806 = arith.muli %get3A_803, %mul3A_805 : vector<16xi32>
    %get3A_807 = arith.constant 912 : index
    %get3A_808 = tpu.vector_load %arg6[%get3A_807] {strides = array<i32>} : memref<1024xi32, #tpu.memory_space<vmem>>, vector<16xi32>,
    %get3A_809 = vector.shape_cast %get3A_808 : vector<16xi32> to vector<16xi32>
    %add3A_810 = arith.addi %mul3A_806, %get3A_809 : vector<16xi32>
    %swap3A_811 = arith.constant 912 : index
    %swap3A_812 = tpu.vector_load %arg8[%swap3A_811] {strides = array<i32>} : memref<1040xi32, #tpu.memory_space<vmem>>, vector<16xi32>,
    %swap3A_813 = vector.shape_cast %swap3A_812 : vector<16xi32> to vector<16xi32>
    %swap3A_814 = vector.shape_cast %add3A_810 : vector<16xi32> to vector<16xi32>
    tpu.vector_store %arg8[%swap3A_811], %swap3A_814 {strides = array<i32>} : memref<1040xi32, #tpu.memory_space<vmem>>, vector<16xi32>,
    %get3A_815 = arith.constant 928 : index
    %get3A_816 = tpu.vector_load %arg7[%get3A_815] {strides = array<i32>} : memref<1024xi32, #tpu.memory_space<vmem>>, vector<16xi32>,
    %get3A_817 = vector.shape_cast %get3A_816 : vector<16xi32> to vector<16xi32>
    %mul3A_818 = arith.constant 5 : i32
    %mul3A_819 = vector.broadcast %mul3A_818 : i32 to vector<16xi32>
    %mul3A_820 = arith.muli %get3A_817, %mul3A_819 : vector<16xi32>
    %get3A_821 = arith.constant 928 : index
    %get3A_822 = tpu.vector_load %arg6[%get3A_821] {strides = array<i32>} : memref<1024xi32, #tpu.memory_space<vmem>>, vector<16xi32>,
    %get3A_823 = vector.shape_cast %get3A_822 : vector<16xi32> to vector<16xi32>
    %add3A_824 = arith.addi %mul3A_820, %get3A_823 : vector<16xi32>
    %swap3A_825 = arith.constant 928 : index
    %swap3A_826 = tpu.vector_load %arg8[%swap3A_825] {strides = array<i32>} : memref<1040xi32, #tpu.memory_space<vmem>>, vector<16xi32>,
    %swap3A_827 = vector.shape_cast %swap3A_826 : vector<16xi32> to vector<16xi32>
    %swap3A_828 = vector.shape_cast %add3A_824 : vector<16xi32> to vector<16xi32>
    tpu.vector_store %arg8[%swap3A_825], %swap3A_828 {strides = array<i32>} : memref<1040xi32, #tpu.memory_space<vmem>>, vector<16xi32>,
    %get3A_829 = arith.constant 944 : index
    %get3A_830 = tpu.vector_load %arg7[%get3A_829] {strides = array<i32>} : memref<1024xi32, #tpu.memory_space<vmem>>, vector<16xi32>,
    %get3A_831 = vector.shape_cast %get3A_830 : vector<16xi32> to vector<16xi32>
    %mul3A_832 = arith.constant 5 : i32
    %mul3A_833 = vector.broadcast %mul3A_832 : i32 to vector<16xi32>
    %mul3A_834 = arith.muli %get3A_831, %mul3A_833 : vector<16xi32>
    %get3A_835 = arith.constant 944 : index
    %get3A_836 = tpu.vector_load %arg6[%get3A_835] {strides = array<i32>} : memref<1024xi32, #tpu.memory_space<vmem>>, vector<16xi32>,
    %get3A_837 = vector.shape_cast %get3A_836 : vector<16xi32> to vector<16xi32>
    %add3A_838 = arith.addi %mul3A_834, %get3A_837 : vector<16xi32>
    %swap3A_839 = arith.constant 944 : index
    %swap3A_840 = tpu.vector_load %arg8[%swap3A_839] {strides = array<i32>} : memref<1040xi32, #tpu.memory_space<vmem>>, vector<16xi32>,
    %swap3A_841 = vector.shape_cast %swap3A_840 : vector<16xi32> to vector<16xi32>
    %swap3A_842 = vector.shape_cast %add3A_838 : vector<16xi32> to vector<16xi32>
    tpu.vector_store %arg8[%swap3A_839], %swap3A_842 {strides = array<i32>} : memref<1040xi32, #tpu.memory_space<vmem>>, vector<16xi32>,
    %get3A_843 = arith.constant 960 : index
    %get3A_844 = tpu.vector_load %arg7[%get3A_843] {strides = array<i32>} : memref<1024xi32, #tpu.memory_space<vmem>>, vector<16xi32>,
    %get3A_845 = vector.shape_cast %get3A_844 : vector<16xi32> to vector<16xi32>
    %mul3A_846 = arith.constant 5 : i32
    %mul3A_847 = vector.broadcast %mul3A_846 : i32 to vector<16xi32>
    %mul3A_848 = arith.muli %get3A_845, %mul3A_847 : vector<16xi32>
    %get3A_849 = arith.constant 960 : index
    %get3A_850 = tpu.vector_load %arg6[%get3A_849] {strides = array<i32>} : memref<1024xi32, #tpu.memory_space<vmem>>, vector<16xi32>,
    %get3A_851 = vector.shape_cast %get3A_850 : vector<16xi32> to vector<16xi32>
    %add3A_852 = arith.addi %mul3A_848, %get3A_851 : vector<16xi32>
    %swap3A_853 = arith.constant 960 : index
    %swap3A_854 = tpu.vector_load %arg8[%swap3A_853] {strides = array<i32>} : memref<1040xi32, #tpu.memory_space<vmem>>, vector<16xi32>,
    %swap3A_855 = vector.shape_cast %swap3A_854 : vector<16xi32> to vector<16xi32>
    %swap3A_856 = vector.shape_cast %add3A_852 : vector<16xi32> to vector<16xi32>
    tpu.vector_store %arg8[%swap3A_853], %swap3A_856 {strides = array<i32>} : memref<1040xi32, #tpu.memory_space<vmem>>, vector<16xi32>,
    %get3A_857 = arith.constant 976 : index
    %get3A_858 = tpu.vector_load %arg7[%get3A_857] {strides = array<i32>} : memref<1024xi32, #tpu.memory_space<vmem>>, vector<16xi32>,
    %get3A_859 = vector.shape_cast %get3A_858 : vector<16xi32> to vector<16xi32>
    %mul3A_860 = arith.constant 5 : i32
    %mul3A_861 = vector.broadcast %mul3A_860 : i32 to vector<16xi32>
    %mul3A_862 = arith.muli %get3A_859, %mul3A_861 : vector<16xi32>
    %get3A_863 = arith.constant 976 : index
    %get3A_864 = tpu.vector_load %arg6[%get3A_863] {strides = array<i32>} : memref<1024xi32, #tpu.memory_space<vmem>>, vector<16xi32>,
    %get3A_865 = vector.shape_cast %get3A_864 : vector<16xi32> to vector<16xi32>
    %add3A_866 = arith.addi %mul3A_862, %get3A_865 : vector<16xi32>
    %swap3A_867 = arith.constant 976 : index
    %swap3A_868 = tpu.vector_load %arg8[%swap3A_867] {strides = array<i32>} : memref<1040xi32, #tpu.memory_space<vmem>>, vector<16xi32>,
    %swap3A_869 = vector.shape_cast %swap3A_868 : vector<16xi32> to vector<16xi32>
    %swap3A_870 = vector.shape_cast %add3A_866 : vector<16xi32> to vector<16xi32>
    tpu.vector_store %arg8[%swap3A_867], %swap3A_870 {strides = array<i32>} : memref<1040xi32, #tpu.memory_space<vmem>>, vector<16xi32>,
    %get3A_871 = arith.constant 992 : index
    %get3A_872 = tpu.vector_load %arg7[%get3A_871] {strides = array<i32>} : memref<1024xi32, #tpu.memory_space<vmem>>, vector<16xi32>,
    %get3A_873 = vector.shape_cast %get3A_872 : vector<16xi32> to vector<16xi32>
    %mul3A_874 = arith.constant 5 : i32
    %mul3A_875 = vector.broadcast %mul3A_874 : i32 to vector<16xi32>
    %mul3A_876 = arith.muli %get3A_873, %mul3A_875 : vector<16xi32>
    %get3A_877 = arith.constant 992 : index
    %get3A_878 = tpu.vector_load %arg6[%get3A_877] {strides = array<i32>} : memref<1024xi32, #tpu.memory_space<vmem>>, vector<16xi32>,
    %get3A_879 = vector.shape_cast %get3A_878 : vector<16xi32> to vector<16xi32>
    %add3A_880 = arith.addi %mul3A_876, %get3A_879 : vector<16xi32>
    %swap3A_881 = arith.constant 992 : index
    %swap3A_882 = tpu.vector_load %arg8[%swap3A_881] {strides = array<i32>} : memref<1040xi32, #tpu.memory_space<vmem>>, vector<16xi32>,
    %swap3A_883 = vector.shape_cast %swap3A_882 : vector<16xi32> to vector<16xi32>
    %swap3A_884 = vector.shape_cast %add3A_880 : vector<16xi32> to vector<16xi32>
    tpu.vector_store %arg8[%swap3A_881], %swap3A_884 {strides = array<i32>} : memref<1040xi32, #tpu.memory_space<vmem>>, vector<16xi32>,
    %get3A_885 = arith.constant 1008 : index
    %get3A_886 = tpu.vector_load %arg7[%get3A_885] {strides = array<i32>} : memref<1024xi32, #tpu.memory_space<vmem>>, vector<16xi32>,
    %get3A_887 = vector.shape_cast %get3A_886 : vector<16xi32> to vector<16xi32>
    %mul3A_888 = arith.constant 5 : i32
    %mul3A_889 = vector.broadcast %mul3A_888 : i32 to vector<16xi32>
    %mul3A_890 = arith.muli %get3A_887, %mul3A_889 : vector<16xi32>
    %get3A_891 = arith.constant 1008 : index
    %get3A_892 = tpu.vector_load %arg6[%get3A_891] {strides = array<i32>} : memref<1024xi32, #tpu.memory_space<vmem>>, vector<16xi32>,
    %get3A_893 = vector.shape_cast %get3A_892 : vector<16xi32> to vector<16xi32>
    %add3A_894 = arith.addi %mul3A_890, %get3A_893 : vector<16xi32>
    %swap3A_895 = arith.constant 1008 : index
    %swap3A_896 = tpu.vector_load %arg8[%swap3A_895] {strides = array<i32>} : memref<1040xi32, #tpu.memory_space<vmem>>, vector<16xi32>,
    %swap3A_897 = vector.shape_cast %swap3A_896 : vector<16xi32> to vector<16xi32>
    %swap3A_898 = vector.shape_cast %add3A_894 : vector<16xi32> to vector<16xi32>
    tpu.vector_store %arg8[%swap3A_895], %swap3A_898 {strides = array<i32>} : memref<1040xi32, #tpu.memory_space<vmem>>, vector<16xi32>,
    %scan3A = arith.constant 0 : i32
    %scan3A_899 = arith.constant 16 : i32
    %scan3A_900 = arith.addi %scan3A, %scan3A_899 : i32
    %scan3A_901 = arith.constant 1 : i32
    scf.for %scan3A_928 = %scan3A to %scan3A_900 step %scan3A_901  : i32 {
      %mul3A_929 = arith.constant 2 : i32
      %mul3A_930 = arith.muli %scan3A_928, %mul3A_929 : i32
      %add3A_931 = arith.constant 0 : i32
      %add3A_932 = arith.addi %add3A_931, %mul3A_930 : i32
      %add3A_933 = arith.constant 0 : i32
      %add3A_934 = arith.addi %add3A_932, %add3A_933 : i32
      %gt3A = arith.constant 0 : i32
      %gt3A_935 = arith.cmpi sgt, %add3A_932, %gt3A : i32
      %convert_element_type3A = arith.extui %gt3A_935 : i1 to i32
      %cond3A = arith.constant 0 : i32
      %cond3A_936 = arith.cmpi ne, %convert_element_type3A, %cond3A : i32
      scf.if %cond3A_936 {
        %dma_wait3A_980 = arith.constant 0 : i32
        %dma_wait3A_981 = arith.constant 0 : i32
        %dma_wait3A_982 = arith.constant 0 : i32
        %dma_wait3A_983 = tpu.memref_slice %arg9[%dma_wait3A_980, %dma_wait3A_981, %dma_wait3A_982] : memref<2x32x1024xf32, #tpu.memory_space<vmem>> -> memref<1x32x1024xf32, #tpu.memory_space<vmem>>
        %dma_wait3A_984 = tpu.memref_squeeze %dma_wait3A_983 : memref<1x32x1024xf32, #tpu.memory_space<vmem>> -> memref<32x1024xf32, #tpu.memory_space<vmem>>
        %dma_wait3A_985 = arith.constant 0 : i32
        %dma_wait3A_986 = tpu.memref_slice %arg5[%mul3A_2, %dma_wait3A_985] : memref<32768x1024xf32, #tpu.memory_space<hbm>> -> memref<32x1024xf32, #tpu.memory_space<hbm>>
        %dma_wait3A_987 = arith.constant 0 : i32
        %dma_wait3A_988 = tpu.memref_slice %arg5[%mul3A_2, %dma_wait3A_987] : memref<32768x1024xf32, #tpu.memory_space<hbm>> -> memref<32x1024xf32, #tpu.memory_space<hbm>>
        %dma_wait3A_989 = arith.constant 0 : i32
        %dma_wait3A_990 = arith.constant 0 : i32
        %dma_wait3A_991 = tpu.memref_slice %arg9[%dma_wait3A_980, %dma_wait3A_989, %dma_wait3A_990] : memref<2x32x1024xf32, #tpu.memory_space<vmem>> -> memref<1x32x1024xf32, #tpu.memory_space<vmem>>
        %dma_wait3A_992 = tpu.memref_squeeze %dma_wait3A_991 : memref<1x32x1024xf32, #tpu.memory_space<vmem>> -> memref<32x1024xf32, #tpu.memory_space<vmem>>
        tpu.wait_dma2 semaphore(%arg11 : memref<!tpu.dma_semaphore, #tpu.memory_space<semaphore_mem>>) src(%dma_wait3A_992 : memref<32x1024xf32, #tpu.memory_space<vmem>>) dst(%dma_wait3A_988 : memref<32x1024xf32, #tpu.memory_space<hbm>>)
      } else {
      }
      %parallel_loop3A = arith.constant 0 : i32
      %parallel_loop3A_937 = arith.constant 32 : i32
      %parallel_loop3A_938 = arith.constant 1 : i32
      scf.for %parallel_loop3A_980 = %parallel_loop3A to %parallel_loop3A_937 step %parallel_loop3A_938  : i32 {
        %parallel_loop3A_981 = arith.constant 32 : i32
        %parallel_loop3A_982 = arith.muli %add3A_934, %parallel_loop3A_981 : i32
        %parallel_loop3A_983 = arith.addi %parallel_loop3A_982, %parallel_loop3A_980 : i32
        %parallel_loop3A_984 = arith.index_cast %parallel_loop3A_983 : i32 to index
        %parallel_loop3A_985 = tpu.vector_load %arg8[%parallel_loop3A_984] {strides = array<i32>} : memref<1040xi32, #tpu.memory_space<vmem>>, vector<16xi32>,
        %parallel_loop3A_986 = vector.shape_cast %parallel_loop3A_985 : vector<16xi32> to vector<16xi32>
        %parallel_loop3A_987 = vector.extract_strided_slice %parallel_loop3A_986 {offsets = [0], sizes = [1], strides = [1]} : vector<16xi32> to vector<1xi32>
        %parallel_loop3A_988 = vector.extract %parallel_loop3A_987[0] : i32 from vector<1xi32>
        %parallel_loop3A_989 = arith.index_cast %parallel_loop3A_988 : i32 to index
        %parallel_loop3A_990 = arith.constant 0 : index
        %parallel_loop3A_991 = tpu.vector_load %arg10[%parallel_loop3A_989, %parallel_loop3A_990] {strides = array<i32>} : memref<32x1024xf32, #tpu.memory_space<vmem>>, vector<1x16xf32>,
        %parallel_loop3A_992 = vector.shape_cast %parallel_loop3A_991 : vector<1x16xf32> to vector<16xf32>
        %parallel_loop3A_993 = arith.constant 0 : i32
        %parallel_loop3A_994 = arith.index_cast %parallel_loop3A_993 : i32 to index
        %parallel_loop3A_995 = arith.index_cast %parallel_loop3A_980 : i32 to index
        %parallel_loop3A_996 = arith.constant 0 : index
        %parallel_loop3A_997 = tpu.vector_load %arg9[%parallel_loop3A_994, %parallel_loop3A_995, %parallel_loop3A_996] {strides = array<i32>} : memref<2x32x1024xf32, #tpu.memory_space<vmem>>, vector<1x1x16xf32>,
        %parallel_loop3A_998 = vector.shape_cast %parallel_loop3A_997 : vector<1x1x16xf32> to vector<16xf32>
        %parallel_loop3A_999 = vector.shape_cast %parallel_loop3A_992 : vector<16xf32> to vector<1x1x16xf32>
        tpu.vector_store %arg9[%parallel_loop3A_994, %parallel_loop3A_995, %parallel_loop3A_996], %parallel_loop3A_999 {strides = array<i32>} : memref<2x32x1024xf32, #tpu.memory_space<vmem>>, vector<1x1x16xf32>,
        %parallel_loop3A_1000 = arith.index_cast %parallel_loop3A_988 : i32 to index
        %parallel_loop3A_1001 = arith.constant 16 : index
        %parallel_loop3A_1002 = tpu.vector_load %arg10[%parallel_loop3A_1000, %parallel_loop3A_1001] {strides = array<i32>} : memref<32x1024xf32, #tpu.memory_space<vmem>>, vector<1x16xf32>,
        %parallel_loop3A_1003 = vector.shape_cast %parallel_loop3A_1002 : vector<1x16xf32> to vector<16xf32>
        %parallel_loop3A_1004 = arith.constant 0 : i32
        %parallel_loop3A_1005 = arith.index_cast %parallel_loop3A_1004 : i32 to index
        %parallel_loop3A_1006 = arith.index_cast %parallel_loop3A_980 : i32 to index
        %parallel_loop3A_1007 = arith.constant 16 : index
        %parallel_loop3A_1008 = tpu.vector_load %arg9[%parallel_loop3A_1005, %parallel_loop3A_1006, %parallel_loop3A_1007] {strides = array<i32>} : memref<2x32x1024xf32, #tpu.memory_space<vmem>>, vector<1x1x16xf32>,
        %parallel_loop3A_1009 = vector.shape_cast %parallel_loop3A_1008 : vector<1x1x16xf32> to vector<16xf32>
        %parallel_loop3A_1010 = vector.shape_cast %parallel_loop3A_1003 : vector<16xf32> to vector<1x1x16xf32>
        tpu.vector_store %arg9[%parallel_loop3A_1005, %parallel_loop3A_1006, %parallel_loop3A_1007], %parallel_loop3A_1010 {strides = array<i32>} : memref<2x32x1024xf32, #tpu.memory_space<vmem>>, vector<1x1x16xf32>,
        %parallel_loop3A_1011 = arith.index_cast %parallel_loop3A_988 : i32 to index
        %parallel_loop3A_1012 = arith.constant 32 : index
        %parallel_loop3A_1013 = tpu.vector_load %arg10[%parallel_loop3A_1011, %parallel_loop3A_1012] {strides = array<i32>} : memref<32x1024xf32, #tpu.memory_space<vmem>>, vector<1x16xf32>,
        %parallel_loop3A_1014 = vector.shape_cast %parallel_loop3A_1013 : vector<1x16xf32> to vector<16xf32>
        %parallel_loop3A_1015 = arith.constant 0 : i32
        %parallel_loop3A_1016 = arith.index_cast %parallel_loop3A_1015 : i32 to index
        %parallel_loop3A_1017 = arith.index_cast %parallel_loop3A_980 : i32 to index
        %parallel_loop3A_1018 = arith.constant 32 : index
        %parallel_loop3A_1019 = tpu.vector_load %arg9[%parallel_loop3A_1016, %parallel_loop3A_1017, %parallel_loop3A_1018] {strides = array<i32>} : memref<2x32x1024xf32, #tpu.memory_space<vmem>>, vector<1x1x16xf32>,
        %parallel_loop3A_1020 = vector.shape_cast %parallel_loop3A_1019 : vector<1x1x16xf32> to vector<16xf32>
        %parallel_loop3A_1021 = vector.shape_cast %parallel_loop3A_1014 : vector<16xf32> to vector<1x1x16xf32>
        tpu.vector_store %arg9[%parallel_loop3A_1016, %parallel_loop3A_1017, %parallel_loop3A_1018], %parallel_loop3A_1021 {strides = array<i32>} : memref<2x32x1024xf32, #tpu.memory_space<vmem>>, vector<1x1x16xf32>,
        %parallel_loop3A_1022 = arith.index_cast %parallel_loop3A_988 : i32 to index
        %parallel_loop3A_1023 = arith.constant 48 : index
        %parallel_loop3A_1024 = tpu.vector_load %arg10[%parallel_loop3A_1022, %parallel_loop3A_1023] {strides = array<i32>} : memref<32x1024xf32, #tpu.memory_space<vmem>>, vector<1x16xf32>,
        %parallel_loop3A_1025 = vector.shape_cast %parallel_loop3A_1024 : vector<1x16xf32> to vector<16xf32>
        %parallel_loop3A_1026 = arith.constant 0 : i32
        %parallel_loop3A_1027 = arith.index_cast %parallel_loop3A_1026 : i32 to index
        %parallel_loop3A_1028 = arith.index_cast %parallel_loop3A_980 : i32 to index
        %parallel_loop3A_1029 = arith.constant 48 : index
        %parallel_loop3A_1030 = tpu.vector_load %arg9[%parallel_loop3A_1027, %parallel_loop3A_1028, %parallel_loop3A_1029] {strides = array<i32>} : memref<2x32x1024xf32, #tpu.memory_space<vmem>>, vector<1x1x16xf32>,
        %parallel_loop3A_1031 = vector.shape_cast %parallel_loop3A_1030 : vector<1x1x16xf32> to vector<16xf32>
        %parallel_loop3A_1032 = vector.shape_cast %parallel_loop3A_1025 : vector<16xf32> to vector<1x1x16xf32>
        tpu.vector_store %arg9[%parallel_loop3A_1027, %parallel_loop3A_1028, %parallel_loop3A_1029], %parallel_loop3A_1032 {strides = array<i32>} : memref<2x32x1024xf32, #tpu.memory_space<vmem>>, vector<1x1x16xf32>,
        %parallel_loop3A_1033 = arith.index_cast %parallel_loop3A_988 : i32 to index
        %parallel_loop3A_1034 = arith.constant 64 : index
        %parallel_loop3A_1035 = tpu.vector_load %arg10[%parallel_loop3A_1033, %parallel_loop3A_1034] {strides = array<i32>} : memref<32x1024xf32, #tpu.memory_space<vmem>>, vector<1x16xf32>,
        %parallel_loop3A_1036 = vector.shape_cast %parallel_loop3A_1035 : vector<1x16xf32> to vector<16xf32>
        %parallel_loop3A_1037 = arith.constant 0 : i32
        %parallel_loop3A_1038 = arith.index_cast %parallel_loop3A_1037 : i32 to index
        %parallel_loop3A_1039 = arith.index_cast %parallel_loop3A_980 : i32 to index
        %parallel_loop3A_1040 = arith.constant 64 : index
        %parallel_loop3A_1041 = tpu.vector_load %arg9[%parallel_loop3A_1038, %parallel_loop3A_1039, %parallel_loop3A_1040] {strides = array<i32>} : memref<2x32x1024xf32, #tpu.memory_space<vmem>>, vector<1x1x16xf32>,
        %parallel_loop3A_1042 = vector.shape_cast %parallel_loop3A_1041 : vector<1x1x16xf32> to vector<16xf32>
        %parallel_loop3A_1043 = vector.shape_cast %parallel_loop3A_1036 : vector<16xf32> to vector<1x1x16xf32>
        tpu.vector_store %arg9[%parallel_loop3A_1038, %parallel_loop3A_1039, %parallel_loop3A_1040], %parallel_loop3A_1043 {strides = array<i32>} : memref<2x32x1024xf32, #tpu.memory_space<vmem>>, vector<1x1x16xf32>,
        %parallel_loop3A_1044 = arith.index_cast %parallel_loop3A_988 : i32 to index
        %parallel_loop3A_1045 = arith.constant 80 : index
        %parallel_loop3A_1046 = tpu.vector_load %arg10[%parallel_loop3A_1044, %parallel_loop3A_1045] {strides = array<i32>} : memref<32x1024xf32, #tpu.memory_space<vmem>>, vector<1x16xf32>,
        %parallel_loop3A_1047 = vector.shape_cast %parallel_loop3A_1046 : vector<1x16xf32> to vector<16xf32>
        %parallel_loop3A_1048 = arith.constant 0 : i32
        %parallel_loop3A_1049 = arith.index_cast %parallel_loop3A_1048 : i32 to index
        %parallel_loop3A_1050 = arith.index_cast %parallel_loop3A_980 : i32 to index
        %parallel_loop3A_1051 = arith.constant 80 : index
        %parallel_loop3A_1052 = tpu.vector_load %arg9[%parallel_loop3A_1049, %parallel_loop3A_1050, %parallel_loop3A_1051] {strides = array<i32>} : memref<2x32x1024xf32, #tpu.memory_space<vmem>>, vector<1x1x16xf32>,
        %parallel_loop3A_1053 = vector.shape_cast %parallel_loop3A_1052 : vector<1x1x16xf32> to vector<16xf32>
        %parallel_loop3A_1054 = vector.shape_cast %parallel_loop3A_1047 : vector<16xf32> to vector<1x1x16xf32>
        tpu.vector_store %arg9[%parallel_loop3A_1049, %parallel_loop3A_1050, %parallel_loop3A_1051], %parallel_loop3A_1054 {strides = array<i32>} : memref<2x32x1024xf32, #tpu.memory_space<vmem>>, vector<1x1x16xf32>,
        %parallel_loop3A_1055 = arith.index_cast %parallel_loop3A_988 : i32 to index
        %parallel_loop3A_1056 = arith.constant 96 : index
        %parallel_loop3A_1057 = tpu.vector_load %arg10[%parallel_loop3A_1055, %parallel_loop3A_1056] {strides = array<i32>} : memref<32x1024xf32, #tpu.memory_space<vmem>>, vector<1x16xf32>,
        %parallel_loop3A_1058 = vector.shape_cast %parallel_loop3A_1057 : vector<1x16xf32> to vector<16xf32>
        %parallel_loop3A_1059 = arith.constant 0 : i32
        %parallel_loop3A_1060 = arith.index_cast %parallel_loop3A_1059 : i32 to index
        %parallel_loop3A_1061 = arith.index_cast %parallel_loop3A_980 : i32 to index
        %parallel_loop3A_1062 = arith.constant 96 : index
        %parallel_loop3A_1063 = tpu.vector_load %arg9[%parallel_loop3A_1060, %parallel_loop3A_1061, %parallel_loop3A_1062] {strides = array<i32>} : memref<2x32x1024xf32, #tpu.memory_space<vmem>>, vector<1x1x16xf32>,
        %parallel_loop3A_1064 = vector.shape_cast %parallel_loop3A_1063 : vector<1x1x16xf32> to vector<16xf32>
        %parallel_loop3A_1065 = vector.shape_cast %parallel_loop3A_1058 : vector<16xf32> to vector<1x1x16xf32>
        tpu.vector_store %arg9[%parallel_loop3A_1060, %parallel_loop3A_1061, %parallel_loop3A_1062], %parallel_loop3A_1065 {strides = array<i32>} : memref<2x32x1024xf32, #tpu.memory_space<vmem>>, vector<1x1x16xf32>,
        %parallel_loop3A_1066 = arith.index_cast %parallel_loop3A_988 : i32 to index
        %parallel_loop3A_1067 = arith.constant 112 : index
        %parallel_loop3A_1068 = tpu.vector_load %arg10[%parallel_loop3A_1066, %parallel_loop3A_1067] {strides = array<i32>} : memref<32x1024xf32, #tpu.memory_space<vmem>>, vector<1x16xf32>,
        %parallel_loop3A_1069 = vector.shape_cast %parallel_loop3A_1068 : vector<1x16xf32> to vector<16xf32>
        %parallel_loop3A_1070 = arith.constant 0 : i32
        %parallel_loop3A_1071 = arith.index_cast %parallel_loop3A_1070 : i32 to index
        %parallel_loop3A_1072 = arith.index_cast %parallel_loop3A_980 : i32 to index
        %parallel_loop3A_1073 = arith.constant 112 : index
        %parallel_loop3A_1074 = tpu.vector_load %arg9[%parallel_loop3A_1071, %parallel_loop3A_1072, %parallel_loop3A_1073] {strides = array<i32>} : memref<2x32x1024xf32, #tpu.memory_space<vmem>>, vector<1x1x16xf32>,
        %parallel_loop3A_1075 = vector.shape_cast %parallel_loop3A_1074 : vector<1x1x16xf32> to vector<16xf32>
        %parallel_loop3A_1076 = vector.shape_cast %parallel_loop3A_1069 : vector<16xf32> to vector<1x1x16xf32>
        tpu.vector_store %arg9[%parallel_loop3A_1071, %parallel_loop3A_1072, %parallel_loop3A_1073], %parallel_loop3A_1076 {strides = array<i32>} : memref<2x32x1024xf32, #tpu.memory_space<vmem>>, vector<1x1x16xf32>,
        %parallel_loop3A_1077 = arith.index_cast %parallel_loop3A_988 : i32 to index
        %parallel_loop3A_1078 = arith.constant 128 : index
        %parallel_loop3A_1079 = tpu.vector_load %arg10[%parallel_loop3A_1077, %parallel_loop3A_1078] {strides = array<i32>} : memref<32x1024xf32, #tpu.memory_space<vmem>>, vector<1x16xf32>,
        %parallel_loop3A_1080 = vector.shape_cast %parallel_loop3A_1079 : vector<1x16xf32> to vector<16xf32>
        %parallel_loop3A_1081 = arith.constant 0 : i32
        %parallel_loop3A_1082 = arith.index_cast %parallel_loop3A_1081 : i32 to index
        %parallel_loop3A_1083 = arith.index_cast %parallel_loop3A_980 : i32 to index
        %parallel_loop3A_1084 = arith.constant 128 : index
        %parallel_loop3A_1085 = tpu.vector_load %arg9[%parallel_loop3A_1082, %parallel_loop3A_1083, %parallel_loop3A_1084] {strides = array<i32>} : memref<2x32x1024xf32, #tpu.memory_space<vmem>>, vector<1x1x16xf32>,
        %parallel_loop3A_1086 = vector.shape_cast %parallel_loop3A_1085 : vector<1x1x16xf32> to vector<16xf32>
        %parallel_loop3A_1087 = vector.shape_cast %parallel_loop3A_1080 : vector<16xf32> to vector<1x1x16xf32>
        tpu.vector_store %arg9[%parallel_loop3A_1082, %parallel_loop3A_1083, %parallel_loop3A_1084], %parallel_loop3A_1087 {strides = array<i32>} : memref<2x32x1024xf32, #tpu.memory_space<vmem>>, vector<1x1x16xf32>,
        %parallel_loop3A_1088 = arith.index_cast %parallel_loop3A_988 : i32 to index
        %parallel_loop3A_1089 = arith.constant 144 : index
        %parallel_loop3A_1090 = tpu.vector_load %arg10[%parallel_loop3A_1088, %parallel_loop3A_1089] {strides = array<i32>} : memref<32x1024xf32, #tpu.memory_space<vmem>>, vector<1x16xf32>,
        %parallel_loop3A_1091 = vector.shape_cast %parallel_loop3A_1090 : vector<1x16xf32> to vector<16xf32>
        %parallel_loop3A_1092 = arith.constant 0 : i32
        %parallel_loop3A_1093 = arith.index_cast %parallel_loop3A_1092 : i32 to index
        %parallel_loop3A_1094 = arith.index_cast %parallel_loop3A_980 : i32 to index
        %parallel_loop3A_1095 = arith.constant 144 : index
        %parallel_loop3A_1096 = tpu.vector_load %arg9[%parallel_loop3A_1093, %parallel_loop3A_1094, %parallel_loop3A_1095] {strides = array<i32>} : memref<2x32x1024xf32, #tpu.memory_space<vmem>>, vector<1x1x16xf32>,
        %parallel_loop3A_1097 = vector.shape_cast %parallel_loop3A_1096 : vector<1x1x16xf32> to vector<16xf32>
        %parallel_loop3A_1098 = vector.shape_cast %parallel_loop3A_1091 : vector<16xf32> to vector<1x1x16xf32>
        tpu.vector_store %arg9[%parallel_loop3A_1093, %parallel_loop3A_1094, %parallel_loop3A_1095], %parallel_loop3A_1098 {strides = array<i32>} : memref<2x32x1024xf32, #tpu.memory_space<vmem>>, vector<1x1x16xf32>,
        %parallel_loop3A_1099 = arith.index_cast %parallel_loop3A_988 : i32 to index
        %parallel_loop3A_1100 = arith.constant 160 : index
        %parallel_loop3A_1101 = tpu.vector_load %arg10[%parallel_loop3A_1099, %parallel_loop3A_1100] {strides = array<i32>} : memref<32x1024xf32, #tpu.memory_space<vmem>>, vector<1x16xf32>,
        %parallel_loop3A_1102 = vector.shape_cast %parallel_loop3A_1101 : vector<1x16xf32> to vector<16xf32>
        %parallel_loop3A_1103 = arith.constant 0 : i32
        %parallel_loop3A_1104 = arith.index_cast %parallel_loop3A_1103 : i32 to index
        %parallel_loop3A_1105 = arith.index_cast %parallel_loop3A_980 : i32 to index
        %parallel_loop3A_1106 = arith.constant 160 : index
        %parallel_loop3A_1107 = tpu.vector_load %arg9[%parallel_loop3A_1104, %parallel_loop3A_1105, %parallel_loop3A_1106] {strides = array<i32>} : memref<2x32x1024xf32, #tpu.memory_space<vmem>>, vector<1x1x16xf32>,
        %parallel_loop3A_1108 = vector.shape_cast %parallel_loop3A_1107 : vector<1x1x16xf32> to vector<16xf32>
        %parallel_loop3A_1109 = vector.shape_cast %parallel_loop3A_1102 : vector<16xf32> to vector<1x1x16xf32>
        tpu.vector_store %arg9[%parallel_loop3A_1104, %parallel_loop3A_1105, %parallel_loop3A_1106], %parallel_loop3A_1109 {strides = array<i32>} : memref<2x32x1024xf32, #tpu.memory_space<vmem>>, vector<1x1x16xf32>,
        %parallel_loop3A_1110 = arith.index_cast %parallel_loop3A_988 : i32 to index
        %parallel_loop3A_1111 = arith.constant 176 : index
        %parallel_loop3A_1112 = tpu.vector_load %arg10[%parallel_loop3A_1110, %parallel_loop3A_1111] {strides = array<i32>} : memref<32x1024xf32, #tpu.memory_space<vmem>>, vector<1x16xf32>,
        %parallel_loop3A_1113 = vector.shape_cast %parallel_loop3A_1112 : vector<1x16xf32> to vector<16xf32>
        %parallel_loop3A_1114 = arith.constant 0 : i32
        %parallel_loop3A_1115 = arith.index_cast %parallel_loop3A_1114 : i32 to index
        %parallel_loop3A_1116 = arith.index_cast %parallel_loop3A_980 : i32 to index
        %parallel_loop3A_1117 = arith.constant 176 : index
        %parallel_loop3A_1118 = tpu.vector_load %arg9[%parallel_loop3A_1115, %parallel_loop3A_1116, %parallel_loop3A_1117] {strides = array<i32>} : memref<2x32x1024xf32, #tpu.memory_space<vmem>>, vector<1x1x16xf32>,
        %parallel_loop3A_1119 = vector.shape_cast %parallel_loop3A_1118 : vector<1x1x16xf32> to vector<16xf32>
        %parallel_loop3A_1120 = vector.shape_cast %parallel_loop3A_1113 : vector<16xf32> to vector<1x1x16xf32>
        tpu.vector_store %arg9[%parallel_loop3A_1115, %parallel_loop3A_1116, %parallel_loop3A_1117], %parallel_loop3A_1120 {strides = array<i32>} : memref<2x32x1024xf32, #tpu.memory_space<vmem>>, vector<1x1x16xf32>,
        %parallel_loop3A_1121 = arith.index_cast %parallel_loop3A_988 : i32 to index
        %parallel_loop3A_1122 = arith.constant 192 : index
        %parallel_loop3A_1123 = tpu.vector_load %arg10[%parallel_loop3A_1121, %parallel_loop3A_1122] {strides = array<i32>} : memref<32x1024xf32, #tpu.memory_space<vmem>>, vector<1x16xf32>,
        %parallel_loop3A_1124 = vector.shape_cast %parallel_loop3A_1123 : vector<1x16xf32> to vector<16xf32>
        %parallel_loop3A_1125 = arith.constant 0 : i32
        %parallel_loop3A_1126 = arith.index_cast %parallel_loop3A_1125 : i32 to index
        %parallel_loop3A_1127 = arith.index_cast %parallel_loop3A_980 : i32 to index
        %parallel_loop3A_1128 = arith.constant 192 : index
        %parallel_loop3A_1129 = tpu.vector_load %arg9[%parallel_loop3A_1126, %parallel_loop3A_1127, %parallel_loop3A_1128] {strides = array<i32>} : memref<2x32x1024xf32, #tpu.memory_space<vmem>>, vector<1x1x16xf32>,
        %parallel_loop3A_1130 = vector.shape_cast %parallel_loop3A_1129 : vector<1x1x16xf32> to vector<16xf32>
        %parallel_loop3A_1131 = vector.shape_cast %parallel_loop3A_1124 : vector<16xf32> to vector<1x1x16xf32>
        tpu.vector_store %arg9[%parallel_loop3A_1126, %parallel_loop3A_1127, %parallel_loop3A_1128], %parallel_loop3A_1131 {strides = array<i32>} : memref<2x32x1024xf32, #tpu.memory_space<vmem>>, vector<1x1x16xf32>,
        %parallel_loop3A_1132 = arith.index_cast %parallel_loop3A_988 : i32 to index
        %parallel_loop3A_1133 = arith.constant 208 : index
        %parallel_loop3A_1134 = tpu.vector_load %arg10[%parallel_loop3A_1132, %parallel_loop3A_1133] {strides = array<i32>} : memref<32x1024xf32, #tpu.memory_space<vmem>>, vector<1x16xf32>,
        %parallel_loop3A_1135 = vector.shape_cast %parallel_loop3A_1134 : vector<1x16xf32> to vector<16xf32>
        %parallel_loop3A_1136 = arith.constant 0 : i32
        %parallel_loop3A_1137 = arith.index_cast %parallel_loop3A_1136 : i32 to index
        %parallel_loop3A_1138 = arith.index_cast %parallel_loop3A_980 : i32 to index
        %parallel_loop3A_1139 = arith.constant 208 : index
        %parallel_loop3A_1140 = tpu.vector_load %arg9[%parallel_loop3A_1137, %parallel_loop3A_1138, %parallel_loop3A_1139] {strides = array<i32>} : memref<2x32x1024xf32, #tpu.memory_space<vmem>>, vector<1x1x16xf32>,
        %parallel_loop3A_1141 = vector.shape_cast %parallel_loop3A_1140 : vector<1x1x16xf32> to vector<16xf32>
        %parallel_loop3A_1142 = vector.shape_cast %parallel_loop3A_1135 : vector<16xf32> to vector<1x1x16xf32>
        tpu.vector_store %arg9[%parallel_loop3A_1137, %parallel_loop3A_1138, %parallel_loop3A_1139], %parallel_loop3A_1142 {strides = array<i32>} : memref<2x32x1024xf32, #tpu.memory_space<vmem>>, vector<1x1x16xf32>,
        %parallel_loop3A_1143 = arith.index_cast %parallel_loop3A_988 : i32 to index
        %parallel_loop3A_1144 = arith.constant 224 : index
        %parallel_loop3A_1145 = tpu.vector_load %arg10[%parallel_loop3A_1143, %parallel_loop3A_1144] {strides = array<i32>} : memref<32x1024xf32, #tpu.memory_space<vmem>>, vector<1x16xf32>,
        %parallel_loop3A_1146 = vector.shape_cast %parallel_loop3A_1145 : vector<1x16xf32> to vector<16xf32>
        %parallel_loop3A_1147 = arith.constant 0 : i32
        %parallel_loop3A_1148 = arith.index_cast %parallel_loop3A_1147 : i32 to index
        %parallel_loop3A_1149 = arith.index_cast %parallel_loop3A_980 : i32 to index
        %parallel_loop3A_1150 = arith.constant 224 : index
        %parallel_loop3A_1151 = tpu.vector_load %arg9[%parallel_loop3A_1148, %parallel_loop3A_1149, %parallel_loop3A_1150] {strides = array<i32>} : memref<2x32x1024xf32, #tpu.memory_space<vmem>>, vector<1x1x16xf32>,
        %parallel_loop3A_1152 = vector.shape_cast %parallel_loop3A_1151 : vector<1x1x16xf32> to vector<16xf32>
        %parallel_loop3A_1153 = vector.shape_cast %parallel_loop3A_1146 : vector<16xf32> to vector<1x1x16xf32>
        tpu.vector_store %arg9[%parallel_loop3A_1148, %parallel_loop3A_1149, %parallel_loop3A_1150], %parallel_loop3A_1153 {strides = array<i32>} : memref<2x32x1024xf32, #tpu.memory_space<vmem>>, vector<1x1x16xf32>,
        %parallel_loop3A_1154 = arith.index_cast %parallel_loop3A_988 : i32 to index
        %parallel_loop3A_1155 = arith.constant 240 : index
        %parallel_loop3A_1156 = tpu.vector_load %arg10[%parallel_loop3A_1154, %parallel_loop3A_1155] {strides = array<i32>} : memref<32x1024xf32, #tpu.memory_space<vmem>>, vector<1x16xf32>,
        %parallel_loop3A_1157 = vector.shape_cast %parallel_loop3A_1156 : vector<1x16xf32> to vector<16xf32>
        %parallel_loop3A_1158 = arith.constant 0 : i32
        %parallel_loop3A_1159 = arith.index_cast %parallel_loop3A_1158 : i32 to index
        %parallel_loop3A_1160 = arith.index_cast %parallel_loop3A_980 : i32 to index
        %parallel_loop3A_1161 = arith.constant 240 : index
        %parallel_loop3A_1162 = tpu.vector_load %arg9[%parallel_loop3A_1159, %parallel_loop3A_1160, %parallel_loop3A_1161] {strides = array<i32>} : memref<2x32x1024xf32, #tpu.memory_space<vmem>>, vector<1x1x16xf32>,
        %parallel_loop3A_1163 = vector.shape_cast %parallel_loop3A_1162 : vector<1x1x16xf32> to vector<16xf32>
        %parallel_loop3A_1164 = vector.shape_cast %parallel_loop3A_1157 : vector<16xf32> to vector<1x1x16xf32>
        tpu.vector_store %arg9[%parallel_loop3A_1159, %parallel_loop3A_1160, %parallel_loop3A_1161], %parallel_loop3A_1164 {strides = array<i32>} : memref<2x32x1024xf32, #tpu.memory_space<vmem>>, vector<1x1x16xf32>,
        %parallel_loop3A_1165 = arith.index_cast %parallel_loop3A_988 : i32 to index
        %parallel_loop3A_1166 = arith.constant 256 : index
        %parallel_loop3A_1167 = tpu.vector_load %arg10[%parallel_loop3A_1165, %parallel_loop3A_1166] {strides = array<i32>} : memref<32x1024xf32, #tpu.memory_space<vmem>>, vector<1x16xf32>,
        %parallel_loop3A_1168 = vector.shape_cast %parallel_loop3A_1167 : vector<1x16xf32> to vector<16xf32>
        %parallel_loop3A_1169 = arith.constant 0 : i32
        %parallel_loop3A_1170 = arith.index_cast %parallel_loop3A_1169 : i32 to index
        %parallel_loop3A_1171 = arith.index_cast %parallel_loop3A_980 : i32 to index
        %parallel_loop3A_1172 = arith.constant 256 : index
        %parallel_loop3A_1173 = tpu.vector_load %arg9[%parallel_loop3A_1170, %parallel_loop3A_1171, %parallel_loop3A_1172] {strides = array<i32>} : memref<2x32x1024xf32, #tpu.memory_space<vmem>>, vector<1x1x16xf32>,
        %parallel_loop3A_1174 = vector.shape_cast %parallel_loop3A_1173 : vector<1x1x16xf32> to vector<16xf32>
        %parallel_loop3A_1175 = vector.shape_cast %parallel_loop3A_1168 : vector<16xf32> to vector<1x1x16xf32>
        tpu.vector_store %arg9[%parallel_loop3A_1170, %parallel_loop3A_1171, %parallel_loop3A_1172], %parallel_loop3A_1175 {strides = array<i32>} : memref<2x32x1024xf32, #tpu.memory_space<vmem>>, vector<1x1x16xf32>,
        %parallel_loop3A_1176 = arith.index_cast %parallel_loop3A_988 : i32 to index
        %parallel_loop3A_1177 = arith.constant 272 : index
        %parallel_loop3A_1178 = tpu.vector_load %arg10[%parallel_loop3A_1176, %parallel_loop3A_1177] {strides = array<i32>} : memref<32x1024xf32, #tpu.memory_space<vmem>>, vector<1x16xf32>,
        %parallel_loop3A_1179 = vector.shape_cast %parallel_loop3A_1178 : vector<1x16xf32> to vector<16xf32>
        %parallel_loop3A_1180 = arith.constant 0 : i32
        %parallel_loop3A_1181 = arith.index_cast %parallel_loop3A_1180 : i32 to index
        %parallel_loop3A_1182 = arith.index_cast %parallel_loop3A_980 : i32 to index
        %parallel_loop3A_1183 = arith.constant 272 : index
        %parallel_loop3A_1184 = tpu.vector_load %arg9[%parallel_loop3A_1181, %parallel_loop3A_1182, %parallel_loop3A_1183] {strides = array<i32>} : memref<2x32x1024xf32, #tpu.memory_space<vmem>>, vector<1x1x16xf32>,
        %parallel_loop3A_1185 = vector.shape_cast %parallel_loop3A_1184 : vector<1x1x16xf32> to vector<16xf32>
        %parallel_loop3A_1186 = vector.shape_cast %parallel_loop3A_1179 : vector<16xf32> to vector<1x1x16xf32>
        tpu.vector_store %arg9[%parallel_loop3A_1181, %parallel_loop3A_1182, %parallel_loop3A_1183], %parallel_loop3A_1186 {strides = array<i32>} : memref<2x32x1024xf32, #tpu.memory_space<vmem>>, vector<1x1x16xf32>,
        %parallel_loop3A_1187 = arith.index_cast %parallel_loop3A_988 : i32 to index
        %parallel_loop3A_1188 = arith.constant 288 : index
        %parallel_loop3A_1189 = tpu.vector_load %arg10[%parallel_loop3A_1187, %parallel_loop3A_1188] {strides = array<i32>} : memref<32x1024xf32, #tpu.memory_space<vmem>>, vector<1x16xf32>,
        %parallel_loop3A_1190 = vector.shape_cast %parallel_loop3A_1189 : vector<1x16xf32> to vector<16xf32>
        %parallel_loop3A_1191 = arith.constant 0 : i32
        %parallel_loop3A_1192 = arith.index_cast %parallel_loop3A_1191 : i32 to index
        %parallel_loop3A_1193 = arith.index_cast %parallel_loop3A_980 : i32 to index
        %parallel_loop3A_1194 = arith.constant 288 : index
        %parallel_loop3A_1195 = tpu.vector_load %arg9[%parallel_loop3A_1192, %parallel_loop3A_1193, %parallel_loop3A_1194] {strides = array<i32>} : memref<2x32x1024xf32, #tpu.memory_space<vmem>>, vector<1x1x16xf32>,
        %parallel_loop3A_1196 = vector.shape_cast %parallel_loop3A_1195 : vector<1x1x16xf32> to vector<16xf32>
        %parallel_loop3A_1197 = vector.shape_cast %parallel_loop3A_1190 : vector<16xf32> to vector<1x1x16xf32>
        tpu.vector_store %arg9[%parallel_loop3A_1192, %parallel_loop3A_1193, %parallel_loop3A_1194], %parallel_loop3A_1197 {strides = array<i32>} : memref<2x32x1024xf32, #tpu.memory_space<vmem>>, vector<1x1x16xf32>,
        %parallel_loop3A_1198 = arith.index_cast %parallel_loop3A_988 : i32 to index
        %parallel_loop3A_1199 = arith.constant 304 : index
        %parallel_loop3A_1200 = tpu.vector_load %arg10[%parallel_loop3A_1198, %parallel_loop3A_1199] {strides = array<i32>} : memref<32x1024xf32, #tpu.memory_space<vmem>>, vector<1x16xf32>,
        %parallel_loop3A_1201 = vector.shape_cast %parallel_loop3A_1200 : vector<1x16xf32> to vector<16xf32>
        %parallel_loop3A_1202 = arith.constant 0 : i32
        %parallel_loop3A_1203 = arith.index_cast %parallel_loop3A_1202 : i32 to index
        %parallel_loop3A_1204 = arith.index_cast %parallel_loop3A_980 : i32 to index
        %parallel_loop3A_1205 = arith.constant 304 : index
        %parallel_loop3A_1206 = tpu.vector_load %arg9[%parallel_loop3A_1203, %parallel_loop3A_1204, %parallel_loop3A_1205] {strides = array<i32>} : memref<2x32x1024xf32, #tpu.memory_space<vmem>>, vector<1x1x16xf32>,
        %parallel_loop3A_1207 = vector.shape_cast %parallel_loop3A_1206 : vector<1x1x16xf32> to vector<16xf32>
        %parallel_loop3A_1208 = vector.shape_cast %parallel_loop3A_1201 : vector<16xf32> to vector<1x1x16xf32>
        tpu.vector_store %arg9[%parallel_loop3A_1203, %parallel_loop3A_1204, %parallel_loop3A_1205], %parallel_loop3A_1208 {strides = array<i32>} : memref<2x32x1024xf32, #tpu.memory_space<vmem>>, vector<1x1x16xf32>,
        %parallel_loop3A_1209 = arith.index_cast %parallel_loop3A_988 : i32 to index
        %parallel_loop3A_1210 = arith.constant 320 : index
        %parallel_loop3A_1211 = tpu.vector_load %arg10[%parallel_loop3A_1209, %parallel_loop3A_1210] {strides = array<i32>} : memref<32x1024xf32, #tpu.memory_space<vmem>>, vector<1x16xf32>,
        %parallel_loop3A_1212 = vector.shape_cast %parallel_loop3A_1211 : vector<1x16xf32> to vector<16xf32>
        %parallel_loop3A_1213 = arith.constant 0 : i32
        %parallel_loop3A_1214 = arith.index_cast %parallel_loop3A_1213 : i32 to index
        %parallel_loop3A_1215 = arith.index_cast %parallel_loop3A_980 : i32 to index
        %parallel_loop3A_1216 = arith.constant 320 : index
        %parallel_loop3A_1217 = tpu.vector_load %arg9[%parallel_loop3A_1214, %parallel_loop3A_1215, %parallel_loop3A_1216] {strides = array<i32>} : memref<2x32x1024xf32, #tpu.memory_space<vmem>>, vector<1x1x16xf32>,
        %parallel_loop3A_1218 = vector.shape_cast %parallel_loop3A_1217 : vector<1x1x16xf32> to vector<16xf32>
        %parallel_loop3A_1219 = vector.shape_cast %parallel_loop3A_1212 : vector<16xf32> to vector<1x1x16xf32>
        tpu.vector_store %arg9[%parallel_loop3A_1214, %parallel_loop3A_1215, %parallel_loop3A_1216], %parallel_loop3A_1219 {strides = array<i32>} : memref<2x32x1024xf32, #tpu.memory_space<vmem>>, vector<1x1x16xf32>,
        %parallel_loop3A_1220 = arith.index_cast %parallel_loop3A_988 : i32 to index
        %parallel_loop3A_1221 = arith.constant 336 : index
        %parallel_loop3A_1222 = tpu.vector_load %arg10[%parallel_loop3A_1220, %parallel_loop3A_1221] {strides = array<i32>} : memref<32x1024xf32, #tpu.memory_space<vmem>>, vector<1x16xf32>,
        %parallel_loop3A_1223 = vector.shape_cast %parallel_loop3A_1222 : vector<1x16xf32> to vector<16xf32>
        %parallel_loop3A_1224 = arith.constant 0 : i32
        %parallel_loop3A_1225 = arith.index_cast %parallel_loop3A_1224 : i32 to index
        %parallel_loop3A_1226 = arith.index_cast %parallel_loop3A_980 : i32 to index
        %parallel_loop3A_1227 = arith.constant 336 : index
        %parallel_loop3A_1228 = tpu.vector_load %arg9[%parallel_loop3A_1225, %parallel_loop3A_1226, %parallel_loop3A_1227] {strides = array<i32>} : memref<2x32x1024xf32, #tpu.memory_space<vmem>>, vector<1x1x16xf32>,
        %parallel_loop3A_1229 = vector.shape_cast %parallel_loop3A_1228 : vector<1x1x16xf32> to vector<16xf32>
        %parallel_loop3A_1230 = vector.shape_cast %parallel_loop3A_1223 : vector<16xf32> to vector<1x1x16xf32>
        tpu.vector_store %arg9[%parallel_loop3A_1225, %parallel_loop3A_1226, %parallel_loop3A_1227], %parallel_loop3A_1230 {strides = array<i32>} : memref<2x32x1024xf32, #tpu.memory_space<vmem>>, vector<1x1x16xf32>,
        %parallel_loop3A_1231 = arith.index_cast %parallel_loop3A_988 : i32 to index
        %parallel_loop3A_1232 = arith.constant 352 : index
        %parallel_loop3A_1233 = tpu.vector_load %arg10[%parallel_loop3A_1231, %parallel_loop3A_1232] {strides = array<i32>} : memref<32x1024xf32, #tpu.memory_space<vmem>>, vector<1x16xf32>,
        %parallel_loop3A_1234 = vector.shape_cast %parallel_loop3A_1233 : vector<1x16xf32> to vector<16xf32>
        %parallel_loop3A_1235 = arith.constant 0 : i32
        %parallel_loop3A_1236 = arith.index_cast %parallel_loop3A_1235 : i32 to index
        %parallel_loop3A_1237 = arith.index_cast %parallel_loop3A_980 : i32 to index
        %parallel_loop3A_1238 = arith.constant 352 : index
        %parallel_loop3A_1239 = tpu.vector_load %arg9[%parallel_loop3A_1236, %parallel_loop3A_1237, %parallel_loop3A_1238] {strides = array<i32>} : memref<2x32x1024xf32, #tpu.memory_space<vmem>>, vector<1x1x16xf32>,
        %parallel_loop3A_1240 = vector.shape_cast %parallel_loop3A_1239 : vector<1x1x16xf32> to vector<16xf32>
        %parallel_loop3A_1241 = vector.shape_cast %parallel_loop3A_1234 : vector<16xf32> to vector<1x1x16xf32>
        tpu.vector_store %arg9[%parallel_loop3A_1236, %parallel_loop3A_1237, %parallel_loop3A_1238], %parallel_loop3A_1241 {strides = array<i32>} : memref<2x32x1024xf32, #tpu.memory_space<vmem>>, vector<1x1x16xf32>,
        %parallel_loop3A_1242 = arith.index_cast %parallel_loop3A_988 : i32 to index
        %parallel_loop3A_1243 = arith.constant 368 : index
        %parallel_loop3A_1244 = tpu.vector_load %arg10[%parallel_loop3A_1242, %parallel_loop3A_1243] {strides = array<i32>} : memref<32x1024xf32, #tpu.memory_space<vmem>>, vector<1x16xf32>,
        %parallel_loop3A_1245 = vector.shape_cast %parallel_loop3A_1244 : vector<1x16xf32> to vector<16xf32>
        %parallel_loop3A_1246 = arith.constant 0 : i32
        %parallel_loop3A_1247 = arith.index_cast %parallel_loop3A_1246 : i32 to index
        %parallel_loop3A_1248 = arith.index_cast %parallel_loop3A_980 : i32 to index
        %parallel_loop3A_1249 = arith.constant 368 : index
        %parallel_loop3A_1250 = tpu.vector_load %arg9[%parallel_loop3A_1247, %parallel_loop3A_1248, %parallel_loop3A_1249] {strides = array<i32>} : memref<2x32x1024xf32, #tpu.memory_space<vmem>>, vector<1x1x16xf32>,
        %parallel_loop3A_1251 = vector.shape_cast %parallel_loop3A_1250 : vector<1x1x16xf32> to vector<16xf32>
        %parallel_loop3A_1252 = vector.shape_cast %parallel_loop3A_1245 : vector<16xf32> to vector<1x1x16xf32>
        tpu.vector_store %arg9[%parallel_loop3A_1247, %parallel_loop3A_1248, %parallel_loop3A_1249], %parallel_loop3A_1252 {strides = array<i32>} : memref<2x32x1024xf32, #tpu.memory_space<vmem>>, vector<1x1x16xf32>,
        %parallel_loop3A_1253 = arith.index_cast %parallel_loop3A_988 : i32 to index
        %parallel_loop3A_1254 = arith.constant 384 : index
        %parallel_loop3A_1255 = tpu.vector_load %arg10[%parallel_loop3A_1253, %parallel_loop3A_1254] {strides = array<i32>} : memref<32x1024xf32, #tpu.memory_space<vmem>>, vector<1x16xf32>,
        %parallel_loop3A_1256 = vector.shape_cast %parallel_loop3A_1255 : vector<1x16xf32> to vector<16xf32>
        %parallel_loop3A_1257 = arith.constant 0 : i32
        %parallel_loop3A_1258 = arith.index_cast %parallel_loop3A_1257 : i32 to index
        %parallel_loop3A_1259 = arith.index_cast %parallel_loop3A_980 : i32 to index
        %parallel_loop3A_1260 = arith.constant 384 : index
        %parallel_loop3A_1261 = tpu.vector_load %arg9[%parallel_loop3A_1258, %parallel_loop3A_1259, %parallel_loop3A_1260] {strides = array<i32>} : memref<2x32x1024xf32, #tpu.memory_space<vmem>>, vector<1x1x16xf32>,
        %parallel_loop3A_1262 = vector.shape_cast %parallel_loop3A_1261 : vector<1x1x16xf32> to vector<16xf32>
        %parallel_loop3A_1263 = vector.shape_cast %parallel_loop3A_1256 : vector<16xf32> to vector<1x1x16xf32>
        tpu.vector_store %arg9[%parallel_loop3A_1258, %parallel_loop3A_1259, %parallel_loop3A_1260], %parallel_loop3A_1263 {strides = array<i32>} : memref<2x32x1024xf32, #tpu.memory_space<vmem>>, vector<1x1x16xf32>,
        %parallel_loop3A_1264 = arith.index_cast %parallel_loop3A_988 : i32 to index
        %parallel_loop3A_1265 = arith.constant 400 : index
        %parallel_loop3A_1266 = tpu.vector_load %arg10[%parallel_loop3A_1264, %parallel_loop3A_1265] {strides = array<i32>} : memref<32x1024xf32, #tpu.memory_space<vmem>>, vector<1x16xf32>,
        %parallel_loop3A_1267 = vector.shape_cast %parallel_loop3A_1266 : vector<1x16xf32> to vector<16xf32>
        %parallel_loop3A_1268 = arith.constant 0 : i32
        %parallel_loop3A_1269 = arith.index_cast %parallel_loop3A_1268 : i32 to index
        %parallel_loop3A_1270 = arith.index_cast %parallel_loop3A_980 : i32 to index
        %parallel_loop3A_1271 = arith.constant 400 : index
        %parallel_loop3A_1272 = tpu.vector_load %arg9[%parallel_loop3A_1269, %parallel_loop3A_1270, %parallel_loop3A_1271] {strides = array<i32>} : memref<2x32x1024xf32, #tpu.memory_space<vmem>>, vector<1x1x16xf32>,
        %parallel_loop3A_1273 = vector.shape_cast %parallel_loop3A_1272 : vector<1x1x16xf32> to vector<16xf32>
        %parallel_loop3A_1274 = vector.shape_cast %parallel_loop3A_1267 : vector<16xf32> to vector<1x1x16xf32>
        tpu.vector_store %arg9[%parallel_loop3A_1269, %parallel_loop3A_1270, %parallel_loop3A_1271], %parallel_loop3A_1274 {strides = array<i32>} : memref<2x32x1024xf32, #tpu.memory_space<vmem>>, vector<1x1x16xf32>,
        %parallel_loop3A_1275 = arith.index_cast %parallel_loop3A_988 : i32 to index
        %parallel_loop3A_1276 = arith.constant 416 : index
        %parallel_loop3A_1277 = tpu.vector_load %arg10[%parallel_loop3A_1275, %parallel_loop3A_1276] {strides = array<i32>} : memref<32x1024xf32, #tpu.memory_space<vmem>>, vector<1x16xf32>,
        %parallel_loop3A_1278 = vector.shape_cast %parallel_loop3A_1277 : vector<1x16xf32> to vector<16xf32>
        %parallel_loop3A_1279 = arith.constant 0 : i32
        %parallel_loop3A_1280 = arith.index_cast %parallel_loop3A_1279 : i32 to index
        %parallel_loop3A_1281 = arith.index_cast %parallel_loop3A_980 : i32 to index
        %parallel_loop3A_1282 = arith.constant 416 : index
        %parallel_loop3A_1283 = tpu.vector_load %arg9[%parallel_loop3A_1280, %parallel_loop3A_1281, %parallel_loop3A_1282] {strides = array<i32>} : memref<2x32x1024xf32, #tpu.memory_space<vmem>>, vector<1x1x16xf32>,
        %parallel_loop3A_1284 = vector.shape_cast %parallel_loop3A_1283 : vector<1x1x16xf32> to vector<16xf32>
        %parallel_loop3A_1285 = vector.shape_cast %parallel_loop3A_1278 : vector<16xf32> to vector<1x1x16xf32>
        tpu.vector_store %arg9[%parallel_loop3A_1280, %parallel_loop3A_1281, %parallel_loop3A_1282], %parallel_loop3A_1285 {strides = array<i32>} : memref<2x32x1024xf32, #tpu.memory_space<vmem>>, vector<1x1x16xf32>,
        %parallel_loop3A_1286 = arith.index_cast %parallel_loop3A_988 : i32 to index
        %parallel_loop3A_1287 = arith.constant 432 : index
        %parallel_loop3A_1288 = tpu.vector_load %arg10[%parallel_loop3A_1286, %parallel_loop3A_1287] {strides = array<i32>} : memref<32x1024xf32, #tpu.memory_space<vmem>>, vector<1x16xf32>,
        %parallel_loop3A_1289 = vector.shape_cast %parallel_loop3A_1288 : vector<1x16xf32> to vector<16xf32>
        %parallel_loop3A_1290 = arith.constant 0 : i32
        %parallel_loop3A_1291 = arith.index_cast %parallel_loop3A_1290 : i32 to index
        %parallel_loop3A_1292 = arith.index_cast %parallel_loop3A_980 : i32 to index
        %parallel_loop3A_1293 = arith.constant 432 : index
        %parallel_loop3A_1294 = tpu.vector_load %arg9[%parallel_loop3A_1291, %parallel_loop3A_1292, %parallel_loop3A_1293] {strides = array<i32>} : memref<2x32x1024xf32, #tpu.memory_space<vmem>>, vector<1x1x16xf32>,
        %parallel_loop3A_1295 = vector.shape_cast %parallel_loop3A_1294 : vector<1x1x16xf32> to vector<16xf32>
        %parallel_loop3A_1296 = vector.shape_cast %parallel_loop3A_1289 : vector<16xf32> to vector<1x1x16xf32>
        tpu.vector_store %arg9[%parallel_loop3A_1291, %parallel_loop3A_1292, %parallel_loop3A_1293], %parallel_loop3A_1296 {strides = array<i32>} : memref<2x32x1024xf32, #tpu.memory_space<vmem>>, vector<1x1x16xf32>,
        %parallel_loop3A_1297 = arith.index_cast %parallel_loop3A_988 : i32 to index
        %parallel_loop3A_1298 = arith.constant 448 : index
        %parallel_loop3A_1299 = tpu.vector_load %arg10[%parallel_loop3A_1297, %parallel_loop3A_1298] {strides = array<i32>} : memref<32x1024xf32, #tpu.memory_space<vmem>>, vector<1x16xf32>,
        %parallel_loop3A_1300 = vector.shape_cast %parallel_loop3A_1299 : vector<1x16xf32> to vector<16xf32>
        %parallel_loop3A_1301 = arith.constant 0 : i32
        %parallel_loop3A_1302 = arith.index_cast %parallel_loop3A_1301 : i32 to index
        %parallel_loop3A_1303 = arith.index_cast %parallel_loop3A_980 : i32 to index
        %parallel_loop3A_1304 = arith.constant 448 : index
        %parallel_loop3A_1305 = tpu.vector_load %arg9[%parallel_loop3A_1302, %parallel_loop3A_1303, %parallel_loop3A_1304] {strides = array<i32>} : memref<2x32x1024xf32, #tpu.memory_space<vmem>>, vector<1x1x16xf32>,
        %parallel_loop3A_1306 = vector.shape_cast %parallel_loop3A_1305 : vector<1x1x16xf32> to vector<16xf32>
        %parallel_loop3A_1307 = vector.shape_cast %parallel_loop3A_1300 : vector<16xf32> to vector<1x1x16xf32>
        tpu.vector_store %arg9[%parallel_loop3A_1302, %parallel_loop3A_1303, %parallel_loop3A_1304], %parallel_loop3A_1307 {strides = array<i32>} : memref<2x32x1024xf32, #tpu.memory_space<vmem>>, vector<1x1x16xf32>,
        %parallel_loop3A_1308 = arith.index_cast %parallel_loop3A_988 : i32 to index
        %parallel_loop3A_1309 = arith.constant 464 : index
        %parallel_loop3A_1310 = tpu.vector_load %arg10[%parallel_loop3A_1308, %parallel_loop3A_1309] {strides = array<i32>} : memref<32x1024xf32, #tpu.memory_space<vmem>>, vector<1x16xf32>,
        %parallel_loop3A_1311 = vector.shape_cast %parallel_loop3A_1310 : vector<1x16xf32> to vector<16xf32>
        %parallel_loop3A_1312 = arith.constant 0 : i32
        %parallel_loop3A_1313 = arith.index_cast %parallel_loop3A_1312 : i32 to index
        %parallel_loop3A_1314 = arith.index_cast %parallel_loop3A_980 : i32 to index
        %parallel_loop3A_1315 = arith.constant 464 : index
        %parallel_loop3A_1316 = tpu.vector_load %arg9[%parallel_loop3A_1313, %parallel_loop3A_1314, %parallel_loop3A_1315] {strides = array<i32>} : memref<2x32x1024xf32, #tpu.memory_space<vmem>>, vector<1x1x16xf32>,
        %parallel_loop3A_1317 = vector.shape_cast %parallel_loop3A_1316 : vector<1x1x16xf32> to vector<16xf32>
        %parallel_loop3A_1318 = vector.shape_cast %parallel_loop3A_1311 : vector<16xf32> to vector<1x1x16xf32>
        tpu.vector_store %arg9[%parallel_loop3A_1313, %parallel_loop3A_1314, %parallel_loop3A_1315], %parallel_loop3A_1318 {strides = array<i32>} : memref<2x32x1024xf32, #tpu.memory_space<vmem>>, vector<1x1x16xf32>,
        %parallel_loop3A_1319 = arith.index_cast %parallel_loop3A_988 : i32 to index
        %parallel_loop3A_1320 = arith.constant 480 : index
        %parallel_loop3A_1321 = tpu.vector_load %arg10[%parallel_loop3A_1319, %parallel_loop3A_1320] {strides = array<i32>} : memref<32x1024xf32, #tpu.memory_space<vmem>>, vector<1x16xf32>,
        %parallel_loop3A_1322 = vector.shape_cast %parallel_loop3A_1321 : vector<1x16xf32> to vector<16xf32>
        %parallel_loop3A_1323 = arith.constant 0 : i32
        %parallel_loop3A_1324 = arith.index_cast %parallel_loop3A_1323 : i32 to index
        %parallel_loop3A_1325 = arith.index_cast %parallel_loop3A_980 : i32 to index
        %parallel_loop3A_1326 = arith.constant 480 : index
        %parallel_loop3A_1327 = tpu.vector_load %arg9[%parallel_loop3A_1324, %parallel_loop3A_1325, %parallel_loop3A_1326] {strides = array<i32>} : memref<2x32x1024xf32, #tpu.memory_space<vmem>>, vector<1x1x16xf32>,
        %parallel_loop3A_1328 = vector.shape_cast %parallel_loop3A_1327 : vector<1x1x16xf32> to vector<16xf32>
        %parallel_loop3A_1329 = vector.shape_cast %parallel_loop3A_1322 : vector<16xf32> to vector<1x1x16xf32>
        tpu.vector_store %arg9[%parallel_loop3A_1324, %parallel_loop3A_1325, %parallel_loop3A_1326], %parallel_loop3A_1329 {strides = array<i32>} : memref<2x32x1024xf32, #tpu.memory_space<vmem>>, vector<1x1x16xf32>,
        %parallel_loop3A_1330 = arith.index_cast %parallel_loop3A_988 : i32 to index
        %parallel_loop3A_1331 = arith.constant 496 : index
        %parallel_loop3A_1332 = tpu.vector_load %arg10[%parallel_loop3A_1330, %parallel_loop3A_1331] {strides = array<i32>} : memref<32x1024xf32, #tpu.memory_space<vmem>>, vector<1x16xf32>,
        %parallel_loop3A_1333 = vector.shape_cast %parallel_loop3A_1332 : vector<1x16xf32> to vector<16xf32>
        %parallel_loop3A_1334 = arith.constant 0 : i32
        %parallel_loop3A_1335 = arith.index_cast %parallel_loop3A_1334 : i32 to index
        %parallel_loop3A_1336 = arith.index_cast %parallel_loop3A_980 : i32 to index
        %parallel_loop3A_1337 = arith.constant 496 : index
        %parallel_loop3A_1338 = tpu.vector_load %arg9[%parallel_loop3A_1335, %parallel_loop3A_1336, %parallel_loop3A_1337] {strides = array<i32>} : memref<2x32x1024xf32, #tpu.memory_space<vmem>>, vector<1x1x16xf32>,
        %parallel_loop3A_1339 = vector.shape_cast %parallel_loop3A_1338 : vector<1x1x16xf32> to vector<16xf32>
        %parallel_loop3A_1340 = vector.shape_cast %parallel_loop3A_1333 : vector<16xf32> to vector<1x1x16xf32>
        tpu.vector_store %arg9[%parallel_loop3A_1335, %parallel_loop3A_1336, %parallel_loop3A_1337], %parallel_loop3A_1340 {strides = array<i32>} : memref<2x32x1024xf32, #tpu.memory_space<vmem>>, vector<1x1x16xf32>,
        %parallel_loop3A_1341 = arith.index_cast %parallel_loop3A_988 : i32 to index
        %parallel_loop3A_1342 = arith.constant 512 : index
        %parallel_loop3A_1343 = tpu.vector_load %arg10[%parallel_loop3A_1341, %parallel_loop3A_1342] {strides = array<i32>} : memref<32x1024xf32, #tpu.memory_space<vmem>>, vector<1x16xf32>,
        %parallel_loop3A_1344 = vector.shape_cast %parallel_loop3A_1343 : vector<1x16xf32> to vector<16xf32>
        %parallel_loop3A_1345 = arith.constant 0 : i32
        %parallel_loop3A_1346 = arith.index_cast %parallel_loop3A_1345 : i32 to index
        %parallel_loop3A_1347 = arith.index_cast %parallel_loop3A_980 : i32 to index
        %parallel_loop3A_1348 = arith.constant 512 : index
        %parallel_loop3A_1349 = tpu.vector_load %arg9[%parallel_loop3A_1346, %parallel_loop3A_1347, %parallel_loop3A_1348] {strides = array<i32>} : memref<2x32x1024xf32, #tpu.memory_space<vmem>>, vector<1x1x16xf32>,
        %parallel_loop3A_1350 = vector.shape_cast %parallel_loop3A_1349 : vector<1x1x16xf32> to vector<16xf32>
        %parallel_loop3A_1351 = vector.shape_cast %parallel_loop3A_1344 : vector<16xf32> to vector<1x1x16xf32>
        tpu.vector_store %arg9[%parallel_loop3A_1346, %parallel_loop3A_1347, %parallel_loop3A_1348], %parallel_loop3A_1351 {strides = array<i32>} : memref<2x32x1024xf32, #tpu.memory_space<vmem>>, vector<1x1x16xf32>,
        %parallel_loop3A_1352 = arith.index_cast %parallel_loop3A_988 : i32 to index
        %parallel_loop3A_1353 = arith.constant 528 : index
        %parallel_loop3A_1354 = tpu.vector_load %arg10[%parallel_loop3A_1352, %parallel_loop3A_1353] {strides = array<i32>} : memref<32x1024xf32, #tpu.memory_space<vmem>>, vector<1x16xf32>,
        %parallel_loop3A_1355 = vector.shape_cast %parallel_loop3A_1354 : vector<1x16xf32> to vector<16xf32>
        %parallel_loop3A_1356 = arith.constant 0 : i32
        %parallel_loop3A_1357 = arith.index_cast %parallel_loop3A_1356 : i32 to index
        %parallel_loop3A_1358 = arith.index_cast %parallel_loop3A_980 : i32 to index
        %parallel_loop3A_1359 = arith.constant 528 : index
        %parallel_loop3A_1360 = tpu.vector_load %arg9[%parallel_loop3A_1357, %parallel_loop3A_1358, %parallel_loop3A_1359] {strides = array<i32>} : memref<2x32x1024xf32, #tpu.memory_space<vmem>>, vector<1x1x16xf32>,
        %parallel_loop3A_1361 = vector.shape_cast %parallel_loop3A_1360 : vector<1x1x16xf32> to vector<16xf32>
        %parallel_loop3A_1362 = vector.shape_cast %parallel_loop3A_1355 : vector<16xf32> to vector<1x1x16xf32>
        tpu.vector_store %arg9[%parallel_loop3A_1357, %parallel_loop3A_1358, %parallel_loop3A_1359], %parallel_loop3A_1362 {strides = array<i32>} : memref<2x32x1024xf32, #tpu.memory_space<vmem>>, vector<1x1x16xf32>,
        %parallel_loop3A_1363 = arith.index_cast %parallel_loop3A_988 : i32 to index
        %parallel_loop3A_1364 = arith.constant 544 : index
        %parallel_loop3A_1365 = tpu.vector_load %arg10[%parallel_loop3A_1363, %parallel_loop3A_1364] {strides = array<i32>} : memref<32x1024xf32, #tpu.memory_space<vmem>>, vector<1x16xf32>,
        %parallel_loop3A_1366 = vector.shape_cast %parallel_loop3A_1365 : vector<1x16xf32> to vector<16xf32>
        %parallel_loop3A_1367 = arith.constant 0 : i32
        %parallel_loop3A_1368 = arith.index_cast %parallel_loop3A_1367 : i32 to index
        %parallel_loop3A_1369 = arith.index_cast %parallel_loop3A_980 : i32 to index
        %parallel_loop3A_1370 = arith.constant 544 : index
        %parallel_loop3A_1371 = tpu.vector_load %arg9[%parallel_loop3A_1368, %parallel_loop3A_1369, %parallel_loop3A_1370] {strides = array<i32>} : memref<2x32x1024xf32, #tpu.memory_space<vmem>>, vector<1x1x16xf32>,
        %parallel_loop3A_1372 = vector.shape_cast %parallel_loop3A_1371 : vector<1x1x16xf32> to vector<16xf32>
        %parallel_loop3A_1373 = vector.shape_cast %parallel_loop3A_1366 : vector<16xf32> to vector<1x1x16xf32>
        tpu.vector_store %arg9[%parallel_loop3A_1368, %parallel_loop3A_1369, %parallel_loop3A_1370], %parallel_loop3A_1373 {strides = array<i32>} : memref<2x32x1024xf32, #tpu.memory_space<vmem>>, vector<1x1x16xf32>,
        %parallel_loop3A_1374 = arith.index_cast %parallel_loop3A_988 : i32 to index
        %parallel_loop3A_1375 = arith.constant 560 : index
        %parallel_loop3A_1376 = tpu.vector_load %arg10[%parallel_loop3A_1374, %parallel_loop3A_1375] {strides = array<i32>} : memref<32x1024xf32, #tpu.memory_space<vmem>>, vector<1x16xf32>,
        %parallel_loop3A_1377 = vector.shape_cast %parallel_loop3A_1376 : vector<1x16xf32> to vector<16xf32>
        %parallel_loop3A_1378 = arith.constant 0 : i32
        %parallel_loop3A_1379 = arith.index_cast %parallel_loop3A_1378 : i32 to index
        %parallel_loop3A_1380 = arith.index_cast %parallel_loop3A_980 : i32 to index
        %parallel_loop3A_1381 = arith.constant 560 : index
        %parallel_loop3A_1382 = tpu.vector_load %arg9[%parallel_loop3A_1379, %parallel_loop3A_1380, %parallel_loop3A_1381] {strides = array<i32>} : memref<2x32x1024xf32, #tpu.memory_space<vmem>>, vector<1x1x16xf32>,
        %parallel_loop3A_1383 = vector.shape_cast %parallel_loop3A_1382 : vector<1x1x16xf32> to vector<16xf32>
        %parallel_loop3A_1384 = vector.shape_cast %parallel_loop3A_1377 : vector<16xf32> to vector<1x1x16xf32>
        tpu.vector_store %arg9[%parallel_loop3A_1379, %parallel_loop3A_1380, %parallel_loop3A_1381], %parallel_loop3A_1384 {strides = array<i32>} : memref<2x32x1024xf32, #tpu.memory_space<vmem>>, vector<1x1x16xf32>,
        %parallel_loop3A_1385 = arith.index_cast %parallel_loop3A_988 : i32 to index
        %parallel_loop3A_1386 = arith.constant 576 : index
        %parallel_loop3A_1387 = tpu.vector_load %arg10[%parallel_loop3A_1385, %parallel_loop3A_1386] {strides = array<i32>} : memref<32x1024xf32, #tpu.memory_space<vmem>>, vector<1x16xf32>,
        %parallel_loop3A_1388 = vector.shape_cast %parallel_loop3A_1387 : vector<1x16xf32> to vector<16xf32>
        %parallel_loop3A_1389 = arith.constant 0 : i32
        %parallel_loop3A_1390 = arith.index_cast %parallel_loop3A_1389 : i32 to index
        %parallel_loop3A_1391 = arith.index_cast %parallel_loop3A_980 : i32 to index
        %parallel_loop3A_1392 = arith.constant 576 : index
        %parallel_loop3A_1393 = tpu.vector_load %arg9[%parallel_loop3A_1390, %parallel_loop3A_1391, %parallel_loop3A_1392] {strides = array<i32>} : memref<2x32x1024xf32, #tpu.memory_space<vmem>>, vector<1x1x16xf32>,
        %parallel_loop3A_1394 = vector.shape_cast %parallel_loop3A_1393 : vector<1x1x16xf32> to vector<16xf32>
        %parallel_loop3A_1395 = vector.shape_cast %parallel_loop3A_1388 : vector<16xf32> to vector<1x1x16xf32>
        tpu.vector_store %arg9[%parallel_loop3A_1390, %parallel_loop3A_1391, %parallel_loop3A_1392], %parallel_loop3A_1395 {strides = array<i32>} : memref<2x32x1024xf32, #tpu.memory_space<vmem>>, vector<1x1x16xf32>,
        %parallel_loop3A_1396 = arith.index_cast %parallel_loop3A_988 : i32 to index
        %parallel_loop3A_1397 = arith.constant 592 : index
        %parallel_loop3A_1398 = tpu.vector_load %arg10[%parallel_loop3A_1396, %parallel_loop3A_1397] {strides = array<i32>} : memref<32x1024xf32, #tpu.memory_space<vmem>>, vector<1x16xf32>,
        %parallel_loop3A_1399 = vector.shape_cast %parallel_loop3A_1398 : vector<1x16xf32> to vector<16xf32>
        %parallel_loop3A_1400 = arith.constant 0 : i32
        %parallel_loop3A_1401 = arith.index_cast %parallel_loop3A_1400 : i32 to index
        %parallel_loop3A_1402 = arith.index_cast %parallel_loop3A_980 : i32 to index
        %parallel_loop3A_1403 = arith.constant 592 : index
        %parallel_loop3A_1404 = tpu.vector_load %arg9[%parallel_loop3A_1401, %parallel_loop3A_1402, %parallel_loop3A_1403] {strides = array<i32>} : memref<2x32x1024xf32, #tpu.memory_space<vmem>>, vector<1x1x16xf32>,
        %parallel_loop3A_1405 = vector.shape_cast %parallel_loop3A_1404 : vector<1x1x16xf32> to vector<16xf32>
        %parallel_loop3A_1406 = vector.shape_cast %parallel_loop3A_1399 : vector<16xf32> to vector<1x1x16xf32>
        tpu.vector_store %arg9[%parallel_loop3A_1401, %parallel_loop3A_1402, %parallel_loop3A_1403], %parallel_loop3A_1406 {strides = array<i32>} : memref<2x32x1024xf32, #tpu.memory_space<vmem>>, vector<1x1x16xf32>,
        %parallel_loop3A_1407 = arith.index_cast %parallel_loop3A_988 : i32 to index
        %parallel_loop3A_1408 = arith.constant 608 : index
        %parallel_loop3A_1409 = tpu.vector_load %arg10[%parallel_loop3A_1407, %parallel_loop3A_1408] {strides = array<i32>} : memref<32x1024xf32, #tpu.memory_space<vmem>>, vector<1x16xf32>,
        %parallel_loop3A_1410 = vector.shape_cast %parallel_loop3A_1409 : vector<1x16xf32> to vector<16xf32>
        %parallel_loop3A_1411 = arith.constant 0 : i32
        %parallel_loop3A_1412 = arith.index_cast %parallel_loop3A_1411 : i32 to index
        %parallel_loop3A_1413 = arith.index_cast %parallel_loop3A_980 : i32 to index
        %parallel_loop3A_1414 = arith.constant 608 : index
        %parallel_loop3A_1415 = tpu.vector_load %arg9[%parallel_loop3A_1412, %parallel_loop3A_1413, %parallel_loop3A_1414] {strides = array<i32>} : memref<2x32x1024xf32, #tpu.memory_space<vmem>>, vector<1x1x16xf32>,
        %parallel_loop3A_1416 = vector.shape_cast %parallel_loop3A_1415 : vector<1x1x16xf32> to vector<16xf32>
        %parallel_loop3A_1417 = vector.shape_cast %parallel_loop3A_1410 : vector<16xf32> to vector<1x1x16xf32>
        tpu.vector_store %arg9[%parallel_loop3A_1412, %parallel_loop3A_1413, %parallel_loop3A_1414], %parallel_loop3A_1417 {strides = array<i32>} : memref<2x32x1024xf32, #tpu.memory_space<vmem>>, vector<1x1x16xf32>,
        %parallel_loop3A_1418 = arith.index_cast %parallel_loop3A_988 : i32 to index
        %parallel_loop3A_1419 = arith.constant 624 : index
        %parallel_loop3A_1420 = tpu.vector_load %arg10[%parallel_loop3A_1418, %parallel_loop3A_1419] {strides = array<i32>} : memref<32x1024xf32, #tpu.memory_space<vmem>>, vector<1x16xf32>,
        %parallel_loop3A_1421 = vector.shape_cast %parallel_loop3A_1420 : vector<1x16xf32> to vector<16xf32>
        %parallel_loop3A_1422 = arith.constant 0 : i32
        %parallel_loop3A_1423 = arith.index_cast %parallel_loop3A_1422 : i32 to index
        %parallel_loop3A_1424 = arith.index_cast %parallel_loop3A_980 : i32 to index
        %parallel_loop3A_1425 = arith.constant 624 : index
        %parallel_loop3A_1426 = tpu.vector_load %arg9[%parallel_loop3A_1423, %parallel_loop3A_1424, %parallel_loop3A_1425] {strides = array<i32>} : memref<2x32x1024xf32, #tpu.memory_space<vmem>>, vector<1x1x16xf32>,
        %parallel_loop3A_1427 = vector.shape_cast %parallel_loop3A_1426 : vector<1x1x16xf32> to vector<16xf32>
        %parallel_loop3A_1428 = vector.shape_cast %parallel_loop3A_1421 : vector<16xf32> to vector<1x1x16xf32>
        tpu.vector_store %arg9[%parallel_loop3A_1423, %parallel_loop3A_1424, %parallel_loop3A_1425], %parallel_loop3A_1428 {strides = array<i32>} : memref<2x32x1024xf32, #tpu.memory_space<vmem>>, vector<1x1x16xf32>,
        %parallel_loop3A_1429 = arith.index_cast %parallel_loop3A_988 : i32 to index
        %parallel_loop3A_1430 = arith.constant 640 : index
        %parallel_loop3A_1431 = tpu.vector_load %arg10[%parallel_loop3A_1429, %parallel_loop3A_1430] {strides = array<i32>} : memref<32x1024xf32, #tpu.memory_space<vmem>>, vector<1x16xf32>,
        %parallel_loop3A_1432 = vector.shape_cast %parallel_loop3A_1431 : vector<1x16xf32> to vector<16xf32>
        %parallel_loop3A_1433 = arith.constant 0 : i32
        %parallel_loop3A_1434 = arith.index_cast %parallel_loop3A_1433 : i32 to index
        %parallel_loop3A_1435 = arith.index_cast %parallel_loop3A_980 : i32 to index
        %parallel_loop3A_1436 = arith.constant 640 : index
        %parallel_loop3A_1437 = tpu.vector_load %arg9[%parallel_loop3A_1434, %parallel_loop3A_1435, %parallel_loop3A_1436] {strides = array<i32>} : memref<2x32x1024xf32, #tpu.memory_space<vmem>>, vector<1x1x16xf32>,
        %parallel_loop3A_1438 = vector.shape_cast %parallel_loop3A_1437 : vector<1x1x16xf32> to vector<16xf32>
        %parallel_loop3A_1439 = vector.shape_cast %parallel_loop3A_1432 : vector<16xf32> to vector<1x1x16xf32>
        tpu.vector_store %arg9[%parallel_loop3A_1434, %parallel_loop3A_1435, %parallel_loop3A_1436], %parallel_loop3A_1439 {strides = array<i32>} : memref<2x32x1024xf32, #tpu.memory_space<vmem>>, vector<1x1x16xf32>,
        %parallel_loop3A_1440 = arith.index_cast %parallel_loop3A_988 : i32 to index
        %parallel_loop3A_1441 = arith.constant 656 : index
        %parallel_loop3A_1442 = tpu.vector_load %arg10[%parallel_loop3A_1440, %parallel_loop3A_1441] {strides = array<i32>} : memref<32x1024xf32, #tpu.memory_space<vmem>>, vector<1x16xf32>,
        %parallel_loop3A_1443 = vector.shape_cast %parallel_loop3A_1442 : vector<1x16xf32> to vector<16xf32>
        %parallel_loop3A_1444 = arith.constant 0 : i32
        %parallel_loop3A_1445 = arith.index_cast %parallel_loop3A_1444 : i32 to index
        %parallel_loop3A_1446 = arith.index_cast %parallel_loop3A_980 : i32 to index
        %parallel_loop3A_1447 = arith.constant 656 : index
        %parallel_loop3A_1448 = tpu.vector_load %arg9[%parallel_loop3A_1445, %parallel_loop3A_1446, %parallel_loop3A_1447] {strides = array<i32>} : memref<2x32x1024xf32, #tpu.memory_space<vmem>>, vector<1x1x16xf32>,
        %parallel_loop3A_1449 = vector.shape_cast %parallel_loop3A_1448 : vector<1x1x16xf32> to vector<16xf32>
        %parallel_loop3A_1450 = vector.shape_cast %parallel_loop3A_1443 : vector<16xf32> to vector<1x1x16xf32>
        tpu.vector_store %arg9[%parallel_loop3A_1445, %parallel_loop3A_1446, %parallel_loop3A_1447], %parallel_loop3A_1450 {strides = array<i32>} : memref<2x32x1024xf32, #tpu.memory_space<vmem>>, vector<1x1x16xf32>,
        %parallel_loop3A_1451 = arith.index_cast %parallel_loop3A_988 : i32 to index
        %parallel_loop3A_1452 = arith.constant 672 : index
        %parallel_loop3A_1453 = tpu.vector_load %arg10[%parallel_loop3A_1451, %parallel_loop3A_1452] {strides = array<i32>} : memref<32x1024xf32, #tpu.memory_space<vmem>>, vector<1x16xf32>,
        %parallel_loop3A_1454 = vector.shape_cast %parallel_loop3A_1453 : vector<1x16xf32> to vector<16xf32>
        %parallel_loop3A_1455 = arith.constant 0 : i32
        %parallel_loop3A_1456 = arith.index_cast %parallel_loop3A_1455 : i32 to index
        %parallel_loop3A_1457 = arith.index_cast %parallel_loop3A_980 : i32 to index
        %parallel_loop3A_1458 = arith.constant 672 : index
        %parallel_loop3A_1459 = tpu.vector_load %arg9[%parallel_loop3A_1456, %parallel_loop3A_1457, %parallel_loop3A_1458] {strides = array<i32>} : memref<2x32x1024xf32, #tpu.memory_space<vmem>>, vector<1x1x16xf32>,
        %parallel_loop3A_1460 = vector.shape_cast %parallel_loop3A_1459 : vector<1x1x16xf32> to vector<16xf32>
        %parallel_loop3A_1461 = vector.shape_cast %parallel_loop3A_1454 : vector<16xf32> to vector<1x1x16xf32>
        tpu.vector_store %arg9[%parallel_loop3A_1456, %parallel_loop3A_1457, %parallel_loop3A_1458], %parallel_loop3A_1461 {strides = array<i32>} : memref<2x32x1024xf32, #tpu.memory_space<vmem>>, vector<1x1x16xf32>,
        %parallel_loop3A_1462 = arith.index_cast %parallel_loop3A_988 : i32 to index
        %parallel_loop3A_1463 = arith.constant 688 : index
        %parallel_loop3A_1464 = tpu.vector_load %arg10[%parallel_loop3A_1462, %parallel_loop3A_1463] {strides = array<i32>} : memref<32x1024xf32, #tpu.memory_space<vmem>>, vector<1x16xf32>,
        %parallel_loop3A_1465 = vector.shape_cast %parallel_loop3A_1464 : vector<1x16xf32> to vector<16xf32>
        %parallel_loop3A_1466 = arith.constant 0 : i32
        %parallel_loop3A_1467 = arith.index_cast %parallel_loop3A_1466 : i32 to index
        %parallel_loop3A_1468 = arith.index_cast %parallel_loop3A_980 : i32 to index
        %parallel_loop3A_1469 = arith.constant 688 : index
        %parallel_loop3A_1470 = tpu.vector_load %arg9[%parallel_loop3A_1467, %parallel_loop3A_1468, %parallel_loop3A_1469] {strides = array<i32>} : memref<2x32x1024xf32, #tpu.memory_space<vmem>>, vector<1x1x16xf32>,
        %parallel_loop3A_1471 = vector.shape_cast %parallel_loop3A_1470 : vector<1x1x16xf32> to vector<16xf32>
        %parallel_loop3A_1472 = vector.shape_cast %parallel_loop3A_1465 : vector<16xf32> to vector<1x1x16xf32>
        tpu.vector_store %arg9[%parallel_loop3A_1467, %parallel_loop3A_1468, %parallel_loop3A_1469], %parallel_loop3A_1472 {strides = array<i32>} : memref<2x32x1024xf32, #tpu.memory_space<vmem>>, vector<1x1x16xf32>,
        %parallel_loop3A_1473 = arith.index_cast %parallel_loop3A_988 : i32 to index
        %parallel_loop3A_1474 = arith.constant 704 : index
        %parallel_loop3A_1475 = tpu.vector_load %arg10[%parallel_loop3A_1473, %parallel_loop3A_1474] {strides = array<i32>} : memref<32x1024xf32, #tpu.memory_space<vmem>>, vector<1x16xf32>,
        %parallel_loop3A_1476 = vector.shape_cast %parallel_loop3A_1475 : vector<1x16xf32> to vector<16xf32>
        %parallel_loop3A_1477 = arith.constant 0 : i32
        %parallel_loop3A_1478 = arith.index_cast %parallel_loop3A_1477 : i32 to index
        %parallel_loop3A_1479 = arith.index_cast %parallel_loop3A_980 : i32 to index
        %parallel_loop3A_1480 = arith.constant 704 : index
        %parallel_loop3A_1481 = tpu.vector_load %arg9[%parallel_loop3A_1478, %parallel_loop3A_1479, %parallel_loop3A_1480] {strides = array<i32>} : memref<2x32x1024xf32, #tpu.memory_space<vmem>>, vector<1x1x16xf32>,
        %parallel_loop3A_1482 = vector.shape_cast %parallel_loop3A_1481 : vector<1x1x16xf32> to vector<16xf32>
        %parallel_loop3A_1483 = vector.shape_cast %parallel_loop3A_1476 : vector<16xf32> to vector<1x1x16xf32>
        tpu.vector_store %arg9[%parallel_loop3A_1478, %parallel_loop3A_1479, %parallel_loop3A_1480], %parallel_loop3A_1483 {strides = array<i32>} : memref<2x32x1024xf32, #tpu.memory_space<vmem>>, vector<1x1x16xf32>,
        %parallel_loop3A_1484 = arith.index_cast %parallel_loop3A_988 : i32 to index
        %parallel_loop3A_1485 = arith.constant 720 : index
        %parallel_loop3A_1486 = tpu.vector_load %arg10[%parallel_loop3A_1484, %parallel_loop3A_1485] {strides = array<i32>} : memref<32x1024xf32, #tpu.memory_space<vmem>>, vector<1x16xf32>,
        %parallel_loop3A_1487 = vector.shape_cast %parallel_loop3A_1486 : vector<1x16xf32> to vector<16xf32>
        %parallel_loop3A_1488 = arith.constant 0 : i32
        %parallel_loop3A_1489 = arith.index_cast %parallel_loop3A_1488 : i32 to index
        %parallel_loop3A_1490 = arith.index_cast %parallel_loop3A_980 : i32 to index
        %parallel_loop3A_1491 = arith.constant 720 : index
        %parallel_loop3A_1492 = tpu.vector_load %arg9[%parallel_loop3A_1489, %parallel_loop3A_1490, %parallel_loop3A_1491] {strides = array<i32>} : memref<2x32x1024xf32, #tpu.memory_space<vmem>>, vector<1x1x16xf32>,
        %parallel_loop3A_1493 = vector.shape_cast %parallel_loop3A_1492 : vector<1x1x16xf32> to vector<16xf32>
        %parallel_loop3A_1494 = vector.shape_cast %parallel_loop3A_1487 : vector<16xf32> to vector<1x1x16xf32>
        tpu.vector_store %arg9[%parallel_loop3A_1489, %parallel_loop3A_1490, %parallel_loop3A_1491], %parallel_loop3A_1494 {strides = array<i32>} : memref<2x32x1024xf32, #tpu.memory_space<vmem>>, vector<1x1x16xf32>,
        %parallel_loop3A_1495 = arith.index_cast %parallel_loop3A_988 : i32 to index
        %parallel_loop3A_1496 = arith.constant 736 : index
        %parallel_loop3A_1497 = tpu.vector_load %arg10[%parallel_loop3A_1495, %parallel_loop3A_1496] {strides = array<i32>} : memref<32x1024xf32, #tpu.memory_space<vmem>>, vector<1x16xf32>,
        %parallel_loop3A_1498 = vector.shape_cast %parallel_loop3A_1497 : vector<1x16xf32> to vector<16xf32>
        %parallel_loop3A_1499 = arith.constant 0 : i32
        %parallel_loop3A_1500 = arith.index_cast %parallel_loop3A_1499 : i32 to index
        %parallel_loop3A_1501 = arith.index_cast %parallel_loop3A_980 : i32 to index
        %parallel_loop3A_1502 = arith.constant 736 : index
        %parallel_loop3A_1503 = tpu.vector_load %arg9[%parallel_loop3A_1500, %parallel_loop3A_1501, %parallel_loop3A_1502] {strides = array<i32>} : memref<2x32x1024xf32, #tpu.memory_space<vmem>>, vector<1x1x16xf32>,
        %parallel_loop3A_1504 = vector.shape_cast %parallel_loop3A_1503 : vector<1x1x16xf32> to vector<16xf32>
        %parallel_loop3A_1505 = vector.shape_cast %parallel_loop3A_1498 : vector<16xf32> to vector<1x1x16xf32>
        tpu.vector_store %arg9[%parallel_loop3A_1500, %parallel_loop3A_1501, %parallel_loop3A_1502], %parallel_loop3A_1505 {strides = array<i32>} : memref<2x32x1024xf32, #tpu.memory_space<vmem>>, vector<1x1x16xf32>,
        %parallel_loop3A_1506 = arith.index_cast %parallel_loop3A_988 : i32 to index
        %parallel_loop3A_1507 = arith.constant 752 : index
        %parallel_loop3A_1508 = tpu.vector_load %arg10[%parallel_loop3A_1506, %parallel_loop3A_1507] {strides = array<i32>} : memref<32x1024xf32, #tpu.memory_space<vmem>>, vector<1x16xf32>,
        %parallel_loop3A_1509 = vector.shape_cast %parallel_loop3A_1508 : vector<1x16xf32> to vector<16xf32>
        %parallel_loop3A_1510 = arith.constant 0 : i32
        %parallel_loop3A_1511 = arith.index_cast %parallel_loop3A_1510 : i32 to index
        %parallel_loop3A_1512 = arith.index_cast %parallel_loop3A_980 : i32 to index
        %parallel_loop3A_1513 = arith.constant 752 : index
        %parallel_loop3A_1514 = tpu.vector_load %arg9[%parallel_loop3A_1511, %parallel_loop3A_1512, %parallel_loop3A_1513] {strides = array<i32>} : memref<2x32x1024xf32, #tpu.memory_space<vmem>>, vector<1x1x16xf32>,
        %parallel_loop3A_1515 = vector.shape_cast %parallel_loop3A_1514 : vector<1x1x16xf32> to vector<16xf32>
        %parallel_loop3A_1516 = vector.shape_cast %parallel_loop3A_1509 : vector<16xf32> to vector<1x1x16xf32>
        tpu.vector_store %arg9[%parallel_loop3A_1511, %parallel_loop3A_1512, %parallel_loop3A_1513], %parallel_loop3A_1516 {strides = array<i32>} : memref<2x32x1024xf32, #tpu.memory_space<vmem>>, vector<1x1x16xf32>,
        %parallel_loop3A_1517 = arith.index_cast %parallel_loop3A_988 : i32 to index
        %parallel_loop3A_1518 = arith.constant 768 : index
        %parallel_loop3A_1519 = tpu.vector_load %arg10[%parallel_loop3A_1517, %parallel_loop3A_1518] {strides = array<i32>} : memref<32x1024xf32, #tpu.memory_space<vmem>>, vector<1x16xf32>,
        %parallel_loop3A_1520 = vector.shape_cast %parallel_loop3A_1519 : vector<1x16xf32> to vector<16xf32>
        %parallel_loop3A_1521 = arith.constant 0 : i32
        %parallel_loop3A_1522 = arith.index_cast %parallel_loop3A_1521 : i32 to index
        %parallel_loop3A_1523 = arith.index_cast %parallel_loop3A_980 : i32 to index
        %parallel_loop3A_1524 = arith.constant 768 : index
        %parallel_loop3A_1525 = tpu.vector_load %arg9[%parallel_loop3A_1522, %parallel_loop3A_1523, %parallel_loop3A_1524] {strides = array<i32>} : memref<2x32x1024xf32, #tpu.memory_space<vmem>>, vector<1x1x16xf32>,
        %parallel_loop3A_1526 = vector.shape_cast %parallel_loop3A_1525 : vector<1x1x16xf32> to vector<16xf32>
        %parallel_loop3A_1527 = vector.shape_cast %parallel_loop3A_1520 : vector<16xf32> to vector<1x1x16xf32>
        tpu.vector_store %arg9[%parallel_loop3A_1522, %parallel_loop3A_1523, %parallel_loop3A_1524], %parallel_loop3A_1527 {strides = array<i32>} : memref<2x32x1024xf32, #tpu.memory_space<vmem>>, vector<1x1x16xf32>,
        %parallel_loop3A_1528 = arith.index_cast %parallel_loop3A_988 : i32 to index
        %parallel_loop3A_1529 = arith.constant 784 : index
        %parallel_loop3A_1530 = tpu.vector_load %arg10[%parallel_loop3A_1528, %parallel_loop3A_1529] {strides = array<i32>} : memref<32x1024xf32, #tpu.memory_space<vmem>>, vector<1x16xf32>,
        %parallel_loop3A_1531 = vector.shape_cast %parallel_loop3A_1530 : vector<1x16xf32> to vector<16xf32>
        %parallel_loop3A_1532 = arith.constant 0 : i32
        %parallel_loop3A_1533 = arith.index_cast %parallel_loop3A_1532 : i32 to index
        %parallel_loop3A_1534 = arith.index_cast %parallel_loop3A_980 : i32 to index
        %parallel_loop3A_1535 = arith.constant 784 : index
        %parallel_loop3A_1536 = tpu.vector_load %arg9[%parallel_loop3A_1533, %parallel_loop3A_1534, %parallel_loop3A_1535] {strides = array<i32>} : memref<2x32x1024xf32, #tpu.memory_space<vmem>>, vector<1x1x16xf32>,
        %parallel_loop3A_1537 = vector.shape_cast %parallel_loop3A_1536 : vector<1x1x16xf32> to vector<16xf32>
        %parallel_loop3A_1538 = vector.shape_cast %parallel_loop3A_1531 : vector<16xf32> to vector<1x1x16xf32>
        tpu.vector_store %arg9[%parallel_loop3A_1533, %parallel_loop3A_1534, %parallel_loop3A_1535], %parallel_loop3A_1538 {strides = array<i32>} : memref<2x32x1024xf32, #tpu.memory_space<vmem>>, vector<1x1x16xf32>,
        %parallel_loop3A_1539 = arith.index_cast %parallel_loop3A_988 : i32 to index
        %parallel_loop3A_1540 = arith.constant 800 : index
        %parallel_loop3A_1541 = tpu.vector_load %arg10[%parallel_loop3A_1539, %parallel_loop3A_1540] {strides = array<i32>} : memref<32x1024xf32, #tpu.memory_space<vmem>>, vector<1x16xf32>,
        %parallel_loop3A_1542 = vector.shape_cast %parallel_loop3A_1541 : vector<1x16xf32> to vector<16xf32>
        %parallel_loop3A_1543 = arith.constant 0 : i32
        %parallel_loop3A_1544 = arith.index_cast %parallel_loop3A_1543 : i32 to index
        %parallel_loop3A_1545 = arith.index_cast %parallel_loop3A_980 : i32 to index
        %parallel_loop3A_1546 = arith.constant 800 : index
        %parallel_loop3A_1547 = tpu.vector_load %arg9[%parallel_loop3A_1544, %parallel_loop3A_1545, %parallel_loop3A_1546] {strides = array<i32>} : memref<2x32x1024xf32, #tpu.memory_space<vmem>>, vector<1x1x16xf32>,
        %parallel_loop3A_1548 = vector.shape_cast %parallel_loop3A_1547 : vector<1x1x16xf32> to vector<16xf32>
        %parallel_loop3A_1549 = vector.shape_cast %parallel_loop3A_1542 : vector<16xf32> to vector<1x1x16xf32>
        tpu.vector_store %arg9[%parallel_loop3A_1544, %parallel_loop3A_1545, %parallel_loop3A_1546], %parallel_loop3A_1549 {strides = array<i32>} : memref<2x32x1024xf32, #tpu.memory_space<vmem>>, vector<1x1x16xf32>,
        %parallel_loop3A_1550 = arith.index_cast %parallel_loop3A_988 : i32 to index
        %parallel_loop3A_1551 = arith.constant 816 : index
        %parallel_loop3A_1552 = tpu.vector_load %arg10[%parallel_loop3A_1550, %parallel_loop3A_1551] {strides = array<i32>} : memref<32x1024xf32, #tpu.memory_space<vmem>>, vector<1x16xf32>,
        %parallel_loop3A_1553 = vector.shape_cast %parallel_loop3A_1552 : vector<1x16xf32> to vector<16xf32>
        %parallel_loop3A_1554 = arith.constant 0 : i32
        %parallel_loop3A_1555 = arith.index_cast %parallel_loop3A_1554 : i32 to index
        %parallel_loop3A_1556 = arith.index_cast %parallel_loop3A_980 : i32 to index
        %parallel_loop3A_1557 = arith.constant 816 : index
        %parallel_loop3A_1558 = tpu.vector_load %arg9[%parallel_loop3A_1555, %parallel_loop3A_1556, %parallel_loop3A_1557] {strides = array<i32>} : memref<2x32x1024xf32, #tpu.memory_space<vmem>>, vector<1x1x16xf32>,
        %parallel_loop3A_1559 = vector.shape_cast %parallel_loop3A_1558 : vector<1x1x16xf32> to vector<16xf32>
        %parallel_loop3A_1560 = vector.shape_cast %parallel_loop3A_1553 : vector<16xf32> to vector<1x1x16xf32>
        tpu.vector_store %arg9[%parallel_loop3A_1555, %parallel_loop3A_1556, %parallel_loop3A_1557], %parallel_loop3A_1560 {strides = array<i32>} : memref<2x32x1024xf32, #tpu.memory_space<vmem>>, vector<1x1x16xf32>,
        %parallel_loop3A_1561 = arith.index_cast %parallel_loop3A_988 : i32 to index
        %parallel_loop3A_1562 = arith.constant 832 : index
        %parallel_loop3A_1563 = tpu.vector_load %arg10[%parallel_loop3A_1561, %parallel_loop3A_1562] {strides = array<i32>} : memref<32x1024xf32, #tpu.memory_space<vmem>>, vector<1x16xf32>,
        %parallel_loop3A_1564 = vector.shape_cast %parallel_loop3A_1563 : vector<1x16xf32> to vector<16xf32>
        %parallel_loop3A_1565 = arith.constant 0 : i32
        %parallel_loop3A_1566 = arith.index_cast %parallel_loop3A_1565 : i32 to index
        %parallel_loop3A_1567 = arith.index_cast %parallel_loop3A_980 : i32 to index
        %parallel_loop3A_1568 = arith.constant 832 : index
        %parallel_loop3A_1569 = tpu.vector_load %arg9[%parallel_loop3A_1566, %parallel_loop3A_1567, %parallel_loop3A_1568] {strides = array<i32>} : memref<2x32x1024xf32, #tpu.memory_space<vmem>>, vector<1x1x16xf32>,
        %parallel_loop3A_1570 = vector.shape_cast %parallel_loop3A_1569 : vector<1x1x16xf32> to vector<16xf32>
        %parallel_loop3A_1571 = vector.shape_cast %parallel_loop3A_1564 : vector<16xf32> to vector<1x1x16xf32>
        tpu.vector_store %arg9[%parallel_loop3A_1566, %parallel_loop3A_1567, %parallel_loop3A_1568], %parallel_loop3A_1571 {strides = array<i32>} : memref<2x32x1024xf32, #tpu.memory_space<vmem>>, vector<1x1x16xf32>,
        %parallel_loop3A_1572 = arith.index_cast %parallel_loop3A_988 : i32 to index
        %parallel_loop3A_1573 = arith.constant 848 : index
        %parallel_loop3A_1574 = tpu.vector_load %arg10[%parallel_loop3A_1572, %parallel_loop3A_1573] {strides = array<i32>} : memref<32x1024xf32, #tpu.memory_space<vmem>>, vector<1x16xf32>,
        %parallel_loop3A_1575 = vector.shape_cast %parallel_loop3A_1574 : vector<1x16xf32> to vector<16xf32>
        %parallel_loop3A_1576 = arith.constant 0 : i32
        %parallel_loop3A_1577 = arith.index_cast %parallel_loop3A_1576 : i32 to index
        %parallel_loop3A_1578 = arith.index_cast %parallel_loop3A_980 : i32 to index
        %parallel_loop3A_1579 = arith.constant 848 : index
        %parallel_loop3A_1580 = tpu.vector_load %arg9[%parallel_loop3A_1577, %parallel_loop3A_1578, %parallel_loop3A_1579] {strides = array<i32>} : memref<2x32x1024xf32, #tpu.memory_space<vmem>>, vector<1x1x16xf32>,
        %parallel_loop3A_1581 = vector.shape_cast %parallel_loop3A_1580 : vector<1x1x16xf32> to vector<16xf32>
        %parallel_loop3A_1582 = vector.shape_cast %parallel_loop3A_1575 : vector<16xf32> to vector<1x1x16xf32>
        tpu.vector_store %arg9[%parallel_loop3A_1577, %parallel_loop3A_1578, %parallel_loop3A_1579], %parallel_loop3A_1582 {strides = array<i32>} : memref<2x32x1024xf32, #tpu.memory_space<vmem>>, vector<1x1x16xf32>,
        %parallel_loop3A_1583 = arith.index_cast %parallel_loop3A_988 : i32 to index
        %parallel_loop3A_1584 = arith.constant 864 : index
        %parallel_loop3A_1585 = tpu.vector_load %arg10[%parallel_loop3A_1583, %parallel_loop3A_1584] {strides = array<i32>} : memref<32x1024xf32, #tpu.memory_space<vmem>>, vector<1x16xf32>,
        %parallel_loop3A_1586 = vector.shape_cast %parallel_loop3A_1585 : vector<1x16xf32> to vector<16xf32>
        %parallel_loop3A_1587 = arith.constant 0 : i32
        %parallel_loop3A_1588 = arith.index_cast %parallel_loop3A_1587 : i32 to index
        %parallel_loop3A_1589 = arith.index_cast %parallel_loop3A_980 : i32 to index
        %parallel_loop3A_1590 = arith.constant 864 : index
        %parallel_loop3A_1591 = tpu.vector_load %arg9[%parallel_loop3A_1588, %parallel_loop3A_1589, %parallel_loop3A_1590] {strides = array<i32>} : memref<2x32x1024xf32, #tpu.memory_space<vmem>>, vector<1x1x16xf32>,
        %parallel_loop3A_1592 = vector.shape_cast %parallel_loop3A_1591 : vector<1x1x16xf32> to vector<16xf32>
        %parallel_loop3A_1593 = vector.shape_cast %parallel_loop3A_1586 : vector<16xf32> to vector<1x1x16xf32>
        tpu.vector_store %arg9[%parallel_loop3A_1588, %parallel_loop3A_1589, %parallel_loop3A_1590], %parallel_loop3A_1593 {strides = array<i32>} : memref<2x32x1024xf32, #tpu.memory_space<vmem>>, vector<1x1x16xf32>,
        %parallel_loop3A_1594 = arith.index_cast %parallel_loop3A_988 : i32 to index
        %parallel_loop3A_1595 = arith.constant 880 : index
        %parallel_loop3A_1596 = tpu.vector_load %arg10[%parallel_loop3A_1594, %parallel_loop3A_1595] {strides = array<i32>} : memref<32x1024xf32, #tpu.memory_space<vmem>>, vector<1x16xf32>,
        %parallel_loop3A_1597 = vector.shape_cast %parallel_loop3A_1596 : vector<1x16xf32> to vector<16xf32>
        %parallel_loop3A_1598 = arith.constant 0 : i32
        %parallel_loop3A_1599 = arith.index_cast %parallel_loop3A_1598 : i32 to index
        %parallel_loop3A_1600 = arith.index_cast %parallel_loop3A_980 : i32 to index
        %parallel_loop3A_1601 = arith.constant 880 : index
        %parallel_loop3A_1602 = tpu.vector_load %arg9[%parallel_loop3A_1599, %parallel_loop3A_1600, %parallel_loop3A_1601] {strides = array<i32>} : memref<2x32x1024xf32, #tpu.memory_space<vmem>>, vector<1x1x16xf32>,
        %parallel_loop3A_1603 = vector.shape_cast %parallel_loop3A_1602 : vector<1x1x16xf32> to vector<16xf32>
        %parallel_loop3A_1604 = vector.shape_cast %parallel_loop3A_1597 : vector<16xf32> to vector<1x1x16xf32>
        tpu.vector_store %arg9[%parallel_loop3A_1599, %parallel_loop3A_1600, %parallel_loop3A_1601], %parallel_loop3A_1604 {strides = array<i32>} : memref<2x32x1024xf32, #tpu.memory_space<vmem>>, vector<1x1x16xf32>,
        %parallel_loop3A_1605 = arith.index_cast %parallel_loop3A_988 : i32 to index
        %parallel_loop3A_1606 = arith.constant 896 : index
        %parallel_loop3A_1607 = tpu.vector_load %arg10[%parallel_loop3A_1605, %parallel_loop3A_1606] {strides = array<i32>} : memref<32x1024xf32, #tpu.memory_space<vmem>>, vector<1x16xf32>,
        %parallel_loop3A_1608 = vector.shape_cast %parallel_loop3A_1607 : vector<1x16xf32> to vector<16xf32>
        %parallel_loop3A_1609 = arith.constant 0 : i32
        %parallel_loop3A_1610 = arith.index_cast %parallel_loop3A_1609 : i32 to index
        %parallel_loop3A_1611 = arith.index_cast %parallel_loop3A_980 : i32 to index
        %parallel_loop3A_1612 = arith.constant 896 : index
        %parallel_loop3A_1613 = tpu.vector_load %arg9[%parallel_loop3A_1610, %parallel_loop3A_1611, %parallel_loop3A_1612] {strides = array<i32>} : memref<2x32x1024xf32, #tpu.memory_space<vmem>>, vector<1x1x16xf32>,
        %parallel_loop3A_1614 = vector.shape_cast %parallel_loop3A_1613 : vector<1x1x16xf32> to vector<16xf32>
        %parallel_loop3A_1615 = vector.shape_cast %parallel_loop3A_1608 : vector<16xf32> to vector<1x1x16xf32>
        tpu.vector_store %arg9[%parallel_loop3A_1610, %parallel_loop3A_1611, %parallel_loop3A_1612], %parallel_loop3A_1615 {strides = array<i32>} : memref<2x32x1024xf32, #tpu.memory_space<vmem>>, vector<1x1x16xf32>,
        %parallel_loop3A_1616 = arith.index_cast %parallel_loop3A_988 : i32 to index
        %parallel_loop3A_1617 = arith.constant 912 : index
        %parallel_loop3A_1618 = tpu.vector_load %arg10[%parallel_loop3A_1616, %parallel_loop3A_1617] {strides = array<i32>} : memref<32x1024xf32, #tpu.memory_space<vmem>>, vector<1x16xf32>,
        %parallel_loop3A_1619 = vector.shape_cast %parallel_loop3A_1618 : vector<1x16xf32> to vector<16xf32>
        %parallel_loop3A_1620 = arith.constant 0 : i32
        %parallel_loop3A_1621 = arith.index_cast %parallel_loop3A_1620 : i32 to index
        %parallel_loop3A_1622 = arith.index_cast %parallel_loop3A_980 : i32 to index
        %parallel_loop3A_1623 = arith.constant 912 : index
        %parallel_loop3A_1624 = tpu.vector_load %arg9[%parallel_loop3A_1621, %parallel_loop3A_1622, %parallel_loop3A_1623] {strides = array<i32>} : memref<2x32x1024xf32, #tpu.memory_space<vmem>>, vector<1x1x16xf32>,
        %parallel_loop3A_1625 = vector.shape_cast %parallel_loop3A_1624 : vector<1x1x16xf32> to vector<16xf32>
        %parallel_loop3A_1626 = vector.shape_cast %parallel_loop3A_1619 : vector<16xf32> to vector<1x1x16xf32>
        tpu.vector_store %arg9[%parallel_loop3A_1621, %parallel_loop3A_1622, %parallel_loop3A_1623], %parallel_loop3A_1626 {strides = array<i32>} : memref<2x32x1024xf32, #tpu.memory_space<vmem>>, vector<1x1x16xf32>,
        %parallel_loop3A_1627 = arith.index_cast %parallel_loop3A_988 : i32 to index
        %parallel_loop3A_1628 = arith.constant 928 : index
        %parallel_loop3A_1629 = tpu.vector_load %arg10[%parallel_loop3A_1627, %parallel_loop3A_1628] {strides = array<i32>} : memref<32x1024xf32, #tpu.memory_space<vmem>>, vector<1x16xf32>,
        %parallel_loop3A_1630 = vector.shape_cast %parallel_loop3A_1629 : vector<1x16xf32> to vector<16xf32>
        %parallel_loop3A_1631 = arith.constant 0 : i32
        %parallel_loop3A_1632 = arith.index_cast %parallel_loop3A_1631 : i32 to index
        %parallel_loop3A_1633 = arith.index_cast %parallel_loop3A_980 : i32 to index
        %parallel_loop3A_1634 = arith.constant 928 : index
        %parallel_loop3A_1635 = tpu.vector_load %arg9[%parallel_loop3A_1632, %parallel_loop3A_1633, %parallel_loop3A_1634] {strides = array<i32>} : memref<2x32x1024xf32, #tpu.memory_space<vmem>>, vector<1x1x16xf32>,
        %parallel_loop3A_1636 = vector.shape_cast %parallel_loop3A_1635 : vector<1x1x16xf32> to vector<16xf32>
        %parallel_loop3A_1637 = vector.shape_cast %parallel_loop3A_1630 : vector<16xf32> to vector<1x1x16xf32>
        tpu.vector_store %arg9[%parallel_loop3A_1632, %parallel_loop3A_1633, %parallel_loop3A_1634], %parallel_loop3A_1637 {strides = array<i32>} : memref<2x32x1024xf32, #tpu.memory_space<vmem>>, vector<1x1x16xf32>,
        %parallel_loop3A_1638 = arith.index_cast %parallel_loop3A_988 : i32 to index
        %parallel_loop3A_1639 = arith.constant 944 : index
        %parallel_loop3A_1640 = tpu.vector_load %arg10[%parallel_loop3A_1638, %parallel_loop3A_1639] {strides = array<i32>} : memref<32x1024xf32, #tpu.memory_space<vmem>>, vector<1x16xf32>,
        %parallel_loop3A_1641 = vector.shape_cast %parallel_loop3A_1640 : vector<1x16xf32> to vector<16xf32>
        %parallel_loop3A_1642 = arith.constant 0 : i32
        %parallel_loop3A_1643 = arith.index_cast %parallel_loop3A_1642 : i32 to index
        %parallel_loop3A_1644 = arith.index_cast %parallel_loop3A_980 : i32 to index
        %parallel_loop3A_1645 = arith.constant 944 : index
        %parallel_loop3A_1646 = tpu.vector_load %arg9[%parallel_loop3A_1643, %parallel_loop3A_1644, %parallel_loop3A_1645] {strides = array<i32>} : memref<2x32x1024xf32, #tpu.memory_space<vmem>>, vector<1x1x16xf32>,
        %parallel_loop3A_1647 = vector.shape_cast %parallel_loop3A_1646 : vector<1x1x16xf32> to vector<16xf32>
        %parallel_loop3A_1648 = vector.shape_cast %parallel_loop3A_1641 : vector<16xf32> to vector<1x1x16xf32>
        tpu.vector_store %arg9[%parallel_loop3A_1643, %parallel_loop3A_1644, %parallel_loop3A_1645], %parallel_loop3A_1648 {strides = array<i32>} : memref<2x32x1024xf32, #tpu.memory_space<vmem>>, vector<1x1x16xf32>,
        %parallel_loop3A_1649 = arith.index_cast %parallel_loop3A_988 : i32 to index
        %parallel_loop3A_1650 = arith.constant 960 : index
        %parallel_loop3A_1651 = tpu.vector_load %arg10[%parallel_loop3A_1649, %parallel_loop3A_1650] {strides = array<i32>} : memref<32x1024xf32, #tpu.memory_space<vmem>>, vector<1x16xf32>,
        %parallel_loop3A_1652 = vector.shape_cast %parallel_loop3A_1651 : vector<1x16xf32> to vector<16xf32>
        %parallel_loop3A_1653 = arith.constant 0 : i32
        %parallel_loop3A_1654 = arith.index_cast %parallel_loop3A_1653 : i32 to index
        %parallel_loop3A_1655 = arith.index_cast %parallel_loop3A_980 : i32 to index
        %parallel_loop3A_1656 = arith.constant 960 : index
        %parallel_loop3A_1657 = tpu.vector_load %arg9[%parallel_loop3A_1654, %parallel_loop3A_1655, %parallel_loop3A_1656] {strides = array<i32>} : memref<2x32x1024xf32, #tpu.memory_space<vmem>>, vector<1x1x16xf32>,
        %parallel_loop3A_1658 = vector.shape_cast %parallel_loop3A_1657 : vector<1x1x16xf32> to vector<16xf32>
        %parallel_loop3A_1659 = vector.shape_cast %parallel_loop3A_1652 : vector<16xf32> to vector<1x1x16xf32>
        tpu.vector_store %arg9[%parallel_loop3A_1654, %parallel_loop3A_1655, %parallel_loop3A_1656], %parallel_loop3A_1659 {strides = array<i32>} : memref<2x32x1024xf32, #tpu.memory_space<vmem>>, vector<1x1x16xf32>,
        %parallel_loop3A_1660 = arith.index_cast %parallel_loop3A_988 : i32 to index
        %parallel_loop3A_1661 = arith.constant 976 : index
        %parallel_loop3A_1662 = tpu.vector_load %arg10[%parallel_loop3A_1660, %parallel_loop3A_1661] {strides = array<i32>} : memref<32x1024xf32, #tpu.memory_space<vmem>>, vector<1x16xf32>,
        %parallel_loop3A_1663 = vector.shape_cast %parallel_loop3A_1662 : vector<1x16xf32> to vector<16xf32>
        %parallel_loop3A_1664 = arith.constant 0 : i32
        %parallel_loop3A_1665 = arith.index_cast %parallel_loop3A_1664 : i32 to index
        %parallel_loop3A_1666 = arith.index_cast %parallel_loop3A_980 : i32 to index
        %parallel_loop3A_1667 = arith.constant 976 : index
        %parallel_loop3A_1668 = tpu.vector_load %arg9[%parallel_loop3A_1665, %parallel_loop3A_1666, %parallel_loop3A_1667] {strides = array<i32>} : memref<2x32x1024xf32, #tpu.memory_space<vmem>>, vector<1x1x16xf32>,
        %parallel_loop3A_1669 = vector.shape_cast %parallel_loop3A_1668 : vector<1x1x16xf32> to vector<16xf32>
        %parallel_loop3A_1670 = vector.shape_cast %parallel_loop3A_1663 : vector<16xf32> to vector<1x1x16xf32>
        tpu.vector_store %arg9[%parallel_loop3A_1665, %parallel_loop3A_1666, %parallel_loop3A_1667], %parallel_loop3A_1670 {strides = array<i32>} : memref<2x32x1024xf32, #tpu.memory_space<vmem>>, vector<1x1x16xf32>,
        %parallel_loop3A_1671 = arith.index_cast %parallel_loop3A_988 : i32 to index
        %parallel_loop3A_1672 = arith.constant 992 : index
        %parallel_loop3A_1673 = tpu.vector_load %arg10[%parallel_loop3A_1671, %parallel_loop3A_1672] {strides = array<i32>} : memref<32x1024xf32, #tpu.memory_space<vmem>>, vector<1x16xf32>,
        %parallel_loop3A_1674 = vector.shape_cast %parallel_loop3A_1673 : vector<1x16xf32> to vector<16xf32>
        %parallel_loop3A_1675 = arith.constant 0 : i32
        %parallel_loop3A_1676 = arith.index_cast %parallel_loop3A_1675 : i32 to index
        %parallel_loop3A_1677 = arith.index_cast %parallel_loop3A_980 : i32 to index
        %parallel_loop3A_1678 = arith.constant 992 : index
        %parallel_loop3A_1679 = tpu.vector_load %arg9[%parallel_loop3A_1676, %parallel_loop3A_1677, %parallel_loop3A_1678] {strides = array<i32>} : memref<2x32x1024xf32, #tpu.memory_space<vmem>>, vector<1x1x16xf32>,
        %parallel_loop3A_1680 = vector.shape_cast %parallel_loop3A_1679 : vector<1x1x16xf32> to vector<16xf32>
        %parallel_loop3A_1681 = vector.shape_cast %parallel_loop3A_1674 : vector<16xf32> to vector<1x1x16xf32>
        tpu.vector_store %arg9[%parallel_loop3A_1676, %parallel_loop3A_1677, %parallel_loop3A_1678], %parallel_loop3A_1681 {strides = array<i32>} : memref<2x32x1024xf32, #tpu.memory_space<vmem>>, vector<1x1x16xf32>,
        %parallel_loop3A_1682 = arith.index_cast %parallel_loop3A_988 : i32 to index
        %parallel_loop3A_1683 = arith.constant 1008 : index
        %parallel_loop3A_1684 = tpu.vector_load %arg10[%parallel_loop3A_1682, %parallel_loop3A_1683] {strides = array<i32>} : memref<32x1024xf32, #tpu.memory_space<vmem>>, vector<1x16xf32>,
        %parallel_loop3A_1685 = vector.shape_cast %parallel_loop3A_1684 : vector<1x16xf32> to vector<16xf32>
        %parallel_loop3A_1686 = arith.constant 0 : i32
        %parallel_loop3A_1687 = arith.index_cast %parallel_loop3A_1686 : i32 to index
        %parallel_loop3A_1688 = arith.index_cast %parallel_loop3A_980 : i32 to index
        %parallel_loop3A_1689 = arith.constant 1008 : index
        %parallel_loop3A_1690 = tpu.vector_load %arg9[%parallel_loop3A_1687, %parallel_loop3A_1688, %parallel_loop3A_1689] {strides = array<i32>} : memref<2x32x1024xf32, #tpu.memory_space<vmem>>, vector<1x1x16xf32>,
        %parallel_loop3A_1691 = vector.shape_cast %parallel_loop3A_1690 : vector<1x1x16xf32> to vector<16xf32>
        %parallel_loop3A_1692 = vector.shape_cast %parallel_loop3A_1685 : vector<16xf32> to vector<1x1x16xf32>
        tpu.vector_store %arg9[%parallel_loop3A_1687, %parallel_loop3A_1688, %parallel_loop3A_1689], %parallel_loop3A_1692 {strides = array<i32>} : memref<2x32x1024xf32, #tpu.memory_space<vmem>>, vector<1x1x16xf32>,
      } {sc.loop_unroll_factor = 1 : i64, sc.parallel_access}
      %mul3A_939 = arith.constant 32 : i32
      %mul3A_940 = arith.muli %add3A_934, %mul3A_939 : i32
      %add3A_941 = arith.addi %mul3A_2, %mul3A_940 : i32
      %dma_start3A = arith.constant 0 : i32
      %dma_start3A_942 = arith.constant 0 : i32
      %dma_start3A_943 = arith.constant 0 : i32
      %dma_start3A_944 = tpu.memref_slice %arg9[%dma_start3A, %dma_start3A_942, %dma_start3A_943] : memref<2x32x1024xf32, #tpu.memory_space<vmem>> -> memref<1x32x1024xf32, #tpu.memory_space<vmem>>
      %dma_start3A_945 = tpu.memref_squeeze %dma_start3A_944 : memref<1x32x1024xf32, #tpu.memory_space<vmem>> -> memref<32x1024xf32, #tpu.memory_space<vmem>>
      %dma_start3A_946 = arith.constant 0 : i32
      %dma_start3A_947 = tpu.memref_slice %arg5[%add3A_941, %dma_start3A_946] : memref<32768x1024xf32, #tpu.memory_space<hbm>> -> memref<32x1024xf32, #tpu.memory_space<hbm>>
      %dma_start3A_948 = arith.constant 0 : i32
      %dma_start3A_949 = tpu.memref_slice %arg5[%add3A_941, %dma_start3A_948] : memref<32768x1024xf32, #tpu.memory_space<hbm>> -> memref<32x1024xf32, #tpu.memory_space<hbm>>
      %dma_start3A_950 = arith.constant 0 : i32
      %dma_start3A_951 = arith.constant 0 : i32
      %dma_start3A_952 = tpu.memref_slice %arg9[%dma_start3A, %dma_start3A_950, %dma_start3A_951] : memref<2x32x1024xf32, #tpu.memory_space<vmem>> -> memref<1x32x1024xf32, #tpu.memory_space<vmem>>
      %dma_start3A_953 = tpu.memref_squeeze %dma_start3A_952 : memref<1x32x1024xf32, #tpu.memory_space<vmem>> -> memref<32x1024xf32, #tpu.memory_space<vmem>>
      tpu.enqueue_dma source(%dma_start3A_953 : memref<32x1024xf32, #tpu.memory_space<vmem>>) target(%dma_start3A_949 : memref<32x1024xf32, #tpu.memory_space<hbm>>) target_semaphore(%arg11 : memref<!tpu.dma_semaphore, #tpu.memory_space<semaphore_mem>>)
      %add3A_954 = arith.constant 1 : i32
      %add3A_955 = arith.addi %add3A_932, %add3A_954 : i32
      %gt3A_956 = arith.constant 0 : i32
      %gt3A_957 = arith.cmpi sgt, %add3A_932, %gt3A_956 : i32
      %convert_element_type3A_958 = arith.extui %gt3A_957 : i1 to i32
      %cond3A_959 = arith.constant 0 : i32
      %cond3A_960 = arith.cmpi ne, %convert_element_type3A_958, %cond3A_959 : i32
      scf.if %cond3A_960 {
        %dma_wait3A_980 = arith.constant 1 : i32
        %dma_wait3A_981 = arith.constant 0 : i32
        %dma_wait3A_982 = arith.constant 0 : i32
        %dma_wait3A_983 = tpu.memref_slice %arg9[%dma_wait3A_980, %dma_wait3A_981, %dma_wait3A_982] : memref<2x32x1024xf32, #tpu.memory_space<vmem>> -> memref<1x32x1024xf32, #tpu.memory_space<vmem>>
        %dma_wait3A_984 = tpu.memref_squeeze %dma_wait3A_983 : memref<1x32x1024xf32, #tpu.memory_space<vmem>> -> memref<32x1024xf32, #tpu.memory_space<vmem>>
        %dma_wait3A_985 = arith.constant 0 : i32
        %dma_wait3A_986 = tpu.memref_slice %arg5[%mul3A_2, %dma_wait3A_985] : memref<32768x1024xf32, #tpu.memory_space<hbm>> -> memref<32x1024xf32, #tpu.memory_space<hbm>>
        %dma_wait3A_987 = arith.constant 0 : i32
        %dma_wait3A_988 = tpu.memref_slice %arg5[%mul3A_2, %dma_wait3A_987] : memref<32768x1024xf32, #tpu.memory_space<hbm>> -> memref<32x1024xf32, #tpu.memory_space<hbm>>
        %dma_wait3A_989 = arith.constant 0 : i32
        %dma_wait3A_990 = arith.constant 0 : i32
        %dma_wait3A_991 = tpu.memref_slice %arg9[%dma_wait3A_980, %dma_wait3A_989, %dma_wait3A_990] : memref<2x32x1024xf32, #tpu.memory_space<vmem>> -> memref<1x32x1024xf32, #tpu.memory_space<vmem>>
        %dma_wait3A_992 = tpu.memref_squeeze %dma_wait3A_991 : memref<1x32x1024xf32, #tpu.memory_space<vmem>> -> memref<32x1024xf32, #tpu.memory_space<vmem>>
        tpu.wait_dma2 semaphore(%arg12 : memref<!tpu.dma_semaphore, #tpu.memory_space<semaphore_mem>>) src(%dma_wait3A_992 : memref<32x1024xf32, #tpu.memory_space<vmem>>) dst(%dma_wait3A_988 : memref<32x1024xf32, #tpu.memory_space<hbm>>)
      } else {
      }
      %parallel_loop3A_961 = arith.constant 0 : i32
      %parallel_loop3A_962 = arith.constant 32 : i32
      %parallel_loop3A_963 = arith.constant 1 : i32
      scf.for %parallel_loop3A_980 = %parallel_loop3A_961 to %parallel_loop3A_962 step %parallel_loop3A_963  : i32 {
        %parallel_loop3A_981 = arith.constant 32 : i32
        %parallel_loop3A_982 = arith.muli %add3A_955, %parallel_loop3A_981 : i32
        %parallel_loop3A_983 = arith.addi %parallel_loop3A_982, %parallel_loop3A_980 : i32
        %parallel_loop3A_984 = arith.index_cast %parallel_loop3A_983 : i32 to index
        %parallel_loop3A_985 = tpu.vector_load %arg8[%parallel_loop3A_984] {strides = array<i32>} : memref<1040xi32, #tpu.memory_space<vmem>>, vector<16xi32>,
        %parallel_loop3A_986 = vector.shape_cast %parallel_loop3A_985 : vector<16xi32> to vector<16xi32>
        %parallel_loop3A_987 = vector.extract_strided_slice %parallel_loop3A_986 {offsets = [0], sizes = [1], strides = [1]} : vector<16xi32> to vector<1xi32>
        %parallel_loop3A_988 = vector.extract %parallel_loop3A_987[0] : i32 from vector<1xi32>
        %parallel_loop3A_989 = arith.index_cast %parallel_loop3A_988 : i32 to index
        %parallel_loop3A_990 = arith.constant 0 : index
        %parallel_loop3A_991 = tpu.vector_load %arg10[%parallel_loop3A_989, %parallel_loop3A_990] {strides = array<i32>} : memref<32x1024xf32, #tpu.memory_space<vmem>>, vector<1x16xf32>,
        %parallel_loop3A_992 = vector.shape_cast %parallel_loop3A_991 : vector<1x16xf32> to vector<16xf32>
        %parallel_loop3A_993 = arith.constant 1 : i32
        %parallel_loop3A_994 = arith.index_cast %parallel_loop3A_993 : i32 to index
        %parallel_loop3A_995 = arith.index_cast %parallel_loop3A_980 : i32 to index
        %parallel_loop3A_996 = arith.constant 0 : index
        %parallel_loop3A_997 = tpu.vector_load %arg9[%parallel_loop3A_994, %parallel_loop3A_995, %parallel_loop3A_996] {strides = array<i32>} : memref<2x32x1024xf32, #tpu.memory_space<vmem>>, vector<1x1x16xf32>,
        %parallel_loop3A_998 = vector.shape_cast %parallel_loop3A_997 : vector<1x1x16xf32> to vector<16xf32>
        %parallel_loop3A_999 = vector.shape_cast %parallel_loop3A_992 : vector<16xf32> to vector<1x1x16xf32>
        tpu.vector_store %arg9[%parallel_loop3A_994, %parallel_loop3A_995, %parallel_loop3A_996], %parallel_loop3A_999 {strides = array<i32>} : memref<2x32x1024xf32, #tpu.memory_space<vmem>>, vector<1x1x16xf32>,
        %parallel_loop3A_1000 = arith.index_cast %parallel_loop3A_988 : i32 to index
        %parallel_loop3A_1001 = arith.constant 16 : index
        %parallel_loop3A_1002 = tpu.vector_load %arg10[%parallel_loop3A_1000, %parallel_loop3A_1001] {strides = array<i32>} : memref<32x1024xf32, #tpu.memory_space<vmem>>, vector<1x16xf32>,
        %parallel_loop3A_1003 = vector.shape_cast %parallel_loop3A_1002 : vector<1x16xf32> to vector<16xf32>
        %parallel_loop3A_1004 = arith.constant 1 : i32
        %parallel_loop3A_1005 = arith.index_cast %parallel_loop3A_1004 : i32 to index
        %parallel_loop3A_1006 = arith.index_cast %parallel_loop3A_980 : i32 to index
        %parallel_loop3A_1007 = arith.constant 16 : index
        %parallel_loop3A_1008 = tpu.vector_load %arg9[%parallel_loop3A_1005, %parallel_loop3A_1006, %parallel_loop3A_1007] {strides = array<i32>} : memref<2x32x1024xf32, #tpu.memory_space<vmem>>, vector<1x1x16xf32>,
        %parallel_loop3A_1009 = vector.shape_cast %parallel_loop3A_1008 : vector<1x1x16xf32> to vector<16xf32>
        %parallel_loop3A_1010 = vector.shape_cast %parallel_loop3A_1003 : vector<16xf32> to vector<1x1x16xf32>
        tpu.vector_store %arg9[%parallel_loop3A_1005, %parallel_loop3A_1006, %parallel_loop3A_1007], %parallel_loop3A_1010 {strides = array<i32>} : memref<2x32x1024xf32, #tpu.memory_space<vmem>>, vector<1x1x16xf32>,
        %parallel_loop3A_1011 = arith.index_cast %parallel_loop3A_988 : i32 to index
        %parallel_loop3A_1012 = arith.constant 32 : index
        %parallel_loop3A_1013 = tpu.vector_load %arg10[%parallel_loop3A_1011, %parallel_loop3A_1012] {strides = array<i32>} : memref<32x1024xf32, #tpu.memory_space<vmem>>, vector<1x16xf32>,
        %parallel_loop3A_1014 = vector.shape_cast %parallel_loop3A_1013 : vector<1x16xf32> to vector<16xf32>
        %parallel_loop3A_1015 = arith.constant 1 : i32
        %parallel_loop3A_1016 = arith.index_cast %parallel_loop3A_1015 : i32 to index
        %parallel_loop3A_1017 = arith.index_cast %parallel_loop3A_980 : i32 to index
        %parallel_loop3A_1018 = arith.constant 32 : index
        %parallel_loop3A_1019 = tpu.vector_load %arg9[%parallel_loop3A_1016, %parallel_loop3A_1017, %parallel_loop3A_1018] {strides = array<i32>} : memref<2x32x1024xf32, #tpu.memory_space<vmem>>, vector<1x1x16xf32>,
        %parallel_loop3A_1020 = vector.shape_cast %parallel_loop3A_1019 : vector<1x1x16xf32> to vector<16xf32>
        %parallel_loop3A_1021 = vector.shape_cast %parallel_loop3A_1014 : vector<16xf32> to vector<1x1x16xf32>
        tpu.vector_store %arg9[%parallel_loop3A_1016, %parallel_loop3A_1017, %parallel_loop3A_1018], %parallel_loop3A_1021 {strides = array<i32>} : memref<2x32x1024xf32, #tpu.memory_space<vmem>>, vector<1x1x16xf32>,
        %parallel_loop3A_1022 = arith.index_cast %parallel_loop3A_988 : i32 to index
        %parallel_loop3A_1023 = arith.constant 48 : index
        %parallel_loop3A_1024 = tpu.vector_load %arg10[%parallel_loop3A_1022, %parallel_loop3A_1023] {strides = array<i32>} : memref<32x1024xf32, #tpu.memory_space<vmem>>, vector<1x16xf32>,
        %parallel_loop3A_1025 = vector.shape_cast %parallel_loop3A_1024 : vector<1x16xf32> to vector<16xf32>
        %parallel_loop3A_1026 = arith.constant 1 : i32
        %parallel_loop3A_1027 = arith.index_cast %parallel_loop3A_1026 : i32 to index
        %parallel_loop3A_1028 = arith.index_cast %parallel_loop3A_980 : i32 to index
        %parallel_loop3A_1029 = arith.constant 48 : index
        %parallel_loop3A_1030 = tpu.vector_load %arg9[%parallel_loop3A_1027, %parallel_loop3A_1028, %parallel_loop3A_1029] {strides = array<i32>} : memref<2x32x1024xf32, #tpu.memory_space<vmem>>, vector<1x1x16xf32>,
        %parallel_loop3A_1031 = vector.shape_cast %parallel_loop3A_1030 : vector<1x1x16xf32> to vector<16xf32>
        %parallel_loop3A_1032 = vector.shape_cast %parallel_loop3A_1025 : vector<16xf32> to vector<1x1x16xf32>
        tpu.vector_store %arg9[%parallel_loop3A_1027, %parallel_loop3A_1028, %parallel_loop3A_1029], %parallel_loop3A_1032 {strides = array<i32>} : memref<2x32x1024xf32, #tpu.memory_space<vmem>>, vector<1x1x16xf32>,
        %parallel_loop3A_1033 = arith.index_cast %parallel_loop3A_988 : i32 to index
        %parallel_loop3A_1034 = arith.constant 64 : index
        %parallel_loop3A_1035 = tpu.vector_load %arg10[%parallel_loop3A_1033, %parallel_loop3A_1034] {strides = array<i32>} : memref<32x1024xf32, #tpu.memory_space<vmem>>, vector<1x16xf32>,
        %parallel_loop3A_1036 = vector.shape_cast %parallel_loop3A_1035 : vector<1x16xf32> to vector<16xf32>
        %parallel_loop3A_1037 = arith.constant 1 : i32
        %parallel_loop3A_1038 = arith.index_cast %parallel_loop3A_1037 : i32 to index
        %parallel_loop3A_1039 = arith.index_cast %parallel_loop3A_980 : i32 to index
        %parallel_loop3A_1040 = arith.constant 64 : index
        %parallel_loop3A_1041 = tpu.vector_load %arg9[%parallel_loop3A_1038, %parallel_loop3A_1039, %parallel_loop3A_1040] {strides = array<i32>} : memref<2x32x1024xf32, #tpu.memory_space<vmem>>, vector<1x1x16xf32>,
        %parallel_loop3A_1042 = vector.shape_cast %parallel_loop3A_1041 : vector<1x1x16xf32> to vector<16xf32>
        %parallel_loop3A_1043 = vector.shape_cast %parallel_loop3A_1036 : vector<16xf32> to vector<1x1x16xf32>
        tpu.vector_store %arg9[%parallel_loop3A_1038, %parallel_loop3A_1039, %parallel_loop3A_1040], %parallel_loop3A_1043 {strides = array<i32>} : memref<2x32x1024xf32, #tpu.memory_space<vmem>>, vector<1x1x16xf32>,
        %parallel_loop3A_1044 = arith.index_cast %parallel_loop3A_988 : i32 to index
        %parallel_loop3A_1045 = arith.constant 80 : index
        %parallel_loop3A_1046 = tpu.vector_load %arg10[%parallel_loop3A_1044, %parallel_loop3A_1045] {strides = array<i32>} : memref<32x1024xf32, #tpu.memory_space<vmem>>, vector<1x16xf32>,
        %parallel_loop3A_1047 = vector.shape_cast %parallel_loop3A_1046 : vector<1x16xf32> to vector<16xf32>
        %parallel_loop3A_1048 = arith.constant 1 : i32
        %parallel_loop3A_1049 = arith.index_cast %parallel_loop3A_1048 : i32 to index
        %parallel_loop3A_1050 = arith.index_cast %parallel_loop3A_980 : i32 to index
        %parallel_loop3A_1051 = arith.constant 80 : index
        %parallel_loop3A_1052 = tpu.vector_load %arg9[%parallel_loop3A_1049, %parallel_loop3A_1050, %parallel_loop3A_1051] {strides = array<i32>} : memref<2x32x1024xf32, #tpu.memory_space<vmem>>, vector<1x1x16xf32>,
        %parallel_loop3A_1053 = vector.shape_cast %parallel_loop3A_1052 : vector<1x1x16xf32> to vector<16xf32>
        %parallel_loop3A_1054 = vector.shape_cast %parallel_loop3A_1047 : vector<16xf32> to vector<1x1x16xf32>
        tpu.vector_store %arg9[%parallel_loop3A_1049, %parallel_loop3A_1050, %parallel_loop3A_1051], %parallel_loop3A_1054 {strides = array<i32>} : memref<2x32x1024xf32, #tpu.memory_space<vmem>>, vector<1x1x16xf32>,
        %parallel_loop3A_1055 = arith.index_cast %parallel_loop3A_988 : i32 to index
        %parallel_loop3A_1056 = arith.constant 96 : index
        %parallel_loop3A_1057 = tpu.vector_load %arg10[%parallel_loop3A_1055, %parallel_loop3A_1056] {strides = array<i32>} : memref<32x1024xf32, #tpu.memory_space<vmem>>, vector<1x16xf32>,
        %parallel_loop3A_1058 = vector.shape_cast %parallel_loop3A_1057 : vector<1x16xf32> to vector<16xf32>
        %parallel_loop3A_1059 = arith.constant 1 : i32
        %parallel_loop3A_1060 = arith.index_cast %parallel_loop3A_1059 : i32 to index
        %parallel_loop3A_1061 = arith.index_cast %parallel_loop3A_980 : i32 to index
        %parallel_loop3A_1062 = arith.constant 96 : index
        %parallel_loop3A_1063 = tpu.vector_load %arg9[%parallel_loop3A_1060, %parallel_loop3A_1061, %parallel_loop3A_1062] {strides = array<i32>} : memref<2x32x1024xf32, #tpu.memory_space<vmem>>, vector<1x1x16xf32>,
        %parallel_loop3A_1064 = vector.shape_cast %parallel_loop3A_1063 : vector<1x1x16xf32> to vector<16xf32>
        %parallel_loop3A_1065 = vector.shape_cast %parallel_loop3A_1058 : vector<16xf32> to vector<1x1x16xf32>
        tpu.vector_store %arg9[%parallel_loop3A_1060, %parallel_loop3A_1061, %parallel_loop3A_1062], %parallel_loop3A_1065 {strides = array<i32>} : memref<2x32x1024xf32, #tpu.memory_space<vmem>>, vector<1x1x16xf32>,
        %parallel_loop3A_1066 = arith.index_cast %parallel_loop3A_988 : i32 to index
        %parallel_loop3A_1067 = arith.constant 112 : index
        %parallel_loop3A_1068 = tpu.vector_load %arg10[%parallel_loop3A_1066, %parallel_loop3A_1067] {strides = array<i32>} : memref<32x1024xf32, #tpu.memory_space<vmem>>, vector<1x16xf32>,
        %parallel_loop3A_1069 = vector.shape_cast %parallel_loop3A_1068 : vector<1x16xf32> to vector<16xf32>
        %parallel_loop3A_1070 = arith.constant 1 : i32
        %parallel_loop3A_1071 = arith.index_cast %parallel_loop3A_1070 : i32 to index
        %parallel_loop3A_1072 = arith.index_cast %parallel_loop3A_980 : i32 to index
        %parallel_loop3A_1073 = arith.constant 112 : index
        %parallel_loop3A_1074 = tpu.vector_load %arg9[%parallel_loop3A_1071, %parallel_loop3A_1072, %parallel_loop3A_1073] {strides = array<i32>} : memref<2x32x1024xf32, #tpu.memory_space<vmem>>, vector<1x1x16xf32>,
        %parallel_loop3A_1075 = vector.shape_cast %parallel_loop3A_1074 : vector<1x1x16xf32> to vector<16xf32>
        %parallel_loop3A_1076 = vector.shape_cast %parallel_loop3A_1069 : vector<16xf32> to vector<1x1x16xf32>
        tpu.vector_store %arg9[%parallel_loop3A_1071, %parallel_loop3A_1072, %parallel_loop3A_1073], %parallel_loop3A_1076 {strides = array<i32>} : memref<2x32x1024xf32, #tpu.memory_space<vmem>>, vector<1x1x16xf32>,
        %parallel_loop3A_1077 = arith.index_cast %parallel_loop3A_988 : i32 to index
        %parallel_loop3A_1078 = arith.constant 128 : index
        %parallel_loop3A_1079 = tpu.vector_load %arg10[%parallel_loop3A_1077, %parallel_loop3A_1078] {strides = array<i32>} : memref<32x1024xf32, #tpu.memory_space<vmem>>, vector<1x16xf32>,
        %parallel_loop3A_1080 = vector.shape_cast %parallel_loop3A_1079 : vector<1x16xf32> to vector<16xf32>
        %parallel_loop3A_1081 = arith.constant 1 : i32
        %parallel_loop3A_1082 = arith.index_cast %parallel_loop3A_1081 : i32 to index
        %parallel_loop3A_1083 = arith.index_cast %parallel_loop3A_980 : i32 to index
        %parallel_loop3A_1084 = arith.constant 128 : index
        %parallel_loop3A_1085 = tpu.vector_load %arg9[%parallel_loop3A_1082, %parallel_loop3A_1083, %parallel_loop3A_1084] {strides = array<i32>} : memref<2x32x1024xf32, #tpu.memory_space<vmem>>, vector<1x1x16xf32>,
        %parallel_loop3A_1086 = vector.shape_cast %parallel_loop3A_1085 : vector<1x1x16xf32> to vector<16xf32>
        %parallel_loop3A_1087 = vector.shape_cast %parallel_loop3A_1080 : vector<16xf32> to vector<1x1x16xf32>
        tpu.vector_store %arg9[%parallel_loop3A_1082, %parallel_loop3A_1083, %parallel_loop3A_1084], %parallel_loop3A_1087 {strides = array<i32>} : memref<2x32x1024xf32, #tpu.memory_space<vmem>>, vector<1x1x16xf32>,
        %parallel_loop3A_1088 = arith.index_cast %parallel_loop3A_988 : i32 to index
        %parallel_loop3A_1089 = arith.constant 144 : index
        %parallel_loop3A_1090 = tpu.vector_load %arg10[%parallel_loop3A_1088, %parallel_loop3A_1089] {strides = array<i32>} : memref<32x1024xf32, #tpu.memory_space<vmem>>, vector<1x16xf32>,
        %parallel_loop3A_1091 = vector.shape_cast %parallel_loop3A_1090 : vector<1x16xf32> to vector<16xf32>
        %parallel_loop3A_1092 = arith.constant 1 : i32
        %parallel_loop3A_1093 = arith.index_cast %parallel_loop3A_1092 : i32 to index
        %parallel_loop3A_1094 = arith.index_cast %parallel_loop3A_980 : i32 to index
        %parallel_loop3A_1095 = arith.constant 144 : index
        %parallel_loop3A_1096 = tpu.vector_load %arg9[%parallel_loop3A_1093, %parallel_loop3A_1094, %parallel_loop3A_1095] {strides = array<i32>} : memref<2x32x1024xf32, #tpu.memory_space<vmem>>, vector<1x1x16xf32>,
        %parallel_loop3A_1097 = vector.shape_cast %parallel_loop3A_1096 : vector<1x1x16xf32> to vector<16xf32>
        %parallel_loop3A_1098 = vector.shape_cast %parallel_loop3A_1091 : vector<16xf32> to vector<1x1x16xf32>
        tpu.vector_store %arg9[%parallel_loop3A_1093, %parallel_loop3A_1094, %parallel_loop3A_1095], %parallel_loop3A_1098 {strides = array<i32>} : memref<2x32x1024xf32, #tpu.memory_space<vmem>>, vector<1x1x16xf32>,
        %parallel_loop3A_1099 = arith.index_cast %parallel_loop3A_988 : i32 to index
        %parallel_loop3A_1100 = arith.constant 160 : index
        %parallel_loop3A_1101 = tpu.vector_load %arg10[%parallel_loop3A_1099, %parallel_loop3A_1100] {strides = array<i32>} : memref<32x1024xf32, #tpu.memory_space<vmem>>, vector<1x16xf32>,
        %parallel_loop3A_1102 = vector.shape_cast %parallel_loop3A_1101 : vector<1x16xf32> to vector<16xf32>
        %parallel_loop3A_1103 = arith.constant 1 : i32
        %parallel_loop3A_1104 = arith.index_cast %parallel_loop3A_1103 : i32 to index
        %parallel_loop3A_1105 = arith.index_cast %parallel_loop3A_980 : i32 to index
        %parallel_loop3A_1106 = arith.constant 160 : index
        %parallel_loop3A_1107 = tpu.vector_load %arg9[%parallel_loop3A_1104, %parallel_loop3A_1105, %parallel_loop3A_1106] {strides = array<i32>} : memref<2x32x1024xf32, #tpu.memory_space<vmem>>, vector<1x1x16xf32>,
        %parallel_loop3A_1108 = vector.shape_cast %parallel_loop3A_1107 : vector<1x1x16xf32> to vector<16xf32>
        %parallel_loop3A_1109 = vector.shape_cast %parallel_loop3A_1102 : vector<16xf32> to vector<1x1x16xf32>
        tpu.vector_store %arg9[%parallel_loop3A_1104, %parallel_loop3A_1105, %parallel_loop3A_1106], %parallel_loop3A_1109 {strides = array<i32>} : memref<2x32x1024xf32, #tpu.memory_space<vmem>>, vector<1x1x16xf32>,
        %parallel_loop3A_1110 = arith.index_cast %parallel_loop3A_988 : i32 to index
        %parallel_loop3A_1111 = arith.constant 176 : index
        %parallel_loop3A_1112 = tpu.vector_load %arg10[%parallel_loop3A_1110, %parallel_loop3A_1111] {strides = array<i32>} : memref<32x1024xf32, #tpu.memory_space<vmem>>, vector<1x16xf32>,
        %parallel_loop3A_1113 = vector.shape_cast %parallel_loop3A_1112 : vector<1x16xf32> to vector<16xf32>
        %parallel_loop3A_1114 = arith.constant 1 : i32
        %parallel_loop3A_1115 = arith.index_cast %parallel_loop3A_1114 : i32 to index
        %parallel_loop3A_1116 = arith.index_cast %parallel_loop3A_980 : i32 to index
        %parallel_loop3A_1117 = arith.constant 176 : index
        %parallel_loop3A_1118 = tpu.vector_load %arg9[%parallel_loop3A_1115, %parallel_loop3A_1116, %parallel_loop3A_1117] {strides = array<i32>} : memref<2x32x1024xf32, #tpu.memory_space<vmem>>, vector<1x1x16xf32>,
        %parallel_loop3A_1119 = vector.shape_cast %parallel_loop3A_1118 : vector<1x1x16xf32> to vector<16xf32>
        %parallel_loop3A_1120 = vector.shape_cast %parallel_loop3A_1113 : vector<16xf32> to vector<1x1x16xf32>
        tpu.vector_store %arg9[%parallel_loop3A_1115, %parallel_loop3A_1116, %parallel_loop3A_1117], %parallel_loop3A_1120 {strides = array<i32>} : memref<2x32x1024xf32, #tpu.memory_space<vmem>>, vector<1x1x16xf32>,
        %parallel_loop3A_1121 = arith.index_cast %parallel_loop3A_988 : i32 to index
        %parallel_loop3A_1122 = arith.constant 192 : index
        %parallel_loop3A_1123 = tpu.vector_load %arg10[%parallel_loop3A_1121, %parallel_loop3A_1122] {strides = array<i32>} : memref<32x1024xf32, #tpu.memory_space<vmem>>, vector<1x16xf32>,
        %parallel_loop3A_1124 = vector.shape_cast %parallel_loop3A_1123 : vector<1x16xf32> to vector<16xf32>
        %parallel_loop3A_1125 = arith.constant 1 : i32
        %parallel_loop3A_1126 = arith.index_cast %parallel_loop3A_1125 : i32 to index
        %parallel_loop3A_1127 = arith.index_cast %parallel_loop3A_980 : i32 to index
        %parallel_loop3A_1128 = arith.constant 192 : index
        %parallel_loop3A_1129 = tpu.vector_load %arg9[%parallel_loop3A_1126, %parallel_loop3A_1127, %parallel_loop3A_1128] {strides = array<i32>} : memref<2x32x1024xf32, #tpu.memory_space<vmem>>, vector<1x1x16xf32>,
        %parallel_loop3A_1130 = vector.shape_cast %parallel_loop3A_1129 : vector<1x1x16xf32> to vector<16xf32>
        %parallel_loop3A_1131 = vector.shape_cast %parallel_loop3A_1124 : vector<16xf32> to vector<1x1x16xf32>
        tpu.vector_store %arg9[%parallel_loop3A_1126, %parallel_loop3A_1127, %parallel_loop3A_1128], %parallel_loop3A_1131 {strides = array<i32>} : memref<2x32x1024xf32, #tpu.memory_space<vmem>>, vector<1x1x16xf32>,
        %parallel_loop3A_1132 = arith.index_cast %parallel_loop3A_988 : i32 to index
        %parallel_loop3A_1133 = arith.constant 208 : index
        %parallel_loop3A_1134 = tpu.vector_load %arg10[%parallel_loop3A_1132, %parallel_loop3A_1133] {strides = array<i32>} : memref<32x1024xf32, #tpu.memory_space<vmem>>, vector<1x16xf32>,
        %parallel_loop3A_1135 = vector.shape_cast %parallel_loop3A_1134 : vector<1x16xf32> to vector<16xf32>
        %parallel_loop3A_1136 = arith.constant 1 : i32
        %parallel_loop3A_1137 = arith.index_cast %parallel_loop3A_1136 : i32 to index
        %parallel_loop3A_1138 = arith.index_cast %parallel_loop3A_980 : i32 to index
        %parallel_loop3A_1139 = arith.constant 208 : index
        %parallel_loop3A_1140 = tpu.vector_load %arg9[%parallel_loop3A_1137, %parallel_loop3A_1138, %parallel_loop3A_1139] {strides = array<i32>} : memref<2x32x1024xf32, #tpu.memory_space<vmem>>, vector<1x1x16xf32>,
        %parallel_loop3A_1141 = vector.shape_cast %parallel_loop3A_1140 : vector<1x1x16xf32> to vector<16xf32>
        %parallel_loop3A_1142 = vector.shape_cast %parallel_loop3A_1135 : vector<16xf32> to vector<1x1x16xf32>
        tpu.vector_store %arg9[%parallel_loop3A_1137, %parallel_loop3A_1138, %parallel_loop3A_1139], %parallel_loop3A_1142 {strides = array<i32>} : memref<2x32x1024xf32, #tpu.memory_space<vmem>>, vector<1x1x16xf32>,
        %parallel_loop3A_1143 = arith.index_cast %parallel_loop3A_988 : i32 to index
        %parallel_loop3A_1144 = arith.constant 224 : index
        %parallel_loop3A_1145 = tpu.vector_load %arg10[%parallel_loop3A_1143, %parallel_loop3A_1144] {strides = array<i32>} : memref<32x1024xf32, #tpu.memory_space<vmem>>, vector<1x16xf32>,
        %parallel_loop3A_1146 = vector.shape_cast %parallel_loop3A_1145 : vector<1x16xf32> to vector<16xf32>
        %parallel_loop3A_1147 = arith.constant 1 : i32
        %parallel_loop3A_1148 = arith.index_cast %parallel_loop3A_1147 : i32 to index
        %parallel_loop3A_1149 = arith.index_cast %parallel_loop3A_980 : i32 to index
        %parallel_loop3A_1150 = arith.constant 224 : index
        %parallel_loop3A_1151 = tpu.vector_load %arg9[%parallel_loop3A_1148, %parallel_loop3A_1149, %parallel_loop3A_1150] {strides = array<i32>} : memref<2x32x1024xf32, #tpu.memory_space<vmem>>, vector<1x1x16xf32>,
        %parallel_loop3A_1152 = vector.shape_cast %parallel_loop3A_1151 : vector<1x1x16xf32> to vector<16xf32>
        %parallel_loop3A_1153 = vector.shape_cast %parallel_loop3A_1146 : vector<16xf32> to vector<1x1x16xf32>
        tpu.vector_store %arg9[%parallel_loop3A_1148, %parallel_loop3A_1149, %parallel_loop3A_1150], %parallel_loop3A_1153 {strides = array<i32>} : memref<2x32x1024xf32, #tpu.memory_space<vmem>>, vector<1x1x16xf32>,
        %parallel_loop3A_1154 = arith.index_cast %parallel_loop3A_988 : i32 to index
        %parallel_loop3A_1155 = arith.constant 240 : index
        %parallel_loop3A_1156 = tpu.vector_load %arg10[%parallel_loop3A_1154, %parallel_loop3A_1155] {strides = array<i32>} : memref<32x1024xf32, #tpu.memory_space<vmem>>, vector<1x16xf32>,
        %parallel_loop3A_1157 = vector.shape_cast %parallel_loop3A_1156 : vector<1x16xf32> to vector<16xf32>
        %parallel_loop3A_1158 = arith.constant 1 : i32
        %parallel_loop3A_1159 = arith.index_cast %parallel_loop3A_1158 : i32 to index
        %parallel_loop3A_1160 = arith.index_cast %parallel_loop3A_980 : i32 to index
        %parallel_loop3A_1161 = arith.constant 240 : index
        %parallel_loop3A_1162 = tpu.vector_load %arg9[%parallel_loop3A_1159, %parallel_loop3A_1160, %parallel_loop3A_1161] {strides = array<i32>} : memref<2x32x1024xf32, #tpu.memory_space<vmem>>, vector<1x1x16xf32>,
        %parallel_loop3A_1163 = vector.shape_cast %parallel_loop3A_1162 : vector<1x1x16xf32> to vector<16xf32>
        %parallel_loop3A_1164 = vector.shape_cast %parallel_loop3A_1157 : vector<16xf32> to vector<1x1x16xf32>
        tpu.vector_store %arg9[%parallel_loop3A_1159, %parallel_loop3A_1160, %parallel_loop3A_1161], %parallel_loop3A_1164 {strides = array<i32>} : memref<2x32x1024xf32, #tpu.memory_space<vmem>>, vector<1x1x16xf32>,
        %parallel_loop3A_1165 = arith.index_cast %parallel_loop3A_988 : i32 to index
        %parallel_loop3A_1166 = arith.constant 256 : index
        %parallel_loop3A_1167 = tpu.vector_load %arg10[%parallel_loop3A_1165, %parallel_loop3A_1166] {strides = array<i32>} : memref<32x1024xf32, #tpu.memory_space<vmem>>, vector<1x16xf32>,
        %parallel_loop3A_1168 = vector.shape_cast %parallel_loop3A_1167 : vector<1x16xf32> to vector<16xf32>
        %parallel_loop3A_1169 = arith.constant 1 : i32
        %parallel_loop3A_1170 = arith.index_cast %parallel_loop3A_1169 : i32 to index
        %parallel_loop3A_1171 = arith.index_cast %parallel_loop3A_980 : i32 to index
        %parallel_loop3A_1172 = arith.constant 256 : index
        %parallel_loop3A_1173 = tpu.vector_load %arg9[%parallel_loop3A_1170, %parallel_loop3A_1171, %parallel_loop3A_1172] {strides = array<i32>} : memref<2x32x1024xf32, #tpu.memory_space<vmem>>, vector<1x1x16xf32>,
        %parallel_loop3A_1174 = vector.shape_cast %parallel_loop3A_1173 : vector<1x1x16xf32> to vector<16xf32>
        %parallel_loop3A_1175 = vector.shape_cast %parallel_loop3A_1168 : vector<16xf32> to vector<1x1x16xf32>
        tpu.vector_store %arg9[%parallel_loop3A_1170, %parallel_loop3A_1171, %parallel_loop3A_1172], %parallel_loop3A_1175 {strides = array<i32>} : memref<2x32x1024xf32, #tpu.memory_space<vmem>>, vector<1x1x16xf32>,
        %parallel_loop3A_1176 = arith.index_cast %parallel_loop3A_988 : i32 to index
        %parallel_loop3A_1177 = arith.constant 272 : index
        %parallel_loop3A_1178 = tpu.vector_load %arg10[%parallel_loop3A_1176, %parallel_loop3A_1177] {strides = array<i32>} : memref<32x1024xf32, #tpu.memory_space<vmem>>, vector<1x16xf32>,
        %parallel_loop3A_1179 = vector.shape_cast %parallel_loop3A_1178 : vector<1x16xf32> to vector<16xf32>
        %parallel_loop3A_1180 = arith.constant 1 : i32
        %parallel_loop3A_1181 = arith.index_cast %parallel_loop3A_1180 : i32 to index
        %parallel_loop3A_1182 = arith.index_cast %parallel_loop3A_980 : i32 to index
        %parallel_loop3A_1183 = arith.constant 272 : index
        %parallel_loop3A_1184 = tpu.vector_load %arg9[%parallel_loop3A_1181, %parallel_loop3A_1182, %parallel_loop3A_1183] {strides = array<i32>} : memref<2x32x1024xf32, #tpu.memory_space<vmem>>, vector<1x1x16xf32>,
        %parallel_loop3A_1185 = vector.shape_cast %parallel_loop3A_1184 : vector<1x1x16xf32> to vector<16xf32>
        %parallel_loop3A_1186 = vector.shape_cast %parallel_loop3A_1179 : vector<16xf32> to vector<1x1x16xf32>
        tpu.vector_store %arg9[%parallel_loop3A_1181, %parallel_loop3A_1182, %parallel_loop3A_1183], %parallel_loop3A_1186 {strides = array<i32>} : memref<2x32x1024xf32, #tpu.memory_space<vmem>>, vector<1x1x16xf32>,
        %parallel_loop3A_1187 = arith.index_cast %parallel_loop3A_988 : i32 to index
        %parallel_loop3A_1188 = arith.constant 288 : index
        %parallel_loop3A_1189 = tpu.vector_load %arg10[%parallel_loop3A_1187, %parallel_loop3A_1188] {strides = array<i32>} : memref<32x1024xf32, #tpu.memory_space<vmem>>, vector<1x16xf32>,
        %parallel_loop3A_1190 = vector.shape_cast %parallel_loop3A_1189 : vector<1x16xf32> to vector<16xf32>
        %parallel_loop3A_1191 = arith.constant 1 : i32
        %parallel_loop3A_1192 = arith.index_cast %parallel_loop3A_1191 : i32 to index
        %parallel_loop3A_1193 = arith.index_cast %parallel_loop3A_980 : i32 to index
        %parallel_loop3A_1194 = arith.constant 288 : index
        %parallel_loop3A_1195 = tpu.vector_load %arg9[%parallel_loop3A_1192, %parallel_loop3A_1193, %parallel_loop3A_1194] {strides = array<i32>} : memref<2x32x1024xf32, #tpu.memory_space<vmem>>, vector<1x1x16xf32>,
        %parallel_loop3A_1196 = vector.shape_cast %parallel_loop3A_1195 : vector<1x1x16xf32> to vector<16xf32>
        %parallel_loop3A_1197 = vector.shape_cast %parallel_loop3A_1190 : vector<16xf32> to vector<1x1x16xf32>
        tpu.vector_store %arg9[%parallel_loop3A_1192, %parallel_loop3A_1193, %parallel_loop3A_1194], %parallel_loop3A_1197 {strides = array<i32>} : memref<2x32x1024xf32, #tpu.memory_space<vmem>>, vector<1x1x16xf32>,
        %parallel_loop3A_1198 = arith.index_cast %parallel_loop3A_988 : i32 to index
        %parallel_loop3A_1199 = arith.constant 304 : index
        %parallel_loop3A_1200 = tpu.vector_load %arg10[%parallel_loop3A_1198, %parallel_loop3A_1199] {strides = array<i32>} : memref<32x1024xf32, #tpu.memory_space<vmem>>, vector<1x16xf32>,
        %parallel_loop3A_1201 = vector.shape_cast %parallel_loop3A_1200 : vector<1x16xf32> to vector<16xf32>
        %parallel_loop3A_1202 = arith.constant 1 : i32
        %parallel_loop3A_1203 = arith.index_cast %parallel_loop3A_1202 : i32 to index
        %parallel_loop3A_1204 = arith.index_cast %parallel_loop3A_980 : i32 to index
        %parallel_loop3A_1205 = arith.constant 304 : index
        %parallel_loop3A_1206 = tpu.vector_load %arg9[%parallel_loop3A_1203, %parallel_loop3A_1204, %parallel_loop3A_1205] {strides = array<i32>} : memref<2x32x1024xf32, #tpu.memory_space<vmem>>, vector<1x1x16xf32>,
        %parallel_loop3A_1207 = vector.shape_cast %parallel_loop3A_1206 : vector<1x1x16xf32> to vector<16xf32>
        %parallel_loop3A_1208 = vector.shape_cast %parallel_loop3A_1201 : vector<16xf32> to vector<1x1x16xf32>
        tpu.vector_store %arg9[%parallel_loop3A_1203, %parallel_loop3A_1204, %parallel_loop3A_1205], %parallel_loop3A_1208 {strides = array<i32>} : memref<2x32x1024xf32, #tpu.memory_space<vmem>>, vector<1x1x16xf32>,
        %parallel_loop3A_1209 = arith.index_cast %parallel_loop3A_988 : i32 to index
        %parallel_loop3A_1210 = arith.constant 320 : index
        %parallel_loop3A_1211 = tpu.vector_load %arg10[%parallel_loop3A_1209, %parallel_loop3A_1210] {strides = array<i32>} : memref<32x1024xf32, #tpu.memory_space<vmem>>, vector<1x16xf32>,
        %parallel_loop3A_1212 = vector.shape_cast %parallel_loop3A_1211 : vector<1x16xf32> to vector<16xf32>
        %parallel_loop3A_1213 = arith.constant 1 : i32
        %parallel_loop3A_1214 = arith.index_cast %parallel_loop3A_1213 : i32 to index
        %parallel_loop3A_1215 = arith.index_cast %parallel_loop3A_980 : i32 to index
        %parallel_loop3A_1216 = arith.constant 320 : index
        %parallel_loop3A_1217 = tpu.vector_load %arg9[%parallel_loop3A_1214, %parallel_loop3A_1215, %parallel_loop3A_1216] {strides = array<i32>} : memref<2x32x1024xf32, #tpu.memory_space<vmem>>, vector<1x1x16xf32>,
        %parallel_loop3A_1218 = vector.shape_cast %parallel_loop3A_1217 : vector<1x1x16xf32> to vector<16xf32>
        %parallel_loop3A_1219 = vector.shape_cast %parallel_loop3A_1212 : vector<16xf32> to vector<1x1x16xf32>
        tpu.vector_store %arg9[%parallel_loop3A_1214, %parallel_loop3A_1215, %parallel_loop3A_1216], %parallel_loop3A_1219 {strides = array<i32>} : memref<2x32x1024xf32, #tpu.memory_space<vmem>>, vector<1x1x16xf32>,
        %parallel_loop3A_1220 = arith.index_cast %parallel_loop3A_988 : i32 to index
        %parallel_loop3A_1221 = arith.constant 336 : index
        %parallel_loop3A_1222 = tpu.vector_load %arg10[%parallel_loop3A_1220, %parallel_loop3A_1221] {strides = array<i32>} : memref<32x1024xf32, #tpu.memory_space<vmem>>, vector<1x16xf32>,
        %parallel_loop3A_1223 = vector.shape_cast %parallel_loop3A_1222 : vector<1x16xf32> to vector<16xf32>
        %parallel_loop3A_1224 = arith.constant 1 : i32
        %parallel_loop3A_1225 = arith.index_cast %parallel_loop3A_1224 : i32 to index
        %parallel_loop3A_1226 = arith.index_cast %parallel_loop3A_980 : i32 to index
        %parallel_loop3A_1227 = arith.constant 336 : index
        %parallel_loop3A_1228 = tpu.vector_load %arg9[%parallel_loop3A_1225, %parallel_loop3A_1226, %parallel_loop3A_1227] {strides = array<i32>} : memref<2x32x1024xf32, #tpu.memory_space<vmem>>, vector<1x1x16xf32>,
        %parallel_loop3A_1229 = vector.shape_cast %parallel_loop3A_1228 : vector<1x1x16xf32> to vector<16xf32>
        %parallel_loop3A_1230 = vector.shape_cast %parallel_loop3A_1223 : vector<16xf32> to vector<1x1x16xf32>
        tpu.vector_store %arg9[%parallel_loop3A_1225, %parallel_loop3A_1226, %parallel_loop3A_1227], %parallel_loop3A_1230 {strides = array<i32>} : memref<2x32x1024xf32, #tpu.memory_space<vmem>>, vector<1x1x16xf32>,
        %parallel_loop3A_1231 = arith.index_cast %parallel_loop3A_988 : i32 to index
        %parallel_loop3A_1232 = arith.constant 352 : index
        %parallel_loop3A_1233 = tpu.vector_load %arg10[%parallel_loop3A_1231, %parallel_loop3A_1232] {strides = array<i32>} : memref<32x1024xf32, #tpu.memory_space<vmem>>, vector<1x16xf32>,
        %parallel_loop3A_1234 = vector.shape_cast %parallel_loop3A_1233 : vector<1x16xf32> to vector<16xf32>
        %parallel_loop3A_1235 = arith.constant 1 : i32
        %parallel_loop3A_1236 = arith.index_cast %parallel_loop3A_1235 : i32 to index
        %parallel_loop3A_1237 = arith.index_cast %parallel_loop3A_980 : i32 to index
        %parallel_loop3A_1238 = arith.constant 352 : index
        %parallel_loop3A_1239 = tpu.vector_load %arg9[%parallel_loop3A_1236, %parallel_loop3A_1237, %parallel_loop3A_1238] {strides = array<i32>} : memref<2x32x1024xf32, #tpu.memory_space<vmem>>, vector<1x1x16xf32>,
        %parallel_loop3A_1240 = vector.shape_cast %parallel_loop3A_1239 : vector<1x1x16xf32> to vector<16xf32>
        %parallel_loop3A_1241 = vector.shape_cast %parallel_loop3A_1234 : vector<16xf32> to vector<1x1x16xf32>
        tpu.vector_store %arg9[%parallel_loop3A_1236, %parallel_loop3A_1237, %parallel_loop3A_1238], %parallel_loop3A_1241 {strides = array<i32>} : memref<2x32x1024xf32, #tpu.memory_space<vmem>>, vector<1x1x16xf32>,
        %parallel_loop3A_1242 = arith.index_cast %parallel_loop3A_988 : i32 to index
        %parallel_loop3A_1243 = arith.constant 368 : index
        %parallel_loop3A_1244 = tpu.vector_load %arg10[%parallel_loop3A_1242, %parallel_loop3A_1243] {strides = array<i32>} : memref<32x1024xf32, #tpu.memory_space<vmem>>, vector<1x16xf32>,
        %parallel_loop3A_1245 = vector.shape_cast %parallel_loop3A_1244 : vector<1x16xf32> to vector<16xf32>
        %parallel_loop3A_1246 = arith.constant 1 : i32
        %parallel_loop3A_1247 = arith.index_cast %parallel_loop3A_1246 : i32 to index
        %parallel_loop3A_1248 = arith.index_cast %parallel_loop3A_980 : i32 to index
        %parallel_loop3A_1249 = arith.constant 368 : index
        %parallel_loop3A_1250 = tpu.vector_load %arg9[%parallel_loop3A_1247, %parallel_loop3A_1248, %parallel_loop3A_1249] {strides = array<i32>} : memref<2x32x1024xf32, #tpu.memory_space<vmem>>, vector<1x1x16xf32>,
        %parallel_loop3A_1251 = vector.shape_cast %parallel_loop3A_1250 : vector<1x1x16xf32> to vector<16xf32>
        %parallel_loop3A_1252 = vector.shape_cast %parallel_loop3A_1245 : vector<16xf32> to vector<1x1x16xf32>
        tpu.vector_store %arg9[%parallel_loop3A_1247, %parallel_loop3A_1248, %parallel_loop3A_1249], %parallel_loop3A_1252 {strides = array<i32>} : memref<2x32x1024xf32, #tpu.memory_space<vmem>>, vector<1x1x16xf32>,
        %parallel_loop3A_1253 = arith.index_cast %parallel_loop3A_988 : i32 to index
        %parallel_loop3A_1254 = arith.constant 384 : index
        %parallel_loop3A_1255 = tpu.vector_load %arg10[%parallel_loop3A_1253, %parallel_loop3A_1254] {strides = array<i32>} : memref<32x1024xf32, #tpu.memory_space<vmem>>, vector<1x16xf32>,
        %parallel_loop3A_1256 = vector.shape_cast %parallel_loop3A_1255 : vector<1x16xf32> to vector<16xf32>
        %parallel_loop3A_1257 = arith.constant 1 : i32
        %parallel_loop3A_1258 = arith.index_cast %parallel_loop3A_1257 : i32 to index
        %parallel_loop3A_1259 = arith.index_cast %parallel_loop3A_980 : i32 to index
        %parallel_loop3A_1260 = arith.constant 384 : index
        %parallel_loop3A_1261 = tpu.vector_load %arg9[%parallel_loop3A_1258, %parallel_loop3A_1259, %parallel_loop3A_1260] {strides = array<i32>} : memref<2x32x1024xf32, #tpu.memory_space<vmem>>, vector<1x1x16xf32>,
        %parallel_loop3A_1262 = vector.shape_cast %parallel_loop3A_1261 : vector<1x1x16xf32> to vector<16xf32>
        %parallel_loop3A_1263 = vector.shape_cast %parallel_loop3A_1256 : vector<16xf32> to vector<1x1x16xf32>
        tpu.vector_store %arg9[%parallel_loop3A_1258, %parallel_loop3A_1259, %parallel_loop3A_1260], %parallel_loop3A_1263 {strides = array<i32>} : memref<2x32x1024xf32, #tpu.memory_space<vmem>>, vector<1x1x16xf32>,
        %parallel_loop3A_1264 = arith.index_cast %parallel_loop3A_988 : i32 to index
        %parallel_loop3A_1265 = arith.constant 400 : index
        %parallel_loop3A_1266 = tpu.vector_load %arg10[%parallel_loop3A_1264, %parallel_loop3A_1265] {strides = array<i32>} : memref<32x1024xf32, #tpu.memory_space<vmem>>, vector<1x16xf32>,
        %parallel_loop3A_1267 = vector.shape_cast %parallel_loop3A_1266 : vector<1x16xf32> to vector<16xf32>
        %parallel_loop3A_1268 = arith.constant 1 : i32
        %parallel_loop3A_1269 = arith.index_cast %parallel_loop3A_1268 : i32 to index
        %parallel_loop3A_1270 = arith.index_cast %parallel_loop3A_980 : i32 to index
        %parallel_loop3A_1271 = arith.constant 400 : index
        %parallel_loop3A_1272 = tpu.vector_load %arg9[%parallel_loop3A_1269, %parallel_loop3A_1270, %parallel_loop3A_1271] {strides = array<i32>} : memref<2x32x1024xf32, #tpu.memory_space<vmem>>, vector<1x1x16xf32>,
        %parallel_loop3A_1273 = vector.shape_cast %parallel_loop3A_1272 : vector<1x1x16xf32> to vector<16xf32>
        %parallel_loop3A_1274 = vector.shape_cast %parallel_loop3A_1267 : vector<16xf32> to vector<1x1x16xf32>
        tpu.vector_store %arg9[%parallel_loop3A_1269, %parallel_loop3A_1270, %parallel_loop3A_1271], %parallel_loop3A_1274 {strides = array<i32>} : memref<2x32x1024xf32, #tpu.memory_space<vmem>>, vector<1x1x16xf32>,
        %parallel_loop3A_1275 = arith.index_cast %parallel_loop3A_988 : i32 to index
        %parallel_loop3A_1276 = arith.constant 416 : index
        %parallel_loop3A_1277 = tpu.vector_load %arg10[%parallel_loop3A_1275, %parallel_loop3A_1276] {strides = array<i32>} : memref<32x1024xf32, #tpu.memory_space<vmem>>, vector<1x16xf32>,
        %parallel_loop3A_1278 = vector.shape_cast %parallel_loop3A_1277 : vector<1x16xf32> to vector<16xf32>
        %parallel_loop3A_1279 = arith.constant 1 : i32
        %parallel_loop3A_1280 = arith.index_cast %parallel_loop3A_1279 : i32 to index
        %parallel_loop3A_1281 = arith.index_cast %parallel_loop3A_980 : i32 to index
        %parallel_loop3A_1282 = arith.constant 416 : index
        %parallel_loop3A_1283 = tpu.vector_load %arg9[%parallel_loop3A_1280, %parallel_loop3A_1281, %parallel_loop3A_1282] {strides = array<i32>} : memref<2x32x1024xf32, #tpu.memory_space<vmem>>, vector<1x1x16xf32>,
        %parallel_loop3A_1284 = vector.shape_cast %parallel_loop3A_1283 : vector<1x1x16xf32> to vector<16xf32>
        %parallel_loop3A_1285 = vector.shape_cast %parallel_loop3A_1278 : vector<16xf32> to vector<1x1x16xf32>
        tpu.vector_store %arg9[%parallel_loop3A_1280, %parallel_loop3A_1281, %parallel_loop3A_1282], %parallel_loop3A_1285 {strides = array<i32>} : memref<2x32x1024xf32, #tpu.memory_space<vmem>>, vector<1x1x16xf32>,
        %parallel_loop3A_1286 = arith.index_cast %parallel_loop3A_988 : i32 to index
        %parallel_loop3A_1287 = arith.constant 432 : index
        %parallel_loop3A_1288 = tpu.vector_load %arg10[%parallel_loop3A_1286, %parallel_loop3A_1287] {strides = array<i32>} : memref<32x1024xf32, #tpu.memory_space<vmem>>, vector<1x16xf32>,
        %parallel_loop3A_1289 = vector.shape_cast %parallel_loop3A_1288 : vector<1x16xf32> to vector<16xf32>
        %parallel_loop3A_1290 = arith.constant 1 : i32
        %parallel_loop3A_1291 = arith.index_cast %parallel_loop3A_1290 : i32 to index
        %parallel_loop3A_1292 = arith.index_cast %parallel_loop3A_980 : i32 to index
        %parallel_loop3A_1293 = arith.constant 432 : index
        %parallel_loop3A_1294 = tpu.vector_load %arg9[%parallel_loop3A_1291, %parallel_loop3A_1292, %parallel_loop3A_1293] {strides = array<i32>} : memref<2x32x1024xf32, #tpu.memory_space<vmem>>, vector<1x1x16xf32>,
        %parallel_loop3A_1295 = vector.shape_cast %parallel_loop3A_1294 : vector<1x1x16xf32> to vector<16xf32>
        %parallel_loop3A_1296 = vector.shape_cast %parallel_loop3A_1289 : vector<16xf32> to vector<1x1x16xf32>
        tpu.vector_store %arg9[%parallel_loop3A_1291, %parallel_loop3A_1292, %parallel_loop3A_1293], %parallel_loop3A_1296 {strides = array<i32>} : memref<2x32x1024xf32, #tpu.memory_space<vmem>>, vector<1x1x16xf32>,
        %parallel_loop3A_1297 = arith.index_cast %parallel_loop3A_988 : i32 to index
        %parallel_loop3A_1298 = arith.constant 448 : index
        %parallel_loop3A_1299 = tpu.vector_load %arg10[%parallel_loop3A_1297, %parallel_loop3A_1298] {strides = array<i32>} : memref<32x1024xf32, #tpu.memory_space<vmem>>, vector<1x16xf32>,
        %parallel_loop3A_1300 = vector.shape_cast %parallel_loop3A_1299 : vector<1x16xf32> to vector<16xf32>
        %parallel_loop3A_1301 = arith.constant 1 : i32
        %parallel_loop3A_1302 = arith.index_cast %parallel_loop3A_1301 : i32 to index
        %parallel_loop3A_1303 = arith.index_cast %parallel_loop3A_980 : i32 to index
        %parallel_loop3A_1304 = arith.constant 448 : index
        %parallel_loop3A_1305 = tpu.vector_load %arg9[%parallel_loop3A_1302, %parallel_loop3A_1303, %parallel_loop3A_1304] {strides = array<i32>} : memref<2x32x1024xf32, #tpu.memory_space<vmem>>, vector<1x1x16xf32>,
        %parallel_loop3A_1306 = vector.shape_cast %parallel_loop3A_1305 : vector<1x1x16xf32> to vector<16xf32>
        %parallel_loop3A_1307 = vector.shape_cast %parallel_loop3A_1300 : vector<16xf32> to vector<1x1x16xf32>
        tpu.vector_store %arg9[%parallel_loop3A_1302, %parallel_loop3A_1303, %parallel_loop3A_1304], %parallel_loop3A_1307 {strides = array<i32>} : memref<2x32x1024xf32, #tpu.memory_space<vmem>>, vector<1x1x16xf32>,
        %parallel_loop3A_1308 = arith.index_cast %parallel_loop3A_988 : i32 to index
        %parallel_loop3A_1309 = arith.constant 464 : index
        %parallel_loop3A_1310 = tpu.vector_load %arg10[%parallel_loop3A_1308, %parallel_loop3A_1309] {strides = array<i32>} : memref<32x1024xf32, #tpu.memory_space<vmem>>, vector<1x16xf32>,
        %parallel_loop3A_1311 = vector.shape_cast %parallel_loop3A_1310 : vector<1x16xf32> to vector<16xf32>
        %parallel_loop3A_1312 = arith.constant 1 : i32
        %parallel_loop3A_1313 = arith.index_cast %parallel_loop3A_1312 : i32 to index
        %parallel_loop3A_1314 = arith.index_cast %parallel_loop3A_980 : i32 to index
        %parallel_loop3A_1315 = arith.constant 464 : index
        %parallel_loop3A_1316 = tpu.vector_load %arg9[%parallel_loop3A_1313, %parallel_loop3A_1314, %parallel_loop3A_1315] {strides = array<i32>} : memref<2x32x1024xf32, #tpu.memory_space<vmem>>, vector<1x1x16xf32>,
        %parallel_loop3A_1317 = vector.shape_cast %parallel_loop3A_1316 : vector<1x1x16xf32> to vector<16xf32>
        %parallel_loop3A_1318 = vector.shape_cast %parallel_loop3A_1311 : vector<16xf32> to vector<1x1x16xf32>
        tpu.vector_store %arg9[%parallel_loop3A_1313, %parallel_loop3A_1314, %parallel_loop3A_1315], %parallel_loop3A_1318 {strides = array<i32>} : memref<2x32x1024xf32, #tpu.memory_space<vmem>>, vector<1x1x16xf32>,
        %parallel_loop3A_1319 = arith.index_cast %parallel_loop3A_988 : i32 to index
        %parallel_loop3A_1320 = arith.constant 480 : index
        %parallel_loop3A_1321 = tpu.vector_load %arg10[%parallel_loop3A_1319, %parallel_loop3A_1320] {strides = array<i32>} : memref<32x1024xf32, #tpu.memory_space<vmem>>, vector<1x16xf32>,
        %parallel_loop3A_1322 = vector.shape_cast %parallel_loop3A_1321 : vector<1x16xf32> to vector<16xf32>
        %parallel_loop3A_1323 = arith.constant 1 : i32
        %parallel_loop3A_1324 = arith.index_cast %parallel_loop3A_1323 : i32 to index
        %parallel_loop3A_1325 = arith.index_cast %parallel_loop3A_980 : i32 to index
        %parallel_loop3A_1326 = arith.constant 480 : index
        %parallel_loop3A_1327 = tpu.vector_load %arg9[%parallel_loop3A_1324, %parallel_loop3A_1325, %parallel_loop3A_1326] {strides = array<i32>} : memref<2x32x1024xf32, #tpu.memory_space<vmem>>, vector<1x1x16xf32>,
        %parallel_loop3A_1328 = vector.shape_cast %parallel_loop3A_1327 : vector<1x1x16xf32> to vector<16xf32>
        %parallel_loop3A_1329 = vector.shape_cast %parallel_loop3A_1322 : vector<16xf32> to vector<1x1x16xf32>
        tpu.vector_store %arg9[%parallel_loop3A_1324, %parallel_loop3A_1325, %parallel_loop3A_1326], %parallel_loop3A_1329 {strides = array<i32>} : memref<2x32x1024xf32, #tpu.memory_space<vmem>>, vector<1x1x16xf32>,
        %parallel_loop3A_1330 = arith.index_cast %parallel_loop3A_988 : i32 to index
        %parallel_loop3A_1331 = arith.constant 496 : index
        %parallel_loop3A_1332 = tpu.vector_load %arg10[%parallel_loop3A_1330, %parallel_loop3A_1331] {strides = array<i32>} : memref<32x1024xf32, #tpu.memory_space<vmem>>, vector<1x16xf32>,
        %parallel_loop3A_1333 = vector.shape_cast %parallel_loop3A_1332 : vector<1x16xf32> to vector<16xf32>
        %parallel_loop3A_1334 = arith.constant 1 : i32
        %parallel_loop3A_1335 = arith.index_cast %parallel_loop3A_1334 : i32 to index
        %parallel_loop3A_1336 = arith.index_cast %parallel_loop3A_980 : i32 to index
        %parallel_loop3A_1337 = arith.constant 496 : index
        %parallel_loop3A_1338 = tpu.vector_load %arg9[%parallel_loop3A_1335, %parallel_loop3A_1336, %parallel_loop3A_1337] {strides = array<i32>} : memref<2x32x1024xf32, #tpu.memory_space<vmem>>, vector<1x1x16xf32>,
        %parallel_loop3A_1339 = vector.shape_cast %parallel_loop3A_1338 : vector<1x1x16xf32> to vector<16xf32>
        %parallel_loop3A_1340 = vector.shape_cast %parallel_loop3A_1333 : vector<16xf32> to vector<1x1x16xf32>
        tpu.vector_store %arg9[%parallel_loop3A_1335, %parallel_loop3A_1336, %parallel_loop3A_1337], %parallel_loop3A_1340 {strides = array<i32>} : memref<2x32x1024xf32, #tpu.memory_space<vmem>>, vector<1x1x16xf32>,
        %parallel_loop3A_1341 = arith.index_cast %parallel_loop3A_988 : i32 to index
        %parallel_loop3A_1342 = arith.constant 512 : index
        %parallel_loop3A_1343 = tpu.vector_load %arg10[%parallel_loop3A_1341, %parallel_loop3A_1342] {strides = array<i32>} : memref<32x1024xf32, #tpu.memory_space<vmem>>, vector<1x16xf32>,
        %parallel_loop3A_1344 = vector.shape_cast %parallel_loop3A_1343 : vector<1x16xf32> to vector<16xf32>
        %parallel_loop3A_1345 = arith.constant 1 : i32
        %parallel_loop3A_1346 = arith.index_cast %parallel_loop3A_1345 : i32 to index
        %parallel_loop3A_1347 = arith.index_cast %parallel_loop3A_980 : i32 to index
        %parallel_loop3A_1348 = arith.constant 512 : index
        %parallel_loop3A_1349 = tpu.vector_load %arg9[%parallel_loop3A_1346, %parallel_loop3A_1347, %parallel_loop3A_1348] {strides = array<i32>} : memref<2x32x1024xf32, #tpu.memory_space<vmem>>, vector<1x1x16xf32>,
        %parallel_loop3A_1350 = vector.shape_cast %parallel_loop3A_1349 : vector<1x1x16xf32> to vector<16xf32>
        %parallel_loop3A_1351 = vector.shape_cast %parallel_loop3A_1344 : vector<16xf32> to vector<1x1x16xf32>
        tpu.vector_store %arg9[%parallel_loop3A_1346, %parallel_loop3A_1347, %parallel_loop3A_1348], %parallel_loop3A_1351 {strides = array<i32>} : memref<2x32x1024xf32, #tpu.memory_space<vmem>>, vector<1x1x16xf32>,
        %parallel_loop3A_1352 = arith.index_cast %parallel_loop3A_988 : i32 to index
        %parallel_loop3A_1353 = arith.constant 528 : index
        %parallel_loop3A_1354 = tpu.vector_load %arg10[%parallel_loop3A_1352, %parallel_loop3A_1353] {strides = array<i32>} : memref<32x1024xf32, #tpu.memory_space<vmem>>, vector<1x16xf32>,
        %parallel_loop3A_1355 = vector.shape_cast %parallel_loop3A_1354 : vector<1x16xf32> to vector<16xf32>
        %parallel_loop3A_1356 = arith.constant 1 : i32
        %parallel_loop3A_1357 = arith.index_cast %parallel_loop3A_1356 : i32 to index
        %parallel_loop3A_1358 = arith.index_cast %parallel_loop3A_980 : i32 to index
        %parallel_loop3A_1359 = arith.constant 528 : index
        %parallel_loop3A_1360 = tpu.vector_load %arg9[%parallel_loop3A_1357, %parallel_loop3A_1358, %parallel_loop3A_1359] {strides = array<i32>} : memref<2x32x1024xf32, #tpu.memory_space<vmem>>, vector<1x1x16xf32>,
        %parallel_loop3A_1361 = vector.shape_cast %parallel_loop3A_1360 : vector<1x1x16xf32> to vector<16xf32>
        %parallel_loop3A_1362 = vector.shape_cast %parallel_loop3A_1355 : vector<16xf32> to vector<1x1x16xf32>
        tpu.vector_store %arg9[%parallel_loop3A_1357, %parallel_loop3A_1358, %parallel_loop3A_1359], %parallel_loop3A_1362 {strides = array<i32>} : memref<2x32x1024xf32, #tpu.memory_space<vmem>>, vector<1x1x16xf32>,
        %parallel_loop3A_1363 = arith.index_cast %parallel_loop3A_988 : i32 to index
        %parallel_loop3A_1364 = arith.constant 544 : index
        %parallel_loop3A_1365 = tpu.vector_load %arg10[%parallel_loop3A_1363, %parallel_loop3A_1364] {strides = array<i32>} : memref<32x1024xf32, #tpu.memory_space<vmem>>, vector<1x16xf32>,
        %parallel_loop3A_1366 = vector.shape_cast %parallel_loop3A_1365 : vector<1x16xf32> to vector<16xf32>
        %parallel_loop3A_1367 = arith.constant 1 : i32
        %parallel_loop3A_1368 = arith.index_cast %parallel_loop3A_1367 : i32 to index
        %parallel_loop3A_1369 = arith.index_cast %parallel_loop3A_980 : i32 to index
        %parallel_loop3A_1370 = arith.constant 544 : index
        %parallel_loop3A_1371 = tpu.vector_load %arg9[%parallel_loop3A_1368, %parallel_loop3A_1369, %parallel_loop3A_1370] {strides = array<i32>} : memref<2x32x1024xf32, #tpu.memory_space<vmem>>, vector<1x1x16xf32>,
        %parallel_loop3A_1372 = vector.shape_cast %parallel_loop3A_1371 : vector<1x1x16xf32> to vector<16xf32>
        %parallel_loop3A_1373 = vector.shape_cast %parallel_loop3A_1366 : vector<16xf32> to vector<1x1x16xf32>
        tpu.vector_store %arg9[%parallel_loop3A_1368, %parallel_loop3A_1369, %parallel_loop3A_1370], %parallel_loop3A_1373 {strides = array<i32>} : memref<2x32x1024xf32, #tpu.memory_space<vmem>>, vector<1x1x16xf32>,
        %parallel_loop3A_1374 = arith.index_cast %parallel_loop3A_988 : i32 to index
        %parallel_loop3A_1375 = arith.constant 560 : index
        %parallel_loop3A_1376 = tpu.vector_load %arg10[%parallel_loop3A_1374, %parallel_loop3A_1375] {strides = array<i32>} : memref<32x1024xf32, #tpu.memory_space<vmem>>, vector<1x16xf32>,
        %parallel_loop3A_1377 = vector.shape_cast %parallel_loop3A_1376 : vector<1x16xf32> to vector<16xf32>
        %parallel_loop3A_1378 = arith.constant 1 : i32
        %parallel_loop3A_1379 = arith.index_cast %parallel_loop3A_1378 : i32 to index
        %parallel_loop3A_1380 = arith.index_cast %parallel_loop3A_980 : i32 to index
        %parallel_loop3A_1381 = arith.constant 560 : index
        %parallel_loop3A_1382 = tpu.vector_load %arg9[%parallel_loop3A_1379, %parallel_loop3A_1380, %parallel_loop3A_1381] {strides = array<i32>} : memref<2x32x1024xf32, #tpu.memory_space<vmem>>, vector<1x1x16xf32>,
        %parallel_loop3A_1383 = vector.shape_cast %parallel_loop3A_1382 : vector<1x1x16xf32> to vector<16xf32>
        %parallel_loop3A_1384 = vector.shape_cast %parallel_loop3A_1377 : vector<16xf32> to vector<1x1x16xf32>
        tpu.vector_store %arg9[%parallel_loop3A_1379, %parallel_loop3A_1380, %parallel_loop3A_1381], %parallel_loop3A_1384 {strides = array<i32>} : memref<2x32x1024xf32, #tpu.memory_space<vmem>>, vector<1x1x16xf32>,
        %parallel_loop3A_1385 = arith.index_cast %parallel_loop3A_988 : i32 to index
        %parallel_loop3A_1386 = arith.constant 576 : index
        %parallel_loop3A_1387 = tpu.vector_load %arg10[%parallel_loop3A_1385, %parallel_loop3A_1386] {strides = array<i32>} : memref<32x1024xf32, #tpu.memory_space<vmem>>, vector<1x16xf32>,
        %parallel_loop3A_1388 = vector.shape_cast %parallel_loop3A_1387 : vector<1x16xf32> to vector<16xf32>
        %parallel_loop3A_1389 = arith.constant 1 : i32
        %parallel_loop3A_1390 = arith.index_cast %parallel_loop3A_1389 : i32 to index
        %parallel_loop3A_1391 = arith.index_cast %parallel_loop3A_980 : i32 to index
        %parallel_loop3A_1392 = arith.constant 576 : index
        %parallel_loop3A_1393 = tpu.vector_load %arg9[%parallel_loop3A_1390, %parallel_loop3A_1391, %parallel_loop3A_1392] {strides = array<i32>} : memref<2x32x1024xf32, #tpu.memory_space<vmem>>, vector<1x1x16xf32>,
        %parallel_loop3A_1394 = vector.shape_cast %parallel_loop3A_1393 : vector<1x1x16xf32> to vector<16xf32>
        %parallel_loop3A_1395 = vector.shape_cast %parallel_loop3A_1388 : vector<16xf32> to vector<1x1x16xf32>
        tpu.vector_store %arg9[%parallel_loop3A_1390, %parallel_loop3A_1391, %parallel_loop3A_1392], %parallel_loop3A_1395 {strides = array<i32>} : memref<2x32x1024xf32, #tpu.memory_space<vmem>>, vector<1x1x16xf32>,
        %parallel_loop3A_1396 = arith.index_cast %parallel_loop3A_988 : i32 to index
        %parallel_loop3A_1397 = arith.constant 592 : index
        %parallel_loop3A_1398 = tpu.vector_load %arg10[%parallel_loop3A_1396, %parallel_loop3A_1397] {strides = array<i32>} : memref<32x1024xf32, #tpu.memory_space<vmem>>, vector<1x16xf32>,
        %parallel_loop3A_1399 = vector.shape_cast %parallel_loop3A_1398 : vector<1x16xf32> to vector<16xf32>
        %parallel_loop3A_1400 = arith.constant 1 : i32
        %parallel_loop3A_1401 = arith.index_cast %parallel_loop3A_1400 : i32 to index
        %parallel_loop3A_1402 = arith.index_cast %parallel_loop3A_980 : i32 to index
        %parallel_loop3A_1403 = arith.constant 592 : index
        %parallel_loop3A_1404 = tpu.vector_load %arg9[%parallel_loop3A_1401, %parallel_loop3A_1402, %parallel_loop3A_1403] {strides = array<i32>} : memref<2x32x1024xf32, #tpu.memory_space<vmem>>, vector<1x1x16xf32>,
        %parallel_loop3A_1405 = vector.shape_cast %parallel_loop3A_1404 : vector<1x1x16xf32> to vector<16xf32>
        %parallel_loop3A_1406 = vector.shape_cast %parallel_loop3A_1399 : vector<16xf32> to vector<1x1x16xf32>
        tpu.vector_store %arg9[%parallel_loop3A_1401, %parallel_loop3A_1402, %parallel_loop3A_1403], %parallel_loop3A_1406 {strides = array<i32>} : memref<2x32x1024xf32, #tpu.memory_space<vmem>>, vector<1x1x16xf32>,
        %parallel_loop3A_1407 = arith.index_cast %parallel_loop3A_988 : i32 to index
        %parallel_loop3A_1408 = arith.constant 608 : index
        %parallel_loop3A_1409 = tpu.vector_load %arg10[%parallel_loop3A_1407, %parallel_loop3A_1408] {strides = array<i32>} : memref<32x1024xf32, #tpu.memory_space<vmem>>, vector<1x16xf32>,
        %parallel_loop3A_1410 = vector.shape_cast %parallel_loop3A_1409 : vector<1x16xf32> to vector<16xf32>
        %parallel_loop3A_1411 = arith.constant 1 : i32
        %parallel_loop3A_1412 = arith.index_cast %parallel_loop3A_1411 : i32 to index
        %parallel_loop3A_1413 = arith.index_cast %parallel_loop3A_980 : i32 to index
        %parallel_loop3A_1414 = arith.constant 608 : index
        %parallel_loop3A_1415 = tpu.vector_load %arg9[%parallel_loop3A_1412, %parallel_loop3A_1413, %parallel_loop3A_1414] {strides = array<i32>} : memref<2x32x1024xf32, #tpu.memory_space<vmem>>, vector<1x1x16xf32>,
        %parallel_loop3A_1416 = vector.shape_cast %parallel_loop3A_1415 : vector<1x1x16xf32> to vector<16xf32>
        %parallel_loop3A_1417 = vector.shape_cast %parallel_loop3A_1410 : vector<16xf32> to vector<1x1x16xf32>
        tpu.vector_store %arg9[%parallel_loop3A_1412, %parallel_loop3A_1413, %parallel_loop3A_1414], %parallel_loop3A_1417 {strides = array<i32>} : memref<2x32x1024xf32, #tpu.memory_space<vmem>>, vector<1x1x16xf32>,
        %parallel_loop3A_1418 = arith.index_cast %parallel_loop3A_988 : i32 to index
        %parallel_loop3A_1419 = arith.constant 624 : index
        %parallel_loop3A_1420 = tpu.vector_load %arg10[%parallel_loop3A_1418, %parallel_loop3A_1419] {strides = array<i32>} : memref<32x1024xf32, #tpu.memory_space<vmem>>, vector<1x16xf32>,
        %parallel_loop3A_1421 = vector.shape_cast %parallel_loop3A_1420 : vector<1x16xf32> to vector<16xf32>
        %parallel_loop3A_1422 = arith.constant 1 : i32
        %parallel_loop3A_1423 = arith.index_cast %parallel_loop3A_1422 : i32 to index
        %parallel_loop3A_1424 = arith.index_cast %parallel_loop3A_980 : i32 to index
        %parallel_loop3A_1425 = arith.constant 624 : index
        %parallel_loop3A_1426 = tpu.vector_load %arg9[%parallel_loop3A_1423, %parallel_loop3A_1424, %parallel_loop3A_1425] {strides = array<i32>} : memref<2x32x1024xf32, #tpu.memory_space<vmem>>, vector<1x1x16xf32>,
        %parallel_loop3A_1427 = vector.shape_cast %parallel_loop3A_1426 : vector<1x1x16xf32> to vector<16xf32>
        %parallel_loop3A_1428 = vector.shape_cast %parallel_loop3A_1421 : vector<16xf32> to vector<1x1x16xf32>
        tpu.vector_store %arg9[%parallel_loop3A_1423, %parallel_loop3A_1424, %parallel_loop3A_1425], %parallel_loop3A_1428 {strides = array<i32>} : memref<2x32x1024xf32, #tpu.memory_space<vmem>>, vector<1x1x16xf32>,
        %parallel_loop3A_1429 = arith.index_cast %parallel_loop3A_988 : i32 to index
        %parallel_loop3A_1430 = arith.constant 640 : index
        %parallel_loop3A_1431 = tpu.vector_load %arg10[%parallel_loop3A_1429, %parallel_loop3A_1430] {strides = array<i32>} : memref<32x1024xf32, #tpu.memory_space<vmem>>, vector<1x16xf32>,
        %parallel_loop3A_1432 = vector.shape_cast %parallel_loop3A_1431 : vector<1x16xf32> to vector<16xf32>
        %parallel_loop3A_1433 = arith.constant 1 : i32
        %parallel_loop3A_1434 = arith.index_cast %parallel_loop3A_1433 : i32 to index
        %parallel_loop3A_1435 = arith.index_cast %parallel_loop3A_980 : i32 to index
        %parallel_loop3A_1436 = arith.constant 640 : index
        %parallel_loop3A_1437 = tpu.vector_load %arg9[%parallel_loop3A_1434, %parallel_loop3A_1435, %parallel_loop3A_1436] {strides = array<i32>} : memref<2x32x1024xf32, #tpu.memory_space<vmem>>, vector<1x1x16xf32>,
        %parallel_loop3A_1438 = vector.shape_cast %parallel_loop3A_1437 : vector<1x1x16xf32> to vector<16xf32>
        %parallel_loop3A_1439 = vector.shape_cast %parallel_loop3A_1432 : vector<16xf32> to vector<1x1x16xf32>
        tpu.vector_store %arg9[%parallel_loop3A_1434, %parallel_loop3A_1435, %parallel_loop3A_1436], %parallel_loop3A_1439 {strides = array<i32>} : memref<2x32x1024xf32, #tpu.memory_space<vmem>>, vector<1x1x16xf32>,
        %parallel_loop3A_1440 = arith.index_cast %parallel_loop3A_988 : i32 to index
        %parallel_loop3A_1441 = arith.constant 656 : index
        %parallel_loop3A_1442 = tpu.vector_load %arg10[%parallel_loop3A_1440, %parallel_loop3A_1441] {strides = array<i32>} : memref<32x1024xf32, #tpu.memory_space<vmem>>, vector<1x16xf32>,
        %parallel_loop3A_1443 = vector.shape_cast %parallel_loop3A_1442 : vector<1x16xf32> to vector<16xf32>
        %parallel_loop3A_1444 = arith.constant 1 : i32
        %parallel_loop3A_1445 = arith.index_cast %parallel_loop3A_1444 : i32 to index
        %parallel_loop3A_1446 = arith.index_cast %parallel_loop3A_980 : i32 to index
        %parallel_loop3A_1447 = arith.constant 656 : index
        %parallel_loop3A_1448 = tpu.vector_load %arg9[%parallel_loop3A_1445, %parallel_loop3A_1446, %parallel_loop3A_1447] {strides = array<i32>} : memref<2x32x1024xf32, #tpu.memory_space<vmem>>, vector<1x1x16xf32>,
        %parallel_loop3A_1449 = vector.shape_cast %parallel_loop3A_1448 : vector<1x1x16xf32> to vector<16xf32>
        %parallel_loop3A_1450 = vector.shape_cast %parallel_loop3A_1443 : vector<16xf32> to vector<1x1x16xf32>
        tpu.vector_store %arg9[%parallel_loop3A_1445, %parallel_loop3A_1446, %parallel_loop3A_1447], %parallel_loop3A_1450 {strides = array<i32>} : memref<2x32x1024xf32, #tpu.memory_space<vmem>>, vector<1x1x16xf32>,
        %parallel_loop3A_1451 = arith.index_cast %parallel_loop3A_988 : i32 to index
        %parallel_loop3A_1452 = arith.constant 672 : index
        %parallel_loop3A_1453 = tpu.vector_load %arg10[%parallel_loop3A_1451, %parallel_loop3A_1452] {strides = array<i32>} : memref<32x1024xf32, #tpu.memory_space<vmem>>, vector<1x16xf32>,
        %parallel_loop3A_1454 = vector.shape_cast %parallel_loop3A_1453 : vector<1x16xf32> to vector<16xf32>
        %parallel_loop3A_1455 = arith.constant 1 : i32
        %parallel_loop3A_1456 = arith.index_cast %parallel_loop3A_1455 : i32 to index
        %parallel_loop3A_1457 = arith.index_cast %parallel_loop3A_980 : i32 to index
        %parallel_loop3A_1458 = arith.constant 672 : index
        %parallel_loop3A_1459 = tpu.vector_load %arg9[%parallel_loop3A_1456, %parallel_loop3A_1457, %parallel_loop3A_1458] {strides = array<i32>} : memref<2x32x1024xf32, #tpu.memory_space<vmem>>, vector<1x1x16xf32>,
        %parallel_loop3A_1460 = vector.shape_cast %parallel_loop3A_1459 : vector<1x1x16xf32> to vector<16xf32>
        %parallel_loop3A_1461 = vector.shape_cast %parallel_loop3A_1454 : vector<16xf32> to vector<1x1x16xf32>
        tpu.vector_store %arg9[%parallel_loop3A_1456, %parallel_loop3A_1457, %parallel_loop3A_1458], %parallel_loop3A_1461 {strides = array<i32>} : memref<2x32x1024xf32, #tpu.memory_space<vmem>>, vector<1x1x16xf32>,
        %parallel_loop3A_1462 = arith.index_cast %parallel_loop3A_988 : i32 to index
        %parallel_loop3A_1463 = arith.constant 688 : index
        %parallel_loop3A_1464 = tpu.vector_load %arg10[%parallel_loop3A_1462, %parallel_loop3A_1463] {strides = array<i32>} : memref<32x1024xf32, #tpu.memory_space<vmem>>, vector<1x16xf32>,
        %parallel_loop3A_1465 = vector.shape_cast %parallel_loop3A_1464 : vector<1x16xf32> to vector<16xf32>
        %parallel_loop3A_1466 = arith.constant 1 : i32
        %parallel_loop3A_1467 = arith.index_cast %parallel_loop3A_1466 : i32 to index
        %parallel_loop3A_1468 = arith.index_cast %parallel_loop3A_980 : i32 to index
        %parallel_loop3A_1469 = arith.constant 688 : index
        %parallel_loop3A_1470 = tpu.vector_load %arg9[%parallel_loop3A_1467, %parallel_loop3A_1468, %parallel_loop3A_1469] {strides = array<i32>} : memref<2x32x1024xf32, #tpu.memory_space<vmem>>, vector<1x1x16xf32>,
        %parallel_loop3A_1471 = vector.shape_cast %parallel_loop3A_1470 : vector<1x1x16xf32> to vector<16xf32>
        %parallel_loop3A_1472 = vector.shape_cast %parallel_loop3A_1465 : vector<16xf32> to vector<1x1x16xf32>
        tpu.vector_store %arg9[%parallel_loop3A_1467, %parallel_loop3A_1468, %parallel_loop3A_1469], %parallel_loop3A_1472 {strides = array<i32>} : memref<2x32x1024xf32, #tpu.memory_space<vmem>>, vector<1x1x16xf32>,
        %parallel_loop3A_1473 = arith.index_cast %parallel_loop3A_988 : i32 to index
        %parallel_loop3A_1474 = arith.constant 704 : index
        %parallel_loop3A_1475 = tpu.vector_load %arg10[%parallel_loop3A_1473, %parallel_loop3A_1474] {strides = array<i32>} : memref<32x1024xf32, #tpu.memory_space<vmem>>, vector<1x16xf32>,
        %parallel_loop3A_1476 = vector.shape_cast %parallel_loop3A_1475 : vector<1x16xf32> to vector<16xf32>
        %parallel_loop3A_1477 = arith.constant 1 : i32
        %parallel_loop3A_1478 = arith.index_cast %parallel_loop3A_1477 : i32 to index
        %parallel_loop3A_1479 = arith.index_cast %parallel_loop3A_980 : i32 to index
        %parallel_loop3A_1480 = arith.constant 704 : index
        %parallel_loop3A_1481 = tpu.vector_load %arg9[%parallel_loop3A_1478, %parallel_loop3A_1479, %parallel_loop3A_1480] {strides = array<i32>} : memref<2x32x1024xf32, #tpu.memory_space<vmem>>, vector<1x1x16xf32>,
        %parallel_loop3A_1482 = vector.shape_cast %parallel_loop3A_1481 : vector<1x1x16xf32> to vector<16xf32>
        %parallel_loop3A_1483 = vector.shape_cast %parallel_loop3A_1476 : vector<16xf32> to vector<1x1x16xf32>
        tpu.vector_store %arg9[%parallel_loop3A_1478, %parallel_loop3A_1479, %parallel_loop3A_1480], %parallel_loop3A_1483 {strides = array<i32>} : memref<2x32x1024xf32, #tpu.memory_space<vmem>>, vector<1x1x16xf32>,
        %parallel_loop3A_1484 = arith.index_cast %parallel_loop3A_988 : i32 to index
        %parallel_loop3A_1485 = arith.constant 720 : index
        %parallel_loop3A_1486 = tpu.vector_load %arg10[%parallel_loop3A_1484, %parallel_loop3A_1485] {strides = array<i32>} : memref<32x1024xf32, #tpu.memory_space<vmem>>, vector<1x16xf32>,
        %parallel_loop3A_1487 = vector.shape_cast %parallel_loop3A_1486 : vector<1x16xf32> to vector<16xf32>
        %parallel_loop3A_1488 = arith.constant 1 : i32
        %parallel_loop3A_1489 = arith.index_cast %parallel_loop3A_1488 : i32 to index
        %parallel_loop3A_1490 = arith.index_cast %parallel_loop3A_980 : i32 to index
        %parallel_loop3A_1491 = arith.constant 720 : index
        %parallel_loop3A_1492 = tpu.vector_load %arg9[%parallel_loop3A_1489, %parallel_loop3A_1490, %parallel_loop3A_1491] {strides = array<i32>} : memref<2x32x1024xf32, #tpu.memory_space<vmem>>, vector<1x1x16xf32>,
        %parallel_loop3A_1493 = vector.shape_cast %parallel_loop3A_1492 : vector<1x1x16xf32> to vector<16xf32>
        %parallel_loop3A_1494 = vector.shape_cast %parallel_loop3A_1487 : vector<16xf32> to vector<1x1x16xf32>
        tpu.vector_store %arg9[%parallel_loop3A_1489, %parallel_loop3A_1490, %parallel_loop3A_1491], %parallel_loop3A_1494 {strides = array<i32>} : memref<2x32x1024xf32, #tpu.memory_space<vmem>>, vector<1x1x16xf32>,
        %parallel_loop3A_1495 = arith.index_cast %parallel_loop3A_988 : i32 to index
        %parallel_loop3A_1496 = arith.constant 736 : index
        %parallel_loop3A_1497 = tpu.vector_load %arg10[%parallel_loop3A_1495, %parallel_loop3A_1496] {strides = array<i32>} : memref<32x1024xf32, #tpu.memory_space<vmem>>, vector<1x16xf32>,
        %parallel_loop3A_1498 = vector.shape_cast %parallel_loop3A_1497 : vector<1x16xf32> to vector<16xf32>
        %parallel_loop3A_1499 = arith.constant 1 : i32
        %parallel_loop3A_1500 = arith.index_cast %parallel_loop3A_1499 : i32 to index
        %parallel_loop3A_1501 = arith.index_cast %parallel_loop3A_980 : i32 to index
        %parallel_loop3A_1502 = arith.constant 736 : index
        %parallel_loop3A_1503 = tpu.vector_load %arg9[%parallel_loop3A_1500, %parallel_loop3A_1501, %parallel_loop3A_1502] {strides = array<i32>} : memref<2x32x1024xf32, #tpu.memory_space<vmem>>, vector<1x1x16xf32>,
        %parallel_loop3A_1504 = vector.shape_cast %parallel_loop3A_1503 : vector<1x1x16xf32> to vector<16xf32>
        %parallel_loop3A_1505 = vector.shape_cast %parallel_loop3A_1498 : vector<16xf32> to vector<1x1x16xf32>
        tpu.vector_store %arg9[%parallel_loop3A_1500, %parallel_loop3A_1501, %parallel_loop3A_1502], %parallel_loop3A_1505 {strides = array<i32>} : memref<2x32x1024xf32, #tpu.memory_space<vmem>>, vector<1x1x16xf32>,
        %parallel_loop3A_1506 = arith.index_cast %parallel_loop3A_988 : i32 to index
        %parallel_loop3A_1507 = arith.constant 752 : index
        %parallel_loop3A_1508 = tpu.vector_load %arg10[%parallel_loop3A_1506, %parallel_loop3A_1507] {strides = array<i32>} : memref<32x1024xf32, #tpu.memory_space<vmem>>, vector<1x16xf32>,
        %parallel_loop3A_1509 = vector.shape_cast %parallel_loop3A_1508 : vector<1x16xf32> to vector<16xf32>
        %parallel_loop3A_1510 = arith.constant 1 : i32
        %parallel_loop3A_1511 = arith.index_cast %parallel_loop3A_1510 : i32 to index
        %parallel_loop3A_1512 = arith.index_cast %parallel_loop3A_980 : i32 to index
        %parallel_loop3A_1513 = arith.constant 752 : index
        %parallel_loop3A_1514 = tpu.vector_load %arg9[%parallel_loop3A_1511, %parallel_loop3A_1512, %parallel_loop3A_1513] {strides = array<i32>} : memref<2x32x1024xf32, #tpu.memory_space<vmem>>, vector<1x1x16xf32>,
        %parallel_loop3A_1515 = vector.shape_cast %parallel_loop3A_1514 : vector<1x1x16xf32> to vector<16xf32>
        %parallel_loop3A_1516 = vector.shape_cast %parallel_loop3A_1509 : vector<16xf32> to vector<1x1x16xf32>
        tpu.vector_store %arg9[%parallel_loop3A_1511, %parallel_loop3A_1512, %parallel_loop3A_1513], %parallel_loop3A_1516 {strides = array<i32>} : memref<2x32x1024xf32, #tpu.memory_space<vmem>>, vector<1x1x16xf32>,
        %parallel_loop3A_1517 = arith.index_cast %parallel_loop3A_988 : i32 to index
        %parallel_loop3A_1518 = arith.constant 768 : index
        %parallel_loop3A_1519 = tpu.vector_load %arg10[%parallel_loop3A_1517, %parallel_loop3A_1518] {strides = array<i32>} : memref<32x1024xf32, #tpu.memory_space<vmem>>, vector<1x16xf32>,
        %parallel_loop3A_1520 = vector.shape_cast %parallel_loop3A_1519 : vector<1x16xf32> to vector<16xf32>
        %parallel_loop3A_1521 = arith.constant 1 : i32
        %parallel_loop3A_1522 = arith.index_cast %parallel_loop3A_1521 : i32 to index
        %parallel_loop3A_1523 = arith.index_cast %parallel_loop3A_980 : i32 to index
        %parallel_loop3A_1524 = arith.constant 768 : index
        %parallel_loop3A_1525 = tpu.vector_load %arg9[%parallel_loop3A_1522, %parallel_loop3A_1523, %parallel_loop3A_1524] {strides = array<i32>} : memref<2x32x1024xf32, #tpu.memory_space<vmem>>, vector<1x1x16xf32>,
        %parallel_loop3A_1526 = vector.shape_cast %parallel_loop3A_1525 : vector<1x1x16xf32> to vector<16xf32>
        %parallel_loop3A_1527 = vector.shape_cast %parallel_loop3A_1520 : vector<16xf32> to vector<1x1x16xf32>
        tpu.vector_store %arg9[%parallel_loop3A_1522, %parallel_loop3A_1523, %parallel_loop3A_1524], %parallel_loop3A_1527 {strides = array<i32>} : memref<2x32x1024xf32, #tpu.memory_space<vmem>>, vector<1x1x16xf32>,
        %parallel_loop3A_1528 = arith.index_cast %parallel_loop3A_988 : i32 to index
        %parallel_loop3A_1529 = arith.constant 784 : index
        %parallel_loop3A_1530 = tpu.vector_load %arg10[%parallel_loop3A_1528, %parallel_loop3A_1529] {strides = array<i32>} : memref<32x1024xf32, #tpu.memory_space<vmem>>, vector<1x16xf32>,
        %parallel_loop3A_1531 = vector.shape_cast %parallel_loop3A_1530 : vector<1x16xf32> to vector<16xf32>
        %parallel_loop3A_1532 = arith.constant 1 : i32
        %parallel_loop3A_1533 = arith.index_cast %parallel_loop3A_1532 : i32 to index
        %parallel_loop3A_1534 = arith.index_cast %parallel_loop3A_980 : i32 to index
        %parallel_loop3A_1535 = arith.constant 784 : index
        %parallel_loop3A_1536 = tpu.vector_load %arg9[%parallel_loop3A_1533, %parallel_loop3A_1534, %parallel_loop3A_1535] {strides = array<i32>} : memref<2x32x1024xf32, #tpu.memory_space<vmem>>, vector<1x1x16xf32>,
        %parallel_loop3A_1537 = vector.shape_cast %parallel_loop3A_1536 : vector<1x1x16xf32> to vector<16xf32>
        %parallel_loop3A_1538 = vector.shape_cast %parallel_loop3A_1531 : vector<16xf32> to vector<1x1x16xf32>
        tpu.vector_store %arg9[%parallel_loop3A_1533, %parallel_loop3A_1534, %parallel_loop3A_1535], %parallel_loop3A_1538 {strides = array<i32>} : memref<2x32x1024xf32, #tpu.memory_space<vmem>>, vector<1x1x16xf32>,
        %parallel_loop3A_1539 = arith.index_cast %parallel_loop3A_988 : i32 to index
        %parallel_loop3A_1540 = arith.constant 800 : index
        %parallel_loop3A_1541 = tpu.vector_load %arg10[%parallel_loop3A_1539, %parallel_loop3A_1540] {strides = array<i32>} : memref<32x1024xf32, #tpu.memory_space<vmem>>, vector<1x16xf32>,
        %parallel_loop3A_1542 = vector.shape_cast %parallel_loop3A_1541 : vector<1x16xf32> to vector<16xf32>
        %parallel_loop3A_1543 = arith.constant 1 : i32
        %parallel_loop3A_1544 = arith.index_cast %parallel_loop3A_1543 : i32 to index
        %parallel_loop3A_1545 = arith.index_cast %parallel_loop3A_980 : i32 to index
        %parallel_loop3A_1546 = arith.constant 800 : index
        %parallel_loop3A_1547 = tpu.vector_load %arg9[%parallel_loop3A_1544, %parallel_loop3A_1545, %parallel_loop3A_1546] {strides = array<i32>} : memref<2x32x1024xf32, #tpu.memory_space<vmem>>, vector<1x1x16xf32>,
        %parallel_loop3A_1548 = vector.shape_cast %parallel_loop3A_1547 : vector<1x1x16xf32> to vector<16xf32>
        %parallel_loop3A_1549 = vector.shape_cast %parallel_loop3A_1542 : vector<16xf32> to vector<1x1x16xf32>
        tpu.vector_store %arg9[%parallel_loop3A_1544, %parallel_loop3A_1545, %parallel_loop3A_1546], %parallel_loop3A_1549 {strides = array<i32>} : memref<2x32x1024xf32, #tpu.memory_space<vmem>>, vector<1x1x16xf32>,
        %parallel_loop3A_1550 = arith.index_cast %parallel_loop3A_988 : i32 to index
        %parallel_loop3A_1551 = arith.constant 816 : index
        %parallel_loop3A_1552 = tpu.vector_load %arg10[%parallel_loop3A_1550, %parallel_loop3A_1551] {strides = array<i32>} : memref<32x1024xf32, #tpu.memory_space<vmem>>, vector<1x16xf32>,
        %parallel_loop3A_1553 = vector.shape_cast %parallel_loop3A_1552 : vector<1x16xf32> to vector<16xf32>
        %parallel_loop3A_1554 = arith.constant 1 : i32
        %parallel_loop3A_1555 = arith.index_cast %parallel_loop3A_1554 : i32 to index
        %parallel_loop3A_1556 = arith.index_cast %parallel_loop3A_980 : i32 to index
        %parallel_loop3A_1557 = arith.constant 816 : index
        %parallel_loop3A_1558 = tpu.vector_load %arg9[%parallel_loop3A_1555, %parallel_loop3A_1556, %parallel_loop3A_1557] {strides = array<i32>} : memref<2x32x1024xf32, #tpu.memory_space<vmem>>, vector<1x1x16xf32>,
        %parallel_loop3A_1559 = vector.shape_cast %parallel_loop3A_1558 : vector<1x1x16xf32> to vector<16xf32>
        %parallel_loop3A_1560 = vector.shape_cast %parallel_loop3A_1553 : vector<16xf32> to vector<1x1x16xf32>
        tpu.vector_store %arg9[%parallel_loop3A_1555, %parallel_loop3A_1556, %parallel_loop3A_1557], %parallel_loop3A_1560 {strides = array<i32>} : memref<2x32x1024xf32, #tpu.memory_space<vmem>>, vector<1x1x16xf32>,
        %parallel_loop3A_1561 = arith.index_cast %parallel_loop3A_988 : i32 to index
        %parallel_loop3A_1562 = arith.constant 832 : index
        %parallel_loop3A_1563 = tpu.vector_load %arg10[%parallel_loop3A_1561, %parallel_loop3A_1562] {strides = array<i32>} : memref<32x1024xf32, #tpu.memory_space<vmem>>, vector<1x16xf32>,
        %parallel_loop3A_1564 = vector.shape_cast %parallel_loop3A_1563 : vector<1x16xf32> to vector<16xf32>
        %parallel_loop3A_1565 = arith.constant 1 : i32
        %parallel_loop3A_1566 = arith.index_cast %parallel_loop3A_1565 : i32 to index
        %parallel_loop3A_1567 = arith.index_cast %parallel_loop3A_980 : i32 to index
        %parallel_loop3A_1568 = arith.constant 832 : index
        %parallel_loop3A_1569 = tpu.vector_load %arg9[%parallel_loop3A_1566, %parallel_loop3A_1567, %parallel_loop3A_1568] {strides = array<i32>} : memref<2x32x1024xf32, #tpu.memory_space<vmem>>, vector<1x1x16xf32>,
        %parallel_loop3A_1570 = vector.shape_cast %parallel_loop3A_1569 : vector<1x1x16xf32> to vector<16xf32>
        %parallel_loop3A_1571 = vector.shape_cast %parallel_loop3A_1564 : vector<16xf32> to vector<1x1x16xf32>
        tpu.vector_store %arg9[%parallel_loop3A_1566, %parallel_loop3A_1567, %parallel_loop3A_1568], %parallel_loop3A_1571 {strides = array<i32>} : memref<2x32x1024xf32, #tpu.memory_space<vmem>>, vector<1x1x16xf32>,
        %parallel_loop3A_1572 = arith.index_cast %parallel_loop3A_988 : i32 to index
        %parallel_loop3A_1573 = arith.constant 848 : index
        %parallel_loop3A_1574 = tpu.vector_load %arg10[%parallel_loop3A_1572, %parallel_loop3A_1573] {strides = array<i32>} : memref<32x1024xf32, #tpu.memory_space<vmem>>, vector<1x16xf32>,
        %parallel_loop3A_1575 = vector.shape_cast %parallel_loop3A_1574 : vector<1x16xf32> to vector<16xf32>
        %parallel_loop3A_1576 = arith.constant 1 : i32
        %parallel_loop3A_1577 = arith.index_cast %parallel_loop3A_1576 : i32 to index
        %parallel_loop3A_1578 = arith.index_cast %parallel_loop3A_980 : i32 to index
        %parallel_loop3A_1579 = arith.constant 848 : index
        %parallel_loop3A_1580 = tpu.vector_load %arg9[%parallel_loop3A_1577, %parallel_loop3A_1578, %parallel_loop3A_1579] {strides = array<i32>} : memref<2x32x1024xf32, #tpu.memory_space<vmem>>, vector<1x1x16xf32>,
        %parallel_loop3A_1581 = vector.shape_cast %parallel_loop3A_1580 : vector<1x1x16xf32> to vector<16xf32>
        %parallel_loop3A_1582 = vector.shape_cast %parallel_loop3A_1575 : vector<16xf32> to vector<1x1x16xf32>
        tpu.vector_store %arg9[%parallel_loop3A_1577, %parallel_loop3A_1578, %parallel_loop3A_1579], %parallel_loop3A_1582 {strides = array<i32>} : memref<2x32x1024xf32, #tpu.memory_space<vmem>>, vector<1x1x16xf32>,
        %parallel_loop3A_1583 = arith.index_cast %parallel_loop3A_988 : i32 to index
        %parallel_loop3A_1584 = arith.constant 864 : index
        %parallel_loop3A_1585 = tpu.vector_load %arg10[%parallel_loop3A_1583, %parallel_loop3A_1584] {strides = array<i32>} : memref<32x1024xf32, #tpu.memory_space<vmem>>, vector<1x16xf32>,
        %parallel_loop3A_1586 = vector.shape_cast %parallel_loop3A_1585 : vector<1x16xf32> to vector<16xf32>
        %parallel_loop3A_1587 = arith.constant 1 : i32
        %parallel_loop3A_1588 = arith.index_cast %parallel_loop3A_1587 : i32 to index
        %parallel_loop3A_1589 = arith.index_cast %parallel_loop3A_980 : i32 to index
        %parallel_loop3A_1590 = arith.constant 864 : index
        %parallel_loop3A_1591 = tpu.vector_load %arg9[%parallel_loop3A_1588, %parallel_loop3A_1589, %parallel_loop3A_1590] {strides = array<i32>} : memref<2x32x1024xf32, #tpu.memory_space<vmem>>, vector<1x1x16xf32>,
        %parallel_loop3A_1592 = vector.shape_cast %parallel_loop3A_1591 : vector<1x1x16xf32> to vector<16xf32>
        %parallel_loop3A_1593 = vector.shape_cast %parallel_loop3A_1586 : vector<16xf32> to vector<1x1x16xf32>
        tpu.vector_store %arg9[%parallel_loop3A_1588, %parallel_loop3A_1589, %parallel_loop3A_1590], %parallel_loop3A_1593 {strides = array<i32>} : memref<2x32x1024xf32, #tpu.memory_space<vmem>>, vector<1x1x16xf32>,
        %parallel_loop3A_1594 = arith.index_cast %parallel_loop3A_988 : i32 to index
        %parallel_loop3A_1595 = arith.constant 880 : index
        %parallel_loop3A_1596 = tpu.vector_load %arg10[%parallel_loop3A_1594, %parallel_loop3A_1595] {strides = array<i32>} : memref<32x1024xf32, #tpu.memory_space<vmem>>, vector<1x16xf32>,
        %parallel_loop3A_1597 = vector.shape_cast %parallel_loop3A_1596 : vector<1x16xf32> to vector<16xf32>
        %parallel_loop3A_1598 = arith.constant 1 : i32
        %parallel_loop3A_1599 = arith.index_cast %parallel_loop3A_1598 : i32 to index
        %parallel_loop3A_1600 = arith.index_cast %parallel_loop3A_980 : i32 to index
        %parallel_loop3A_1601 = arith.constant 880 : index
        %parallel_loop3A_1602 = tpu.vector_load %arg9[%parallel_loop3A_1599, %parallel_loop3A_1600, %parallel_loop3A_1601] {strides = array<i32>} : memref<2x32x1024xf32, #tpu.memory_space<vmem>>, vector<1x1x16xf32>,
        %parallel_loop3A_1603 = vector.shape_cast %parallel_loop3A_1602 : vector<1x1x16xf32> to vector<16xf32>
        %parallel_loop3A_1604 = vector.shape_cast %parallel_loop3A_1597 : vector<16xf32> to vector<1x1x16xf32>
        tpu.vector_store %arg9[%parallel_loop3A_1599, %parallel_loop3A_1600, %parallel_loop3A_1601], %parallel_loop3A_1604 {strides = array<i32>} : memref<2x32x1024xf32, #tpu.memory_space<vmem>>, vector<1x1x16xf32>,
        %parallel_loop3A_1605 = arith.index_cast %parallel_loop3A_988 : i32 to index
        %parallel_loop3A_1606 = arith.constant 896 : index
        %parallel_loop3A_1607 = tpu.vector_load %arg10[%parallel_loop3A_1605, %parallel_loop3A_1606] {strides = array<i32>} : memref<32x1024xf32, #tpu.memory_space<vmem>>, vector<1x16xf32>,
        %parallel_loop3A_1608 = vector.shape_cast %parallel_loop3A_1607 : vector<1x16xf32> to vector<16xf32>
        %parallel_loop3A_1609 = arith.constant 1 : i32
        %parallel_loop3A_1610 = arith.index_cast %parallel_loop3A_1609 : i32 to index
        %parallel_loop3A_1611 = arith.index_cast %parallel_loop3A_980 : i32 to index
        %parallel_loop3A_1612 = arith.constant 896 : index
        %parallel_loop3A_1613 = tpu.vector_load %arg9[%parallel_loop3A_1610, %parallel_loop3A_1611, %parallel_loop3A_1612] {strides = array<i32>} : memref<2x32x1024xf32, #tpu.memory_space<vmem>>, vector<1x1x16xf32>,
        %parallel_loop3A_1614 = vector.shape_cast %parallel_loop3A_1613 : vector<1x1x16xf32> to vector<16xf32>
        %parallel_loop3A_1615 = vector.shape_cast %parallel_loop3A_1608 : vector<16xf32> to vector<1x1x16xf32>
        tpu.vector_store %arg9[%parallel_loop3A_1610, %parallel_loop3A_1611, %parallel_loop3A_1612], %parallel_loop3A_1615 {strides = array<i32>} : memref<2x32x1024xf32, #tpu.memory_space<vmem>>, vector<1x1x16xf32>,
        %parallel_loop3A_1616 = arith.index_cast %parallel_loop3A_988 : i32 to index
        %parallel_loop3A_1617 = arith.constant 912 : index
        %parallel_loop3A_1618 = tpu.vector_load %arg10[%parallel_loop3A_1616, %parallel_loop3A_1617] {strides = array<i32>} : memref<32x1024xf32, #tpu.memory_space<vmem>>, vector<1x16xf32>,
        %parallel_loop3A_1619 = vector.shape_cast %parallel_loop3A_1618 : vector<1x16xf32> to vector<16xf32>
        %parallel_loop3A_1620 = arith.constant 1 : i32
        %parallel_loop3A_1621 = arith.index_cast %parallel_loop3A_1620 : i32 to index
        %parallel_loop3A_1622 = arith.index_cast %parallel_loop3A_980 : i32 to index
        %parallel_loop3A_1623 = arith.constant 912 : index
        %parallel_loop3A_1624 = tpu.vector_load %arg9[%parallel_loop3A_1621, %parallel_loop3A_1622, %parallel_loop3A_1623] {strides = array<i32>} : memref<2x32x1024xf32, #tpu.memory_space<vmem>>, vector<1x1x16xf32>,
        %parallel_loop3A_1625 = vector.shape_cast %parallel_loop3A_1624 : vector<1x1x16xf32> to vector<16xf32>
        %parallel_loop3A_1626 = vector.shape_cast %parallel_loop3A_1619 : vector<16xf32> to vector<1x1x16xf32>
        tpu.vector_store %arg9[%parallel_loop3A_1621, %parallel_loop3A_1622, %parallel_loop3A_1623], %parallel_loop3A_1626 {strides = array<i32>} : memref<2x32x1024xf32, #tpu.memory_space<vmem>>, vector<1x1x16xf32>,
        %parallel_loop3A_1627 = arith.index_cast %parallel_loop3A_988 : i32 to index
        %parallel_loop3A_1628 = arith.constant 928 : index
        %parallel_loop3A_1629 = tpu.vector_load %arg10[%parallel_loop3A_1627, %parallel_loop3A_1628] {strides = array<i32>} : memref<32x1024xf32, #tpu.memory_space<vmem>>, vector<1x16xf32>,
        %parallel_loop3A_1630 = vector.shape_cast %parallel_loop3A_1629 : vector<1x16xf32> to vector<16xf32>
        %parallel_loop3A_1631 = arith.constant 1 : i32
        %parallel_loop3A_1632 = arith.index_cast %parallel_loop3A_1631 : i32 to index
        %parallel_loop3A_1633 = arith.index_cast %parallel_loop3A_980 : i32 to index
        %parallel_loop3A_1634 = arith.constant 928 : index
        %parallel_loop3A_1635 = tpu.vector_load %arg9[%parallel_loop3A_1632, %parallel_loop3A_1633, %parallel_loop3A_1634] {strides = array<i32>} : memref<2x32x1024xf32, #tpu.memory_space<vmem>>, vector<1x1x16xf32>,
        %parallel_loop3A_1636 = vector.shape_cast %parallel_loop3A_1635 : vector<1x1x16xf32> to vector<16xf32>
        %parallel_loop3A_1637 = vector.shape_cast %parallel_loop3A_1630 : vector<16xf32> to vector<1x1x16xf32>
        tpu.vector_store %arg9[%parallel_loop3A_1632, %parallel_loop3A_1633, %parallel_loop3A_1634], %parallel_loop3A_1637 {strides = array<i32>} : memref<2x32x1024xf32, #tpu.memory_space<vmem>>, vector<1x1x16xf32>,
        %parallel_loop3A_1638 = arith.index_cast %parallel_loop3A_988 : i32 to index
        %parallel_loop3A_1639 = arith.constant 944 : index
        %parallel_loop3A_1640 = tpu.vector_load %arg10[%parallel_loop3A_1638, %parallel_loop3A_1639] {strides = array<i32>} : memref<32x1024xf32, #tpu.memory_space<vmem>>, vector<1x16xf32>,
        %parallel_loop3A_1641 = vector.shape_cast %parallel_loop3A_1640 : vector<1x16xf32> to vector<16xf32>
        %parallel_loop3A_1642 = arith.constant 1 : i32
        %parallel_loop3A_1643 = arith.index_cast %parallel_loop3A_1642 : i32 to index
        %parallel_loop3A_1644 = arith.index_cast %parallel_loop3A_980 : i32 to index
        %parallel_loop3A_1645 = arith.constant 944 : index
        %parallel_loop3A_1646 = tpu.vector_load %arg9[%parallel_loop3A_1643, %parallel_loop3A_1644, %parallel_loop3A_1645] {strides = array<i32>} : memref<2x32x1024xf32, #tpu.memory_space<vmem>>, vector<1x1x16xf32>,
        %parallel_loop3A_1647 = vector.shape_cast %parallel_loop3A_1646 : vector<1x1x16xf32> to vector<16xf32>
        %parallel_loop3A_1648 = vector.shape_cast %parallel_loop3A_1641 : vector<16xf32> to vector<1x1x16xf32>
        tpu.vector_store %arg9[%parallel_loop3A_1643, %parallel_loop3A_1644, %parallel_loop3A_1645], %parallel_loop3A_1648 {strides = array<i32>} : memref<2x32x1024xf32, #tpu.memory_space<vmem>>, vector<1x1x16xf32>,
        %parallel_loop3A_1649 = arith.index_cast %parallel_loop3A_988 : i32 to index
        %parallel_loop3A_1650 = arith.constant 960 : index
        %parallel_loop3A_1651 = tpu.vector_load %arg10[%parallel_loop3A_1649, %parallel_loop3A_1650] {strides = array<i32>} : memref<32x1024xf32, #tpu.memory_space<vmem>>, vector<1x16xf32>,
        %parallel_loop3A_1652 = vector.shape_cast %parallel_loop3A_1651 : vector<1x16xf32> to vector<16xf32>
        %parallel_loop3A_1653 = arith.constant 1 : i32
        %parallel_loop3A_1654 = arith.index_cast %parallel_loop3A_1653 : i32 to index
        %parallel_loop3A_1655 = arith.index_cast %parallel_loop3A_980 : i32 to index
        %parallel_loop3A_1656 = arith.constant 960 : index
        %parallel_loop3A_1657 = tpu.vector_load %arg9[%parallel_loop3A_1654, %parallel_loop3A_1655, %parallel_loop3A_1656] {strides = array<i32>} : memref<2x32x1024xf32, #tpu.memory_space<vmem>>, vector<1x1x16xf32>,
        %parallel_loop3A_1658 = vector.shape_cast %parallel_loop3A_1657 : vector<1x1x16xf32> to vector<16xf32>
        %parallel_loop3A_1659 = vector.shape_cast %parallel_loop3A_1652 : vector<16xf32> to vector<1x1x16xf32>
        tpu.vector_store %arg9[%parallel_loop3A_1654, %parallel_loop3A_1655, %parallel_loop3A_1656], %parallel_loop3A_1659 {strides = array<i32>} : memref<2x32x1024xf32, #tpu.memory_space<vmem>>, vector<1x1x16xf32>,
        %parallel_loop3A_1660 = arith.index_cast %parallel_loop3A_988 : i32 to index
        %parallel_loop3A_1661 = arith.constant 976 : index
        %parallel_loop3A_1662 = tpu.vector_load %arg10[%parallel_loop3A_1660, %parallel_loop3A_1661] {strides = array<i32>} : memref<32x1024xf32, #tpu.memory_space<vmem>>, vector<1x16xf32>,
        %parallel_loop3A_1663 = vector.shape_cast %parallel_loop3A_1662 : vector<1x16xf32> to vector<16xf32>
        %parallel_loop3A_1664 = arith.constant 1 : i32
        %parallel_loop3A_1665 = arith.index_cast %parallel_loop3A_1664 : i32 to index
        %parallel_loop3A_1666 = arith.index_cast %parallel_loop3A_980 : i32 to index
        %parallel_loop3A_1667 = arith.constant 976 : index
        %parallel_loop3A_1668 = tpu.vector_load %arg9[%parallel_loop3A_1665, %parallel_loop3A_1666, %parallel_loop3A_1667] {strides = array<i32>} : memref<2x32x1024xf32, #tpu.memory_space<vmem>>, vector<1x1x16xf32>,
        %parallel_loop3A_1669 = vector.shape_cast %parallel_loop3A_1668 : vector<1x1x16xf32> to vector<16xf32>
        %parallel_loop3A_1670 = vector.shape_cast %parallel_loop3A_1663 : vector<16xf32> to vector<1x1x16xf32>
        tpu.vector_store %arg9[%parallel_loop3A_1665, %parallel_loop3A_1666, %parallel_loop3A_1667], %parallel_loop3A_1670 {strides = array<i32>} : memref<2x32x1024xf32, #tpu.memory_space<vmem>>, vector<1x1x16xf32>,
        %parallel_loop3A_1671 = arith.index_cast %parallel_loop3A_988 : i32 to index
        %parallel_loop3A_1672 = arith.constant 992 : index
        %parallel_loop3A_1673 = tpu.vector_load %arg10[%parallel_loop3A_1671, %parallel_loop3A_1672] {strides = array<i32>} : memref<32x1024xf32, #tpu.memory_space<vmem>>, vector<1x16xf32>,
        %parallel_loop3A_1674 = vector.shape_cast %parallel_loop3A_1673 : vector<1x16xf32> to vector<16xf32>
        %parallel_loop3A_1675 = arith.constant 1 : i32
        %parallel_loop3A_1676 = arith.index_cast %parallel_loop3A_1675 : i32 to index
        %parallel_loop3A_1677 = arith.index_cast %parallel_loop3A_980 : i32 to index
        %parallel_loop3A_1678 = arith.constant 992 : index
        %parallel_loop3A_1679 = tpu.vector_load %arg9[%parallel_loop3A_1676, %parallel_loop3A_1677, %parallel_loop3A_1678] {strides = array<i32>} : memref<2x32x1024xf32, #tpu.memory_space<vmem>>, vector<1x1x16xf32>,
        %parallel_loop3A_1680 = vector.shape_cast %parallel_loop3A_1679 : vector<1x1x16xf32> to vector<16xf32>
        %parallel_loop3A_1681 = vector.shape_cast %parallel_loop3A_1674 : vector<16xf32> to vector<1x1x16xf32>
        tpu.vector_store %arg9[%parallel_loop3A_1676, %parallel_loop3A_1677, %parallel_loop3A_1678], %parallel_loop3A_1681 {strides = array<i32>} : memref<2x32x1024xf32, #tpu.memory_space<vmem>>, vector<1x1x16xf32>,
        %parallel_loop3A_1682 = arith.index_cast %parallel_loop3A_988 : i32 to index
        %parallel_loop3A_1683 = arith.constant 1008 : index
        %parallel_loop3A_1684 = tpu.vector_load %arg10[%parallel_loop3A_1682, %parallel_loop3A_1683] {strides = array<i32>} : memref<32x1024xf32, #tpu.memory_space<vmem>>, vector<1x16xf32>,
        %parallel_loop3A_1685 = vector.shape_cast %parallel_loop3A_1684 : vector<1x16xf32> to vector<16xf32>
        %parallel_loop3A_1686 = arith.constant 1 : i32
        %parallel_loop3A_1687 = arith.index_cast %parallel_loop3A_1686 : i32 to index
        %parallel_loop3A_1688 = arith.index_cast %parallel_loop3A_980 : i32 to index
        %parallel_loop3A_1689 = arith.constant 1008 : index
        %parallel_loop3A_1690 = tpu.vector_load %arg9[%parallel_loop3A_1687, %parallel_loop3A_1688, %parallel_loop3A_1689] {strides = array<i32>} : memref<2x32x1024xf32, #tpu.memory_space<vmem>>, vector<1x1x16xf32>,
        %parallel_loop3A_1691 = vector.shape_cast %parallel_loop3A_1690 : vector<1x1x16xf32> to vector<16xf32>
        %parallel_loop3A_1692 = vector.shape_cast %parallel_loop3A_1685 : vector<16xf32> to vector<1x1x16xf32>
        tpu.vector_store %arg9[%parallel_loop3A_1687, %parallel_loop3A_1688, %parallel_loop3A_1689], %parallel_loop3A_1692 {strides = array<i32>} : memref<2x32x1024xf32, #tpu.memory_space<vmem>>, vector<1x1x16xf32>,
      } {sc.loop_unroll_factor = 1 : i64, sc.parallel_access}
      %mul3A_964 = arith.constant 32 : i32
      %mul3A_965 = arith.muli %add3A_955, %mul3A_964 : i32
      %add3A_966 = arith.addi %mul3A_2, %mul3A_965 : i32
      %dma_start3A_967 = arith.constant 1 : i32
      %dma_start3A_968 = arith.constant 0 : i32
      %dma_start3A_969 = arith.constant 0 : i32
      %dma_start3A_970 = tpu.memref_slice %arg9[%dma_start3A_967, %dma_start3A_968, %dma_start3A_969] : memref<2x32x1024xf32, #tpu.memory_space<vmem>> -> memref<1x32x1024xf32, #tpu.memory_space<vmem>>
      %dma_start3A_971 = tpu.memref_squeeze %dma_start3A_970 : memref<1x32x1024xf32, #tpu.memory_space<vmem>> -> memref<32x1024xf32, #tpu.memory_space<vmem>>
      %dma_start3A_972 = arith.constant 0 : i32
      %dma_start3A_973 = tpu.memref_slice %arg5[%add3A_966, %dma_start3A_972] : memref<32768x1024xf32, #tpu.memory_space<hbm>> -> memref<32x1024xf32, #tpu.memory_space<hbm>>
      %dma_start3A_974 = arith.constant 0 : i32
      %dma_start3A_975 = tpu.memref_slice %arg5[%add3A_966, %dma_start3A_974] : memref<32768x1024xf32, #tpu.memory_space<hbm>> -> memref<32x1024xf32, #tpu.memory_space<hbm>>
      %dma_start3A_976 = arith.constant 0 : i32
      %dma_start3A_977 = arith.constant 0 : i32
      %dma_start3A_978 = tpu.memref_slice %arg9[%dma_start3A_967, %dma_start3A_976, %dma_start3A_977] : memref<2x32x1024xf32, #tpu.memory_space<vmem>> -> memref<1x32x1024xf32, #tpu.memory_space<vmem>>
      %dma_start3A_979 = tpu.memref_squeeze %dma_start3A_978 : memref<1x32x1024xf32, #tpu.memory_space<vmem>> -> memref<32x1024xf32, #tpu.memory_space<vmem>>
      tpu.enqueue_dma source(%dma_start3A_979 : memref<32x1024xf32, #tpu.memory_space<vmem>>) target(%dma_start3A_975 : memref<32x1024xf32, #tpu.memory_space<hbm>>) target_semaphore(%arg12 : memref<!tpu.dma_semaphore, #tpu.memory_space<semaphore_mem>>)
    }
    %scan3A_902 = arith.constant 16 : i32
    %dma_wait3A = arith.constant 0 : i32
    %dma_wait3A_903 = arith.constant 0 : i32
    %dma_wait3A_904 = arith.constant 0 : i32
    %dma_wait3A_905 = tpu.memref_slice %arg9[%dma_wait3A, %dma_wait3A_903, %dma_wait3A_904] : memref<2x32x1024xf32, #tpu.memory_space<vmem>> -> memref<1x32x1024xf32, #tpu.memory_space<vmem>>
    %dma_wait3A_906 = tpu.memref_squeeze %dma_wait3A_905 : memref<1x32x1024xf32, #tpu.memory_space<vmem>> -> memref<32x1024xf32, #tpu.memory_space<vmem>>
    %dma_wait3A_907 = arith.constant 0 : i32
    %dma_wait3A_908 = tpu.memref_slice %arg5[%mul3A_2, %dma_wait3A_907] : memref<32768x1024xf32, #tpu.memory_space<hbm>> -> memref<32x1024xf32, #tpu.memory_space<hbm>>
    %dma_wait3A_909 = arith.constant 0 : i32
    %dma_wait3A_910 = tpu.memref_slice %arg5[%mul3A_2, %dma_wait3A_909] : memref<32768x1024xf32, #tpu.memory_space<hbm>> -> memref<32x1024xf32, #tpu.memory_space<hbm>>
    %dma_wait3A_911 = arith.constant 0 : i32
    %dma_wait3A_912 = arith.constant 0 : i32
    %dma_wait3A_913 = tpu.memref_slice %arg9[%dma_wait3A, %dma_wait3A_911, %dma_wait3A_912] : memref<2x32x1024xf32, #tpu.memory_space<vmem>> -> memref<1x32x1024xf32, #tpu.memory_space<vmem>>
    %dma_wait3A_914 = tpu.memref_squeeze %dma_wait3A_913 : memref<1x32x1024xf32, #tpu.memory_space<vmem>> -> memref<32x1024xf32, #tpu.memory_space<vmem>>
    tpu.wait_dma2 semaphore(%arg11 : memref<!tpu.dma_semaphore, #tpu.memory_space<semaphore_mem>>) src(%dma_wait3A_914 : memref<32x1024xf32, #tpu.memory_space<vmem>>) dst(%dma_wait3A_910 : memref<32x1024xf32, #tpu.memory_space<hbm>>)
    %dma_wait3A_915 = arith.constant 1 : i32
    %dma_wait3A_916 = arith.constant 0 : i32
    %dma_wait3A_917 = arith.constant 0 : i32
    %dma_wait3A_918 = tpu.memref_slice %arg9[%dma_wait3A_915, %dma_wait3A_916, %dma_wait3A_917] : memref<2x32x1024xf32, #tpu.memory_space<vmem>> -> memref<1x32x1024xf32, #tpu.memory_space<vmem>>
    %dma_wait3A_919 = tpu.memref_squeeze %dma_wait3A_918 : memref<1x32x1024xf32, #tpu.memory_space<vmem>> -> memref<32x1024xf32, #tpu.memory_space<vmem>>
    %dma_wait3A_920 = arith.constant 0 : i32
    %dma_wait3A_921 = tpu.memref_slice %arg5[%mul3A_2, %dma_wait3A_920] : memref<32768x1024xf32, #tpu.memory_space<hbm>> -> memref<32x1024xf32, #tpu.memory_space<hbm>>
    %dma_wait3A_922 = arith.constant 0 : i32
    %dma_wait3A_923 = tpu.memref_slice %arg5[%mul3A_2, %dma_wait3A_922] : memref<32768x1024xf32, #tpu.memory_space<hbm>> -> memref<32x1024xf32, #tpu.memory_space<hbm>>
    %dma_wait3A_924 = arith.constant 0 : i32
    %dma_wait3A_925 = arith.constant 0 : i32
    %dma_wait3A_926 = tpu.memref_slice %arg9[%dma_wait3A_915, %dma_wait3A_924, %dma_wait3A_925] : memref<2x32x1024xf32, #tpu.memory_space<vmem>> -> memref<1x32x1024xf32, #tpu.memory_space<vmem>>
    %dma_wait3A_927 = tpu.memref_squeeze %dma_wait3A_926 : memref<1x32x1024xf32, #tpu.memory_space<vmem>> -> memref<32x1024xf32, #tpu.memory_space<vmem>>
    tpu.wait_dma2 semaphore(%arg12 : memref<!tpu.dma_semaphore, #tpu.memory_space<semaphore_mem>>) src(%dma_wait3A_927 : memref<32x1024xf32, #tpu.memory_space<vmem>>) dst(%dma_wait3A_923 : memref<32x1024xf32, #tpu.memory_space<hbm>>)
    return
  }
}

module attributes {stable_mosaic.version = 14 : i64} {
  func.func @_combine_body(%arg0: memref<5x1024xf32, #tpu.memory_space<vmem>>, %arg1: memref<5x1024xf32, #tpu.memory_space<vmem>>, %arg2: memref<1024x1024xf32, #tpu.memory_space<vmem>>) attributes {dimension_semantics = [], scalar_prefetch = 0 : i64, scratch_operands = 0 : i64, tpu.core_type = #tpu.core_type<tc>} {
    %get3A = arith.constant 0 : index
    %get3A_0 = arith.constant 0 : index
    %get3A_1 = vector.load %arg0[%get3A, %get3A_0] : memref<5x1024xf32, #tpu.memory_space<vmem>>, vector<5x1024xf32>
    %get3A_2 = arith.constant 0 : index
    %get3A_3 = arith.constant 0 : index
    %get3A_4 = vector.load %arg1[%get3A_2, %get3A_3] : memref<5x1024xf32, #tpu.memory_space<vmem>>, vector<5x1024xf32>
    %broadcast_in_dim3A = vector.shape_cast %get3A_1 : vector<5x1024xf32> to vector<5x1x1024xf32>
    %broadcast_in_dim3A_5 = vector.shape_cast %get3A_4 : vector<5x1024xf32> to vector<1x5x1024xf32>
    %add3A = vector.broadcast %broadcast_in_dim3A : vector<5x1x1024xf32> to vector<5x5x1024xf32>
    %add3A_6 = vector.broadcast %broadcast_in_dim3A_5 : vector<1x5x1024xf32> to vector<5x5x1024xf32>
    %add3A_7 = arith.addf %add3A, %add3A_6 : vector<5x5x1024xf32>
    %reshape3A = vector.shape_cast %add3A_7 : vector<5x5x1024xf32> to vector<25x1024xf32>
    %broadcast_in_dim3A_8 = arith.constant 0.000000e+00 : f32
    %broadcast_in_dim3A_9 = vector.broadcast %broadcast_in_dim3A_8 : f32 to vector<7x1024xf32>
    %concatenate3A = tpu.concatenate %reshape3A, %broadcast_in_dim3A_9 in 0 : vector<25x1024xf32>, vector<7x1024xf32> -> vector<32x1024xf32>
    %broadcast_in_dim3A_10 = vector.shape_cast %concatenate3A : vector<32x1024xf32> to vector<1x32x1024xf32>
    %broadcast_in_dim3A_11 = vector.shape_cast %broadcast_in_dim3A_10 : vector<1x32x1024xf32> to vector<1x32x1024xf32>
    %broadcast_in_dim3A_12 = vector.broadcast %broadcast_in_dim3A_11 : vector<1x32x1024xf32> to vector<32x32x1024xf32>
    %reshape3A_13 = vector.shape_cast %broadcast_in_dim3A_12 : vector<32x32x1024xf32> to vector<1024x1024xf32>
    %swap3A = arith.constant 0 : index
    %swap3A_14 = arith.constant 0 : index
    %swap3A_15 = vector.load %arg2[%swap3A, %swap3A_14] : memref<1024x1024xf32, #tpu.memory_space<vmem>>, vector<1024x1024xf32>
    tpu.vector_store %arg2[%swap3A, %swap3A_14], %reshape3A_13 {strides = array<i32>} : memref<1024x1024xf32, #tpu.memory_space<vmem>>, vector<1024x1024xf32>,
    return
  }
}

</mosaic_0001>

<sc_bundles>
// kernel: kernel.4.cloned.1.call-start
scs
__scs_entry_jumppad:
0x0: {  	(pc) =	sbr.rel $0x88, $3  }
0x1: {  	(tag) =	ssettag $0x0;
	lr =	simm.s32 $0x1  }
0x2: {  	[smem:$0x3F9D] =	sst lr;
	_ =	strace $0xD0000000  }
0x3: {  	_ = 	snop  }
0x4: {  	_ = 	snop  }
0x5: {  	_ = 	snop  }
0x6: {  	_ = 	snop  }
0x7: {  	_ = 	snop  }
__scs_overlays_trampoline_lowered:
0x8: {  	[smem:$0x3FAC] =	sst s0  }
0x9: {  	[smem:$0x3FAD] =	sst s1  }
0xa: {  	[smem:$0x3FAE] =	sst s2  }
0xb: {  	[smem:$0x3FAF] =	sst s3  }
0xc: {  	[smem:$0x3FB0] =	sst s4  }
0xd: {  	[smem:$0x3FB1] =	sst s5  }
0xe: {  	[smem:$0x3FB2] =	sst s6  }
0xf: {  	[smem:$0x3FB3] =	sst s7  }
0x10: {  	[smem:$0x3FB4] =	sst s8  }
0x11: {  	[smem:$0x3FB5] =	sst s9;
	s0 =	simm.s32 @!p0 $0x0  }
0x12: {  	s1 =	sld [smem:$0x3F9B];
	s0 =	simm.s32 @p0 $0x1  }
0x13: {  	[smem:$0x3FB6] =	sst s0;
	s0 =	simm.s32 @!p1 $0x0  }
0x14: {  	s2 =	sld [smem:$0x3F9A];
	s0 =	simm.s32 @p1 $0x1  }
0x15: {  	[smem:$0x3FB7] =	sst s0;
	s0 =	simm.s32 @!p2 $0x0  }
0x16: {  	s3 =	sld [smem:$0x3FDB];
	s0 =	simm.s32 @p2 $0x1  }
0x17: {  	s4 =	simm.s32 $0x1BF5;
	[smem:$0x3FB9] =	sst s0  }
0x18: {  	s0 =	sld [smem:$0x3F9C];
	_ =	swait.ge [sflag:s4], $0x0  }
0x19: {  	s7 =	sld [smem:$0x3F9D]  }
0x1a: {  	s8 =	sadd.s32 $0xFFFFE003, lr  }
0x1b: {  	s9 =	sadd.s32 $0xFFFFFEF7, lr;
	s5 =	simm.s32 $0xFFFFFFFF;
	p2 =	slt.u32 s8, $0xFFFFF086  }
0x1c: {  	p1 =	slt.u32 s9, $0xF7A;
	s5 =	simm.s32 @!p2 $0x0  }
0x1d: {  	s5 =	simm.s32 @p1 $0x1;
	p0 =	seq.s32 s7, s2  }
0x1e: {  	s7 =	smul.u32 @!p0 $0xF7A, s2;
	p2 =	seq.s32 @!p0 s5, $0x0  }
0x1f: {  	s9 =	smul.u32 $0xF7A, s1;
	s8 =	simm.s32 @!p0 $0x1BF5;
	p2 =	por !p2, p0  }
0x20: {  	[sflag:s8] =	ssyncset.s32 @!p0 $0xFFFFF086;
	s6 =	sadd.s32 @!p0 s3, s7;
	s7 =	simm.s32 @!p0 $0x108  }
0x21: {  	s3 =	sadd.s32 s3, s9;
	s6 =	sadd.s32 @!p0 $0x88, s6;
	s7 =	simm.s32 @p2 $0x1082  }
0x22: {  	[simem:s7], [sflag:s8] =	dma.local @!p0 [hbm:s6], $0xF7A  }
0x23: {  	s9 =	sor.u32 $0xD0000000, s2;
	s6 =	simm.s32 $0x108;
	_ =	swait.ge @!p0 [sflag:s8], $0x0  }
0x24: {  	s3 =	sadd.s32 $0x88, s3;
	s6 =	simm.s32 @!p1 $0x1082;
	[sflag:s4] =	ssyncset.s32 $0xFFFFF086  }
0x25: {  	[simem:s6], [sflag:s4] =	dma.local [hbm:s3], $0xF7A  }
0x26: {  	[smem:$0x3F9D] =	sst s1;
	(tag) =	ssettag s2;
	_ =	strace s9  }
0x27: {  	s1 =	sld [smem:$0x3FAD]  }
0x28: {  	s2 =	sld [smem:$0x3FAE]  }
0x29: {  	s4 =	sld [smem:$0x3FB0]  }
0x2a: {  	p0 =	seq.s32 s5, $0x0;
	s5 =	sld [smem:$0x3FB1]  }
0x2b: {  	s6 =	sld [smem:$0x3FB2]  }
0x2c: {  	s7 =	sld [smem:$0x3FB3]  }
0x2d: {  	s3 =	simm.s32 $0x108;
	s8 =	sld [smem:$0x3FB4]  }
0x2e: {  	s3 =	simm.s32 @!p0 $0x1082;
	s9 =	sld [smem:$0x3FB5]  }
0x2f: {  	lr =	sadd.s32 s0, s3;
	s0 =	sld [smem:$0x3FAC]  }
0x30: {  	s3 =	sld [smem:$0x3FAF]  }
0x31: {  	[smem:$0x3FB8] =	sst s10  }
0x32: {  	s10 =	sld [smem:$0x3FB6];
	_ =	sdelay $0x3  }
0x33: {  	p0 =	seq.s32 s10, $0x1;
	s10 =	sld [smem:$0x3FB8];
	_ =	sdelay $0x3  }
0x34: {  	[smem:$0x3FB8] =	sst s10  }
0x35: {  	s10 =	sld [smem:$0x3FB7];
	_ =	sdelay $0x3  }
0x36: {  	p1 =	seq.s32 s10, $0x1;
	s10 =	sld [smem:$0x3FB8];
	_ =	sdelay $0x3  }
0x37: {  	[smem:$0x3FB8] =	sst s10  }
0x38: {  	s10 =	sld [smem:$0x3FB9]  }
0x39: {  	_ = 	snop;
	(pc) =	sbr.ind lr, $3  }
0x3a: {  	_ = 	snop  }
0x3b: {  	_ = 	snop  }
0x3c: {  	p2 =	seq.s32 s10, $0x1;
	s10 =	sld [smem:$0x3FB8]  }
0x3d: {  	_ =	shalt  }
0x3e: {  	_ =	shalt  }
0x3f: {  	_ =	shalt  }
0x40: {  	_ =	shalt  }
0x41: {  	_ =	shalt  }
0x42: {  	_ =	shalt  }
0x43: {  	_ =	shalt  }
0x44: {  	_ =	shalt  }
0x45: {  	_ =	shalt  }
0x46: {  	_ =	shalt  }
0x47: {  	_ =	shalt  }
0x48: {  	_ =	shalt  }
0x49: {  	_ =	shalt  }
0x4a: {  	_ =	shalt  }
0x4b: {  	_ =	shalt  }
0x4c: {  	_ =	shalt  }
0x4d: {  	_ =	shalt  }
0x4e: {  	_ =	shalt  }
0x4f: {  	_ =	shalt  }
0x50: {  	_ =	shalt  }
0x51: {  	_ =	shalt  }
0x52: {  	_ =	shalt  }
0x53: {  	_ =	shalt  }
0x54: {  	_ =	shalt  }
0x55: {  	_ =	shalt  }
0x56: {  	_ =	shalt  }
0x57: {  	_ =	shalt  }
0x58: {  	_ =	shalt  }
0x59: {  	_ =	shalt  }
0x5a: {  	_ =	shalt  }
0x5b: {  	_ =	shalt  }
0x5c: {  	_ =	shalt  }
0x5d: {  	_ =	shalt  }
0x5e: {  	_ =	shalt  }
0x5f: {  	_ =	shalt  }
0x60: {  	_ =	shalt  }
0x61: {  	_ =	shalt  }
0x62: {  	_ =	shalt  }
0x63: {  	_ =	shalt  }
0x64: {  	_ =	shalt  }
0x65: {  	_ =	shalt  }
0x66: {  	_ =	shalt  }
0x67: {  	_ =	shalt  }
0x68: {  	_ =	shalt  }
0x69: {  	_ =	shalt  }
0x6a: {  	_ =	shalt  }
0x6b: {  	_ =	shalt  }
0x6c: {  	_ =	shalt  }
0x6d: {  	_ =	shalt  }
0x6e: {  	_ =	shalt  }
0x6f: {  	_ =	shalt  }
0x70: {  	_ =	shalt  }
0x71: {  	_ =	shalt  }
0x72: {  	_ =	shalt  }
0x73: {  	_ =	shalt  }
0x74: {  	_ =	shalt  }
0x75: {  	_ =	shalt  }
0x76: {  	_ =	shalt  }
0x77: {  	_ =	shalt  }
0x78: {  	_ =	shalt  }
0x79: {  	_ =	shalt  }
0x7a: {  	_ =	shalt  }
0x7b: {  	_ =	shalt  }
0x7c: {  	_ =	shalt  }
0x7d: {  	_ =	shalt  }
0x7e: {  	_ =	shalt  }
0x7f: {  	_ =	shalt  }
0x80: {  	_ =	shalt  }
0x81: {  	_ =	shalt  }
0x82: {  	_ =	shalt  }
0x83: {  	_ =	shalt  }
0x84: {  	_ =	shalt  }
0x85: {  	_ =	shalt  }
0x86: {  	_ =	shalt  }
0x87: {  	_ =	shalt  }
.Lfunc_end0:
.L_simem_size_0:
called_computation_lowered:
.L_overlay_start_0:
0x88: {  	s2 =	sld [smem:$0x3FD9]  }
0x89: {  	s3 =	sld [smem:$0x3FFE];
	_ =	sdelay $0x1  }
0x8a: {  	s1 =	srdreg.scid  }
0x8b: {  	s0 =	sand.u32 $0x1, s1  }
0x8c: {  	s17 =	sshll.u32 s0, $0xA;
	s2 =	sadd.s32 s3, s2  }
0x8d: {  	s2 =	sadd.s32 s2, s17  }
0x8e: {  	[smem:$0x3FC4] =	sst s2  }
0x8f: {  	_ = 	snop  }
0x90: {  	s2 =	sld [smem:$0x3FD0];
	(tm) =	ssettm $0x1  }
0x91: {  	s18 =	sld [smem:$0x3FFB];
	_ =	sdelay $0x3  }
0x92: {  	_ =	strace s18  }
0x93: {  	s3 =	sld [smem:$0x3FFC];
	_ =	sdelay $0x3  }
0x94: {  	_ =	strace s3  }
0x95: {  	s3 =	sld [smem:$0x3FFD];
	_ =	sdelay $0x3  }
0x96: {  	_ =	strace s3  }
0x97: {  	_ =	strace $0x8FFFFFFF  }
0x98: {  	s19 =	sld [smem:$0x3FDB];
	_ =	sdelay $0x1  }
0x99: {  	s4 =	simm.s32 $_scs_section_size  }
0x9a: {  	s5 =	simm.s32 $_size__tile_overlayer_lowered;
	s6 =	simm.s32 $_tile_overlayer_lowered  }
0x9b: {  	s22 =	simm.s32 $0x1BFF;
	s21 =	sshll.u32 s6, $0x1;
	s3 =	sadd.s32 s4, s19  }
0x9c: {  	s7 =	simm.s32 $0x0;
	s20 =	sshll.u32 s5, $0x1;
	s5 =	sadd.s32 s21, s3  }
0x9d: {  	[timem:s7], [sflag:s22] =	dma.local [hbm:s5], s20  }
0x9e: {  	_ =	swait.ge [sflag:s22], s20  }
0x9f: {  	s4 =	ssub.s32 $0x0, s20;
	[sflag:s22] =	ssyncset.done $0x0  }
0xa0: {  	[sflag:s22] =	ssyncadd.s32 s4;
	_ =	sdelay $0x1  }
0xa1: {  	s23 =	simm.s32 $0x1B8B  }
0xa2: {  	_ =	swait.ge [sflag:s23], $0x1  }
0xa3: {  	[sflag:s23] =	ssyncset.done $0x0  }
0xa4: {  	s25 =	simm.s32 $0x1B8E;
	s24 =	sld [smem:$0x3FFE];
	[sflag:s23] =	ssyncadd.s32 $0xFFFFFFFF  }
0xa5: {  	s26 =	simm.s32 $execute0_lowered;
	[smem:$0x3FD2] =	sst s25  }
0xa6: {  	s5 =	sshll.u32 s26, $0x1;
	_ =	strace $0x80000046;
	[dreg:$0x1] =	wrdreg $0xFFFFFFFF  }
0xa7: {  	s28 =	simm.s32 $_size_execute0_lowered;
	s3 =	sadd.s32 s3, s5;
	[dreg:$0x0] =	wrdreg $0x0  }
0xa8: {  	s5 =	sshll.u32 s28, $0x1;
	[dreg:$0x2] =	wrdreg s3  }
0xa9: {  	[dreg:$0x3] =	wrdreg s5  }
0xaa: {  	[dreg:$0x4] =	wrdreg $0xC0  }
0xab: {  	_ =	task [dreg:s7], $0x5FFFF  }
0xac: {  	[dreg:$0x1] =	wrdreg $0xFFFFFFFF  }
0xad: {  	[dreg:$0x0] =	wrdreg $0x60  }
0xae: {  	[dreg:$0x2] =	wrdreg s24  }
0xaf: {  	[dreg:$0x3] =	wrdreg s2  }
0xb0: {  	[dreg:$0x4] =	wrdreg $0x9  }
0xb1: {  	_ =	task.clear_ibuf [dreg:s7], $0x5FFFF;
	_ =	strace $0x90000046  }
0xb2: {  	s29 =	simm.s32 $0x9;
	_ =	strace $0x80000048  }
0xb3: {  	_ =	swait.ge [sflag:s29], $0x1  }
0xb4: {  	[sflag:s29] =	ssyncadd.s32 $0xFFFFFFFF  }
0xb5: {  	_ =	strace $0x90000048  }
0xb6: {  	_ =	sfence  }
0xb7: {  	s30 =	sld [smem:$0x0];
	_ =	sdelay $0x2  }
0xb8: {  	s31 =	sshll.u32 s1, $0xD;
	s1 =	sshrl.u32 s1, $0x2  }
0xb9: {  	s3 =	sand.u32 $0x4000, s31;
	s1 =	sadd.s32 s1, s30  }
0xba: {  	s0 =	sor.u32 s3, s0;
	s1 =	sshll.u32 s1, $0x11  }
0xbb: {  	s0 =	sor.u32 s1, s0  }
0xbc: {  	s0 =	sadd.s32 $0x8F2B, s0  }
0xbd: {  	[sflag:s0] =	ssyncadd.remote.s32 $0x1  }
0xbe: {  	_ =	sfence.sel $0xFFFF  }
0xbf: {  	[dreg:$0x0] =	wrdreg $0xFFFFFFFF;
	(pc) =	sbr.abs _section_cstart, $3  }
0xc0: {  	[dreg:$0x1] =	wrdreg $0xFFFFFFFF  }
0xc1: {  	_ =	task.clear_ibuf [dreg:s7], $0x2FFFF;
	_ =	strace $0x9FFFFFFF  }
0xc2: {  	(tm) =	ssettm $0x7FFFFFFF  }
0xc3: {  	_ =	shalt  }
tec
execute0_lowered:
.L_overlay_start_1:
0x0: {  	(tag) =	ssettag $0x1  }
0x1: {  	s0 =	rddreg [dreg:$0x0]  }
0x2: {  	s4 =	simm.s32 $0x0;
	s2 =	srdreg.scid;
	s3 =	stileid.u32  }
0x3: {  	[smem:$0x7FF] =	sst s4;
	s2 =	sand.u32 $0x1, s2;
	s3 =	sshll.u32 s3, $0x1  }
0x4: {  	s1 =	rddreg [dreg:$0x1];
	_ =	strace $0x80000047;
	s3 =	sor.u32 s2, s3  }
0x5: {  	s26 =	sshll.u32 s3, $0xC;
	s5 =	sshll.u32 s3, $0x7;
	s3 =	sshll.u32 s3, $0x11  }
0x6: {  	s2 =	ssub.s32 $0x2, s2;
	s4 =	sadd.s32 s26, s0;
	s30 =	sadd.s32 s1, s3  }
0x7: {  	s0 =	sadd.s32 s5, s0;
	s4 =	sadd.s32 $0x2A00, s4;
	[dreg:$0x12] =	wrdreg s30  }
0x8: {  	s28 =	sshrl.u32 s2, $0x1;
	s29 =	sadd.s32 $0xA00, s0;
	[dreg:$0xf] =	wrdreg s4  }
0x9: {  	s2 =	ssub.s32 s2, s28;
	s0 =	sadd.s32 $0x1A00, s0;
	[dreg:$0x10] =	wrdreg s29  }
0xa: {  	s31 =	smax.u32 s2, $0x1;
	[dreg:$0x11] =	wrdreg s0  }
0xb: {  	s2 =	simm.s32 $0x0;
	[dreg:$0x13] =	wrdreg s31  }
.LBB2_1:
0xc: {  	[dreg:$0x14] =	wrdreg s2;
	s0 =	simm.s32 $0x0  }
0xd: {  	s1 =	rddreg [dreg:$0xf];
	s25 =	simm.s32 $0x10C80;
	s26 =	simm.s32 $0x3  }
0xe: {  	[tilespmem:s25], [sflag:$0x3] =	stream.linear.gather [hbm4b:s1+s0], $0x8000, $0x38;
	[tilespmem:$0x18C80] =	vst v63  }
0xf: {  	_ =	swait.ge [sflag:s26], $0x8000  }
0x10: {  	[sflag:s26] =	ssyncset.done $0x0  }
0x11: {  	s28 =	rddreg [dreg:$0x10];
	[sflag:s26] =	ssyncadd.s32 $0xFFFF8000  }
0x12: {  	[tilespmem:s0], [sflag:$0x3] =	stream.linear.gather [hbm4b:s28+s0], $0x400, $0x38;
	[tilespmem:$0x18C80] =	vst v63  }
0x13: {  	_ =	swait.ge [sflag:s26], $0x400  }
0x14: {  	[sflag:s26] =	ssyncset.done $0x0  }
0x15: {  	s3 =	simm.s32 $0x400;
	s30 =	rddreg [dreg:$0x11];
	[sflag:s26] =	ssyncadd.s32 $0xFFFFFC00  }
0x16: {  	[tilespmem:s3], [sflag:$0x3] =	stream.linear.gather [hbm4b:s30+s0], $0x400, $0x38;
	[tilespmem:$0x18C80] =	vst v63  }
0x17: {  	_ =	swait.ge [sflag:s26], $0x400  }
0x18: {  	[sflag:s26] =	ssyncset.done $0x0  }
0x19: {  	[sflag:s26] =	ssyncadd.s32 $0xFFFFFC00  }
0x1a: {  	v0 =	vld [tilespmem:$0x400]  }
0x1b: {  	v2 =	vld [tilespmem:$0x0]  }
0x1c: {  	v6 =	vld [tilespmem:$0x410]  }
0x1d: {  	v7 =	vld [tilespmem:$0x10]  }
0x1e: {  	v8 =	vld [tilespmem:$0x420]  }
0x1f: {  	v9 =	vld [tilespmem:$0x20]  }
0x20: {  	v10 =	vld [tilespmem:$0x430]  }
0x21: {  	v11 =	vld [tilespmem:$0x30]  }
0x22: {  	v12 =	vld [tilespmem:$0x440]  }
0x23: {  	v13 =	vld [tilespmem:$0x40]  }
0x24: {  	v14 =	vld [tilespmem:$0x450]  }
0x25: {  	v15 =	vld [tilespmem:$0x50]  }
0x26: {  	v16 =	vld [tilespmem:$0x460]  }
0x27: {  	v17 =	vld [tilespmem:$0x60]  }
0x28: {  	v18 =	vld [tilespmem:$0x470]  }
0x29: {  	v19 =	vld [tilespmem:$0x70]  }
0x2a: {  	v20 =	vld [tilespmem:$0x480]  }
0x2b: {  	v21 =	vld [tilespmem:$0x80]  }
0x2c: {  	v22 =	vld [tilespmem:$0x490]  }
0x2d: {  	v23 =	vld [tilespmem:$0x90]  }
0x2e: {  	v24 =	vld [tilespmem:$0x4A0]  }
0x2f: {  	v25 =	vld [tilespmem:$0xA0]  }
0x30: {  	v26 =	vld [tilespmem:$0x4B0]  }
0x31: {  	v27 =	vld [tilespmem:$0xB0]  }
0x32: {  	v28 =	vld [tilespmem:$0x4C0]  }
0x33: {  	v29 =	vld [tilespmem:$0xC0]  }
0x34: {  	v30 =	vld [tilespmem:$0x4D0]  }
0x35: {  	v31 =	vld [tilespmem:$0xD0]  }
0x36: {  	v32 =	vld [tilespmem:$0x4E0]  }
0x37: {  	v33 =	vld [tilespmem:$0xE0]  }
0x38: {  	v34 =	vld [tilespmem:$0x4F0]  }
0x39: {  	v35 =	vld [tilespmem:$0xF0]  }
0x3a: {  	v36 =	vld [tilespmem:$0x500]  }
0x3b: {  	v37 =	vld [tilespmem:$0x100]  }
0x3c: {  	v38 =	vld [tilespmem:$0x510]  }
0x3d: {  	v39 =	vld [tilespmem:$0x110]  }
0x3e: {  	v40 =	vld [tilespmem:$0x520]  }
0x3f: {  	v41 =	vld [tilespmem:$0x120]  }
0x40: {  	v42 =	vld [tilespmem:$0x530]  }
0x41: {  	v43 =	vld [tilespmem:$0x130]  }
0x42: {  	v44 =	vld [tilespmem:$0x540]  }
0x43: {  	v45 =	vld [tilespmem:$0x140]  }
0x44: {  	v46 =	vld [tilespmem:$0x550]  }
0x45: {  	v47 =	vld [tilespmem:$0x150]  }
0x46: {  	v48 =	vld [tilespmem:$0x560]  }
0x47: {  	v49 =	vld [tilespmem:$0x160]  }
0x48: {  	v50 =	vld [tilespmem:$0x570]  }
0x49: {  	v51 =	vld [tilespmem:$0x170]  }
0x4a: {  	v52 =	vld [tilespmem:$0x580]  }
0x4b: {  	v53 =	vld [tilespmem:$0x180]  }
0x4c: {  	v54 =	vld [tilespmem:$0x590]  }
0x4d: {  	v55 =	vld [tilespmem:$0x190]  }
0x4e: {  	v56 =	vld [tilespmem:$0x5A0]  }
0x4f: {  	v57 =	vld [tilespmem:$0x1A0]  }
0x50: {  	v58 =	vld [tilespmem:$0x5B0]  }
0x51: {  	v59 =	vld [tilespmem:$0x1B0]  }
0x52: {  	v60 =	vld [tilespmem:$0x5C0]  }
0x53: {  	v61 =	vld [tilespmem:$0x1C0]  }
0x54: {  	v1 =	vld [tilespmem:$0x1E0]  }
0x55: {  	v62 =	vld [tilespmem:$0x5D0]  }
0x56: {  	v5 =	vld [tilespmem:$0x1F0]  }
0x57: {  	v63 =	vld [tilespmem:$0x1D0]  }
0x58: {  	v3 =	vld [tilespmem:$0x5E0]  }
0x59: {  	[tilespmem:$0x1FFB0] =	vst v1;
	v1 =	vld [tilespmem:$0x200]  }
0x5a: {  	v4 =	vld [tilespmem:$0x5F0];
	v0 =	vmul.u32 $0x5, v0  }
0x5b: {  	[tilespmem:$0x1FFC0] =	vst v5;
	v5 =	vld [tilespmem:$0x600];
	v8 =	vmul.u32 $0x5, v8  }
0x5c: {  	v0 =	vadd.s32 v2, v0;
	v2 =	vld [tilespmem:$0x220]  }
0x5d: {  	[tilespmem:$0x800] =	vst v0;
	v0 =	vadd.s32 v9, v8;
	v8 =	vmul.u32 $0x5, v12;
	v9 =	vld [tilespmem:$0x640]  }
0x5e: {  	v12 =	vmul.u32 $0x5, v14;
	[tilespmem:$0x1FFE0] =	vst v1;
	v1 =	vld [tilespmem:$0x610]  }
0x5f: {  	v14 =	vadd.s32 v13, v8;
	v8 =	vmul.u32 $0x5, v16;
	v16 =	vmul.u32 $0x5, v18;
	v13 =	vld [tilespmem:$0x250]  }
0x60: {  	v18 =	vmul.u32 $0x5, v20;
	[tilespmem:$0x840] =	vst v14;
	v14 =	vld [tilespmem:$0x660]  }
0x61: {  	v20 =	vmul.u32 $0x5, v22;
	v19 =	vadd.s32 v19, v16;
	v16 =	vld [tilespmem:$0x670]  }
0x62: {  	v22 =	vmul.u32 $0x5, v24;
	v21 =	vadd.s32 v21, v18;
	v18 =	vld [tilespmem:$0x680]  }
0x63: {  	v24 =	vmul.u32 $0x5, v26;
	v23 =	vadd.s32 v23, v20;
	v20 =	vld [tilespmem:$0x690]  }
0x64: {  	v26 =	vmul.u32 $0x5, v28;
	v25 =	vadd.s32 v25, v22;
	v22 =	vld [tilespmem:$0x6A0]  }
0x65: {  	[tilespmem:$0x820] =	vst v0;
	v17 =	vadd.s32 v17, v8;
	v27 =	vadd.s32 v27, v24;
	v24 =	vld [tilespmem:$0x6B0]  }
0x66: {  	v29 =	vadd.s32 v29, v26;
	v26 =	vld [tilespmem:$0x6C0];
	[tilespmem:$0x860] =	vst v17  }
0x67: {  	v8 =	vld [tilespmem:$0x300];
	[tilespmem:$0x870] =	vst v19  }
0x68: {  	[tilespmem:$0x880] =	vst v21;
	v17 =	vld [tilespmem:$0x270]  }
0x69: {  	[tilespmem:$0x890] =	vst v23;
	v19 =	vld [tilespmem:$0x280]  }
0x6a: {  	v28 =	vmul.u32 $0x5, v30;
	v30 =	vmul.u32 $0x5, v32;
	v32 =	vmul.u32 $0x5, v34;
	[tilespmem:$0x8A0] =	vst v25;
	v21 =	vld [tilespmem:$0x290]  }
0x6b: {  	v34 =	vmul.u32 $0x5, v36;
	v36 =	vmul.u32 $0x5, v38;
	v38 =	vmul.u32 $0x5, v40;
	[tilespmem:$0x8B0] =	vst v27;
	v23 =	vld [tilespmem:$0x2A0]  }
0x6c: {  	v42 =	vmul.u32 $0x5, v42;
	v31 =	vadd.s32 v31, v28;
	[tilespmem:$0x8C0] =	vst v29;
	v25 =	vld [tilespmem:$0x2B0]  }
0x6d: {  	v28 =	vadd.s32 v41, v38;
	[tilespmem:$0x8D0] =	vst v31;
	v27 =	vld [tilespmem:$0x2C0]  }
0x6e: {  	v33 =	vadd.s32 v33, v30;
	v30 =	vadd.s32 v43, v42;
	[tilespmem:$0x920] =	vst v28;
	v28 =	vld [tilespmem:$0x6D0]  }
0x6f: {  	v35 =	vadd.s32 v35, v32;
	v37 =	vadd.s32 v37, v34;
	v40 =	vadd.s32 v39, v36;
	[tilespmem:$0x930] =	vst v30;
	v30 =	vld [tilespmem:$0x6E0]  }
0x70: {  	v39 =	vmul.u32 $0x5, v54;
	[tilespmem:$0x8F0] =	vst v35;
	v35 =	vmul.u32 $0x5, v50;
	v50 =	vmul.u32 $0x5, v4;
	v4 =	vld [tilespmem:$0x710]  }
0x71: {  	v41 =	vmul.u32 $0x5, v56;
	[tilespmem:$0x900] =	vst v37;
	v37 =	vmul.u32 $0x5, v52;
	v52 =	vmul.u32 $0x5, v5;
	v5 =	vld [tilespmem:$0x310]  }
0x72: {  	[tilespmem:$0x8E0] =	vst v33;
	v42 =	vadd.s32 v55, v39;
	v55 =	vld [tilespmem:$0x1FFE0]  }
0x73: {  	[tilespmem:$0x910] =	vst v40;
	v29 =	vmul.u32 $0x5, v44;
	v44 =	vadd.s32 v57, v41;
	v41 =	vld [tilespmem:$0x760]  }
0x74: {  	v43 =	vmul.u32 $0x5, v58;
	v31 =	vmul.u32 $0x5, v46;
	[tilespmem:$0x1FFD0] =	vst v1;
	v1 =	vld [tilespmem:$0x210]  }
0x75: {  	v33 =	vmul.u32 $0x5, v48;
	v32 =	vadd.s32 v45, v29;
	v29 =	vld [tilespmem:$0x2D0];
	[tilespmem:$0x990] =	vst v42  }
0x76: {  	v46 =	vadd.s32 v59, v43;
	v34 =	vadd.s32 v47, v31;
	v31 =	vld [tilespmem:$0x2E0];
	[tilespmem:$0x9A0] =	vst v44  }
0x77: {  	v36 =	vadd.s32 v49, v33;
	v33 =	vld [tilespmem:$0x2F0];
	[tilespmem:$0x9B0] =	vst v46  }
0x78: {  	v38 =	vadd.s32 v51, v35;
	v51 =	vld [tilespmem:$0x1FFB0];
	[tilespmem:$0x940] =	vst v32  }
0x79: {  	v40 =	vadd.s32 v53, v37;
	v53 =	vld [tilespmem:$0x1FFC0];
	[tilespmem:$0x950] =	vst v34  }
0x7a: {  	v45 =	vmul.u32 $0x5, v60;
	v35 =	vld [tilespmem:$0x720];
	[tilespmem:$0x960] =	vst v36  }
0x7b: {  	v47 =	vmul.u32 $0x5, v62;
	v60 =	vmul.u32 $0x5, v9;
	v9 =	vld [tilespmem:$0x340];
	[tilespmem:$0x970] =	vst v38  }
0x7c: {  	v44 =	vld [tilespmem:$0x360];
	[tilespmem:$0x980] =	vst v40;
	v48 =	vadd.s32 v61, v45  }
0x7d: {  	v32 =	vld [tilespmem:$0x6F0];
	v49 =	vadd.s32 v63, v47;
	v16 =	vmul.u32 $0x5, v16;
	[tilespmem:$0x9C0] =	vst v48  }
0x7e: {  	v34 =	vld [tilespmem:$0x700];
	v37 =	vmul.u32 $0x5, v18;
	[tilespmem:$0x9D0] =	vst v49  }
0x7f: {  	v54 =	vld [tilespmem:$0x1FFD0];
	v40 =	vmul.u32 $0x5, v20;
	v39 =	vadd.s32 v17, v16;
	[tilespmem:$0x1FFF0] =	vst v1  }
0x80: {  	v38 =	vld [tilespmem:$0x350];
	v43 =	vmul.u32 $0x5, v22;
	v42 =	vadd.s32 v19, v37;
	[tilespmem:$0xA70] =	vst v39  }
0x81: {  	v47 =	vld [tilespmem:$0x770];
	v45 =	vadd.s32 v21, v40;
	v21 =	vmul.u32 $0x5, v4;
	v1 =	vmul.u32 $0x5, v6;
	[tilespmem:$0xA80] =	vst v42  }
0x82: {  	v22 =	vld [tilespmem:$0x7A0];
	v49 =	vmul.u32 $0x5, v26;
	v48 =	vadd.s32 v23, v43;
	[tilespmem:$0xA90] =	vst v45  }
0x83: {  	v40 =	vld [tilespmem:$0x7D0];
	[tilespmem:$0xAA0] =	vst v48;
	v26 =	vadd.s32 v5, v21;
	v7 =	vadd.s32 v7, v1;
	v1 =	vmul.u32 $0x5, v10  }
0x84: {  	v6 =	vld [tilespmem:$0x620];
	[tilespmem:$0xB10] =	vst v26  }
0x85: {  	v43 =	vld [tilespmem:$0x3D0];
	[tilespmem:$0x810] =	vst v7;
	v0 =	vadd.s32 v11, v1  }
0x86: {  	v3 =	vmul.u32 $0x5, v3;
	v57 =	vld [tilespmem:$0x1FFF0];
	v1 =	vmul.u32 $0x5, v54;
	v54 =	vadd.s32 v27, v49;
	[tilespmem:$0x830] =	vst v0  }
0x87: {  	v46 =	vmul.u32 $0x5, v24;
	v10 =	vld [tilespmem:$0x630];
	v0 =	vadd.s32 v15, v12;
	[tilespmem:$0xAC0] =	vst v54  }
0x88: {  	v7 =	vld [tilespmem:$0x230];
	[tilespmem:$0x850] =	vst v0;
	v0 =	vadd.s32 v51, v3  }
0x89: {  	v11 =	vld [tilespmem:$0x240];
	v56 =	vmul.u32 $0x5, v6;
	v51 =	vadd.s32 v25, v46;
	[tilespmem:$0x9E0] =	vst v0  }
0x8a: {  	v49 =	vld [tilespmem:$0x7F0];
	v0 =	vadd.s32 v53, v50;
	[tilespmem:$0xAB0] =	vst v51  }
0x8b: {  	v12 =	vld [tilespmem:$0x650];
	v59 =	vadd.s32 v2, v56;
	[tilespmem:$0x9F0] =	vst v0  }
0x8c: {  	v15 =	vld [tilespmem:$0x260];
	v58 =	vmul.u32 $0x5, v10;
	v0 =	vadd.s32 v55, v52;
	[tilespmem:$0xA20] =	vst v59  }
0x8d: {  	v6 =	vld [tilespmem:$0x320];
	[tilespmem:$0xA00] =	vst v0;
	v0 =	vadd.s32 v57, v1  }
0x8e: {  	v3 =	vld [tilespmem:$0x330];
	v52 =	vmul.u32 $0x5, v28;
	v61 =	vadd.s32 v7, v58;
	[tilespmem:$0xA10] =	vst v0  }
0x8f: {  	v25 =	vld [tilespmem:$0x3A0];
	v55 =	vmul.u32 $0x5, v30;
	v63 =	vadd.s32 v11, v60;
	[tilespmem:$0xA30] =	vst v61  }
0x90: {  	v24 =	vmul.u32 $0x5, v35;
	v46 =	vld [tilespmem:$0x7E0];
	[tilespmem:$0xA40] =	vst v63;
	v57 =	vadd.s32 v29, v52  }
0x91: {  	v10 =	vld [tilespmem:$0x730];
	v58 =	vmul.u32 $0x5, v32;
	v60 =	vadd.s32 v31, v55;
	[tilespmem:$0xAD0] =	vst v57  }
0x92: {  	v53 =	vld [tilespmem:$0x780];
	v62 =	vmul.u32 $0x5, v12;
	v29 =	vadd.s32 v6, v24;
	[tilespmem:$0xAE0] =	vst v60  }
0x93: {  	v50 =	vld [tilespmem:$0x370];
	v12 =	vmul.u32 $0x5, v14;
	v63 =	vadd.s32 v33, v58;
	[tilespmem:$0xB20] =	vst v29  }
0x94: {  	v56 =	vld [tilespmem:$0x380];
	v61 =	vmul.u32 $0x5, v34;
	v14 =	vadd.s32 v13, v62;
	[tilespmem:$0xAF0] =	vst v63  }
0x95: {  	v48 =	vmul.u32 $0x5, v22;
	v28 =	vld [tilespmem:$0x7B0];
	v36 =	vadd.s32 v15, v12;
	[tilespmem:$0xA50] =	vst v14  }
0x96: {  	v7 =	vld [tilespmem:$0x740];
	v57 =	vmul.u32 $0x5, v40;
	v23 =	vadd.s32 v8, v61;
	[tilespmem:$0xA60] =	vst v36  }
0x97: {  	v11 =	vld [tilespmem:$0x750];
	v27 =	vmul.u32 $0x5, v10;
	v42 =	vmul.u32 $0x5, v53;
	v53 =	vadd.s32 v25, v48;
	[tilespmem:$0xB00] =	vst v23  }
0x98: {  	v31 =	vld [tilespmem:$0x3B0];
	[tilespmem:$0xBA0] =	vst v53;
	v60 =	vadd.s32 v43, v57  }
0x99: {  	v55 =	vld [tilespmem:$0x3F0];
	v36 =	vmul.u32 $0x5, v41;
	v32 =	vadd.s32 v3, v27;
	[tilespmem:$0xBD0] =	vst v60  }
0x9a: {  	v39 =	vmul.u32 $0x5, v47;
	v59 =	vld [tilespmem:$0x790];
	v47 =	vadd.s32 v56, v42;
	[tilespmem:$0xB30] =	vst v32  }
0x9b: {  	v34 =	vld [tilespmem:$0x7C0];
	v51 =	vmul.u32 $0x5, v28;
	v41 =	vadd.s32 v44, v36;
	[tilespmem:$0xB80] =	vst v47  }
0x9c: {  	v62 =	vld [tilespmem:$0x390];
	v61 =	vmul.u32 $0x5, v49;
	v44 =	vadd.s32 v50, v39;
	[tilespmem:$0xB60] =	vst v41  }
0x9d: {  	v37 =	vld [tilespmem:$0x3C0];
	v30 =	vmul.u32 $0x5, v7;
	v56 =	vadd.s32 v31, v51;
	[tilespmem:$0xB70] =	vst v44  }
0x9e: {  	v52 =	vld [tilespmem:$0x3E0];
	v33 =	vmul.u32 $0x5, v11;
	v63 =	vadd.s32 v55, v61;
	[tilespmem:$0xBB0] =	vst v56  }
0x9f: {  	v45 =	vmul.u32 $0x5, v59;
	v35 =	vadd.s32 v9, v30;
	[tilespmem:$0xBF0] =	vst v63  }
0xa0: {  	v54 =	vmul.u32 $0x5, v34;
	v38 =	vadd.s32 v38, v33;
	[tilespmem:$0xB40] =	vst v35  }
0xa1: {  	v59 =	vmul.u32 $0x5, v46;
	[tilespmem:$0xB50] =	vst v38;
	v50 =	vadd.s32 v62, v45  }
0xa2: {  	v58 =	vadd.s32 v37, v54;
	[tilespmem:$0xB90] =	vst v50  }
0xa3: {  	s31 =	simm.s32 $0x820;
	v62 =	vadd.s32 v52, v59;
	[tilespmem:$0xBC0] =	vst v58  }
0xa4: {  	s4 =	simm.s32 $0x800;
	s29 =	simm.s32 $0x0;
	[dreg:$0x16] =	wrdreg s31;
	[tilespmem:$0xBE0] =	vst v62  }
.LBB2_2:
0xa5: {  	p0 =	seq.s32 s29, $0x0  }
0xa6: {  	s0 =	simm.s32 @!p0 $0x1  }
0xa7: {  	_ =	swait.ge @!p0 [sflag:s0], $0x8000  }
0xa8: {  	[sflag:s0] =	ssyncset.done @!p0 $0x0  }
0xa9: {  	[sflag:s0] =	ssyncadd.s32 @!p0 $0xFFFF8000  }
0xaa: {  	v0 =	vld [tilespmem:s4+$0x0];
	_ =	sdelay $0x4  }
0xab: {  	(v2sf) =	vpush v0, $0x0;
	_ =	sdelay $0xe  }
0xac: {  	s11 =	spop (v2sf)  }
0xad: {  	s2 =	sshll.u32 s11, $0xA;
	s0 =	sshll.u32 s11, $0x7  }
0xae: {  	s1 =	sand.u32 $0xFFFFE000, s2;
	s6 =	sand.u32 $0x380, s0  }
0xaf: {  	s0 =	sor.u32 s6, s1  }
0xb0: {  	v0 =	vld [tilespmem:s0+$0x10C80];
	_ =	sdelay $0x1  }
0xb1: {  	s20 =	simm.s32 $0x0;
	s12 =	simm.s32 $0x0  }
0xb2: {  	s3 =	sand.u32 $0x380, s20;
	s1 =	sand.u32 $0x6000, s12  }
0xb3: {  	s12 =	sor.u32 s3, s1  }
0xb4: {  	s7 =	sadd.s32 $0x10C80, s0;
	[tilespmem:s12+$0xC80] =	vst v0  }
0xb5: {  	v0 =	vld [tilespmem:s7+$0x10];
	_ =	sdelay $0x4  }
0xb6: {  	[tilespmem:s12+$0xC90] =	vst v0  }
0xb7: {  	v0 =	vld [tilespmem:s7+$0x20];
	_ =	sdelay $0x4  }
0xb8: {  	[tilespmem:s12+$0xCA0] =	vst v0  }
0xb9: {  	v0 =	vld [tilespmem:s7+$0x30];
	_ =	sdelay $0x4  }
0xba: {  	[tilespmem:s12+$0xCB0] =	vst v0  }
0xbb: {  	v0 =	vld [tilespmem:s7+$0x40];
	_ =	sdelay $0x4  }
0xbc: {  	[tilespmem:s12+$0xCC0] =	vst v0  }
0xbd: {  	v0 =	vld [tilespmem:s7+$0x50];
	_ =	sdelay $0x4  }
0xbe: {  	[tilespmem:s12+$0xCD0] =	vst v0  }
0xbf: {  	v0 =	vld [tilespmem:s7+$0x60];
	_ =	sdelay $0x4  }
0xc0: {  	[tilespmem:s12+$0xCE0] =	vst v0  }
0xc1: {  	v0 =	vld [tilespmem:s7+$0x70];
	_ =	sdelay $0x1  }
0xc2: {  	s13 =	sadd.s32 $0x1, s4;
	[dreg:$0x15] =	wrdreg s4  }
0xc3: {  	v1 =	vld [tilespmem:s13+$0x0];
	_ =	sdelay $0x1  }
0xc4: {  	[tilespmem:s12+$0xCF0] =	vst v0  }
0xc5: {  	v0 =	vld [tilespmem:s7+$0x400];
	_ =	sdelay $0x1  }
0xc6: {  	(v2sf) =	vpush v1, $0x0;
	_ =	sdelay $0x2  }
0xc7: {  	[tilespmem:s12+$0x1080] =	vst v0  }
0xc8: {  	v0 =	vld [tilespmem:s7+$0x410];
	_ =	sdelay $0x4  }
0xc9: {  	[tilespmem:s12+$0x1090] =	vst v0  }
0xca: {  	v0 =	vld [tilespmem:s7+$0x420];
	_ =	sdelay $0x4  }
0xcb: {  	s14 =	spop (v2sf);
	[tilespmem:s12+$0x10A0] =	vst v0  }
0xcc: {  	s21 =	sshll.u32 s14, $0xA;
	s0 =	sshll.u32 s14, $0x7;
	v0 =	vld [tilespmem:s7+$0x430]  }
0xcd: {  	s15 =	sand.u32 $0xFFFFE000, s21;
	s0 =	sand.u32 $0x380, s0  }
0xce: {  	s3 =	sor.u32 s0, s15  }
0xcf: {  	v1 =	vld [tilespmem:s3+$0x10C80];
	_ =	sdelay $0x1  }
0xd0: {  	s16 =	simm.s32 $0x80;
	s5 =	simm.s32 $0x400;
	[tilespmem:s12+$0x10B0] =	vst v0  }
0xd1: {  	s5 =	sand.u32 $0x6000, s5;
	s4 =	sand.u32 $0x380, s16;
	v0 =	vld [tilespmem:s7+$0x440]  }
0xd2: {  	s23 =	sor.u32 s4, s5  }
0xd3: {  	s22 =	sadd.s32 $0x10C80, s3;
	[tilespmem:s23+$0xC80] =	vst v1  }
0xd4: {  	v1 =	vld [tilespmem:s22+$0x10];
	_ =	sdelay $0x1  }
0xd5: {  	[tilespmem:s12+$0x10C0] =	vst v0  }
0xd6: {  	v0 =	vld [tilespmem:s7+$0x450];
	_ =	sdelay $0x1  }
0xd7: {  	[tilespmem:s23+$0xC90] =	vst v1  }
0xd8: {  	v1 =	vld [tilespmem:s22+$0x20];
	_ =	sdelay $0x1  }
0xd9: {  	[tilespmem:s12+$0x10D0] =	vst v0  }
0xda: {  	v0 =	vld [tilespmem:s7+$0x460];
	_ =	sdelay $0x1  }
0xdb: {  	[tilespmem:s23+$0xCA0] =	vst v1  }
0xdc: {  	v1 =	vld [tilespmem:s22+$0x30];
	_ =	sdelay $0x1  }
0xdd: {  	[tilespmem:s12+$0x10E0] =	vst v0  }
0xde: {  	v0 =	vld [tilespmem:s7+$0x470];
	_ =	sdelay $0x1  }
0xdf: {  	[tilespmem:s23+$0xCB0] =	vst v1  }
0xe0: {  	v1 =	vld [tilespmem:s22+$0x40];
	_ =	sdelay $0x1  }
0xe1: {  	[tilespmem:s12+$0x10F0] =	vst v0  }
0xe2: {  	v0 =	vld [tilespmem:s7+$0x800];
	_ =	sdelay $0x1  }
0xe3: {  	[tilespmem:s23+$0xCC0] =	vst v1  }
0xe4: {  	v1 =	vld [tilespmem:s22+$0x50];
	_ =	sdelay $0x1  }
0xe5: {  	[tilespmem:s12+$0x1480] =	vst v0  }
0xe6: {  	v0 =	vld [tilespmem:s7+$0x810];
	_ =	sdelay $0x1  }
0xe7: {  	[tilespmem:s23+$0xCD0] =	vst v1  }
0xe8: {  	v1 =	vld [tilespmem:s22+$0x60]  }
0xe9: {  	s17 =	sadd.s32 $0x1, s13  }
0xea: {  	v2 =	vld [tilespmem:s17+$0x0];
	[tilespmem:s12+$0x1490] =	vst v0  }
0xeb: {  	v0 =	vld [tilespmem:s7+$0x820];
	_ =	sdelay $0x1  }
0xec: {  	[tilespmem:s23+$0xCE0] =	vst v1  }
0xed: {  	v1 =	vld [tilespmem:s22+$0x70]  }
0xee: {  	(v2sf) =	vpush v2, $0x0  }
0xef: {  	[tilespmem:s12+$0x14A0] =	vst v0  }
0xf0: {  	v0 =	vld [tilespmem:s7+$0x830];
	_ =	sdelay $0x1  }
0xf1: {  	[tilespmem:s23+$0xCF0] =	vst v1  }
0xf2: {  	v1 =	vld [tilespmem:s22+$0x400];
	_ =	sdelay $0x1  }
0xf3: {  	[tilespmem:s12+$0x14B0] =	vst v0  }
0xf4: {  	v0 =	vld [tilespmem:s7+$0x840];
	_ =	sdelay $0x1  }
0xf5: {  	[tilespmem:s23+$0x1080] =	vst v1  }
0xf6: {  	v1 =	vld [tilespmem:s22+$0x410];
	_ =	sdelay $0x1  }
0xf7: {  	[tilespmem:s12+$0x14C0] =	vst v0  }
0xf8: {  	v0 =	vld [tilespmem:s7+$0x850]  }
0xf9: {  	s18 =	spop (v2sf)  }
0xfa: {  	s1 =	sshll.u32 s18, $0xA;
	s3 =	sshll.u32 s18, $0x7;
	[tilespmem:s23+$0x1090] =	vst v1  }
0xfb: {  	s19 =	sand.u32 $0xFFFFE000, s1;
	s8 =	sand.u32 $0x380, s3;
	v1 =	vld [tilespmem:s22+$0x420]  }
0xfc: {  	s4 =	sor.u32 s8, s19  }
0xfd: {  	v2 =	vld [tilespmem:s4+$0x10C80];
	[tilespmem:s12+$0x14D0] =	vst v0  }
0xfe: {  	v0 =	vld [tilespmem:s7+$0x860]  }
0xff: {  	s24 =	simm.s32 $0x100;
	s9 =	simm.s32 $0x800  }
0x100: {  	s9 =	sand.u32 $0x6000, s9;
	s3 =	sand.u32 $0x380, s24;
	[tilespmem:s23+$0x10A0] =	vst v1  }
0x101: {  	s3 =	sor.u32 s3, s9;
	v1 =	vld [tilespmem:s22+$0x430]  }
0x102: {  	s4 =	sadd.s32 $0x10C80, s4;
	[tilespmem:s3+$0xC80] =	vst v2  }
0x103: {  	v2 =	vld [tilespmem:s4+$0x10];
	[tilespmem:s12+$0x14E0] =	vst v0  }
0x104: {  	v0 =	vld [tilespmem:s7+$0x870];
	_ =	sdelay $0x1  }
0x105: {  	[tilespmem:s23+$0x10B0] =	vst v1  }
0x106: {  	v1 =	vld [tilespmem:s22+$0x440]  }
0x107: {  	[tilespmem:s3+$0xC90] =	vst v2  }
0x108: {  	v2 =	vld [tilespmem:s4+$0x20];
	[tilespmem:s12+$0x14F0] =	vst v0  }
0x109: {  	v0 =	vld [tilespmem:s7+$0xC00];
	_ =	sdelay $0x1  }
0x10a: {  	[tilespmem:s23+$0x10C0] =	vst v1  }
0x10b: {  	v1 =	vld [tilespmem:s22+$0x450]  }
0x10c: {  	[tilespmem:s3+$0xCA0] =	vst v2  }
0x10d: {  	v2 =	vld [tilespmem:s4+$0x30];
	[tilespmem:s12+$0x1880] =	vst v0  }
0x10e: {  	v0 =	vld [tilespmem:s7+$0xC10];
	_ =	sdelay $0x1  }
0x10f: {  	[tilespmem:s23+$0x10D0] =	vst v1  }
0x110: {  	v1 =	vld [tilespmem:s22+$0x460]  }
0x111: {  	[tilespmem:s3+$0xCB0] =	vst v2  }
0x112: {  	v2 =	vld [tilespmem:s4+$0x40];
	[tilespmem:s12+$0x1890] =	vst v0  }
0x113: {  	v0 =	vld [tilespmem:s7+$0xC20];
	_ =	sdelay $0x1  }
0x114: {  	[tilespmem:s23+$0x10E0] =	vst v1  }
0x115: {  	v1 =	vld [tilespmem:s22+$0x470]  }
0x116: {  	[tilespmem:s3+$0xCC0] =	vst v2  }
0x117: {  	v2 =	vld [tilespmem:s4+$0x50];
	[tilespmem:s12+$0x18A0] =	vst v0  }
0x118: {  	v0 =	vld [tilespmem:s7+$0xC30];
	_ =	sdelay $0x1  }
0x119: {  	[tilespmem:s23+$0x10F0] =	vst v1  }
0x11a: {  	v1 =	vld [tilespmem:s22+$0x800]  }
0x11b: {  	[tilespmem:s3+$0xCD0] =	vst v2  }
0x11c: {  	v2 =	vld [tilespmem:s4+$0x60];
	[tilespmem:s12+$0x18B0] =	vst v0  }
0x11d: {  	s25 =	sadd.s32 $0x1, s17;
	v0 =	vld [tilespmem:s7+$0xC40]  }
0x11e: {  	v3 =	vld [tilespmem:s25+$0x0]  }
0x11f: {  	[tilespmem:s23+$0x1480] =	vst v1  }
0x120: {  	v1 =	vld [tilespmem:s22+$0x810]  }
0x121: {  	[tilespmem:s3+$0xCE0] =	vst v2  }
0x122: {  	v2 =	vld [tilespmem:s4+$0x70];
	[tilespmem:s12+$0x18C0] =	vst v0  }
0x123: {  	(v2sf) =	vpush v3, $0x0;
	v0 =	vld [tilespmem:s7+$0xC50];
	_ =	sdelay $0x1  }
0x124: {  	[tilespmem:s23+$0x1490] =	vst v1  }
0x125: {  	v1 =	vld [tilespmem:s22+$0x820]  }
0x126: {  	[tilespmem:s3+$0xCF0] =	vst v2  }
0x127: {  	v2 =	vld [tilespmem:s4+$0x400];
	[tilespmem:s12+$0x18D0] =	vst v0  }
0x128: {  	v0 =	vld [tilespmem:s7+$0xC60];
	_ =	sdelay $0x1  }
0x129: {  	[tilespmem:s23+$0x14A0] =	vst v1  }
0x12a: {  	v1 =	vld [tilespmem:s22+$0x830]  }
0x12b: {  	[tilespmem:s3+$0x1080] =	vst v2  }
0x12c: {  	v2 =	vld [tilespmem:s4+$0x410];
	[tilespmem:s12+$0x18E0] =	vst v0  }
0x12d: {  	v0 =	vld [tilespmem:s7+$0xC70];
	_ =	sdelay $0x1  }
0x12e: {  	[tilespmem:s23+$0x14B0] =	vst v1  }
0x12f: {  	s26 =	spop (v2sf);
	v1 =	vld [tilespmem:s22+$0x840]  }
0x130: {  	s10 =	sshll.u32 s26, $0xA;
	s5 =	sshll.u32 s26, $0x7;
	[tilespmem:s3+$0x1090] =	vst v2  }
0x131: {  	s11 =	sand.u32 $0xFFFFE000, s10;
	s5 =	sand.u32 $0x380, s5;
	v2 =	vld [tilespmem:s4+$0x420];
	[tilespmem:s12+$0x18F0] =	vst v0  }
0x132: {  	s11 =	sor.u32 s5, s11;
	v0 =	vld [tilespmem:s7+$0x1000]  }
0x133: {  	v3 =	vld [tilespmem:s11+$0x10C80]  }
0x134: {  	[tilespmem:s23+$0x14C0] =	vst v1  }
0x135: {  	s13 =	simm.s32 $0x180;
	s14 =	simm.s32 $0xC00;
	v1 =	vld [tilespmem:s22+$0x850]  }
0x136: {  	s13 =	sand.u32 $0x380, s13;
	s14 =	sand.u32 $0x6000, s14;
	[tilespmem:s3+$0x10A0] =	vst v2  }
0x137: {  	s24 =	sor.u32 s13, s14;
	v2 =	vld [tilespmem:s4+$0x430];
	[tilespmem:s12+$0x1C80] =	vst v0  }
0x138: {  	s13 =	sadd.s32 $0x10C80, s11;
	[tilespmem:s24+$0xC80] =	vst v3;
	v0 =	vld [tilespmem:s7+$0x1010]  }
0x139: {  	v3 =	vld [tilespmem:s13+$0x10]  }
0x13a: {  	[tilespmem:s23+$0x14D0] =	vst v1  }
0x13b: {  	v1 =	vld [tilespmem:s22+$0x860]  }
0x13c: {  	[tilespmem:s3+$0x10B0] =	vst v2  }
0x13d: {  	v2 =	vld [tilespmem:s4+$0x440];
	[tilespmem:s12+$0x1C90] =	vst v0  }
0x13e: {  	[tilespmem:s24+$0xC90] =	vst v3;
	v0 =	vld [tilespmem:s7+$0x1020]  }
0x13f: {  	v3 =	vld [tilespmem:s13+$0x20]  }
0x140: {  	[tilespmem:s23+$0x14E0] =	vst v1  }
0x141: {  	v1 =	vld [tilespmem:s22+$0x870]  }
0x142: {  	[tilespmem:s3+$0x10C0] =	vst v2  }
0x143: {  	v2 =	vld [tilespmem:s4+$0x450];
	[tilespmem:s12+$0x1CA0] =	vst v0  }
0x144: {  	[tilespmem:s24+$0xCA0] =	vst v3;
	v0 =	vld [tilespmem:s7+$0x1030]  }
0x145: {  	v3 =	vld [tilespmem:s13+$0x30]  }
0x146: {  	[tilespmem:s23+$0x14F0] =	vst v1  }
0x147: {  	v1 =	vld [tilespmem:s22+$0xC00]  }
0x148: {  	[tilespmem:s3+$0x10D0] =	vst v2  }
0x149: {  	v2 =	vld [tilespmem:s4+$0x460];
	[tilespmem:s12+$0x1CB0] =	vst v0  }
0x14a: {  	[tilespmem:s24+$0xCB0] =	vst v3;
	v0 =	vld [tilespmem:s7+$0x1040]  }
0x14b: {  	v3 =	vld [tilespmem:s13+$0x40]  }
0x14c: {  	[tilespmem:s23+$0x1880] =	vst v1  }
0x14d: {  	v1 =	vld [tilespmem:s22+$0xC10]  }
0x14e: {  	[tilespmem:s3+$0x10E0] =	vst v2  }
0x14f: {  	v2 =	vld [tilespmem:s4+$0x470];
	[tilespmem:s12+$0x1CC0] =	vst v0  }
0x150: {  	[tilespmem:s24+$0xCC0] =	vst v3;
	v0 =	vld [tilespmem:s7+$0x1050]  }
0x151: {  	v3 =	vld [tilespmem:s13+$0x50]  }
0x152: {  	[tilespmem:s23+$0x1890] =	vst v1  }
0x153: {  	v1 =	vld [tilespmem:s22+$0xC20]  }
0x154: {  	[tilespmem:s3+$0x10F0] =	vst v2  }
0x155: {  	v2 =	vld [tilespmem:s4+$0x800];
	[tilespmem:s12+$0x1CD0] =	vst v0  }
0x156: {  	[tilespmem:s24+$0xCD0] =	vst v3;
	v0 =	vld [tilespmem:s7+$0x1060]  }
0x157: {  	v3 =	vld [tilespmem:s13+$0x60]  }
0x158: {  	[tilespmem:s23+$0x18A0] =	vst v1  }
0x159: {  	v1 =	vld [tilespmem:s22+$0xC30]  }
0x15a: {  	[tilespmem:s3+$0x1480] =	vst v2  }
0x15b: {  	v2 =	vld [tilespmem:s4+$0x810];
	[tilespmem:s12+$0x1CE0] =	vst v0  }
0x15c: {  	[tilespmem:s24+$0xCE0] =	vst v3;
	v0 =	vld [tilespmem:s7+$0x1070]  }
0x15d: {  	s9 =	sadd.s32 $0x1, s25;
	v3 =	vld [tilespmem:s13+$0x70]  }
0x15e: {  	v4 =	vld [tilespmem:s9+$0x0];
	[tilespmem:s23+$0x18B0] =	vst v1  }
0x15f: {  	v1 =	vld [tilespmem:s22+$0xC40]  }
0x160: {  	[tilespmem:s3+$0x1490] =	vst v2  }
0x161: {  	v2 =	vld [tilespmem:s4+$0x820];
	[tilespmem:s12+$0x1CF0] =	vst v0  }
0x162: {  	[tilespmem:s24+$0xCF0] =	vst v3;
	v0 =	vld [tilespmem:s7+$0x1400]  }
0x163: {  	(v2sf) =	vpush v4, $0x0;
	v3 =	vld [tilespmem:s13+$0x400]  }
0x164: {  	[tilespmem:s23+$0x18C0] =	vst v1  }
0x165: {  	v1 =	vld [tilespmem:s22+$0xC50]  }
0x166: {  	[tilespmem:s3+$0x14A0] =	vst v2  }
0x167: {  	v2 =	vld [tilespmem:s4+$0x830];
	[tilespmem:s12+$0x2080] =	vst v0  }
0x168: {  	[tilespmem:s24+$0x1080] =	vst v3;
	v0 =	vld [tilespmem:s7+$0x1410]  }
0x169: {  	v3 =	vld [tilespmem:s13+$0x410]  }
0x16a: {  	[tilespmem:s23+$0x18D0] =	vst v1  }
0x16b: {  	v1 =	vld [tilespmem:s22+$0xC60]  }
0x16c: {  	[tilespmem:s3+$0x14B0] =	vst v2  }
0x16d: {  	v2 =	vld [tilespmem:s4+$0x840];
	[tilespmem:s12+$0x2090] =	vst v0  }
0x16e: {  	[tilespmem:s24+$0x1090] =	vst v3;
	v0 =	vld [tilespmem:s7+$0x1420]  }
0x16f: {  	v3 =	vld [tilespmem:s13+$0x420]  }
0x170: {  	[tilespmem:s23+$0x18E0] =	vst v1  }
0x171: {  	v1 =	vld [tilespmem:s22+$0xC70]  }
0x172: {  	s30 =	spop (v2sf);
	[tilespmem:s3+$0x14C0] =	vst v2  }
0x173: {  	s11 =	sshll.u32 s30, $0xA;
	s14 =	sshll.u32 s30, $0x7;
	v2 =	vld [tilespmem:s4+$0x850];
	[tilespmem:s12+$0x20A0] =	vst v0  }
0x174: {  	s15 =	sand.u32 $0xFFFFE000, s11;
	s14 =	sand.u32 $0x380, s14;
	[tilespmem:s24+$0x10A0] =	vst v3;
	v0 =	vld [tilespmem:s7+$0x1430]  }
0x175: {  	s16 =	sor.u32 s14, s15;
	v3 =	vld [tilespmem:s13+$0x430]  }
0x176: {  	v4 =	vld [tilespmem:s16+$0x10C80];
	[tilespmem:s23+$0x18F0] =	vst v1  }
0x177: {  	v1 =	vld [tilespmem:s22+$0x1000]  }
0x178: {  	s31 =	simm.s32 $0x200;
	s17 =	simm.s32 $0x1000;
	[tilespmem:s3+$0x14D0] =	vst v2  }
0x179: {  	s17 =	sand.u32 $0x6000, s17;
	s15 =	sand.u32 $0x380, s31;
	v2 =	vld [tilespmem:s4+$0x860];
	[tilespmem:s12+$0x20B0] =	vst v0  }
0x17a: {  	s15 =	sor.u32 s15, s17;
	[tilespmem:s24+$0x10B0] =	vst v3;
	v0 =	vld [tilespmem:s7+$0x1440]  }
0x17b: {  	s28 =	sadd.s32 $0x10C80, s16;
	[tilespmem:s15+$0xC80] =	vst v4;
	v3 =	vld [tilespmem:s13+$0x440]  }
0x17c: {  	v4 =	vld [tilespmem:s28+$0x10];
	[tilespmem:s23+$0x1C80] =	vst v1  }
0x17d: {  	v1 =	vld [tilespmem:s22+$0x1010]  }
0x17e: {  	[tilespmem:s3+$0x14E0] =	vst v2  }
0x17f: {  	v2 =	vld [tilespmem:s4+$0x870];
	[tilespmem:s12+$0x20C0] =	vst v0  }
0x180: {  	[tilespmem:s24+$0x10C0] =	vst v3;
	v0 =	vld [tilespmem:s7+$0x1450]  }
0x181: {  	[tilespmem:s15+$0xC90] =	vst v4;
	v3 =	vld [tilespmem:s13+$0x450]  }
0x182: {  	v4 =	vld [tilespmem:s28+$0x20];
	[tilespmem:s23+$0x1C90] =	vst v1  }
0x183: {  	v1 =	vld [tilespmem:s22+$0x1020]  }
0x184: {  	[tilespmem:s3+$0x14F0] =	vst v2  }
0x185: {  	v2 =	vld [tilespmem:s4+$0xC00];
	[tilespmem:s12+$0x20D0] =	vst v0  }
0x186: {  	[tilespmem:s24+$0x10D0] =	vst v3;
	v0 =	vld [tilespmem:s7+$0x1460]  }
0x187: {  	[tilespmem:s15+$0xCA0] =	vst v4;
	v3 =	vld [tilespmem:s13+$0x460]  }
0x188: {  	v4 =	vld [tilespmem:s28+$0x30];
	[tilespmem:s23+$0x1CA0] =	vst v1  }
0x189: {  	v1 =	vld [tilespmem:s22+$0x1030]  }
0x18a: {  	[tilespmem:s3+$0x1880] =	vst v2  }
0x18b: {  	v2 =	vld [tilespmem:s4+$0xC10];
	[tilespmem:s12+$0x20E0] =	vst v0  }
0x18c: {  	[tilespmem:s24+$0x10E0] =	vst v3;
	v0 =	vld [tilespmem:s7+$0x1470]  }
0x18d: {  	[tilespmem:s15+$0xCB0] =	vst v4;
	v3 =	vld [tilespmem:s13+$0x470]  }
0x18e: {  	v4 =	vld [tilespmem:s28+$0x40];
	[tilespmem:s23+$0x1CB0] =	vst v1  }
0x18f: {  	v1 =	vld [tilespmem:s22+$0x1040]  }
0x190: {  	[tilespmem:s3+$0x1890] =	vst v2  }
0x191: {  	v2 =	vld [tilespmem:s4+$0xC20];
	[tilespmem:s12+$0x20F0] =	vst v0  }
0x192: {  	[tilespmem:s24+$0x10F0] =	vst v3;
	v0 =	vld [tilespmem:s7+$0x1800]  }
0x193: {  	[tilespmem:s15+$0xCC0] =	vst v4;
	v3 =	vld [tilespmem:s13+$0x800]  }
0x194: {  	v4 =	vld [tilespmem:s28+$0x50];
	[tilespmem:s23+$0x1CC0] =	vst v1  }
0x195: {  	v1 =	vld [tilespmem:s22+$0x1050]  }
0x196: {  	[tilespmem:s3+$0x18A0] =	vst v2  }
0x197: {  	v2 =	vld [tilespmem:s4+$0xC30];
	[tilespmem:s12+$0x2480] =	vst v0  }
0x198: {  	[tilespmem:s24+$0x1480] =	vst v3;
	v0 =	vld [tilespmem:s7+$0x1810]  }
0x199: {  	[tilespmem:s15+$0xCD0] =	vst v4;
	v3 =	vld [tilespmem:s13+$0x810]  }
0x19a: {  	v4 =	vld [tilespmem:s28+$0x60];
	[tilespmem:s23+$0x1CD0] =	vst v1  }
0x19b: {  	v1 =	vld [tilespmem:s22+$0x1060]  }
0x19c: {  	[tilespmem:s3+$0x18B0] =	vst v2  }
0x19d: {  	v2 =	vld [tilespmem:s4+$0xC40];
	[tilespmem:s12+$0x2490] =	vst v0  }
0x19e: {  	[tilespmem:s24+$0x1490] =	vst v3;
	v0 =	vld [tilespmem:s7+$0x1820]  }
0x19f: {  	[tilespmem:s15+$0xCE0] =	vst v4;
	v3 =	vld [tilespmem:s13+$0x820]  }
0x1a0: {  	v4 =	vld [tilespmem:s28+$0x70];
	[tilespmem:s23+$0x1CE0] =	vst v1  }
0x1a1: {  	s9 =	sadd.s32 $0x1, s9;
	v1 =	vld [tilespmem:s22+$0x1070]  }
0x1a2: {  	v5 =	vld [tilespmem:s9+$0x0];
	[tilespmem:s3+$0x18C0] =	vst v2  }
0x1a3: {  	v2 =	vld [tilespmem:s4+$0xC50];
	[tilespmem:s12+$0x24A0] =	vst v0  }
0x1a4: {  	[tilespmem:s24+$0x14A0] =	vst v3;
	v0 =	vld [tilespmem:s7+$0x1830]  }
0x1a5: {  	[tilespmem:s15+$0xCF0] =	vst v4;
	v3 =	vld [tilespmem:s13+$0x830]  }
0x1a6: {  	v4 =	vld [tilespmem:s28+$0x400];
	[tilespmem:s23+$0x1CF0] =	vst v1  }
0x1a7: {  	(v2sf) =	vpush v5, $0x0;
	v1 =	vld [tilespmem:s22+$0x1400]  }
0x1a8: {  	[tilespmem:s3+$0x18D0] =	vst v2  }
0x1a9: {  	v2 =	vld [tilespmem:s4+$0xC60];
	[tilespmem:s12+$0x24B0] =	vst v0  }
0x1aa: {  	[tilespmem:s24+$0x14B0] =	vst v3;
	v0 =	vld [tilespmem:s7+$0x1840]  }
0x1ab: {  	[tilespmem:s15+$0x1080] =	vst v4;
	v3 =	vld [tilespmem:s13+$0x840]  }
0x1ac: {  	v4 =	vld [tilespmem:s28+$0x410];
	[tilespmem:s23+$0x2080] =	vst v1  }
0x1ad: {  	v1 =	vld [tilespmem:s22+$0x1410]  }
0x1ae: {  	[tilespmem:s3+$0x18E0] =	vst v2  }
0x1af: {  	v2 =	vld [tilespmem:s4+$0xC70];
	[tilespmem:s12+$0x24C0] =	vst v0  }
0x1b0: {  	[tilespmem:s24+$0x14C0] =	vst v3;
	v0 =	vld [tilespmem:s7+$0x1850]  }
0x1b1: {  	[tilespmem:s15+$0x1090] =	vst v4;
	v3 =	vld [tilespmem:s13+$0x850]  }
0x1b2: {  	v4 =	vld [tilespmem:s28+$0x420];
	[tilespmem:s23+$0x2090] =	vst v1  }
0x1b3: {  	v1 =	vld [tilespmem:s22+$0x1420]  }
0x1b4: {  	[tilespmem:s3+$0x18F0] =	vst v2  }
0x1b5: {  	v2 =	vld [tilespmem:s4+$0x1000];
	[tilespmem:s12+$0x24D0] =	vst v0  }
0x1b6: {  	s17 =	spop (v2sf);
	[tilespmem:s24+$0x14D0] =	vst v3;
	v0 =	vld [tilespmem:s7+$0x1860]  }
0x1b7: {  	s25 =	sshll.u32 s17, $0xA;
	s16 =	sshll.u32 s17, $0x7;
	[tilespmem:s15+$0x10A0] =	vst v4;
	v6 =	vld [tilespmem:s13+$0x860]  }
0x1b8: {  	s18 =	sand.u32 $0xFFFFE000, s25;
	s26 =	sand.u32 $0x380, s16;
	v4 =	vld [tilespmem:s28+$0x430];
	[tilespmem:s23+$0x20A0] =	vst v1  }
0x1b9: {  	s17 =	sor.u32 s26, s18;
	v1 =	vld [tilespmem:s22+$0x1430]  }
0x1ba: {  	v5 =	vld [tilespmem:s17+$0x10C80];
	[tilespmem:s3+$0x1C80] =	vst v2  }
0x1bb: {  	v2 =	vld [tilespmem:s4+$0x1010];
	[tilespmem:s12+$0x24E0] =	vst v0  }
0x1bc: {  	s19 =	simm.s32 $0x280;
	s30 =	simm.s32 $0x1400;
	[tilespmem:s24+$0x14E0] =	vst v6;
	v3 =	vld [tilespmem:s7+$0x1870]  }
0x1bd: {  	s16 =	sadd.s32 $0x1, s9;
	s9 =	sand.u32 $0x6000, s30;
	[tilespmem:s15+$0x10B0] =	vst v4;
	v6 =	vld [tilespmem:s13+$0x870];
	s7 =	sand.u32 $0x380, s19  }
0x1be: {  	v4 =	vld [tilespmem:s28+$0x440];
	[tilespmem:s23+$0x20B0] =	vst v1;
	s7 =	sor.u32 s7, s9  }
0x1bf: {  	v1 =	vld [tilespmem:s22+$0x1440];
	s9 =	sadd.s32 $0x10C80, s17;
	[tilespmem:s7+$0xC80] =	vst v5  }
0x1c0: {  	s18 =	sor.u32 s2, s6;
	[tilespmem:s3+$0x1C90] =	vst v2;
	v5 =	vld [tilespmem:s9+$0x10]  }
0x1c1: {  	s2 =	sor.u32 $0x1C00, s18;
	[tilespmem:s12+$0x24F0] =	vst v3;
	v3 =	vld [tilespmem:s4+$0x1020]  }
0x1c2: {  	[tilespmem:s24+$0x14F0] =	vst v6;
	v2 =	vld [tilespmem:s2+$0x10C80]  }
0x1c3: {  	s31 =	sand.u32 $0x7, s20;
	[tilespmem:s15+$0x10C0] =	vst v4;
	v6 =	vld [tilespmem:s13+$0xC00]  }
0x1c4: {  	v4 =	vld [tilespmem:s28+$0x450];
	[tilespmem:s23+$0x20C0] =	vst v1;
	s2 =	sshll.u32 s31, $0x7  }
0x1c5: {  	v1 =	vld [tilespmem:s22+$0x1450];
	s19 =	sadd.s32 $0x0, s2;
	[tilespmem:s7+$0xC90] =	vst v5  }
0x1c6: {  	s2 =	sor.u32 $0x1C00, s19;
	v5 =	vld [tilespmem:s9+$0x20];
	[tilespmem:s3+$0x1CA0] =	vst v3  }
0x1c7: {  	s6 =	sor.u32 $0x1C10, s18;
	[tilespmem:s2+$0xC80] =	vst v2;
	v3 =	vld [tilespmem:s4+$0x1030]  }
0x1c8: {  	[tilespmem:s24+$0x1880] =	vst v6;
	v2 =	vld [tilespmem:s6+$0x10C80]  }
0x1c9: {  	[tilespmem:s15+$0x10D0] =	vst v4;
	v6 =	vld [tilespmem:s13+$0xC10]  }
0x1ca: {  	v4 =	vld [tilespmem:s28+$0x460];
	[tilespmem:s23+$0x20D0] =	vst v1  }
0x1cb: {  	v1 =	vld [tilespmem:s22+$0x1460];
	[tilespmem:s7+$0xCA0] =	vst v5  }
0x1cc: {  	s12 =	sor.u32 $0x1C10, s19;
	v5 =	vld [tilespmem:s9+$0x30];
	[tilespmem:s3+$0x1CB0] =	vst v3  }
0x1cd: {  	s17 =	sor.u32 $0x1C20, s18;
	[tilespmem:s12+$0xC80] =	vst v2;
	v3 =	vld [tilespmem:s4+$0x1040]  }
0x1ce: {  	[tilespmem:s24+$0x1890] =	vst v6;
	v2 =	vld [tilespmem:s17+$0x10C80]  }
0x1cf: {  	[tilespmem:s15+$0x10E0] =	vst v4;
	v6 =	vld [tilespmem:s13+$0xC20]  }
0x1d0: {  	v4 =	vld [tilespmem:s28+$0x470];
	[tilespmem:s23+$0x20E0] =	vst v1  }
0x1d1: {  	v1 =	vld [tilespmem:s22+$0x1470];
	[tilespmem:s7+$0xCB0] =	vst v5  }
0x1d2: {  	s30 =	sor.u32 $0x1C20, s19;
	v5 =	vld [tilespmem:s9+$0x40];
	[tilespmem:s3+$0x1CC0] =	vst v3  }
0x1d3: {  	s31 =	sor.u32 $0x1C30, s18;
	[tilespmem:s30+$0xC80] =	vst v2;
	v3 =	vld [tilespmem:s4+$0x1050]  }
0x1d4: {  	[tilespmem:s24+$0x18A0] =	vst v6;
	v2 =	vld [tilespmem:s31+$0x10C80]  }
0x1d5: {  	[tilespmem:s15+$0x10F0] =	vst v4;
	v6 =	vld [tilespmem:s13+$0xC30]  }
0x1d6: {  	v4 =	vld [tilespmem:s28+$0x800];
	[tilespmem:s23+$0x20F0] =	vst v1  }
0x1d7: {  	v1 =	vld [tilespmem:s22+$0x1800];
	[tilespmem:s7+$0xCC0] =	vst v5  }
0x1d8: {  	s6 =	sor.u32 $0x1C30, s19;
	v5 =	vld [tilespmem:s9+$0x50];
	[tilespmem:s3+$0x1CD0] =	vst v3  }
0x1d9: {  	s12 =	sor.u32 $0x1C40, s18;
	[tilespmem:s6+$0xC80] =	vst v2;
	v3 =	vld [tilespmem:s4+$0x1060]  }
0x1da: {  	[tilespmem:s24+$0x18B0] =	vst v6;
	v2 =	vld [tilespmem:s12+$0x10C80]  }
0x1db: {  	[tilespmem:s15+$0x1480] =	vst v4;
	v4 =	vld [tilespmem:s13+$0xC40]  }
0x1dc: {  	v0 =	vld [tilespmem:s16+$0x0];
	[tilespmem:s23+$0x2480] =	vst v1  }
0x1dd: {  	v1 =	vld [tilespmem:s22+$0x1810];
	[tilespmem:s7+$0xCD0] =	vst v5  }
0x1de: {  	s17 =	sor.u32 $0x1C40, s19;
	v5 =	vld [tilespmem:s28+$0x810];
	[tilespmem:s3+$0x1CE0] =	vst v3  }
0x1df: {  	s30 =	sor.u32 $0x1C50, s18;
	v7 =	vld [tilespmem:s9+$0x60];
	[tilespmem:s17+$0xC80] =	vst v2  }
0x1e0: {  	s31 =	sshll.u32 s29, $0x1;
	v2 =	vld [tilespmem:s30+$0x10C80];
	[dreg:$0x17] =	wrdreg s29  }
0x1e1: {  	[dreg:$0x18] =	wrdreg s31  }
0x1e2: {  	v3 =	vld [tilespmem:s4+$0x1070];
	[tilespmem:s23+$0x2490] =	vst v1  }
0x1e3: {  	s2 =	simm.s32 $0x0;
	v1 =	vld [tilespmem:s22+$0x1820]  }
0x1e4: {  	s6 =	simm.s32 $0x380;
	s17 =	simm.s32 $0x300;
	s29 =	simm.s32 $0xFFFF9400;
	[tilespmem:s7+$0xCE0] =	vst v7  }
.LBB2_3:
0x1e5: {  	p1 =	sne.s32 s6, $0xF80;
	v6 =	vld [tilespmem:s9+$0x70];
	[tilespmem:s15+$0x1490] =	vst v5  }
0x1e6: {  	v5 =	vld [tilespmem:s28+$0x820];
	[tilespmem:s24+$0x18C0] =	vst v4  }
0x1e7: {  	v4 =	vld [tilespmem:s13+$0xC50];
	[tilespmem:s3+$0x1CF0] =	vst v3  }
0x1e8: {  	s12 =	sor.u32 $0x1C50, s19;
	v3 =	vld [tilespmem:s4+$0x1400];
	[tilespmem:s23+$0x24A0] =	vst v1  }
0x1e9: {  	(v2sf) =	vpush v0, $0x0;
	v0 =	vld [tilespmem:s22+$0x1830];
	[tilespmem:s12+$0xC80] =	vst v2;
	s12 =	sor.u32 $0x1C60, s18  }
0x1ea: {  	[tilespmem:s7+$0xCF0] =	vst v6;
	v1 =	vld [tilespmem:s12+$0x10C80]  }
0x1eb: {  	v2 =	vld [tilespmem:s9+$0x400];
	[tilespmem:s15+$0x14A0] =	vst v5  }
0x1ec: {  	v5 =	vld [tilespmem:s28+$0x830];
	[tilespmem:s24+$0x18D0] =	vst v4  }
0x1ed: {  	v4 =	vld [tilespmem:s13+$0xC60];
	[tilespmem:s3+$0x2080] =	vst v3  }
0x1ee: {  	s12 =	sor.u32 $0x1C60, s19;
	v3 =	vld [tilespmem:s4+$0x1410];
	[tilespmem:s23+$0x24B0] =	vst v0  }
0x1ef: {  	v0 =	vld [tilespmem:s22+$0x1840];
	[tilespmem:s12+$0xC80] =	vst v1;
	s12 =	sor.u32 $0x1C70, s18  }
0x1f0: {  	[tilespmem:s7+$0x1080] =	vst v2;
	v1 =	vld [tilespmem:s12+$0x10C80]  }
0x1f1: {  	v2 =	vld [tilespmem:s9+$0x410];
	[tilespmem:s15+$0x14B0] =	vst v5  }
0x1f2: {  	v5 =	vld [tilespmem:s28+$0x840];
	[tilespmem:s24+$0x18E0] =	vst v4  }
0x1f3: {  	v4 =	vld [tilespmem:s13+$0xC70];
	[tilespmem:s3+$0x2090] =	vst v3  }
0x1f4: {  	s12 =	sor.u32 $0x1C70, s19;
	v3 =	vld [tilespmem:s4+$0x1420];
	[tilespmem:s23+$0x24C0] =	vst v0  }
0x1f5: {  	s16 =	sadd.s32 $0x1, s16;
	v6 =	vld [tilespmem:s22+$0x1850];
	[tilespmem:s12+$0xC80] =	vst v1  }
0x1f6: {  	v0 =	vld [tilespmem:s16+$0x0];
	[tilespmem:s7+$0x1090] =	vst v2  }
0x1f7: {  	v1 =	vld [tilespmem:s9+$0x420];
	[tilespmem:s15+$0x14C0] =	vst v5  }
0x1f8: {  	s12 =	spop (v2sf);
	v2 =	vld [tilespmem:s28+$0x850];
	[tilespmem:s24+$0x18F0] =	vst v4  }
0x1f9: {  	s19 =	sshll.u32 s12, $0xA;
	s12 =	sshll.u32 s12, $0x7;
	v4 =	vld [tilespmem:s13+$0x1000];
	[tilespmem:s3+$0x20A0] =	vst v3  }
0x1fa: {  	s18 =	sand.u32 $0xFFFFE000, s19;
	s12 =	sand.u32 $0x380, s12;
	v3 =	vld [tilespmem:s4+$0x1430];
	[tilespmem:s23+$0x24D0] =	vst v6  }
0x1fb: {  	s18 =	sor.u32 s12, s18;
	v5 =	vld [tilespmem:s22+$0x1860]  }
0x1fc: {  	v6 =	vld [tilespmem:s18+$0x10C80];
	[tilespmem:s7+$0x10A0] =	vst v1  }
0x1fd: {  	s29 =	sadd.s32 $0x400, s29;
	v1 =	vld [tilespmem:s9+$0x430];
	[tilespmem:s15+$0x14D0] =	vst v2  }
0x1fe: {  	s30 =	sadd.s32 $0x8000, s29;
	v2 =	vld [tilespmem:s28+$0x860];
	[tilespmem:s24+$0x1C80] =	vst v4  }
0x1ff: {  	s31 =	sand.u32 $0x380, s17;
	s17 =	smov.u32 s6;
	s30 =	sand.u32 $0x6000, s30;
	v4 =	vld [tilespmem:s13+$0x1010];
	[tilespmem:s3+$0x20B0] =	vst v3  }
0x200: {  	s30 =	sor.u32 s31, s30;
	v3 =	vld [tilespmem:s4+$0x1440];
	[tilespmem:s23+$0x24E0] =	vst v5  }
0x201: {  	s18 =	sadd.s32 $0x10C80, s18;
	[tilespmem:s30+$0xC80] =	vst v6;
	v5 =	vld [tilespmem:s22+$0x1870];
	s22 =	smov.u32 s4;
	s4 =	smov.u32 s13  }
0x202: {  	s13 =	smov.u32 s28;
	s28 =	smov.u32 s9;
	s9 =	smov.u32 s18;
	v6 =	vld [tilespmem:s18+$0x10];
	[tilespmem:s7+$0x10B0] =	vst v1  }
0x203: {  	v1 =	vld [tilespmem:s28+$0x440];
	[tilespmem:s15+$0x14E0] =	vst v2  }
0x204: {  	v2 =	vld [tilespmem:s13+$0x870];
	[tilespmem:s24+$0x1C90] =	vst v4  }
0x205: {  	s18 =	sor.u32 s21, s0;
	s21 =	smov.u32 s1;
	s1 =	smov.u32 s10;
	v4 =	vld [tilespmem:s4+$0x1020];
	[tilespmem:s3+$0x20C0] =	vst v3  }
0x206: {  	s10 =	smov.u32 s11;
	s11 =	smov.u32 s25;
	s0 =	sor.u32 $0x1C00, s18;
	v3 =	vld [tilespmem:s22+$0x1450];
	[tilespmem:s23+$0x24F0] =	vst v5  }
0x207: {  	s20 =	sadd.s32 $0x1, s20;
	s25 =	smov.u32 s19;
	[tilespmem:s30+$0xC90] =	vst v6;
	v5 =	vld [tilespmem:s0+$0x10C80];
	s0 =	smov.u32 s8  }
0x208: {  	s19 =	sand.u32 $0x7, s20;
	s8 =	smov.u32 s5;
	s5 =	smov.u32 s14;
	v6 =	vld [tilespmem:s9+$0x20];
	[tilespmem:s7+$0x10C0] =	vst v1  }
0x209: {  	s2 =	sadd.s32 $0x400, s2;
	s19 =	sshll.u32 s19, $0x7;
	s14 =	smov.u32 s26;
	v1 =	vld [tilespmem:s28+$0x450];
	[tilespmem:s15+$0x14F0] =	vst v2  }
0x20a: {  	s19 =	sadd.s32 s19, s2;
	s23 =	smov.u32 s3;
	s26 =	smov.u32 s12;
	v2 =	vld [tilespmem:s13+$0xC00];
	[tilespmem:s24+$0x1CA0] =	vst v4  }
0x20b: {  	s3 =	smov.u32 s24;
	s12 =	sor.u32 $0x1C00, s19;
	s24 =	smov.u32 s15;
	v4 =	vld [tilespmem:s4+$0x1030];
	[tilespmem:s23+$0x20D0] =	vst v3  }
0x20c: {  	s15 =	smov.u32 s7;
	s7 =	smov.u32 s30;
	v3 =	vld [tilespmem:s22+$0x1460];
	[tilespmem:s12+$0xC80] =	vst v5;
	s12 =	sor.u32 $0x1C10, s18  }
0x20d: {  	[tilespmem:s7+$0xCA0] =	vst v6;
	v5 =	vld [tilespmem:s12+$0x10C80]  }
0x20e: {  	v6 =	vld [tilespmem:s9+$0x30];
	[tilespmem:s15+$0x10D0] =	vst v1  }
0x20f: {  	v1 =	vld [tilespmem:s28+$0x460];
	[tilespmem:s24+$0x1880] =	vst v2  }
0x210: {  	v2 =	vld [tilespmem:s13+$0xC10];
	[tilespmem:s3+$0x1CB0] =	vst v4  }
0x211: {  	s12 =	sor.u32 $0x1C10, s19;
	v4 =	vld [tilespmem:s4+$0x1040];
	[tilespmem:s23+$0x20E0] =	vst v3  }
0x212: {  	v3 =	vld [tilespmem:s22+$0x1470];
	[tilespmem:s12+$0xC80] =	vst v5;
	s12 =	sor.u32 $0x1C20, s18  }
0x213: {  	[tilespmem:s7+$0xCB0] =	vst v6;
	v5 =	vld [tilespmem:s12+$0x10C80]  }
0x214: {  	v6 =	vld [tilespmem:s9+$0x40];
	[tilespmem:s15+$0x10E0] =	vst v1  }
0x215: {  	v1 =	vld [tilespmem:s28+$0x470];
	[tilespmem:s24+$0x1890] =	vst v2  }
0x216: {  	v2 =	vld [tilespmem:s13+$0xC20];
	[tilespmem:s3+$0x1CC0] =	vst v4  }
0x217: {  	s12 =	sor.u32 $0x1C20, s19;
	v4 =	vld [tilespmem:s4+$0x1050];
	[tilespmem:s23+$0x20F0] =	vst v3  }
0x218: {  	v3 =	vld [tilespmem:s22+$0x1800];
	[tilespmem:s12+$0xC80] =	vst v5;
	s12 =	sor.u32 $0x1C30, s18  }
0x219: {  	[tilespmem:s7+$0xCC0] =	vst v6;
	v5 =	vld [tilespmem:s12+$0x10C80]  }
0x21a: {  	v6 =	vld [tilespmem:s9+$0x50];
	[tilespmem:s15+$0x10F0] =	vst v1  }
0x21b: {  	v1 =	vld [tilespmem:s28+$0x800];
	[tilespmem:s24+$0x18A0] =	vst v2  }
0x21c: {  	v2 =	vld [tilespmem:s13+$0xC30];
	[tilespmem:s3+$0x1CD0] =	vst v4  }
0x21d: {  	s12 =	sor.u32 $0x1C30, s19;
	v7 =	vld [tilespmem:s4+$0x1060];
	[tilespmem:s23+$0x2480] =	vst v3  }
0x21e: {  	v8 =	vld [tilespmem:s22+$0x1810];
	[tilespmem:s12+$0xC80] =	vst v5;
	s12 =	sor.u32 $0x1C40, s18  }
0x21f: {  	[tilespmem:s7+$0xCD0] =	vst v6;
	v6 =	vld [tilespmem:s12+$0x10C80]  }
0x220: {  	v9 =	vld [tilespmem:s9+$0x60];
	[tilespmem:s15+$0x1480] =	vst v1  }
.Ltmp0:
0x221: {  	v5 =	vld [tilespmem:s28+$0x810];
	[tilespmem:s24+$0x18B0] =	vst v2;
	(pc) =	sbr.rel @p1 .LBB2_3-.Ltmp0, $4  }
0x222: {  	v4 =	vld [tilespmem:s13+$0xC40];
	[tilespmem:s3+$0x1CE0] =	vst v7  }
0x223: {  	s12 =	sor.u32 $0x1C40, s19;
	v3 =	vld [tilespmem:s4+$0x1070];
	[tilespmem:s23+$0x2490] =	vst v8  }
0x224: {  	v1 =	vld [tilespmem:s22+$0x1820];
	[tilespmem:s12+$0xC80] =	vst v6;
	s12 =	sor.u32 $0x1C50, s18  }
0x225: {  	s6 =	sadd.s32 $0x80, s6;
	[tilespmem:s7+$0xCE0] =	vst v9;
	v2 =	vld [tilespmem:s12+$0x10C80]  }
0x226: {  	(v2sf) =	vpush v0, $0x0;
	_ =	sdelay $0xd  }
0x227: {  	v6 =	vld [tilespmem:s9+$0x70]  }
0x228: {  	s12 =	spop (v2sf)  }
0x229: {  	s6 =	sshll.u32 s12, $0xA;
	s12 =	sshll.u32 s12, $0x7  }
0x22a: {  	s12 =	sand.u32 $0x380, s12;
	s16 =	sand.u32 $0xFFFFE000, s6  }
0x22b: {  	s30 =	sor.u32 s12, s16  }
0x22c: {  	[tilespmem:s7+$0xCF0] =	vst v6;
	v6 =	vld [tilespmem:s30+$0x10C80]  }
0x22d: {  	s16 =	sadd.s32 $0x400, s29  }
0x22e: {  	s16 =	sadd.s32 $0x8000, s16  }
0x22f: {  	s17 =	sand.u32 $0x380, s17;
	s16 =	sand.u32 $0x6000, s16  }
0x230: {  	s16 =	sor.u32 s17, s16  }
0x231: {  	s17 =	sadd.s32 $0x10C80, s30;
	[tilespmem:s16+$0xC80] =	vst v6  }
0x232: {  	v6 =	vld [tilespmem:s17+$0x10];
	_ =	sdelay $0x4  }
0x233: {  	[tilespmem:s16+$0xC90] =	vst v6  }
0x234: {  	v6 =	vld [tilespmem:s17+$0x20];
	_ =	sdelay $0x4  }
0x235: {  	[tilespmem:s16+$0xCA0] =	vst v6  }
0x236: {  	v6 =	vld [tilespmem:s17+$0x30];
	_ =	sdelay $0x4  }
0x237: {  	[tilespmem:s16+$0xCB0] =	vst v6  }
0x238: {  	v6 =	vld [tilespmem:s17+$0x40];
	_ =	sdelay $0x3  }
0x239: {  	[tilespmem:s15+$0x1490] =	vst v5  }
0x23a: {  	v5 =	vld [tilespmem:s28+$0x820];
	[tilespmem:s16+$0xCC0] =	vst v6  }
0x23b: {  	v6 =	vld [tilespmem:s17+$0x50];
	_ =	sdelay $0x1  }
0x23c: {  	v0 =	vld [tilespmem:s9+$0x400];
	_ =	sdelay $0x1  }
0x23d: {  	[tilespmem:s15+$0x14A0] =	vst v5  }
0x23e: {  	v5 =	vld [tilespmem:s28+$0x830];
	[tilespmem:s16+$0xCD0] =	vst v6  }
0x23f: {  	v6 =	vld [tilespmem:s17+$0x60]  }
0x240: {  	[tilespmem:s7+$0x1080] =	vst v0  }
0x241: {  	v0 =	vld [tilespmem:s9+$0x410];
	_ =	sdelay $0x1  }
0x242: {  	[tilespmem:s15+$0x14B0] =	vst v5  }
0x243: {  	v5 =	vld [tilespmem:s28+$0x840];
	[tilespmem:s16+$0xCE0] =	vst v6  }
0x244: {  	v6 =	vld [tilespmem:s17+$0x70]  }
0x245: {  	[tilespmem:s7+$0x1090] =	vst v0  }
0x246: {  	v0 =	vld [tilespmem:s9+$0x420];
	_ =	sdelay $0x1  }
0x247: {  	[tilespmem:s15+$0x14C0] =	vst v5  }
0x248: {  	v5 =	vld [tilespmem:s28+$0x850];
	[tilespmem:s16+$0xCF0] =	vst v6  }
0x249: {  	v6 =	vld [tilespmem:s17+$0x400]  }
0x24a: {  	[tilespmem:s7+$0x10A0] =	vst v0  }
0x24b: {  	v0 =	vld [tilespmem:s9+$0x430];
	_ =	sdelay $0x1  }
0x24c: {  	[tilespmem:s15+$0x14D0] =	vst v5  }
0x24d: {  	v5 =	vld [tilespmem:s28+$0x860];
	[tilespmem:s16+$0x1080] =	vst v6  }
0x24e: {  	v6 =	vld [tilespmem:s17+$0x410]  }
0x24f: {  	[tilespmem:s7+$0x10B0] =	vst v0  }
0x250: {  	v0 =	vld [tilespmem:s9+$0x440];
	_ =	sdelay $0x1  }
0x251: {  	[tilespmem:s15+$0x14E0] =	vst v5  }
0x252: {  	v5 =	vld [tilespmem:s28+$0x870];
	[tilespmem:s16+$0x1090] =	vst v6  }
0x253: {  	v6 =	vld [tilespmem:s17+$0x420]  }
0x254: {  	[tilespmem:s7+$0x10C0] =	vst v0  }
0x255: {  	v0 =	vld [tilespmem:s9+$0x450];
	_ =	sdelay $0x1  }
0x256: {  	[tilespmem:s15+$0x14F0] =	vst v5  }
0x257: {  	v5 =	vld [tilespmem:s28+$0xC00];
	[tilespmem:s16+$0x10A0] =	vst v6  }
0x258: {  	v6 =	vld [tilespmem:s17+$0x430]  }
0x259: {  	[tilespmem:s7+$0x10D0] =	vst v0  }
0x25a: {  	v0 =	vld [tilespmem:s9+$0x460];
	_ =	sdelay $0x1  }
0x25b: {  	[tilespmem:s15+$0x1880] =	vst v5  }
0x25c: {  	v5 =	vld [tilespmem:s28+$0xC10];
	[tilespmem:s16+$0x10B0] =	vst v6  }
0x25d: {  	v6 =	vld [tilespmem:s17+$0x440]  }
0x25e: {  	[tilespmem:s7+$0x10E0] =	vst v0  }
0x25f: {  	v0 =	vld [tilespmem:s9+$0x470];
	_ =	sdelay $0x1  }
0x260: {  	[tilespmem:s15+$0x1890] =	vst v5  }
0x261: {  	v5 =	vld [tilespmem:s28+$0xC20];
	[tilespmem:s16+$0x10C0] =	vst v6  }
0x262: {  	v6 =	vld [tilespmem:s17+$0x450]  }
0x263: {  	[tilespmem:s7+$0x10F0] =	vst v0  }
0x264: {  	v0 =	vld [tilespmem:s9+$0x800];
	_ =	sdelay $0x1  }
0x265: {  	[tilespmem:s15+$0x18A0] =	vst v5  }
0x266: {  	v5 =	vld [tilespmem:s28+$0xC30];
	[tilespmem:s16+$0x10D0] =	vst v6  }
0x267: {  	v6 =	vld [tilespmem:s17+$0x460]  }
0x268: {  	[tilespmem:s7+$0x1480] =	vst v0  }
0x269: {  	v0 =	vld [tilespmem:s9+$0x810]  }
0x26a: {  	[tilespmem:s24+$0x18C0] =	vst v4  }
0x26b: {  	[tilespmem:s15+$0x18B0] =	vst v5;
	v5 =	vld [tilespmem:s13+$0xC50]  }
0x26c: {  	v4 =	vld [tilespmem:s28+$0xC40];
	[tilespmem:s16+$0x10E0] =	vst v6  }
0x26d: {  	v6 =	vld [tilespmem:s17+$0x470]  }
0x26e: {  	[tilespmem:s7+$0x1490] =	vst v0  }
0x26f: {  	v0 =	vld [tilespmem:s9+$0x820]  }
0x270: {  	[tilespmem:s24+$0x18D0] =	vst v5  }
0x271: {  	[tilespmem:s15+$0x18C0] =	vst v4;
	v5 =	vld [tilespmem:s13+$0xC60]  }
0x272: {  	v4 =	vld [tilespmem:s28+$0xC50];
	[tilespmem:s16+$0x10F0] =	vst v6  }
0x273: {  	v6 =	vld [tilespmem:s17+$0x800]  }
0x274: {  	[tilespmem:s7+$0x14A0] =	vst v0  }
0x275: {  	v0 =	vld [tilespmem:s9+$0x830]  }
0x276: {  	[tilespmem:s24+$0x18E0] =	vst v5  }
0x277: {  	[tilespmem:s15+$0x18D0] =	vst v4;
	v5 =	vld [tilespmem:s13+$0xC70]  }
0x278: {  	v4 =	vld [tilespmem:s28+$0xC60];
	[tilespmem:s16+$0x1480] =	vst v6  }
0x279: {  	v6 =	vld [tilespmem:s17+$0x810]  }
0x27a: {  	[tilespmem:s7+$0x14B0] =	vst v0  }
0x27b: {  	v0 =	vld [tilespmem:s9+$0x840]  }
0x27c: {  	[tilespmem:s24+$0x18F0] =	vst v5  }
0x27d: {  	[tilespmem:s15+$0x18E0] =	vst v4;
	v5 =	vld [tilespmem:s13+$0x1000]  }
0x27e: {  	v4 =	vld [tilespmem:s28+$0xC70];
	[tilespmem:s16+$0x1490] =	vst v6  }
0x27f: {  	v6 =	vld [tilespmem:s17+$0x820]  }
0x280: {  	[tilespmem:s7+$0x14C0] =	vst v0  }
0x281: {  	v0 =	vld [tilespmem:s9+$0x850]  }
0x282: {  	[tilespmem:s24+$0x1C80] =	vst v5  }
0x283: {  	[tilespmem:s15+$0x18F0] =	vst v4;
	v5 =	vld [tilespmem:s13+$0x1010]  }
0x284: {  	v4 =	vld [tilespmem:s28+$0x1000];
	[tilespmem:s16+$0x14A0] =	vst v6  }
0x285: {  	v6 =	vld [tilespmem:s17+$0x830]  }
0x286: {  	[tilespmem:s7+$0x14D0] =	vst v0  }
0x287: {  	v0 =	vld [tilespmem:s9+$0x860]  }
0x288: {  	[tilespmem:s24+$0x1C90] =	vst v5  }
0x289: {  	[tilespmem:s15+$0x1C80] =	vst v4;
	v5 =	vld [tilespmem:s13+$0x1020]  }
0x28a: {  	v4 =	vld [tilespmem:s28+$0x1010];
	[tilespmem:s16+$0x14B0] =	vst v6  }
0x28b: {  	v6 =	vld [tilespmem:s17+$0x840]  }
0x28c: {  	[tilespmem:s7+$0x14E0] =	vst v0  }
0x28d: {  	v0 =	vld [tilespmem:s9+$0x870]  }
0x28e: {  	[tilespmem:s24+$0x1CA0] =	vst v5  }
0x28f: {  	[tilespmem:s15+$0x1C90] =	vst v4;
	v5 =	vld [tilespmem:s13+$0x1030]  }
0x290: {  	v4 =	vld [tilespmem:s28+$0x1020];
	[tilespmem:s16+$0x14C0] =	vst v6  }
0x291: {  	v6 =	vld [tilespmem:s17+$0x850]  }
0x292: {  	[tilespmem:s7+$0x14F0] =	vst v0  }
0x293: {  	v0 =	vld [tilespmem:s9+$0xC00]  }
0x294: {  	[tilespmem:s24+$0x1CB0] =	vst v5  }
0x295: {  	[tilespmem:s15+$0x1CA0] =	vst v4;
	v5 =	vld [tilespmem:s13+$0x1040]  }
0x296: {  	v4 =	vld [tilespmem:s28+$0x1030];
	[tilespmem:s16+$0x14D0] =	vst v6  }
0x297: {  	[tilespmem:s3+$0x1CF0] =	vst v3;
	v6 =	vld [tilespmem:s17+$0x860]  }
0x298: {  	v3 =	vld [tilespmem:s4+$0x1400];
	[tilespmem:s7+$0x1880] =	vst v0  }
0x299: {  	v0 =	vld [tilespmem:s9+$0xC10]  }
0x29a: {  	[tilespmem:s24+$0x1CC0] =	vst v5  }
0x29b: {  	[tilespmem:s15+$0x1CB0] =	vst v4;
	v5 =	vld [tilespmem:s13+$0x1050]  }
0x29c: {  	v4 =	vld [tilespmem:s28+$0x1040];
	[tilespmem:s16+$0x14E0] =	vst v6  }
0x29d: {  	[tilespmem:s3+$0x2080] =	vst v3;
	v6 =	vld [tilespmem:s17+$0x870]  }
0x29e: {  	v3 =	vld [tilespmem:s4+$0x1410];
	[tilespmem:s7+$0x1890] =	vst v0  }
0x29f: {  	v0 =	vld [tilespmem:s9+$0xC20]  }
0x2a0: {  	[tilespmem:s24+$0x1CD0] =	vst v5  }
0x2a1: {  	[tilespmem:s15+$0x1CC0] =	vst v4;
	v5 =	vld [tilespmem:s13+$0x1060]  }
0x2a2: {  	v4 =	vld [tilespmem:s28+$0x1050];
	[tilespmem:s16+$0x14F0] =	vst v6  }
0x2a3: {  	[tilespmem:s3+$0x2090] =	vst v3;
	v6 =	vld [tilespmem:s17+$0xC00]  }
0x2a4: {  	v3 =	vld [tilespmem:s4+$0x1420];
	s29 =	sor.u32 $0x1C50, s19;
	[tilespmem:s7+$0x18A0] =	vst v0  }
0x2a5: {  	[tilespmem:s29+$0xC80] =	vst v2;
	v0 =	vld [tilespmem:s9+$0xC30]  }
0x2a6: {  	[tilespmem:s24+$0x1CE0] =	vst v5  }
0x2a7: {  	[tilespmem:s15+$0x1CD0] =	vst v4;
	v5 =	vld [tilespmem:s13+$0x1070]  }
0x2a8: {  	v4 =	vld [tilespmem:s28+$0x1060];
	[tilespmem:s16+$0x1880] =	vst v6  }
0x2a9: {  	[tilespmem:s3+$0x20A0] =	vst v3;
	v2 =	vld [tilespmem:s17+$0xC10]  }
0x2aa: {  	v3 =	vld [tilespmem:s4+$0x1430];
	[tilespmem:s7+$0x18B0] =	vst v0  }
0x2ab: {  	v0 =	vld [tilespmem:s9+$0xC40]  }
0x2ac: {  	[tilespmem:s24+$0x1CF0] =	vst v5  }
0x2ad: {  	[tilespmem:s15+$0x1CE0] =	vst v4;
	v5 =	vld [tilespmem:s13+$0x1400]  }
0x2ae: {  	v4 =	vld [tilespmem:s28+$0x1070];
	[tilespmem:s16+$0x1890] =	vst v2  }
0x2af: {  	[tilespmem:s3+$0x20B0] =	vst v3;
	v2 =	vld [tilespmem:s17+$0xC20]  }
0x2b0: {  	v3 =	vld [tilespmem:s4+$0x1440];
	[tilespmem:s7+$0x18C0] =	vst v0  }
0x2b1: {  	v0 =	vld [tilespmem:s9+$0xC50]  }
0x2b2: {  	[tilespmem:s24+$0x2080] =	vst v5  }
0x2b3: {  	[tilespmem:s15+$0x1CF0] =	vst v4;
	v5 =	vld [tilespmem:s13+$0x1410]  }
0x2b4: {  	v4 =	vld [tilespmem:s28+$0x1400];
	[tilespmem:s16+$0x18A0] =	vst v2  }
0x2b5: {  	[tilespmem:s3+$0x20C0] =	vst v3;
	v2 =	vld [tilespmem:s17+$0xC30]  }
0x2b6: {  	v3 =	vld [tilespmem:s4+$0x1450];
	[tilespmem:s7+$0x18D0] =	vst v0  }
0x2b7: {  	[tilespmem:s23+$0x24A0] =	vst v1;
	v0 =	vld [tilespmem:s9+$0xC60]  }
0x2b8: {  	[tilespmem:s24+$0x2090] =	vst v5  }
0x2b9: {  	[tilespmem:s15+$0x2080] =	vst v4;
	v5 =	vld [tilespmem:s13+$0x1420]  }
0x2ba: {  	v4 =	vld [tilespmem:s28+$0x1410];
	[tilespmem:s16+$0x18B0] =	vst v2  }
0x2bb: {  	[tilespmem:s3+$0x20D0] =	vst v3;
	v1 =	vld [tilespmem:s17+$0xC40]  }
0x2bc: {  	v3 =	vld [tilespmem:s4+$0x1460];
	[tilespmem:s7+$0x18E0] =	vst v0  }
0x2bd: {  	v0 =	vld [tilespmem:s9+$0xC70]  }
0x2be: {  	[tilespmem:s24+$0x20A0] =	vst v5  }
0x2bf: {  	[tilespmem:s15+$0x2090] =	vst v4;
	v5 =	vld [tilespmem:s13+$0x1430]  }
0x2c0: {  	v4 =	vld [tilespmem:s28+$0x1420];
	[tilespmem:s16+$0x18C0] =	vst v1  }
0x2c1: {  	[tilespmem:s3+$0x20E0] =	vst v3;
	v1 =	vld [tilespmem:s17+$0xC50]  }
0x2c2: {  	v3 =	vld [tilespmem:s4+$0x1470];
	[tilespmem:s7+$0x18F0] =	vst v0  }
0x2c3: {  	v0 =	vld [tilespmem:s9+$0x1000]  }
0x2c4: {  	[tilespmem:s24+$0x20B0] =	vst v5  }
0x2c5: {  	[tilespmem:s15+$0x20A0] =	vst v4;
	v5 =	vld [tilespmem:s13+$0x1440]  }
0x2c6: {  	v4 =	vld [tilespmem:s28+$0x1430];
	[tilespmem:s16+$0x18D0] =	vst v1  }
0x2c7: {  	[tilespmem:s3+$0x20F0] =	vst v3;
	v1 =	vld [tilespmem:s17+$0xC60]  }
0x2c8: {  	v3 =	vld [tilespmem:s4+$0x1800];
	[tilespmem:s7+$0x1C80] =	vst v0  }
0x2c9: {  	v0 =	vld [tilespmem:s9+$0x1010]  }
0x2ca: {  	[tilespmem:s24+$0x20C0] =	vst v5  }
0x2cb: {  	[tilespmem:s15+$0x20B0] =	vst v4;
	v5 =	vld [tilespmem:s13+$0x1450]  }
0x2cc: {  	v4 =	vld [tilespmem:s28+$0x1440];
	[tilespmem:s16+$0x18E0] =	vst v1  }
0x2cd: {  	[tilespmem:s3+$0x2480] =	vst v3;
	v1 =	vld [tilespmem:s17+$0xC70]  }
0x2ce: {  	v3 =	vld [tilespmem:s4+$0x1810];
	[tilespmem:s7+$0x1C90] =	vst v0  }
0x2cf: {  	v0 =	vld [tilespmem:s9+$0x1020]  }
0x2d0: {  	[tilespmem:s24+$0x20D0] =	vst v5  }
0x2d1: {  	[tilespmem:s15+$0x20C0] =	vst v4;
	v5 =	vld [tilespmem:s13+$0x1460]  }
0x2d2: {  	v4 =	vld [tilespmem:s28+$0x1450];
	[tilespmem:s16+$0x18F0] =	vst v1  }
0x2d3: {  	[tilespmem:s3+$0x2490] =	vst v3;
	v1 =	vld [tilespmem:s17+$0x1000]  }
0x2d4: {  	v3 =	vld [tilespmem:s4+$0x1820];
	[tilespmem:s7+$0x1CA0] =	vst v0  }
0x2d5: {  	v0 =	vld [tilespmem:s9+$0x1030]  }
0x2d6: {  	[tilespmem:s24+$0x20E0] =	vst v5  }
0x2d7: {  	[tilespmem:s15+$0x20D0] =	vst v4;
	v5 =	vld [tilespmem:s13+$0x1470]  }
0x2d8: {  	v4 =	vld [tilespmem:s28+$0x1460];
	[tilespmem:s16+$0x1C80] =	vst v1  }
0x2d9: {  	[tilespmem:s3+$0x24A0] =	vst v3;
	v1 =	vld [tilespmem:s17+$0x1010]  }
0x2da: {  	v3 =	vld [tilespmem:s4+$0x1830];
	[tilespmem:s7+$0x1CB0] =	vst v0  }
0x2db: {  	v0 =	vld [tilespmem:s9+$0x1040]  }
0x2dc: {  	[tilespmem:s24+$0x20F0] =	vst v5  }
0x2dd: {  	[tilespmem:s15+$0x20E0] =	vst v4;
	v5 =	vld [tilespmem:s13+$0x1800]  }
0x2de: {  	v4 =	vld [tilespmem:s28+$0x1470];
	[tilespmem:s16+$0x1C90] =	vst v1  }
0x2df: {  	[tilespmem:s3+$0x24B0] =	vst v3;
	v1 =	vld [tilespmem:s17+$0x1020]  }
0x2e0: {  	v3 =	vld [tilespmem:s4+$0x1840];
	[tilespmem:s7+$0x1CC0] =	vst v0  }
0x2e1: {  	v0 =	vld [tilespmem:s9+$0x1050]  }
0x2e2: {  	[tilespmem:s24+$0x2480] =	vst v5  }
0x2e3: {  	[tilespmem:s15+$0x20F0] =	vst v4;
	v5 =	vld [tilespmem:s13+$0x1810]  }
0x2e4: {  	v4 =	vld [tilespmem:s28+$0x1800];
	[tilespmem:s16+$0x1CA0] =	vst v1  }
0x2e5: {  	[tilespmem:s3+$0x24C0] =	vst v3;
	v1 =	vld [tilespmem:s17+$0x1030]  }
0x2e6: {  	v3 =	vld [tilespmem:s4+$0x1850];
	[tilespmem:s7+$0x1CD0] =	vst v0  }
0x2e7: {  	v0 =	vld [tilespmem:s9+$0x1060]  }
0x2e8: {  	[tilespmem:s24+$0x2490] =	vst v5;
	v2 =	vld [tilespmem:s22+$0x1830]  }
0x2e9: {  	[tilespmem:s15+$0x2480] =	vst v4;
	v5 =	vld [tilespmem:s13+$0x1820]  }
0x2ea: {  	v4 =	vld [tilespmem:s28+$0x1810];
	[tilespmem:s16+$0x1CB0] =	vst v1  }
0x2eb: {  	[tilespmem:s3+$0x24D0] =	vst v3;
	v1 =	vld [tilespmem:s17+$0x1040]  }
0x2ec: {  	v3 =	vld [tilespmem:s4+$0x1860];
	[tilespmem:s7+$0x1CE0] =	vst v0  }
0x2ed: {  	[tilespmem:s23+$0x24B0] =	vst v2;
	v0 =	vld [tilespmem:s9+$0x1070]  }
0x2ee: {  	[tilespmem:s24+$0x24A0] =	vst v5;
	v2 =	vld [tilespmem:s22+$0x1840]  }
0x2ef: {  	[tilespmem:s15+$0x2490] =	vst v4;
	v5 =	vld [tilespmem:s13+$0x1830]  }
0x2f0: {  	v4 =	vld [tilespmem:s28+$0x1820];
	[tilespmem:s16+$0x1CC0] =	vst v1  }
0x2f1: {  	[tilespmem:s3+$0x24E0] =	vst v3;
	v1 =	vld [tilespmem:s17+$0x1050]  }
0x2f2: {  	v3 =	vld [tilespmem:s4+$0x1870];
	[tilespmem:s7+$0x1CF0] =	vst v0  }
0x2f3: {  	[tilespmem:s23+$0x24C0] =	vst v2;
	v0 =	vld [tilespmem:s9+$0x1400]  }
0x2f4: {  	[tilespmem:s24+$0x24B0] =	vst v5;
	v2 =	vld [tilespmem:s22+$0x1850]  }
0x2f5: {  	[tilespmem:s15+$0x24A0] =	vst v4;
	v5 =	vld [tilespmem:s13+$0x1840]  }
0x2f6: {  	v4 =	vld [tilespmem:s28+$0x1830];
	[tilespmem:s16+$0x1CD0] =	vst v1  }
0x2f7: {  	s29 =	sor.u32 $0x1C60, s18;
	[tilespmem:s3+$0x24F0] =	vst v3;
	v1 =	vld [tilespmem:s17+$0x1060]  }
0x2f8: {  	v6 =	vld [tilespmem:s29+$0x10C80];
	[tilespmem:s7+$0x2080] =	vst v0  }
0x2f9: {  	[tilespmem:s23+$0x24D0] =	vst v2;
	v0 =	vld [tilespmem:s9+$0x1410]  }
0x2fa: {  	[tilespmem:s24+$0x24C0] =	vst v5;
	v2 =	vld [tilespmem:s22+$0x1860]  }
0x2fb: {  	[tilespmem:s15+$0x24B0] =	vst v4;
	v5 =	vld [tilespmem:s13+$0x1850]  }
0x2fc: {  	s29 =	sor.u32 $0x1C60, s19;
	v4 =	vld [tilespmem:s28+$0x1840];
	[tilespmem:s16+$0x1CE0] =	vst v1  }
0x2fd: {  	s18 =	sor.u32 $0x1C70, s18;
	[tilespmem:s29+$0xC80] =	vst v6;
	v1 =	vld [tilespmem:s17+$0x1070]  }
0x2fe: {  	v6 =	vld [tilespmem:s18+$0x10C80];
	[tilespmem:s7+$0x2090] =	vst v0  }
0x2ff: {  	[tilespmem:s23+$0x24E0] =	vst v2;
	v0 =	vld [tilespmem:s9+$0x1420]  }
0x300: {  	[tilespmem:s24+$0x24D0] =	vst v5;
	v2 =	vld [tilespmem:s22+$0x1870]  }
0x301: {  	[tilespmem:s15+$0x24C0] =	vst v4;
	v5 =	vld [tilespmem:s13+$0x1860]  }
0x302: {  	s8 =	sor.u32 s1, s8;
	s19 =	sor.u32 $0x1C70, s19;
	v4 =	vld [tilespmem:s28+$0x1850];
	[tilespmem:s16+$0x1CF0] =	vst v1  }
0x303: {  	s1 =	sor.u32 $0x1C00, s8;
	[tilespmem:s19+$0xC80] =	vst v6;
	v1 =	vld [tilespmem:s17+$0x1400]  }
0x304: {  	s4 =	sor.u32 s21, s0;
	v3 =	vld [tilespmem:s1+$0x10C80];
	s22 =	sadd.s32 $0x1, s20;
	[tilespmem:s7+$0x20A0] =	vst v0  }
0x305: {  	s0 =	sor.u32 $0x1C00, s4;
	s18 =	sadd.s32 $0x1, s22;
	[tilespmem:s23+$0x24F0] =	vst v2;
	s23 =	sand.u32 $0x7, s22;
	v0 =	vld [tilespmem:s9+$0x1430]  }
0x306: {  	s2 =	sadd.s32 $0x400, s2;
	s19 =	sand.u32 $0x7, s18;
	[tilespmem:s24+$0x24E0] =	vst v5;
	v2 =	vld [tilespmem:s0+$0x10C80];
	s0 =	sshll.u32 s23, $0x7  }
0x307: {  	[tilespmem:s15+$0x24D0] =	vst v4;
	v5 =	vld [tilespmem:s13+$0x1870];
	s3 =	sadd.s32 s0, s2;
	s0 =	sshll.u32 s19, $0x7;
	s2 =	sadd.s32 $0x400, s2  }
0x308: {  	s5 =	sor.u32 s10, s5;
	v4 =	vld [tilespmem:s28+$0x1860];
	s10 =	sadd.s32 s0, s2;
	[tilespmem:s16+$0x2080] =	vst v1  }
0x309: {  	s23 =	sor.u32 $0x1C00, s10;
	v1 =	vld [tilespmem:s17+$0x1410]  }
0x30a: {  	s13 =	sor.u32 $0x1C10, s8;
	[tilespmem:s23+$0xC80] =	vst v3  }
0x30b: {  	[tilespmem:s7+$0x20B0] =	vst v0;
	v3 =	vld [tilespmem:s13+$0x10C80]  }
0x30c: {  	s20 =	sor.u32 $0x1C00, s5;
	[tilespmem:s24+$0x24F0] =	vst v5;
	v0 =	vld [tilespmem:s9+$0x1440]  }
0x30d: {  	s0 =	sadd.s32 $0x1, s18;
	[tilespmem:s15+$0x24E0] =	vst v4;
	v5 =	vld [tilespmem:s20+$0x10C80]  }
0x30e: {  	s21 =	sor.u32 $0x1C00, s3;
	s24 =	sand.u32 $0x7, s0;
	v4 =	vld [tilespmem:s28+$0x1870];
	[tilespmem:s16+$0x2090] =	vst v1  }
0x30f: {  	s22 =	sor.u32 $0x1C10, s4;
	s2 =	sadd.s32 $0x400, s2;
	[tilespmem:s21+$0xC80] =	vst v2;
	s19 =	sshll.u32 s24, $0x7;
	v1 =	vld [tilespmem:s17+$0x1420]  }
0x310: {  	v2 =	vld [tilespmem:s22+$0x10C80];
	s13 =	sadd.s32 s19, s2  }
0x311: {  	s20 =	sor.u32 $0x1C00, s13;
	[tilespmem:s7+$0x20C0] =	vst v0  }
0x312: {  	s11 =	sor.u32 s11, s14;
	s21 =	sor.u32 $0x1C10, s5;
	[tilespmem:s20+$0xC80] =	vst v5;
	v0 =	vld [tilespmem:s9+$0x1450]  }
0x313: {  	s14 =	sor.u32 $0x1C00, s11;
	[tilespmem:s15+$0x24F0] =	vst v4;
	v5 =	vld [tilespmem:s21+$0x10C80]  }
0x314: {  	s1 =	sadd.s32 $0x1, s0;
	s22 =	sor.u32 $0x1C10, s3;
	v4 =	vld [tilespmem:s14+$0x10C80];
	[tilespmem:s16+$0x20A0] =	vst v1  }
0x315: {  	s18 =	sor.u32 $0x1C10, s10;
	s23 =	sor.u32 $0x1C20, s4;
	s24 =	sand.u32 $0x7, s1;
	[tilespmem:s22+$0xC80] =	vst v2;
	v1 =	vld [tilespmem:s17+$0x1430]  }
0x316: {  	s2 =	sadd.s32 $0x400, s2;
	s19 =	sor.u32 $0x1C20, s8;
	[tilespmem:s18+$0xC80] =	vst v3;
	s15 =	sshll.u32 s24, $0x7;
	v2 =	vld [tilespmem:s23+$0x10C80]  }
0x317: {  	v3 =	vld [tilespmem:s19+$0x10C80];
	s21 =	sor.u32 $0x1C10, s13;
	s0 =	sadd.s32 s15, s2;
	[tilespmem:s7+$0x20D0] =	vst v0  }
0x318: {  	s23 =	sor.u32 $0x1C20, s5;
	s20 =	sor.u32 $0x1C00, s0;
	[tilespmem:s21+$0xC80] =	vst v5;
	v0 =	vld [tilespmem:s9+$0x1460]  }
0x319: {  	s22 =	sor.u32 $0x1C10, s11;
	[tilespmem:s20+$0xC80] =	vst v4;
	v5 =	vld [tilespmem:s23+$0x10C80]  }
0x31a: {  	s24 =	sor.u32 $0x1C20, s3;
	v4 =	vld [tilespmem:s22+$0x10C80];
	[tilespmem:s16+$0x20B0] =	vst v1  }
0x31b: {  	s18 =	sor.u32 $0x1C20, s10;
	s15 =	sor.u32 $0x1C30, s4;
	[tilespmem:s24+$0xC80] =	vst v2;
	v1 =	vld [tilespmem:s17+$0x1440]  }
0x31c: {  	s19 =	sor.u32 $0x1C30, s8;
	[tilespmem:s18+$0xC80] =	vst v3;
	v2 =	vld [tilespmem:s15+$0x10C80]  }
0x31d: {  	v3 =	vld [tilespmem:s19+$0x10C80];
	s21 =	sor.u32 $0x1C20, s13;
	[tilespmem:s7+$0x20E0] =	vst v0  }
0x31e: {  	s20 =	sor.u32 $0x1C10, s0;
	s23 =	sor.u32 $0x1C30, s5;
	[tilespmem:s21+$0xC80] =	vst v5;
	v0 =	vld [tilespmem:s9+$0x1470]  }
0x31f: {  	s22 =	sor.u32 $0x1C20, s11;
	[tilespmem:s20+$0xC80] =	vst v4;
	v5 =	vld [tilespmem:s23+$0x10C80]  }
0x320: {  	s24 =	sor.u32 $0x1C30, s3;
	v4 =	vld [tilespmem:s22+$0x10C80];
	[tilespmem:s16+$0x20C0] =	vst v1  }
0x321: {  	s18 =	sor.u32 $0x1C30, s10;
	s15 =	sor.u32 $0x1C40, s4;
	[tilespmem:s24+$0xC80] =	vst v2;
	v1 =	vld [tilespmem:s17+$0x1450]  }
0x322: {  	s19 =	sor.u32 $0x1C40, s8;
	[tilespmem:s18+$0xC80] =	vst v3;
	v2 =	vld [tilespmem:s15+$0x10C80]  }
0x323: {  	v3 =	vld [tilespmem:s19+$0x10C80];
	s21 =	sor.u32 $0x1C30, s13;
	[tilespmem:s7+$0x20F0] =	vst v0  }
0x324: {  	s20 =	sor.u32 $0x1C20, s0;
	s23 =	sor.u32 $0x1C40, s5;
	[tilespmem:s21+$0xC80] =	vst v5;
	v0 =	vld [tilespmem:s9+$0x1800]  }
0x325: {  	s22 =	sor.u32 $0x1C30, s11;
	[tilespmem:s20+$0xC80] =	vst v4;
	v5 =	vld [tilespmem:s23+$0x10C80]  }
0x326: {  	s24 =	sor.u32 $0x1C40, s3;
	v4 =	vld [tilespmem:s22+$0x10C80];
	[tilespmem:s16+$0x20D0] =	vst v1  }
0x327: {  	s18 =	sor.u32 $0x1C50, s4;
	s19 =	sor.u32 $0x1C40, s10;
	[tilespmem:s24+$0xC80] =	vst v2;
	v1 =	vld [tilespmem:s17+$0x1460]  }
0x328: {  	[tilespmem:s19+$0xC80] =	vst v3;
	v2 =	vld [tilespmem:s18+$0x10C80];
	s20 =	sor.u32 $0x1C50, s8  }
0x329: {  	v3 =	vld [tilespmem:s20+$0x10C80];
	s22 =	sor.u32 $0x1C40, s13;
	[tilespmem:s7+$0x2480] =	vst v0  }
0x32a: {  	s21 =	sor.u32 $0x1C30, s0;
	s24 =	sor.u32 $0x1C50, s5;
	[tilespmem:s22+$0xC80] =	vst v5;
	v0 =	vld [tilespmem:s9+$0x1810]  }
0x32b: {  	s23 =	sor.u32 $0x1C40, s11;
	[tilespmem:s21+$0xC80] =	vst v4;
	v5 =	vld [tilespmem:s24+$0x10C80]  }
0x32c: {  	s18 =	sor.u32 $0x1C50, s3;
	v4 =	vld [tilespmem:s23+$0x10C80];
	[tilespmem:s16+$0x20E0] =	vst v1  }
0x32d: {  	s19 =	sor.u32 $0x1C60, s4;
	s20 =	sor.u32 $0x1C50, s10;
	[tilespmem:s18+$0xC80] =	vst v2;
	v1 =	vld [tilespmem:s17+$0x1470]  }
0x32e: {  	v2 =	vld [tilespmem:s19+$0x10C80];
	[tilespmem:s20+$0xC80] =	vst v3;
	s21 =	sor.u32 $0x1C60, s8  }
0x32f: {  	v3 =	vld [tilespmem:s21+$0x10C80];
	s23 =	sor.u32 $0x1C50, s13;
	[tilespmem:s7+$0x2490] =	vst v0  }
0x330: {  	s22 =	sor.u32 $0x1C40, s0;
	s18 =	sor.u32 $0x1C60, s5;
	[tilespmem:s23+$0xC80] =	vst v5;
	v0 =	vld [tilespmem:s9+$0x1820]  }
0x331: {  	s24 =	sor.u32 $0x1C50, s11;
	[tilespmem:s22+$0xC80] =	vst v4;
	v5 =	vld [tilespmem:s18+$0x10C80]  }
0x332: {  	s19 =	sor.u32 $0x1C60, s3;
	v4 =	vld [tilespmem:s24+$0x10C80];
	[tilespmem:s16+$0x20F0] =	vst v1  }
0x333: {  	s4 =	sor.u32 $0x1C70, s4;
	s20 =	sor.u32 $0x1C60, s10;
	[tilespmem:s19+$0xC80] =	vst v2;
	v1 =	vld [tilespmem:s17+$0x1800]  }
0x334: {  	s21 =	sor.u32 $0x1C70, s8;
	v2 =	vld [tilespmem:s4+$0x10C80];
	[tilespmem:s20+$0xC80] =	vst v3  }
0x335: {  	s23 =	sor.u32 $0x1C60, s13;
	v3 =	vld [tilespmem:s21+$0x10C80];
	[tilespmem:s7+$0x24A0] =	vst v0  }
0x336: {  	s5 =	sor.u32 $0x1C70, s5;
	s22 =	sor.u32 $0x1C50, s0;
	[tilespmem:s23+$0xC80] =	vst v5;
	v0 =	vld [tilespmem:s9+$0x1830]  }
0x337: {  	s24 =	sor.u32 $0x1C60, s11;
	[tilespmem:s22+$0xC80] =	vst v4;
	v5 =	vld [tilespmem:s5+$0x10C80]  }
0x338: {  	s3 =	sor.u32 $0x1C70, s3;
	v4 =	vld [tilespmem:s24+$0x10C80];
	[tilespmem:s16+$0x2480] =	vst v1  }
0x339: {  	s8 =	sor.u32 $0x1C70, s10;
	[tilespmem:s3+$0xC80] =	vst v2;
	v1 =	vld [tilespmem:s17+$0x1810]  }
0x33a: {  	[tilespmem:s8+$0xC80] =	vst v3  }
0x33b: {  	s13 =	sor.u32 $0x1C70, s13;
	[tilespmem:s7+$0x24B0] =	vst v0  }
0x33c: {  	s10 =	sor.u32 $0x1C60, s0;
	[tilespmem:s13+$0xC80] =	vst v5  }
0x33d: {  	s14 =	sor.u32 $0x1C70, s11;
	v0 =	vld [tilespmem:s9+$0x1840];
	[tilespmem:s10+$0xC80] =	vst v4  }
0x33e: {  	v2 =	vld [tilespmem:s14+$0x10C80];
	[tilespmem:s16+$0x2490] =	vst v1  }
0x33f: {  	v1 =	vld [tilespmem:s17+$0x1820];
	_ =	sdelay $0x4  }
0x340: {  	[tilespmem:s16+$0x24A0] =	vst v1  }
0x341: {  	v1 =	vld [tilespmem:s17+$0x1830];
	_ =	sdelay $0x4  }
0x342: {  	[tilespmem:s16+$0x24B0] =	vst v1  }
0x343: {  	v1 =	vld [tilespmem:s17+$0x1840];
	_ =	sdelay $0x3  }
0x344: {  	[tilespmem:s7+$0x24C0] =	vst v0  }
0x345: {  	v0 =	vld [tilespmem:s9+$0x1850];
	[tilespmem:s16+$0x24C0] =	vst v1  }
0x346: {  	v1 =	vld [tilespmem:s17+$0x1850];
	_ =	sdelay $0x3  }
0x347: {  	[tilespmem:s7+$0x24D0] =	vst v0  }
0x348: {  	v0 =	vld [tilespmem:s9+$0x1860];
	[tilespmem:s16+$0x24D0] =	vst v1  }
0x349: {  	v1 =	vld [tilespmem:s17+$0x1860];
	_ =	sdelay $0x3  }
0x34a: {  	[tilespmem:s7+$0x24E0] =	vst v0  }
0x34b: {  	v0 =	vld [tilespmem:s9+$0x1870];
	[tilespmem:s16+$0x24E0] =	vst v1  }
0x34c: {  	v1 =	vld [tilespmem:s17+$0x1870];
	_ =	sdelay $0x2  }
0x34d: {  	s4 =	sor.u32 s25, s26  }
0x34e: {  	s15 =	sor.u32 $0x1C00, s4;
	s3 =	sor.u32 s6, s12;
	[tilespmem:s7+$0x24F0] =	vst v0  }
0x34f: {  	s1 =	sadd.s32 $0x1, s1;
	v0 =	vld [tilespmem:s15+$0x10C80];
	s17 =	sor.u32 $0x1C00, s3;
	[tilespmem:s16+$0x24F0] =	vst v1  }
0x350: {  	s18 =	sand.u32 $0x7, s1;
	s1 =	sadd.s32 $0x1, s1;
	v1 =	vld [tilespmem:s17+$0x10C80]  }
0x351: {  	s2 =	sadd.s32 $0x400, s2;
	s19 =	sshll.u32 s18, $0x7;
	s1 =	sand.u32 $0x7, s1  }
0x352: {  	s1 =	sshll.u32 s1, $0x7;
	s5 =	sadd.s32 s19, s2;
	s2 =	sadd.s32 $0x400, s2  }
0x353: {  	s20 =	sor.u32 $0x1C00, s5;
	s1 =	sadd.s32 s1, s2  }
0x354: {  	s21 =	sor.u32 $0x1C10, s4;
	s22 =	sor.u32 $0x1C00, s1;
	[tilespmem:s20+$0xC80] =	vst v0  }
0x355: {  	s23 =	sor.u32 $0x1C10, s3;
	v0 =	vld [tilespmem:s21+$0x10C80];
	[tilespmem:s22+$0xC80] =	vst v1  }
0x356: {  	v1 =	vld [tilespmem:s23+$0x10C80];
	_ =	sdelay $0x2  }
0x357: {  	s24 =	sor.u32 $0x1C10, s5  }
0x358: {  	s25 =	sor.u32 $0x1C20, s4;
	s26 =	sor.u32 $0x1C10, s1;
	[tilespmem:s24+$0xC80] =	vst v0  }
0x359: {  	s7 =	sor.u32 $0x1C20, s3;
	v0 =	vld [tilespmem:s25+$0x10C80];
	[tilespmem:s26+$0xC80] =	vst v1  }
0x35a: {  	v1 =	vld [tilespmem:s7+$0x10C80];
	_ =	sdelay $0x2  }
0x35b: {  	s8 =	sor.u32 $0x1C20, s5  }
0x35c: {  	s10 =	sor.u32 $0x1C20, s1;
	s9 =	sor.u32 $0x1C30, s4;
	[tilespmem:s8+$0xC80] =	vst v0  }
0x35d: {  	s11 =	sor.u32 $0x1C30, s3;
	v0 =	vld [tilespmem:s9+$0x10C80];
	[tilespmem:s10+$0xC80] =	vst v1  }
0x35e: {  	v1 =	vld [tilespmem:s11+$0x10C80];
	_ =	sdelay $0x2  }
0x35f: {  	s12 =	sor.u32 $0x1C30, s5  }
0x360: {  	s13 =	sor.u32 $0x1C40, s4;
	s14 =	sor.u32 $0x1C30, s1;
	[tilespmem:s12+$0xC80] =	vst v0  }
0x361: {  	s15 =	sor.u32 $0x1C40, s3;
	v0 =	vld [tilespmem:s13+$0x10C80];
	[tilespmem:s14+$0xC80] =	vst v1  }
0x362: {  	v1 =	vld [tilespmem:s15+$0x10C80];
	_ =	sdelay $0x2  }
0x363: {  	s16 =	sor.u32 $0x1C40, s5  }
0x364: {  	s18 =	sor.u32 $0x1C40, s1;
	s17 =	sor.u32 $0x1C50, s4;
	[tilespmem:s16+$0xC80] =	vst v0  }
0x365: {  	s19 =	sor.u32 $0x1C50, s3;
	v0 =	vld [tilespmem:s17+$0x10C80];
	[tilespmem:s18+$0xC80] =	vst v1  }
0x366: {  	v1 =	vld [tilespmem:s19+$0x10C80];
	_ =	sdelay $0x2  }
0x367: {  	s20 =	sor.u32 $0x1C50, s5  }
0x368: {  	s21 =	sor.u32 $0x1C60, s4;
	s22 =	sor.u32 $0x1C50, s1;
	[tilespmem:s20+$0xC80] =	vst v0  }
0x369: {  	s23 =	sor.u32 $0x1C60, s3;
	v0 =	vld [tilespmem:s21+$0x10C80];
	[tilespmem:s22+$0xC80] =	vst v1  }
0x36a: {  	v1 =	vld [tilespmem:s23+$0x10C80];
	_ =	sdelay $0x2  }
0x36b: {  	s24 =	sor.u32 $0x1C60, s5  }
0x36c: {  	s25 =	sor.u32 $0x1C70, s4;
	s26 =	sor.u32 $0x1C60, s1;
	[tilespmem:s24+$0xC80] =	vst v0  }
0x36d: {  	s4 =	sor.u32 $0x1C70, s3;
	v0 =	vld [tilespmem:s25+$0x10C80];
	[tilespmem:s26+$0xC80] =	vst v1  }
0x36e: {  	v1 =	vld [tilespmem:s4+$0x10C80];
	_ =	sdelay $0x1  }
0x36f: {  	s0 =	sor.u32 $0x1C70, s0  }
0x370: {  	s6 =	sor.u32 $0x1C70, s5;
	[tilespmem:s0+$0xC80] =	vst v2  }
0x371: {  	s7 =	sor.u32 $0x1C70, s1;
	[tilespmem:s6+$0xC80] =	vst v0  }
0x372: {  	s8 =	rddreg [dreg:$0x17];
	[tilespmem:s7+$0xC80] =	vst v1  }
0x373: {  	s1 =	sshll.u32 s8, $0xD;
	s0 =	rddreg [dreg:$0x12]  }
0x374: {  	s9 =	simm.s32 $0x0;
	s10 =	simm.s32 $0xC80;
	s0 =	sadd.s32 s1, s0  }
0x375: {  	[hbm4b:s0+s9] =	stream.linear.scatter [tilespmem:s10], [sflag:$0x1], $0x8000, $0x38;
	[tilespmem:$0x18C80] =	vst v63  }
0x376: {  	s0 =	simm.s32 @!p0 $0x2  }
0x377: {  	_ =	swait.ge @!p0 [sflag:s0], $0x8000  }
0x378: {  	[sflag:s0] =	ssyncset.done @!p0 $0x0  }
0x379: {  	s11 =	rddreg [dreg:$0x16];
	[sflag:s0] =	ssyncadd.s32 @!p0 $0xFFFF8000  }
0x37a: {  	v0 =	vld [tilespmem:s11+$0x0];
	_ =	sdelay $0x4  }
0x37b: {  	(v2sf) =	vpush v0, $0x0;
	_ =	sdelay $0xe  }
0x37c: {  	s13 =	spop (v2sf)  }
0x37d: {  	s12 =	sshll.u32 s13, $0xA;
	s0 =	sshll.u32 s13, $0x7  }
0x37e: {  	s14 =	sand.u32 $0xFFFFE000, s12;
	s17 =	sand.u32 $0x380, s0  }
0x37f: {  	s0 =	sor.u32 s17, s14  }
0x380: {  	v0 =	vld [tilespmem:s0+$0x10C80];
	_ =	sdelay $0x1  }
0x381: {  	s16 =	simm.s32 $0x0  }
0x382: {  	s15 =	sand.u32 $0x6000, s16;
	s19 =	sand.u32 $0x380, s16  }
0x383: {  	s18 =	sor.u32 s19, s15  }
0x384: {  	s2 =	sadd.s32 $0x10C80, s0;
	[tilespmem:s18+$0x8C80] =	vst v0  }
0x385: {  	v0 =	vld [tilespmem:s2+$0x10];
	_ =	sdelay $0x4  }
0x386: {  	[tilespmem:s18+$0x8C90] =	vst v0  }
0x387: {  	v0 =	vld [tilespmem:s2+$0x20];
	_ =	sdelay $0x4  }
0x388: {  	[tilespmem:s18+$0x8CA0] =	vst v0  }
0x389: {  	v0 =	vld [tilespmem:s2+$0x30];
	_ =	sdelay $0x4  }
0x38a: {  	[tilespmem:s18+$0x8CB0] =	vst v0  }
0x38b: {  	v0 =	vld [tilespmem:s2+$0x40];
	_ =	sdelay $0x4  }
0x38c: {  	[tilespmem:s18+$0x8CC0] =	vst v0  }
0x38d: {  	v0 =	vld [tilespmem:s2+$0x50];
	_ =	sdelay $0x4  }
0x38e: {  	[tilespmem:s18+$0x8CD0] =	vst v0  }
0x38f: {  	v0 =	vld [tilespmem:s2+$0x60];
	_ =	sdelay $0x4  }
0x390: {  	[tilespmem:s18+$0x8CE0] =	vst v0  }
0x391: {  	v0 =	vld [tilespmem:s2+$0x70];
	_ =	sdelay $0x4  }
0x392: {  	[tilespmem:s18+$0x8CF0] =	vst v0  }
0x393: {  	v0 =	vld [tilespmem:s2+$0x400];
	_ =	sdelay $0x3  }
0x394: {  	s20 =	sadd.s32 $0x1, s11  }
0x395: {  	v1 =	vld [tilespmem:s20+$0x0];
	[tilespmem:s18+$0x9080] =	vst v0  }
0x396: {  	v0 =	vld [tilespmem:s2+$0x410];
	_ =	sdelay $0x3  }
0x397: {  	(v2sf) =	vpush v1, $0x0  }
0x398: {  	[tilespmem:s18+$0x9090] =	vst v0  }
0x399: {  	v0 =	vld [tilespmem:s2+$0x420];
	_ =	sdelay $0x4  }
0x39a: {  	[tilespmem:s18+$0x90A0] =	vst v0  }
0x39b: {  	v0 =	vld [tilespmem:s2+$0x430];
	_ =	sdelay $0x4  }
0x39c: {  	[tilespmem:s18+$0x90B0] =	vst v0  }
0x39d: {  	v0 =	vld [tilespmem:s2+$0x440]  }
0x39e: {  	s21 =	spop (v2sf)  }
0x39f: {  	s22 =	sshll.u32 s21, $0xA;
	s3 =	sshll.u32 s21, $0x7  }
0x3a0: {  	s4 =	sand.u32 $0xFFFFE000, s22;
	s3 =	sand.u32 $0x380, s3;
	[dreg:$0x3] =	wrdreg s22  }
0x3a1: {  	[dreg:$0x6] =	wrdreg s3;
	s3 =	sor.u32 s3, s4  }
0x3a2: {  	v1 =	vld [tilespmem:s3+$0x10C80];
	[tilespmem:s18+$0x90C0] =	vst v0  }
0x3a3: {  	v0 =	vld [tilespmem:s2+$0x450]  }
0x3a4: {  	s23 =	simm.s32 $0x400;
	s10 =	simm.s32 $0x80  }
0x3a5: {  	s24 =	simm.s32 $0x400;
	s7 =	sand.u32 $0x6000, s23;
	s25 =	sand.u32 $0x380, s10  }
0x3a6: {  	s25 =	sor.u32 s25, s7;
	[dreg:$0x5] =	wrdreg s24  }
0x3a7: {  	s24 =	sadd.s32 $0x10C80, s3;
	[tilespmem:s25+$0x8C80] =	vst v1  }
0x3a8: {  	v1 =	vld [tilespmem:s24+$0x10];
	[tilespmem:s18+$0x90D0] =	vst v0  }
0x3a9: {  	v0 =	vld [tilespmem:s2+$0x460];
	_ =	sdelay $0x3  }
0x3aa: {  	[tilespmem:s25+$0x8C90] =	vst v1  }
0x3ab: {  	v1 =	vld [tilespmem:s24+$0x20];
	[tilespmem:s18+$0x90E0] =	vst v0  }
0x3ac: {  	v0 =	vld [tilespmem:s2+$0x470];
	_ =	sdelay $0x3  }
0x3ad: {  	[tilespmem:s25+$0x8CA0] =	vst v1  }
0x3ae: {  	v1 =	vld [tilespmem:s24+$0x30];
	[tilespmem:s18+$0x90F0] =	vst v0  }
0x3af: {  	v0 =	vld [tilespmem:s2+$0x800];
	_ =	sdelay $0x3  }
0x3b0: {  	[tilespmem:s25+$0x8CB0] =	vst v1  }
0x3b1: {  	v1 =	vld [tilespmem:s24+$0x40];
	[tilespmem:s18+$0x9480] =	vst v0  }
0x3b2: {  	v0 =	vld [tilespmem:s2+$0x810];
	_ =	sdelay $0x3  }
0x3b3: {  	[tilespmem:s25+$0x8CC0] =	vst v1  }
0x3b4: {  	v1 =	vld [tilespmem:s24+$0x50];
	[tilespmem:s18+$0x9490] =	vst v0  }
0x3b5: {  	v0 =	vld [tilespmem:s2+$0x820];
	_ =	sdelay $0x3  }
0x3b6: {  	[tilespmem:s25+$0x8CD0] =	vst v1  }
0x3b7: {  	v1 =	vld [tilespmem:s24+$0x60];
	[tilespmem:s18+$0x94A0] =	vst v0  }
0x3b8: {  	v0 =	vld [tilespmem:s2+$0x830];
	_ =	sdelay $0x2  }
0x3b9: {  	s26 =	sadd.s32 $0x1, s20  }
0x3ba: {  	v2 =	vld [tilespmem:s26+$0x0];
	[tilespmem:s25+$0x8CE0] =	vst v1  }
0x3bb: {  	v1 =	vld [tilespmem:s24+$0x70];
	[tilespmem:s18+$0x94B0] =	vst v0  }
0x3bc: {  	v0 =	vld [tilespmem:s2+$0x840];
	_ =	sdelay $0x3  }
0x3bd: {  	(v2sf) =	vpush v2, $0x0;
	[tilespmem:s25+$0x8CF0] =	vst v1  }
0x3be: {  	v1 =	vld [tilespmem:s24+$0x400];
	[tilespmem:s18+$0x94C0] =	vst v0  }
0x3bf: {  	v0 =	vld [tilespmem:s2+$0x850];
	_ =	sdelay $0x3  }
0x3c0: {  	[tilespmem:s25+$0x9080] =	vst v1  }
0x3c1: {  	v1 =	vld [tilespmem:s24+$0x410];
	[tilespmem:s18+$0x94D0] =	vst v0  }
0x3c2: {  	v0 =	vld [tilespmem:s2+$0x860];
	_ =	sdelay $0x3  }
0x3c3: {  	[tilespmem:s25+$0x9090] =	vst v1  }
0x3c4: {  	v1 =	vld [tilespmem:s24+$0x420];
	[tilespmem:s18+$0x94E0] =	vst v0  }
0x3c5: {  	v0 =	vld [tilespmem:s2+$0x870]  }
0x3c6: {  	s6 =	spop (v2sf)  }
0x3c7: {  	s8 =	sshll.u32 s6, $0xA;
	s0 =	sshll.u32 s6, $0x7  }
0x3c8: {  	s4 =	sand.u32 $0xFFFFE000, s8;
	s13 =	sand.u32 $0x380, s0;
	[dreg:$0x8] =	wrdreg s8  }
0x3c9: {  	s0 =	sor.u32 s13, s4;
	[tilespmem:s25+$0x90A0] =	vst v1  }
0x3ca: {  	s11 =	simm.s32 $0x800;
	v2 =	vld [tilespmem:s0+$0x10C80];
	[tilespmem:s18+$0x94F0] =	vst v0  }
0x3cb: {  	v1 =	vld [tilespmem:s24+$0x430];
	[dreg:$0x7] =	wrdreg s11  }
0x3cc: {  	s9 =	simm.s32 $0x800;
	s20 =	simm.s32 $0x100;
	v0 =	vld [tilespmem:s2+$0xC00]  }
0x3cd: {  	s14 =	sand.u32 $0x380, s20;
	s6 =	sand.u32 $0x6000, s9  }
0x3ce: {  	s31 =	sor.u32 s14, s6  }
0x3cf: {  	s1 =	sor.u32 s15, s16;
	s0 =	sadd.s32 $0x10C80, s0;
	[tilespmem:s31+$0x8C80] =	vst v2  }
0x3d0: {  	s1 =	sor.u32 $0x8C00, s1;
	[tilespmem:s25+$0x90B0] =	vst v1;
	v2 =	vld [tilespmem:s0+$0x10]  }
0x3d1: {  	v1 =	vld [tilespmem:s24+$0x440];
	[tilespmem:s1+$0xC80] =	vst v0  }
0x3d2: {  	v0 =	vld [tilespmem:s2+$0xC10];
	_ =	sdelay $0x2  }
0x3d3: {  	[tilespmem:s31+$0x8C90] =	vst v2  }
0x3d4: {  	[tilespmem:s25+$0x90C0] =	vst v1;
	v2 =	vld [tilespmem:s0+$0x20]  }
0x3d5: {  	v1 =	vld [tilespmem:s24+$0x450];
	[tilespmem:s1+$0xC90] =	vst v0  }
0x3d6: {  	v0 =	vld [tilespmem:s2+$0xC20];
	_ =	sdelay $0x2  }
0x3d7: {  	[tilespmem:s31+$0x8CA0] =	vst v2  }
0x3d8: {  	[tilespmem:s25+$0x90D0] =	vst v1;
	v2 =	vld [tilespmem:s0+$0x30]  }
0x3d9: {  	v1 =	vld [tilespmem:s24+$0x460];
	[tilespmem:s1+$0xCA0] =	vst v0  }
0x3da: {  	v0 =	vld [tilespmem:s2+$0xC30];
	_ =	sdelay $0x2  }
0x3db: {  	[tilespmem:s31+$0x8CB0] =	vst v2  }
0x3dc: {  	[tilespmem:s25+$0x90E0] =	vst v1;
	v2 =	vld [tilespmem:s0+$0x40]  }
0x3dd: {  	v1 =	vld [tilespmem:s24+$0x470];
	[tilespmem:s1+$0xCB0] =	vst v0  }
0x3de: {  	v0 =	vld [tilespmem:s2+$0xC40];
	_ =	sdelay $0x2  }
0x3df: {  	[tilespmem:s31+$0x8CC0] =	vst v2  }
0x3e0: {  	[tilespmem:s25+$0x90F0] =	vst v1;
	v2 =	vld [tilespmem:s0+$0x50]  }
0x3e1: {  	v1 =	vld [tilespmem:s24+$0x800];
	[tilespmem:s1+$0xCC0] =	vst v0  }
0x3e2: {  	v0 =	vld [tilespmem:s2+$0xC50];
	_ =	sdelay $0x2  }
0x3e3: {  	[tilespmem:s31+$0x8CD0] =	vst v2  }
0x3e4: {  	[tilespmem:s25+$0x9480] =	vst v1;
	v2 =	vld [tilespmem:s0+$0x60]  }
0x3e5: {  	v1 =	vld [tilespmem:s24+$0x810];
	[tilespmem:s1+$0xCD0] =	vst v0  }
0x3e6: {  	v0 =	vld [tilespmem:s2+$0xC60]  }
0x3e7: {  	s15 =	sadd.s32 $0x1, s26  }
0x3e8: {  	v3 =	vld [tilespmem:s15+$0x0]  }
0x3e9: {  	[tilespmem:s31+$0x8CE0] =	vst v2  }
0x3ea: {  	[tilespmem:s25+$0x9490] =	vst v1;
	v2 =	vld [tilespmem:s0+$0x70]  }
0x3eb: {  	v1 =	vld [tilespmem:s24+$0x820];
	[tilespmem:s1+$0xCE0] =	vst v0  }
0x3ec: {  	v0 =	vld [tilespmem:s2+$0xC70]  }
0x3ed: {  	(v2sf) =	vpush v3, $0x0;
	_ =	sdelay $0x1  }
0x3ee: {  	[tilespmem:s31+$0x8CF0] =	vst v2  }
0x3ef: {  	[tilespmem:s25+$0x94A0] =	vst v1;
	v2 =	vld [tilespmem:s0+$0x400]  }
0x3f0: {  	v1 =	vld [tilespmem:s24+$0x830];
	[tilespmem:s1+$0xCF0] =	vst v0  }
0x3f1: {  	v0 =	vld [tilespmem:s2+$0x1000];
	_ =	sdelay $0x2  }
0x3f2: {  	[tilespmem:s31+$0x9080] =	vst v2  }
0x3f3: {  	[tilespmem:s25+$0x94B0] =	vst v1;
	v2 =	vld [tilespmem:s0+$0x410]  }
0x3f4: {  	v1 =	vld [tilespmem:s24+$0x840];
	[tilespmem:s18+$0x9C80] =	vst v0  }
0x3f5: {  	v0 =	vld [tilespmem:s2+$0x1010];
	_ =	sdelay $0x2  }
0x3f6: {  	[tilespmem:s31+$0x9090] =	vst v2  }
0x3f7: {  	s19 =	spop (v2sf);
	[tilespmem:s25+$0x94C0] =	vst v1  }
0x3f8: {  	s21 =	sshll.u32 s19, $0xA;
	v2 =	vld [tilespmem:s0+$0x420];
	[tilespmem:s18+$0x9C90] =	vst v0  }
0x3f9: {  	s1 =	sshll.u32 s19, $0x7;
	v1 =	vld [tilespmem:s24+$0x850];
	[dreg:$0x9] =	wrdreg s21  }
0x3fa: {  	s22 =	sand.u32 $0xFFFFE000, s21;
	s1 =	sand.u32 $0x380, s1;
	v0 =	vld [tilespmem:s2+$0x1020]  }
0x3fb: {  	[dreg:$0xa] =	wrdreg s1;
	s1 =	sor.u32 s1, s22  }
0x3fc: {  	v3 =	vld [tilespmem:s1+$0x10C80]  }
0x3fd: {  	[tilespmem:s31+$0x90A0] =	vst v2  }
0x3fe: {  	s14 =	simm.s32 $0xC00;
	s8 =	simm.s32 $0x180;
	[tilespmem:s25+$0x94D0] =	vst v1;
	v2 =	vld [tilespmem:s0+$0x430]  }
0x3ff: {  	s26 =	sand.u32 $0x6000, s14;
	s23 =	sand.u32 $0x380, s8;
	v1 =	vld [tilespmem:s24+$0x860];
	[tilespmem:s18+$0x9CA0] =	vst v0  }
0x400: {  	s4 =	sor.u32 s23, s26;
	v0 =	vld [tilespmem:s2+$0x1030]  }
0x401: {  	s5 =	sadd.s32 $0x10C80, s1;
	[tilespmem:s4+$0x8C80] =	vst v3  }
0x402: {  	v3 =	vld [tilespmem:s5+$0x10]  }
0x403: {  	[tilespmem:s31+$0x90B0] =	vst v2  }
0x404: {  	[tilespmem:s25+$0x94E0] =	vst v1;
	v2 =	vld [tilespmem:s0+$0x440]  }
0x405: {  	v1 =	vld [tilespmem:s24+$0x870];
	[tilespmem:s18+$0x9CB0] =	vst v0  }
0x406: {  	v0 =	vld [tilespmem:s2+$0x1040]  }
0x407: {  	[tilespmem:s4+$0x8C90] =	vst v3  }
0x408: {  	v3 =	vld [tilespmem:s5+$0x20]  }
0x409: {  	[tilespmem:s31+$0x90C0] =	vst v2  }
0x40a: {  	[tilespmem:s25+$0x94F0] =	vst v1;
	v2 =	vld [tilespmem:s0+$0x450]  }
0x40b: {  	v1 =	vld [tilespmem:s24+$0xC00];
	[tilespmem:s18+$0x9CC0] =	vst v0  }
0x40c: {  	v0 =	vld [tilespmem:s2+$0x1050]  }
0x40d: {  	s3 =	simm.s32 $0x80;
	[tilespmem:s4+$0x8CA0] =	vst v3  }
0x40e: {  	s7 =	sor.u32 s7, s10;
	[dreg:$0x4] =	wrdreg s3  }
0x40f: {  	s1 =	sor.u32 $0x8C00, s7;
	v3 =	vld [tilespmem:s5+$0x30];
	[tilespmem:s31+$0x90D0] =	vst v2  }
0x410: {  	[tilespmem:s1+$0xC80] =	vst v1;
	v2 =	vld [tilespmem:s0+$0x460]  }
0x411: {  	v1 =	vld [tilespmem:s24+$0xC10];
	[tilespmem:s18+$0x9CD0] =	vst v0  }
0x412: {  	v0 =	vld [tilespmem:s2+$0x1060];
	_ =	sdelay $0x1  }
0x413: {  	[tilespmem:s4+$0x8CB0] =	vst v3  }
0x414: {  	v3 =	vld [tilespmem:s5+$0x40];
	[tilespmem:s31+$0x90E0] =	vst v2  }
0x415: {  	[tilespmem:s1+$0xC90] =	vst v1;
	v2 =	vld [tilespmem:s0+$0x470]  }
0x416: {  	v1 =	vld [tilespmem:s24+$0xC20];
	[tilespmem:s18+$0x9CE0] =	vst v0  }
0x417: {  	v0 =	vld [tilespmem:s2+$0x1070];
	_ =	sdelay $0x1  }
0x418: {  	[tilespmem:s4+$0x8CC0] =	vst v3  }
0x419: {  	v3 =	vld [tilespmem:s5+$0x50];
	[tilespmem:s31+$0x90F0] =	vst v2  }
0x41a: {  	[tilespmem:s1+$0xCA0] =	vst v1;
	v2 =	vld [tilespmem:s0+$0x800]  }
0x41b: {  	v1 =	vld [tilespmem:s24+$0xC30];
	[tilespmem:s18+$0x9CF0] =	vst v0  }
0x41c: {  	v0 =	vld [tilespmem:s2+$0x1400];
	_ =	sdelay $0x1  }
0x41d: {  	[tilespmem:s4+$0x8CD0] =	vst v3  }
0x41e: {  	v3 =	vld [tilespmem:s5+$0x60];
	[tilespmem:s31+$0x9480] =	vst v2  }
0x41f: {  	[tilespmem:s1+$0xCB0] =	vst v1;
	v2 =	vld [tilespmem:s0+$0x810]  }
0x420: {  	v1 =	vld [tilespmem:s24+$0xC40];
	[tilespmem:s18+$0xA080] =	vst v0  }
0x421: {  	v0 =	vld [tilespmem:s2+$0x1410]  }
0x422: {  	s19 =	sadd.s32 $0x1, s15  }
0x423: {  	v4 =	vld [tilespmem:s19+$0x0];
	[tilespmem:s4+$0x8CE0] =	vst v3  }
0x424: {  	v3 =	vld [tilespmem:s5+$0x70];
	[tilespmem:s31+$0x9490] =	vst v2  }
0x425: {  	[tilespmem:s1+$0xCC0] =	vst v1;
	v2 =	vld [tilespmem:s0+$0x820]  }
0x426: {  	v1 =	vld [tilespmem:s24+$0xC50];
	[tilespmem:s18+$0xA090] =	vst v0  }
0x427: {  	v0 =	vld [tilespmem:s2+$0x1420]  }
0x428: {  	(v2sf) =	vpush v4, $0x0  }
0x429: {  	[tilespmem:s4+$0x8CF0] =	vst v3  }
0x42a: {  	v3 =	vld [tilespmem:s5+$0x400];
	[tilespmem:s31+$0x94A0] =	vst v2  }
0x42b: {  	[tilespmem:s1+$0xCD0] =	vst v1;
	v2 =	vld [tilespmem:s0+$0x830]  }
0x42c: {  	v1 =	vld [tilespmem:s24+$0xC60];
	[tilespmem:s18+$0xA0A0] =	vst v0  }
0x42d: {  	v0 =	vld [tilespmem:s2+$0x1430];
	_ =	sdelay $0x1  }
0x42e: {  	[tilespmem:s4+$0x9080] =	vst v3  }
0x42f: {  	v3 =	vld [tilespmem:s5+$0x410];
	[tilespmem:s31+$0x94B0] =	vst v2  }
0x430: {  	[tilespmem:s1+$0xCE0] =	vst v1;
	v2 =	vld [tilespmem:s0+$0x840]  }
0x431: {  	v1 =	vld [tilespmem:s24+$0xC70];
	[tilespmem:s18+$0xA0B0] =	vst v0  }
0x432: {  	v0 =	vld [tilespmem:s2+$0x1440];
	_ =	sdelay $0x1  }
0x433: {  	[tilespmem:s4+$0x9090] =	vst v3  }
0x434: {  	[tilespmem:s31+$0x94C0] =	vst v2  }
0x435: {  	s9 =	spop (v2sf);
	v3 =	vld [tilespmem:s5+$0x420];
	[tilespmem:s1+$0xCF0] =	vst v1  }
0x436: {  	s10 =	sshll.u32 s9, $0xA;
	s1 =	sshll.u32 s9, $0x7;
	v1 =	vld [tilespmem:s0+$0x850];
	[tilespmem:s18+$0xA0C0] =	vst v0  }
0x437: {  	v2 =	vld [tilespmem:s24+$0x1000];
	s11 =	sand.u32 $0x380, s1;
	[dreg:$0xd] =	wrdreg s10  }
0x438: {  	s15 =	sand.u32 $0xFFFFE000, s10;
	[dreg:$0xe] =	wrdreg s11  }
0x439: {  	s1 =	sor.u32 s11, s15;
	v0 =	vld [tilespmem:s2+$0x1450]  }
0x43a: {  	v4 =	vld [tilespmem:s1+$0x10C80];
	[tilespmem:s4+$0x90A0] =	vst v3  }
0x43b: {  	v3 =	vld [tilespmem:s5+$0x430];
	[tilespmem:s31+$0x94D0] =	vst v1  }
0x43c: {  	s23 =	simm.s32 $0x1000;
	s21 =	simm.s32 $0x1000;
	s22 =	simm.s32 $0x200;
	[tilespmem:s25+$0x9C80] =	vst v2;
	v1 =	vld [tilespmem:s0+$0x860]  }
0x43d: {  	s21 =	sand.u32 $0x6000, s21;
	s3 =	sand.u32 $0x380, s22;
	v2 =	vld [tilespmem:s24+$0x1010];
	[dreg:$0xb] =	wrdreg s23  }
0x43e: {  	s15 =	sor.u32 s3, s21;
	[tilespmem:s18+$0xA0D0] =	vst v0  }
0x43f: {  	s11 =	sadd.s32 $0x10C80, s1;
	[tilespmem:s15+$0x8C80] =	vst v4;
	v0 =	vld [tilespmem:s2+$0x1460]  }
0x440: {  	v4 =	vld [tilespmem:s11+$0x10]  }
0x441: {  	[tilespmem:s4+$0x90B0] =	vst v3  }
0x442: {  	v3 =	vld [tilespmem:s5+$0x440];
	[tilespmem:s31+$0x94E0] =	vst v1  }
0x443: {  	[tilespmem:s25+$0x9C90] =	vst v2;
	v1 =	vld [tilespmem:s0+$0x870]  }
0x444: {  	v2 =	vld [tilespmem:s24+$0x1020];
	[tilespmem:s18+$0xA0E0] =	vst v0  }
0x445: {  	[tilespmem:s15+$0x8C90] =	vst v4;
	v0 =	vld [tilespmem:s2+$0x1470]  }
0x446: {  	v4 =	vld [tilespmem:s11+$0x20]  }
0x447: {  	[tilespmem:s4+$0x90C0] =	vst v3  }
0x448: {  	[tilespmem:s31+$0x94F0] =	vst v1  }
0x449: {  	v3 =	vld [tilespmem:s5+$0x450];
	[tilespmem:s25+$0x9CA0] =	vst v2  }
0x44a: {  	v1 =	vld [tilespmem:s0+$0xC00];
	[tilespmem:s18+$0xA0F0] =	vst v0  }
0x44b: {  	s9 =	simm.s32 $0x100;
	v2 =	vld [tilespmem:s24+$0x1030];
	[tilespmem:s15+$0x8CA0] =	vst v4  }
0x44c: {  	[dreg:$0xc] =	wrdreg s9  }
0x44d: {  	s10 =	sor.u32 s6, s20;
	v0 =	vld [tilespmem:s2+$0x1800]  }
0x44e: {  	s1 =	sor.u32 $0x8C00, s10;
	v4 =	vld [tilespmem:s11+$0x30];
	[tilespmem:s4+$0x90D0] =	vst v3  }
0x44f: {  	[tilespmem:s1+$0xC80] =	vst v1;
	v3 =	vld [tilespmem:s5+$0x460]  }
0x450: {  	[tilespmem:s25+$0x9CB0] =	vst v2;
	v1 =	vld [tilespmem:s0+$0xC10]  }
0x451: {  	v2 =	vld [tilespmem:s24+$0x1040]  }
0x452: {  	[tilespmem:s18+$0xA480] =	vst v0  }
0x453: {  	[tilespmem:s15+$0x8CB0] =	vst v4;
	v0 =	vld [tilespmem:s2+$0x1810]  }
0x454: {  	v4 =	vld [tilespmem:s11+$0x40];
	[tilespmem:s4+$0x90E0] =	vst v3  }
0x455: {  	[tilespmem:s1+$0xC90] =	vst v1;
	v3 =	vld [tilespmem:s5+$0x470]  }
0x456: {  	[tilespmem:s25+$0x9CC0] =	vst v2;
	v1 =	vld [tilespmem:s0+$0xC20]  }
0x457: {  	v2 =	vld [tilespmem:s24+$0x1050]  }
0x458: {  	[tilespmem:s18+$0xA490] =	vst v0  }
0x459: {  	[tilespmem:s15+$0x8CC0] =	vst v4;
	v0 =	vld [tilespmem:s2+$0x1820]  }
0x45a: {  	v4 =	vld [tilespmem:s11+$0x50];
	[tilespmem:s4+$0x90F0] =	vst v3  }
0x45b: {  	[tilespmem:s1+$0xCA0] =	vst v1;
	v3 =	vld [tilespmem:s5+$0x800]  }
0x45c: {  	[tilespmem:s25+$0x9CD0] =	vst v2;
	v1 =	vld [tilespmem:s0+$0xC30]  }
0x45d: {  	v2 =	vld [tilespmem:s24+$0x1060]  }
0x45e: {  	[tilespmem:s18+$0xA4A0] =	vst v0  }
0x45f: {  	[tilespmem:s15+$0x8CD0] =	vst v4;
	v0 =	vld [tilespmem:s2+$0x1830]  }
0x460: {  	v4 =	vld [tilespmem:s11+$0x60];
	[tilespmem:s4+$0x9480] =	vst v3  }
0x461: {  	[tilespmem:s1+$0xCB0] =	vst v1;
	v3 =	vld [tilespmem:s5+$0x810]  }
0x462: {  	[tilespmem:s25+$0x9CE0] =	vst v2;
	v1 =	vld [tilespmem:s0+$0xC40]  }
0x463: {  	s29 =	sadd.s32 $0x1, s19;
	v2 =	vld [tilespmem:s24+$0x1070]  }
0x464: {  	v5 =	vld [tilespmem:s29+$0x0];
	[tilespmem:s18+$0xA4B0] =	vst v0  }
0x465: {  	[tilespmem:s15+$0x8CE0] =	vst v4;
	v0 =	vld [tilespmem:s2+$0x1840]  }
0x466: {  	v4 =	vld [tilespmem:s11+$0x70];
	[tilespmem:s4+$0x9490] =	vst v3  }
0x467: {  	[tilespmem:s1+$0xCC0] =	vst v1;
	v3 =	vld [tilespmem:s5+$0x820]  }
0x468: {  	[tilespmem:s25+$0x9CF0] =	vst v2;
	v1 =	vld [tilespmem:s0+$0xC50]  }
0x469: {  	(v2sf) =	vpush v5, $0x0;
	v2 =	vld [tilespmem:s24+$0x1400]  }
0x46a: {  	[tilespmem:s18+$0xA4C0] =	vst v0  }
0x46b: {  	[tilespmem:s15+$0x8CF0] =	vst v4;
	v0 =	vld [tilespmem:s2+$0x1850]  }
0x46c: {  	v4 =	vld [tilespmem:s11+$0x400];
	[tilespmem:s4+$0x94A0] =	vst v3  }
0x46d: {  	[tilespmem:s1+$0xCD0] =	vst v1;
	v3 =	vld [tilespmem:s5+$0x830]  }
0x46e: {  	[tilespmem:s25+$0xA080] =	vst v2;
	v1 =	vld [tilespmem:s0+$0xC60]  }
0x46f: {  	v2 =	vld [tilespmem:s24+$0x1410]  }
0x470: {  	[tilespmem:s18+$0xA4D0] =	vst v0  }
0x471: {  	[tilespmem:s15+$0x9080] =	vst v4;
	v0 =	vld [tilespmem:s2+$0x1860]  }
0x472: {  	v4 =	vld [tilespmem:s11+$0x410];
	[tilespmem:s4+$0x94B0] =	vst v3  }
0x473: {  	[tilespmem:s1+$0xCE0] =	vst v1;
	v3 =	vld [tilespmem:s5+$0x840]  }
0x474: {  	[tilespmem:s25+$0xA090] =	vst v2;
	v1 =	vld [tilespmem:s0+$0xC70]  }
0x475: {  	v2 =	vld [tilespmem:s24+$0x1420]  }
0x476: {  	[tilespmem:s18+$0xA4E0] =	vst v0  }
0x477: {  	[tilespmem:s15+$0x9090] =	vst v4;
	v0 =	vld [tilespmem:s2+$0x1870]  }
0x478: {  	s19 =	spop (v2sf);
	v4 =	vld [tilespmem:s11+$0x420];
	[tilespmem:s4+$0x94C0] =	vst v3  }
0x479: {  	s20 =	sshll.u32 s19, $0x7;
	[tilespmem:s1+$0xCF0] =	vst v1;
	s2 =	sshll.u32 s19, $0xA;
	v1 =	vld [tilespmem:s5+$0x850]  }
0x47a: {  	s6 =	sand.u32 $0x380, s20;
	[tilespmem:s25+$0xA0A0] =	vst v2;
	v3 =	vld [tilespmem:s0+$0x1000];
	s22 =	sand.u32 $0xFFFFE000, s2  }
0x47b: {  	s20 =	sor.u32 s12, s17;
	v2 =	vld [tilespmem:s24+$0x1430];
	s1 =	sor.u32 s6, s22  }
0x47c: {  	s23 =	sor.u32 $0x1C00, s20;
	[tilespmem:s18+$0xA4F0] =	vst v0;
	v0 =	vld [tilespmem:s1+$0x10C80]  }
0x47d: {  	[tilespmem:s15+$0x90A0] =	vst v4;
	v5 =	vld [tilespmem:s23+$0x10C80]  }
0x47e: {  	v4 =	vld [tilespmem:s11+$0x430];
	[tilespmem:s4+$0x94D0] =	vst v1  }
0x47f: {  	s28 =	simm.s32 $0x280;
	s12 =	simm.s32 $0x1400;
	[tilespmem:s31+$0x9C80] =	vst v3;
	v1 =	vld [tilespmem:s5+$0x860]  }
0x480: {  	s3 =	sand.u32 $0x380, s28;
	s23 =	sand.u32 $0x6000, s12;
	v3 =	vld [tilespmem:s0+$0x1010]  }
0x481: {  	[tilespmem:s25+$0xA0B0] =	vst v2;
	s19 =	sor.u32 s3, s23  }
0x482: {  	s9 =	sor.u32 s16, s16;
	s16 =	sadd.s32 $0x10C80, s1;
	v2 =	vld [tilespmem:s24+$0x1440];
	[tilespmem:s19+$0x8C80] =	vst v0  }
0x483: {  	v0 =	vld [tilespmem:s16+$0x10];
	[tilespmem:s15+$0x90B0] =	vst v4  }
0x484: {  	v4 =	vld [tilespmem:s11+$0x440];
	[tilespmem:s4+$0x94E0] =	vst v1  }
0x485: {  	s22 =	sor.u32 $0x9C00, s9;
	[tilespmem:s31+$0x9C90] =	vst v3;
	v1 =	vld [tilespmem:s5+$0x870]  }
0x486: {  	s17 =	sor.u32 $0x1C10, s20;
	[tilespmem:s22+$0xC80] =	vst v5;
	v3 =	vld [tilespmem:s0+$0x1020]  }
0x487: {  	v5 =	vld [tilespmem:s17+$0x10C80];
	[tilespmem:s25+$0xA0C0] =	vst v2  }
0x488: {  	v2 =	vld [tilespmem:s24+$0x1450];
	[tilespmem:s19+$0x8C90] =	vst v0  }
0x489: {  	v0 =	vld [tilespmem:s16+$0x20];
	[tilespmem:s15+$0x90C0] =	vst v4  }
0x48a: {  	v4 =	vld [tilespmem:s11+$0x450];
	[tilespmem:s4+$0x94F0] =	vst v1  }
0x48b: {  	[tilespmem:s31+$0x9CA0] =	vst v3;
	v1 =	vld [tilespmem:s5+$0xC00]  }
0x48c: {  	s18 =	sor.u32 $0x1C20, s20;
	[tilespmem:s22+$0xC90] =	vst v5;
	v3 =	vld [tilespmem:s0+$0x1030]  }
0x48d: {  	v5 =	vld [tilespmem:s18+$0x10C80];
	[tilespmem:s25+$0xA0D0] =	vst v2  }
0x48e: {  	s3 =	sor.u32 s26, s8;
	v2 =	vld [tilespmem:s24+$0x1460];
	[tilespmem:s19+$0x8CA0] =	vst v0  }
0x48f: {  	s26 =	sor.u32 $0x8C00, s3;
	v0 =	vld [tilespmem:s16+$0x30];
	[tilespmem:s15+$0x90D0] =	vst v4  }
0x490: {  	v4 =	vld [tilespmem:s11+$0x460];
	[tilespmem:s26+$0xC80] =	vst v1  }
0x491: {  	[tilespmem:s31+$0x9CB0] =	vst v3;
	v1 =	vld [tilespmem:s5+$0xC10]  }
0x492: {  	s9 =	sor.u32 $0x1C30, s20;
	[tilespmem:s22+$0xCA0] =	vst v5;
	v3 =	vld [tilespmem:s0+$0x1040]  }
0x493: {  	v5 =	vld [tilespmem:s9+$0x10C80];
	[tilespmem:s25+$0xA0E0] =	vst v2  }
0x494: {  	v2 =	vld [tilespmem:s24+$0x1470];
	[tilespmem:s19+$0x8CB0] =	vst v0  }
0x495: {  	v0 =	vld [tilespmem:s16+$0x40];
	[tilespmem:s15+$0x90E0] =	vst v4  }
0x496: {  	v4 =	vld [tilespmem:s11+$0x470];
	[tilespmem:s26+$0xC90] =	vst v1  }
0x497: {  	[tilespmem:s31+$0x9CC0] =	vst v3;
	v6 =	vld [tilespmem:s5+$0xC20]  }
0x498: {  	s10 =	sor.u32 $0x1C40, s20;
	[tilespmem:s22+$0xCB0] =	vst v5;
	v3 =	vld [tilespmem:s0+$0x1050]  }
0x499: {  	v5 =	vld [tilespmem:s10+$0x10C80];
	[tilespmem:s25+$0xA0F0] =	vst v2  }
0x49a: {  	v2 =	vld [tilespmem:s24+$0x1800];
	[tilespmem:s19+$0x8CC0] =	vst v0  }
0x49b: {  	v0 =	vld [tilespmem:s16+$0x50];
	[tilespmem:s15+$0x90F0] =	vst v4  }
0x49c: {  	v4 =	vld [tilespmem:s11+$0x800];
	[tilespmem:s26+$0xCA0] =	vst v6  }
0x49d: {  	[tilespmem:s31+$0x9CD0] =	vst v3;
	v6 =	vld [tilespmem:s5+$0xC30]  }
0x49e: {  	[tilespmem:s22+$0xCC0] =	vst v5;
	v7 =	vld [tilespmem:s0+$0x1060]  }
0x49f: {  	[tilespmem:s25+$0xA480] =	vst v2  }
0x4a0: {  	s17 =	sor.u32 $0x1C50, s20;
	[tilespmem:s19+$0x8CD0] =	vst v0  }
0x4a1: {  	v1 =	vld [tilespmem:s17+$0x10C80];
	[tilespmem:s15+$0x9480] =	vst v4  }
0x4a2: {  	s29 =	sadd.s32 $0x1, s29;
	v8 =	vld [tilespmem:s24+$0x1810];
	[tilespmem:s26+$0xCB0] =	vst v6  }
0x4a3: {  	v3 =	vld [tilespmem:s29+$0x0];
	[tilespmem:s31+$0x9CE0] =	vst v7  }
0x4a4: {  	v9 =	vld [tilespmem:s16+$0x60];
	s18 =	rddreg [dreg:$0x18]  }
0x4a5: {  	v5 =	vld [tilespmem:s11+$0x810];
	s1 =	sor.u32 $0x1, s18  }
0x4a6: {  	v4 =	vld [tilespmem:s5+$0xC40];
	[dreg:$0x19] =	wrdreg s1  }
0x4a7: {  	v2 =	vld [tilespmem:s0+$0x1070];
	[tilespmem:s25+$0xA490] =	vst v8  }
0x4a8: {  	s30 =	simm.s32 $0x1C00;
	v0 =	vld [tilespmem:s24+$0x1820]  }
0x4a9: {  	s7 =	simm.s32 $0x200;
	s17 =	simm.s32 $0x1800;
	s18 =	simm.s32 $0x280;
	[tilespmem:s19+$0x8CE0] =	vst v9  }
.LBB2_5:
0x4aa: {  	v6 =	vld [tilespmem:s16+$0x70];
	[tilespmem:s15+$0x9490] =	vst v5  }
0x4ab: {  	v5 =	vld [tilespmem:s11+$0x820];
	[tilespmem:s26+$0xCC0] =	vst v4  }
0x4ac: {  	v4 =	vld [tilespmem:s5+$0xC50];
	[tilespmem:s31+$0x9CF0] =	vst v2  }
0x4ad: {  	v2 =	vld [tilespmem:s0+$0x1400];
	[tilespmem:s25+$0xA4A0] =	vst v0  }
0x4ae: {  	v0 =	vld [tilespmem:s24+$0x1830];
	[tilespmem:s22+$0xCD0] =	vst v1  }
0x4af: {  	s1 =	sor.u32 $0x1C60, s20;
	[tilespmem:s19+$0x8CF0] =	vst v6  }
0x4b0: {  	(v2sf) =	vpush v3, $0x0;
	v1 =	vld [tilespmem:s1+$0x10C80]  }
0x4b1: {  	v3 =	vld [tilespmem:s16+$0x400];
	[tilespmem:s15+$0x94A0] =	vst v5  }
0x4b2: {  	v5 =	vld [tilespmem:s11+$0x830];
	[tilespmem:s26+$0xCD0] =	vst v4  }
0x4b3: {  	v4 =	vld [tilespmem:s5+$0xC60];
	[tilespmem:s31+$0xA080] =	vst v2  }
0x4b4: {  	v2 =	vld [tilespmem:s0+$0x1410];
	[tilespmem:s25+$0xA4B0] =	vst v0  }
0x4b5: {  	v0 =	vld [tilespmem:s24+$0x1840];
	[tilespmem:s22+$0xCE0] =	vst v1  }
0x4b6: {  	s20 =	sor.u32 $0x1C70, s20;
	[tilespmem:s19+$0x9080] =	vst v3  }
0x4b7: {  	v1 =	vld [tilespmem:s20+$0x10C80]  }
0x4b8: {  	v6 =	vld [tilespmem:s16+$0x410];
	[tilespmem:s15+$0x94B0] =	vst v5  }
0x4b9: {  	v5 =	vld [tilespmem:s11+$0x840];
	[tilespmem:s26+$0xCE0] =	vst v4  }
0x4ba: {  	v4 =	vld [tilespmem:s5+$0xC70];
	[tilespmem:s31+$0xA090] =	vst v2  }
0x4bb: {  	v2 =	vld [tilespmem:s0+$0x1420];
	[tilespmem:s25+$0xA4C0] =	vst v0  }
0x4bc: {  	s29 =	sadd.s32 $0x1, s29;
	v0 =	vld [tilespmem:s24+$0x1850];
	[tilespmem:s22+$0xCF0] =	vst v1  }
0x4bd: {  	v3 =	vld [tilespmem:s29+$0x0];
	[tilespmem:s19+$0x9090] =	vst v6  }
0x4be: {  	v1 =	vld [tilespmem:s16+$0x420];
	[tilespmem:s15+$0x94C0] =	vst v5  }
0x4bf: {  	s22 =	spop (v2sf);
	v5 =	vld [tilespmem:s11+$0x850];
	[tilespmem:s26+$0xCF0] =	vst v4  }
0x4c0: {  	s10 =	sshll.u32 s22, $0xA;
	s1 =	sshll.u32 s22, $0x7;
	v4 =	vld [tilespmem:s5+$0x1000];
	[tilespmem:s31+$0xA0A0] =	vst v2  }
0x4c1: {  	s22 =	sand.u32 $0x380, s1;
	s26 =	sand.u32 $0xFFFFE000, s10;
	v2 =	vld [tilespmem:s0+$0x1430];
	[tilespmem:s25+$0xA4D0] =	vst v0  }
0x4c2: {  	s20 =	sor.u32 s22, s26;
	v0 =	vld [tilespmem:s24+$0x1860]  }
0x4c3: {  	v6 =	vld [tilespmem:s20+$0x10C80];
	[tilespmem:s19+$0x90A0] =	vst v1  }
0x4c4: {  	v1 =	vld [tilespmem:s16+$0x430];
	[tilespmem:s15+$0x94D0] =	vst v5  }
0x4c5: {  	s28 =	sadd.s32 $0x80, s28;
	v5 =	vld [tilespmem:s11+$0x860];
	[tilespmem:s4+$0x9C80] =	vst v4  }
0x4c6: {  	s3 =	sand.u32 $0x380, s28;
	s26 =	sand.u32 $0x6000, s17;
	v4 =	vld [tilespmem:s5+$0x1010];
	[tilespmem:s31+$0xA0B0] =	vst v2  }
0x4c7: {  	s9 =	rddreg [dreg:$0x6];
	s1 =	sor.u32 s3, s26;
	v2 =	vld [tilespmem:s0+$0x1440];
	[tilespmem:s25+$0xA4E0] =	vst v0  }
0x4c8: {  	s3 =	rddreg [dreg:$0x3];
	s20 =	sadd.s32 $0x10C80, s20;
	[tilespmem:s1+$0x8C80] =	vst v6  }
0x4c9: {  	v0 =	vld [tilespmem:s24+$0x1870];
	s24 =	smov.u32 s0;
	s0 =	smov.u32 s5;
	s5 =	smov.u32 s11  }
0x4ca: {  	v6 =	vld [tilespmem:s20+$0x10];
	s11 =	smov.u32 s16;
	s16 =	smov.u32 s20;
	s20 =	sor.u32 s3, s9  }
0x4cb: {  	s9 =	smov.u32 s14;
	s14 =	smov.u32 s13;
	s13 =	rddreg [dreg:$0x8]  }
0x4cc: {  	s3 =	smov.u32 s13;
	s13 =	rddreg [dreg:$0x9]  }
0x4cd: {  	[tilespmem:s19+$0x90B0] =	vst v1;
	[dreg:$0x3] =	wrdreg s3  }
0x4ce: {  	v1 =	vld [tilespmem:s11+$0x440];
	[tilespmem:s15+$0x94E0] =	vst v5;
	s3 =	smov.u32 s13;
	s13 =	rddreg [dreg:$0xd]  }
0x4cf: {  	v5 =	vld [tilespmem:s5+$0x870];
	[tilespmem:s4+$0x9C90] =	vst v4;
	[dreg:$0x8] =	wrdreg s3;
	s3 =	smov.u32 s13  }
0x4d0: {  	s13 =	smov.u32 s2;
	s2 =	smov.u32 s10;
	s10 =	rddreg [dreg:$0xa];
	v4 =	vld [tilespmem:s0+$0x1020];
	[tilespmem:s31+$0xA0C0] =	vst v2  }
0x4d1: {  	[dreg:$0x9] =	wrdreg s3;
	v2 =	vld [tilespmem:s24+$0x1450];
	[tilespmem:s25+$0xA4F0] =	vst v0  }
0x4d2: {  	[dreg:$0xd] =	wrdreg s13;
	s25 =	sor.u32 $0x1C00, s20;
	[tilespmem:s1+$0x8C90] =	vst v6  }
0x4d3: {  	v0 =	vld [tilespmem:s25+$0x10C80];
	s25 =	smov.u32 s14;
	s14 =	rddreg [dreg:$0xe]  }
0x4d4: {  	[dreg:$0x6] =	wrdreg s25;
	s25 =	smov.u32 s14  }
0x4d5: {  	s14 =	smov.u32 s6;
	s6 =	smov.u32 s22;
	s22 =	rddreg [dreg:$0x5]  }
0x4d6: {  	s13 =	smov.u32 s10;
	v6 =	vld [tilespmem:s16+$0x20];
	[tilespmem:s19+$0x90C0] =	vst v1;
	[dreg:$0xa] =	wrdreg s25;
	s25 =	smov.u32 s31  }
0x4d7: {  	v1 =	vld [tilespmem:s11+$0x450];
	[tilespmem:s15+$0x94F0] =	vst v5;
	s31 =	smov.u32 s4;
	s4 =	smov.u32 s15;
	s15 =	rddreg [dreg:$0x4]  }
0x4d8: {  	s3 =	rddreg [dreg:$0xc];
	v5 =	vld [tilespmem:s5+$0xC00];
	[tilespmem:s31+$0x9CA0] =	vst v4;
	s10 =	sor.u32 s22, s15;
	s22 =	smov.u32 s8  }
0x4d9: {  	[dreg:$0xc] =	wrdreg s22;
	v4 =	vld [tilespmem:s0+$0x1030];
	[tilespmem:s25+$0xA0D0] =	vst v2;
	s22 =	sor.u32 $0x9C00, s10  }
0x4da: {  	[dreg:$0xe] =	wrdreg s14;
	v2 =	vld [tilespmem:s24+$0x1460];
	[tilespmem:s22+$0xC80] =	vst v0  }
0x4db: {  	s15 =	smov.u32 s3;
	s8 =	smov.u32 s7;
	s3 =	sor.u32 $0x1C10, s20;
	[tilespmem:s1+$0x8CA0] =	vst v6  }
0x4dc: {  	[dreg:$0x4] =	wrdreg s15;
	s15 =	smov.u32 s19;
	s14 =	sor.u32 s21, s8;
	v0 =	vld [tilespmem:s3+$0x10C80]  }
0x4dd: {  	s21 =	smov.u32 s23;
	s23 =	smov.u32 s26;
	s26 =	sor.u32 $0x8C00, s14;
	v6 =	vld [tilespmem:s16+$0x30];
	[tilespmem:s15+$0x90D0] =	vst v1  }
0x4de: {  	v1 =	vld [tilespmem:s11+$0x460];
	[tilespmem:s26+$0xC80] =	vst v5  }
0x4df: {  	v5 =	vld [tilespmem:s5+$0xC10];
	[tilespmem:s31+$0x9CB0] =	vst v4  }
0x4e0: {  	s19 =	smov.u32 s1;
	s1 =	rddreg [dreg:$0x7];
	v4 =	vld [tilespmem:s0+$0x1040];
	[tilespmem:s25+$0xA0E0] =	vst v2  }
0x4e1: {  	s10 =	smov.u32 s1;
	v2 =	vld [tilespmem:s24+$0x1470];
	[tilespmem:s22+$0xC90] =	vst v0  }
0x4e2: {  	[dreg:$0x5] =	wrdreg s10;
	s10 =	sor.u32 $0x1C20, s20;
	[tilespmem:s19+$0x8CB0] =	vst v6  }
0x4e3: {  	v0 =	vld [tilespmem:s10+$0x10C80]  }
0x4e4: {  	v6 =	vld [tilespmem:s16+$0x40];
	[tilespmem:s15+$0x90E0] =	vst v1  }
0x4e5: {  	v1 =	vld [tilespmem:s11+$0x470];
	[tilespmem:s26+$0xC90] =	vst v5  }
0x4e6: {  	v5 =	vld [tilespmem:s5+$0xC20];
	[tilespmem:s31+$0x9CC0] =	vst v4  }
0x4e7: {  	v4 =	vld [tilespmem:s0+$0x1050];
	[tilespmem:s25+$0xA0F0] =	vst v2  }
0x4e8: {  	s14 =	smov.u32 s9;
	s3 =	rddreg [dreg:$0xb];
	v2 =	vld [tilespmem:s24+$0x1800];
	[tilespmem:s22+$0xCA0] =	vst v0  }
0x4e9: {  	[dreg:$0x7] =	wrdreg s14;
	s14 =	smov.u32 s3;
	s3 =	sor.u32 $0x1C30, s20;
	[tilespmem:s19+$0x8CC0] =	vst v6  }
0x4ea: {  	v0 =	vld [tilespmem:s3+$0x10C80]  }
0x4eb: {  	v6 =	vld [tilespmem:s16+$0x50];
	[tilespmem:s15+$0x90F0] =	vst v1  }
0x4ec: {  	v1 =	vld [tilespmem:s11+$0x800];
	[tilespmem:s26+$0xCA0] =	vst v5  }
0x4ed: {  	v7 =	vld [tilespmem:s5+$0xC30];
	[tilespmem:s31+$0x9CD0] =	vst v4  }
0x4ee: {  	v8 =	vld [tilespmem:s0+$0x1060];
	[tilespmem:s25+$0xA480] =	vst v2  }
0x4ef: {  	s9 =	smov.u32 s12;
	v9 =	vld [tilespmem:s24+$0x1810];
	[tilespmem:s22+$0xCB0] =	vst v0  }
0x4f0: {  	[dreg:$0xb] =	wrdreg s9;
	s9 =	sor.u32 $0x1C40, s20;
	[tilespmem:s19+$0x8CD0] =	vst v6  }
0x4f1: {  	v6 =	vld [tilespmem:s9+$0x10C80]  }
0x4f2: {  	v10 =	vld [tilespmem:s16+$0x60];
	[tilespmem:s15+$0x9480] =	vst v1  }
0x4f3: {  	p0 =	sne.s32 s30, $0x7C00;
	v5 =	vld [tilespmem:s11+$0x810];
	[tilespmem:s26+$0xCB0] =	vst v7  }
.Ltmp1:
0x4f4: {  	v4 =	vld [tilespmem:s5+$0xC40];
	[tilespmem:s31+$0x9CE0] =	vst v8;
	(pc) =	sbr.rel @p0 .LBB2_5-.Ltmp1, $4  }
0x4f5: {  	v2 =	vld [tilespmem:s0+$0x1070];
	[tilespmem:s25+$0xA490] =	vst v9  }
0x4f6: {  	v0 =	vld [tilespmem:s24+$0x1820];
	[tilespmem:s22+$0xCC0] =	vst v6  }
0x4f7: {  	s7 =	smov.u32 s18;
	s18 =	smov.u32 s28;
	s10 =	sor.u32 $0x1C50, s20;
	[tilespmem:s19+$0x8CE0] =	vst v10  }
0x4f8: {  	s12 =	smov.u32 s17;
	s17 =	smov.u32 s30;
	s30 =	sadd.s32 $0x400, s30;
	v1 =	vld [tilespmem:s10+$0x10C80]  }
0x4f9: {  	(v2sf) =	vpush v3, $0x0;
	_ =	sdelay $0xe  }
0x4fa: {  	s1 =	spop (v2sf)  }
0x4fb: {  	s30 =	sshll.u32 s1, $0xA;
	s1 =	sshll.u32 s1, $0x7  }
0x4fc: {  	s3 =	sand.u32 $0x380, s1;
	s10 =	sand.u32 $0xFFFFE000, s30  }
0x4fd: {  	[dreg:$0x1a] =	wrdreg s3;
	s1 =	sor.u32 s3, s10  }
0x4fe: {  	v57 =	vld [tilespmem:s1+$0x10C80];
	_ =	sdelay $0x1  }
0x4ff: {  	s29 =	sadd.s32 $0x80, s28  }
0x500: {  	s3 =	sand.u32 $0x6000, s17;
	s10 =	sand.u32 $0x380, s29  }
0x501: {  	s28 =	sor.u32 s10, s3  }
0x502: {  	s9 =	sadd.s32 $0x10C80, s1;
	[tilespmem:s28+$0x8C80] =	vst v57  }
0x503: {  	v3 =	vld [tilespmem:s9+$0x10];
	_ =	sdelay $0x4  }
0x504: {  	[tilespmem:s28+$0x8C90] =	vst v3  }
0x505: {  	v3 =	vld [tilespmem:s9+$0x20];
	_ =	sdelay $0x4  }
0x506: {  	[tilespmem:s28+$0x8CA0] =	vst v3  }
0x507: {  	v3 =	vld [tilespmem:s9+$0x30];
	_ =	sdelay $0x4  }
0x508: {  	[tilespmem:s28+$0x8CB0] =	vst v3  }
0x509: {  	v3 =	vld [tilespmem:s9+$0x40];
	_ =	sdelay $0x4  }
0x50a: {  	[tilespmem:s28+$0x8CC0] =	vst v3  }
0x50b: {  	v3 =	vld [tilespmem:s9+$0x50];
	_ =	sdelay $0x4  }
0x50c: {  	[tilespmem:s28+$0x8CD0] =	vst v3  }
0x50d: {  	v3 =	vld [tilespmem:s9+$0x60];
	_ =	sdelay $0x2  }
0x50e: {  	v6 =	vld [tilespmem:s16+$0x70];
	_ =	sdelay $0x1  }
0x50f: {  	[tilespmem:s28+$0x8CE0] =	vst v3  }
0x510: {  	v3 =	vld [tilespmem:s9+$0x70];
	_ =	sdelay $0x1  }
0x511: {  	[tilespmem:s19+$0x8CF0] =	vst v6  }
0x512: {  	v6 =	vld [tilespmem:s16+$0x400];
	_ =	sdelay $0x1  }
0x513: {  	[tilespmem:s28+$0x8CF0] =	vst v3  }
0x514: {  	v3 =	vld [tilespmem:s9+$0x400];
	_ =	sdelay $0x1  }
0x515: {  	[tilespmem:s19+$0x9080] =	vst v6  }
0x516: {  	v6 =	vld [tilespmem:s16+$0x410];
	_ =	sdelay $0x1  }
0x517: {  	[tilespmem:s28+$0x9080] =	vst v3  }
0x518: {  	v3 =	vld [tilespmem:s9+$0x410];
	_ =	sdelay $0x1  }
0x519: {  	[tilespmem:s19+$0x9090] =	vst v6  }
0x51a: {  	v6 =	vld [tilespmem:s16+$0x420];
	_ =	sdelay $0x1  }
0x51b: {  	[tilespmem:s28+$0x9090] =	vst v3  }
0x51c: {  	v3 =	vld [tilespmem:s9+$0x420];
	_ =	sdelay $0x1  }
0x51d: {  	[tilespmem:s19+$0x90A0] =	vst v6  }
0x51e: {  	v6 =	vld [tilespmem:s16+$0x430];
	_ =	sdelay $0x1  }
0x51f: {  	[tilespmem:s28+$0x90A0] =	vst v3  }
0x520: {  	v3 =	vld [tilespmem:s9+$0x430];
	_ =	sdelay $0x1  }
0x521: {  	[tilespmem:s19+$0x90B0] =	vst v6  }
0x522: {  	v6 =	vld [tilespmem:s16+$0x440];
	_ =	sdelay $0x1  }
0x523: {  	[tilespmem:s28+$0x90B0] =	vst v3  }
0x524: {  	v3 =	vld [tilespmem:s9+$0x440];
	_ =	sdelay $0x1  }
0x525: {  	[tilespmem:s19+$0x90C0] =	vst v6  }
0x526: {  	v6 =	vld [tilespmem:s16+$0x450];
	_ =	sdelay $0x1  }
0x527: {  	[tilespmem:s28+$0x90C0] =	vst v3  }
0x528: {  	v3 =	vld [tilespmem:s9+$0x450];
	_ =	sdelay $0x1  }
0x529: {  	[tilespmem:s19+$0x90D0] =	vst v6  }
0x52a: {  	v6 =	vld [tilespmem:s16+$0x460];
	_ =	sdelay $0x1  }
0x52b: {  	[tilespmem:s28+$0x90D0] =	vst v3  }
0x52c: {  	v3 =	vld [tilespmem:s9+$0x460];
	_ =	sdelay $0x1  }
0x52d: {  	[tilespmem:s19+$0x90E0] =	vst v6  }
0x52e: {  	v6 =	vld [tilespmem:s16+$0x470];
	_ =	sdelay $0x1  }
0x52f: {  	[tilespmem:s28+$0x90E0] =	vst v3  }
0x530: {  	v3 =	vld [tilespmem:s9+$0x470];
	_ =	sdelay $0x1  }
0x531: {  	[tilespmem:s19+$0x90F0] =	vst v6  }
0x532: {  	v6 =	vld [tilespmem:s16+$0x800];
	_ =	sdelay $0x1  }
0x533: {  	[tilespmem:s28+$0x90F0] =	vst v3  }
0x534: {  	v3 =	vld [tilespmem:s9+$0x800];
	_ =	sdelay $0x1  }
0x535: {  	[tilespmem:s19+$0x9480] =	vst v6  }
0x536: {  	v6 =	vld [tilespmem:s16+$0x810];
	_ =	sdelay $0x1  }
0x537: {  	[tilespmem:s28+$0x9480] =	vst v3  }
0x538: {  	[tilespmem:s15+$0x9490] =	vst v5;
	v3 =	vld [tilespmem:s9+$0x810]  }
0x539: {  	v5 =	vld [tilespmem:s11+$0x820]  }
0x53a: {  	[tilespmem:s19+$0x9490] =	vst v6  }
0x53b: {  	v6 =	vld [tilespmem:s16+$0x820];
	_ =	sdelay $0x1  }
0x53c: {  	[tilespmem:s28+$0x9490] =	vst v3  }
0x53d: {  	[tilespmem:s15+$0x94A0] =	vst v5;
	v3 =	vld [tilespmem:s9+$0x820]  }
0x53e: {  	v5 =	vld [tilespmem:s11+$0x830]  }
0x53f: {  	[tilespmem:s19+$0x94A0] =	vst v6  }
0x540: {  	v6 =	vld [tilespmem:s16+$0x830];
	_ =	sdelay $0x1  }
0x541: {  	[tilespmem:s28+$0x94A0] =	vst v3  }
0x542: {  	[tilespmem:s15+$0x94B0] =	vst v5;
	v3 =	vld [tilespmem:s9+$0x830]  }
0x543: {  	v5 =	vld [tilespmem:s11+$0x840]  }
0x544: {  	[tilespmem:s19+$0x94B0] =	vst v6  }
0x545: {  	v6 =	vld [tilespmem:s16+$0x840];
	_ =	sdelay $0x1  }
0x546: {  	[tilespmem:s28+$0x94B0] =	vst v3  }
0x547: {  	[tilespmem:s15+$0x94C0] =	vst v5;
	v3 =	vld [tilespmem:s9+$0x840]  }
0x548: {  	v5 =	vld [tilespmem:s11+$0x850]  }
0x549: {  	[tilespmem:s19+$0x94C0] =	vst v6  }
0x54a: {  	v6 =	vld [tilespmem:s16+$0x850];
	_ =	sdelay $0x1  }
0x54b: {  	[tilespmem:s28+$0x94C0] =	vst v3  }
0x54c: {  	[tilespmem:s15+$0x94D0] =	vst v5;
	v3 =	vld [tilespmem:s9+$0x850]  }
0x54d: {  	v5 =	vld [tilespmem:s11+$0x860]  }
0x54e: {  	[tilespmem:s19+$0x94D0] =	vst v6  }
0x54f: {  	v6 =	vld [tilespmem:s16+$0x860];
	_ =	sdelay $0x1  }
0x550: {  	[tilespmem:s28+$0x94D0] =	vst v3  }
0x551: {  	[tilespmem:s15+$0x94E0] =	vst v5;
	v3 =	vld [tilespmem:s9+$0x860]  }
0x552: {  	v5 =	vld [tilespmem:s11+$0x870]  }
0x553: {  	[tilespmem:s19+$0x94E0] =	vst v6  }
0x554: {  	v6 =	vld [tilespmem:s16+$0x870];
	_ =	sdelay $0x1  }
0x555: {  	[tilespmem:s28+$0x94E0] =	vst v3  }
0x556: {  	[tilespmem:s15+$0x94F0] =	vst v5;
	v3 =	vld [tilespmem:s9+$0x870]  }
0x557: {  	v5 =	vld [tilespmem:s11+$0xC00]  }
0x558: {  	[tilespmem:s19+$0x94F0] =	vst v6  }
0x559: {  	v6 =	vld [tilespmem:s16+$0xC00]  }
0x55a: {  	s21 =	sor.u32 s21, s7  }
0x55b: {  	s1 =	sor.u32 $0x8C00, s21;
	[tilespmem:s28+$0x94F0] =	vst v3  }
0x55c: {  	s23 =	sor.u32 s23, s18;
	[tilespmem:s1+$0xC80] =	vst v5;
	v3 =	vld [tilespmem:s9+$0xC00]  }
0x55d: {  	s10 =	sor.u32 $0x8C00, s23;
	v5 =	vld [tilespmem:s11+$0xC10]  }
0x55e: {  	[tilespmem:s10+$0xC80] =	vst v6  }
0x55f: {  	s3 =	sor.u32 s3, s29;
	v6 =	vld [tilespmem:s16+$0xC10]  }
0x560: {  	s21 =	sor.u32 $0x8C00, s3  }
0x561: {  	[tilespmem:s21+$0xC80] =	vst v3  }
0x562: {  	[tilespmem:s1+$0xC90] =	vst v5;
	v3 =	vld [tilespmem:s9+$0xC10]  }
0x563: {  	v5 =	vld [tilespmem:s11+$0xC20]  }
0x564: {  	[tilespmem:s10+$0xC90] =	vst v6  }
0x565: {  	v6 =	vld [tilespmem:s16+$0xC20];
	_ =	sdelay $0x1  }
0x566: {  	[tilespmem:s21+$0xC90] =	vst v3  }
0x567: {  	[tilespmem:s1+$0xCA0] =	vst v5;
	v3 =	vld [tilespmem:s9+$0xC20]  }
0x568: {  	v5 =	vld [tilespmem:s11+$0xC30]  }
0x569: {  	[tilespmem:s10+$0xCA0] =	vst v6  }
0x56a: {  	v6 =	vld [tilespmem:s16+$0xC30];
	_ =	sdelay $0x1  }
0x56b: {  	[tilespmem:s21+$0xCA0] =	vst v3  }
0x56c: {  	[tilespmem:s1+$0xCB0] =	vst v5;
	v3 =	vld [tilespmem:s9+$0xC30]  }
0x56d: {  	v5 =	vld [tilespmem:s11+$0xC40]  }
0x56e: {  	[tilespmem:s10+$0xCB0] =	vst v6  }
0x56f: {  	[tilespmem:s26+$0xCC0] =	vst v4;
	v6 =	vld [tilespmem:s16+$0xC40]  }
0x570: {  	v4 =	vld [tilespmem:s5+$0xC50]  }
0x571: {  	[tilespmem:s21+$0xCB0] =	vst v3  }
0x572: {  	[tilespmem:s1+$0xCC0] =	vst v5;
	v3 =	vld [tilespmem:s9+$0xC40]  }
0x573: {  	v5 =	vld [tilespmem:s11+$0xC50]  }
0x574: {  	[tilespmem:s10+$0xCC0] =	vst v6  }
0x575: {  	[tilespmem:s26+$0xCD0] =	vst v4;
	v6 =	vld [tilespmem:s16+$0xC50]  }
0x576: {  	v4 =	vld [tilespmem:s5+$0xC60]  }
0x577: {  	[tilespmem:s21+$0xCC0] =	vst v3  }
0x578: {  	[tilespmem:s1+$0xCD0] =	vst v5;
	v3 =	vld [tilespmem:s9+$0xC50]  }
0x579: {  	v5 =	vld [tilespmem:s11+$0xC60]  }
0x57a: {  	[tilespmem:s10+$0xCD0] =	vst v6  }
0x57b: {  	[tilespmem:s26+$0xCE0] =	vst v4;
	v6 =	vld [tilespmem:s16+$0xC60]  }
0x57c: {  	v4 =	vld [tilespmem:s5+$0xC70]  }
0x57d: {  	[tilespmem:s21+$0xCD0] =	vst v3  }
0x57e: {  	[tilespmem:s1+$0xCE0] =	vst v5;
	v3 =	vld [tilespmem:s9+$0xC60]  }
0x57f: {  	v5 =	vld [tilespmem:s11+$0xC70]  }
0x580: {  	[tilespmem:s10+$0xCE0] =	vst v6  }
0x581: {  	[tilespmem:s26+$0xCF0] =	vst v4;
	v6 =	vld [tilespmem:s16+$0xC70]  }
0x582: {  	v4 =	vld [tilespmem:s5+$0x1000]  }
0x583: {  	[tilespmem:s21+$0xCE0] =	vst v3  }
0x584: {  	[tilespmem:s1+$0xCF0] =	vst v5;
	v3 =	vld [tilespmem:s9+$0xC70]  }
0x585: {  	v5 =	vld [tilespmem:s11+$0x1000]  }
0x586: {  	[tilespmem:s10+$0xCF0] =	vst v6  }
0x587: {  	[tilespmem:s4+$0x9C80] =	vst v4;
	v58 =	vld [tilespmem:s16+$0x1000]  }
0x588: {  	v4 =	vld [tilespmem:s5+$0x1010]  }
0x589: {  	[tilespmem:s21+$0xCF0] =	vst v3  }
0x58a: {  	[tilespmem:s15+$0x9C80] =	vst v5;
	v59 =	vld [tilespmem:s9+$0x1000]  }
0x58b: {  	v5 =	vld [tilespmem:s11+$0x1010]  }
0x58c: {  	[tilespmem:s19+$0x9C80] =	vst v58  }
0x58d: {  	[tilespmem:s4+$0x9C90] =	vst v4;
	v3 =	vld [tilespmem:s16+$0x1010]  }
0x58e: {  	v4 =	vld [tilespmem:s5+$0x1020]  }
0x58f: {  	[tilespmem:s28+$0x9C80] =	vst v59  }
0x590: {  	[tilespmem:s15+$0x9C90] =	vst v5;
	v6 =	vld [tilespmem:s9+$0x1010]  }
0x591: {  	v5 =	vld [tilespmem:s11+$0x1020]  }
0x592: {  	[tilespmem:s19+$0x9C90] =	vst v3  }
0x593: {  	[tilespmem:s4+$0x9CA0] =	vst v4;
	v3 =	vld [tilespmem:s16+$0x1020]  }
0x594: {  	v4 =	vld [tilespmem:s5+$0x1030]  }
0x595: {  	[tilespmem:s28+$0x9C90] =	vst v6  }
0x596: {  	[tilespmem:s15+$0x9CA0] =	vst v5;
	v6 =	vld [tilespmem:s9+$0x1020]  }
0x597: {  	v5 =	vld [tilespmem:s11+$0x1030]  }
0x598: {  	[tilespmem:s19+$0x9CA0] =	vst v3  }
0x599: {  	[tilespmem:s4+$0x9CB0] =	vst v4;
	v3 =	vld [tilespmem:s16+$0x1030]  }
0x59a: {  	v4 =	vld [tilespmem:s5+$0x1040]  }
0x59b: {  	[tilespmem:s28+$0x9CA0] =	vst v6  }
0x59c: {  	[tilespmem:s15+$0x9CB0] =	vst v5;
	v6 =	vld [tilespmem:s9+$0x1030]  }
0x59d: {  	v5 =	vld [tilespmem:s11+$0x1040]  }
0x59e: {  	[tilespmem:s19+$0x9CB0] =	vst v3  }
0x59f: {  	[tilespmem:s4+$0x9CC0] =	vst v4;
	v3 =	vld [tilespmem:s16+$0x1040]  }
0x5a0: {  	v4 =	vld [tilespmem:s5+$0x1050]  }
0x5a1: {  	[tilespmem:s28+$0x9CB0] =	vst v6  }
0x5a2: {  	[tilespmem:s15+$0x9CC0] =	vst v5;
	v6 =	vld [tilespmem:s9+$0x1040]  }
0x5a3: {  	v5 =	vld [tilespmem:s11+$0x1050]  }
0x5a4: {  	[tilespmem:s19+$0x9CC0] =	vst v3  }
0x5a5: {  	[tilespmem:s4+$0x9CD0] =	vst v4;
	v3 =	vld [tilespmem:s16+$0x1050]  }
0x5a6: {  	v4 =	vld [tilespmem:s5+$0x1060]  }
0x5a7: {  	[tilespmem:s28+$0x9CC0] =	vst v6  }
0x5a8: {  	[tilespmem:s15+$0x9CD0] =	vst v5;
	v6 =	vld [tilespmem:s9+$0x1050]  }
0x5a9: {  	[tilespmem:s31+$0x9CF0] =	vst v2;
	v5 =	vld [tilespmem:s11+$0x1060]  }
0x5aa: {  	v2 =	vld [tilespmem:s0+$0x1400];
	[tilespmem:s19+$0x9CD0] =	vst v3  }
0x5ab: {  	[tilespmem:s4+$0x9CE0] =	vst v4;
	v3 =	vld [tilespmem:s16+$0x1060]  }
0x5ac: {  	v4 =	vld [tilespmem:s5+$0x1070]  }
0x5ad: {  	[tilespmem:s28+$0x9CD0] =	vst v6  }
0x5ae: {  	[tilespmem:s15+$0x9CE0] =	vst v5;
	v6 =	vld [tilespmem:s9+$0x1060]  }
0x5af: {  	[tilespmem:s31+$0xA080] =	vst v2;
	v5 =	vld [tilespmem:s11+$0x1070]  }
0x5b0: {  	v2 =	vld [tilespmem:s0+$0x1410];
	[tilespmem:s19+$0x9CE0] =	vst v3  }
0x5b1: {  	[tilespmem:s4+$0x9CF0] =	vst v4;
	v3 =	vld [tilespmem:s16+$0x1070]  }
0x5b2: {  	v4 =	vld [tilespmem:s5+$0x1400]  }
0x5b3: {  	[tilespmem:s28+$0x9CE0] =	vst v6  }
0x5b4: {  	[tilespmem:s15+$0x9CF0] =	vst v5;
	v6 =	vld [tilespmem:s9+$0x1070]  }
0x5b5: {  	[tilespmem:s31+$0xA090] =	vst v2;
	v5 =	vld [tilespmem:s11+$0x1400]  }
0x5b6: {  	v2 =	vld [tilespmem:s0+$0x1420];
	[tilespmem:s19+$0x9CF0] =	vst v3  }
0x5b7: {  	[tilespmem:s4+$0xA080] =	vst v4;
	v3 =	vld [tilespmem:s16+$0x1400]  }
0x5b8: {  	v4 =	vld [tilespmem:s5+$0x1410]  }
0x5b9: {  	[tilespmem:s28+$0x9CF0] =	vst v6  }
0x5ba: {  	[tilespmem:s15+$0xA080] =	vst v5;
	v6 =	vld [tilespmem:s9+$0x1400]  }
0x5bb: {  	[tilespmem:s31+$0xA0A0] =	vst v2;
	v5 =	vld [tilespmem:s11+$0x1410]  }
0x5bc: {  	v2 =	vld [tilespmem:s0+$0x1430];
	[tilespmem:s19+$0xA080] =	vst v3  }
0x5bd: {  	[tilespmem:s4+$0xA090] =	vst v4;
	v3 =	vld [tilespmem:s16+$0x1410]  }
0x5be: {  	v4 =	vld [tilespmem:s5+$0x1420]  }
0x5bf: {  	[tilespmem:s28+$0xA080] =	vst v6  }
0x5c0: {  	[tilespmem:s15+$0xA090] =	vst v5;
	v6 =	vld [tilespmem:s9+$0x1410]  }
0x5c1: {  	[tilespmem:s31+$0xA0B0] =	vst v2;
	v5 =	vld [tilespmem:s11+$0x1420]  }
0x5c2: {  	v2 =	vld [tilespmem:s0+$0x1440];
	[tilespmem:s19+$0xA090] =	vst v3  }
0x5c3: {  	[tilespmem:s4+$0xA0A0] =	vst v4;
	v3 =	vld [tilespmem:s16+$0x1420]  }
0x5c4: {  	v4 =	vld [tilespmem:s5+$0x1430]  }
0x5c5: {  	[tilespmem:s28+$0xA090] =	vst v6  }
0x5c6: {  	[tilespmem:s15+$0xA0A0] =	vst v5;
	v6 =	vld [tilespmem:s9+$0x1420]  }
0x5c7: {  	[tilespmem:s31+$0xA0C0] =	vst v2;
	v5 =	vld [tilespmem:s11+$0x1430]  }
0x5c8: {  	v2 =	vld [tilespmem:s0+$0x1450];
	[tilespmem:s19+$0xA0A0] =	vst v3  }
0x5c9: {  	[tilespmem:s4+$0xA0B0] =	vst v4;
	v3 =	vld [tilespmem:s16+$0x1430]  }
0x5ca: {  	v4 =	vld [tilespmem:s5+$0x1440]  }
0x5cb: {  	[tilespmem:s28+$0xA0A0] =	vst v6  }
0x5cc: {  	[tilespmem:s15+$0xA0B0] =	vst v5;
	v6 =	vld [tilespmem:s9+$0x1430]  }
0x5cd: {  	[tilespmem:s31+$0xA0D0] =	vst v2;
	v5 =	vld [tilespmem:s11+$0x1440]  }
0x5ce: {  	v2 =	vld [tilespmem:s0+$0x1460];
	[tilespmem:s19+$0xA0B0] =	vst v3  }
0x5cf: {  	[tilespmem:s4+$0xA0C0] =	vst v4;
	v3 =	vld [tilespmem:s16+$0x1440]  }
0x5d0: {  	v4 =	vld [tilespmem:s5+$0x1450]  }
0x5d1: {  	[tilespmem:s28+$0xA0B0] =	vst v6  }
0x5d2: {  	[tilespmem:s15+$0xA0C0] =	vst v5;
	v6 =	vld [tilespmem:s9+$0x1440]  }
0x5d3: {  	[tilespmem:s31+$0xA0E0] =	vst v2;
	v5 =	vld [tilespmem:s11+$0x1450]  }
0x5d4: {  	v2 =	vld [tilespmem:s0+$0x1470];
	[tilespmem:s19+$0xA0C0] =	vst v3  }
0x5d5: {  	[tilespmem:s4+$0xA0D0] =	vst v4;
	v3 =	vld [tilespmem:s16+$0x1450]  }
0x5d6: {  	v4 =	vld [tilespmem:s5+$0x1460]  }
0x5d7: {  	[tilespmem:s28+$0xA0C0] =	vst v6  }
0x5d8: {  	[tilespmem:s15+$0xA0D0] =	vst v5;
	v6 =	vld [tilespmem:s9+$0x1450]  }
0x5d9: {  	[tilespmem:s31+$0xA0F0] =	vst v2;
	v5 =	vld [tilespmem:s11+$0x1460]  }
0x5da: {  	v2 =	vld [tilespmem:s0+$0x1800];
	[tilespmem:s19+$0xA0D0] =	vst v3  }
0x5db: {  	[tilespmem:s4+$0xA0E0] =	vst v4;
	v3 =	vld [tilespmem:s16+$0x1460]  }
0x5dc: {  	v4 =	vld [tilespmem:s5+$0x1470]  }
0x5dd: {  	[tilespmem:s28+$0xA0D0] =	vst v6  }
0x5de: {  	[tilespmem:s15+$0xA0E0] =	vst v5;
	v6 =	vld [tilespmem:s9+$0x1460]  }
0x5df: {  	[tilespmem:s31+$0xA480] =	vst v2;
	v5 =	vld [tilespmem:s11+$0x1470]  }
0x5e0: {  	v2 =	vld [tilespmem:s0+$0x1810];
	[tilespmem:s19+$0xA0E0] =	vst v3  }
0x5e1: {  	[tilespmem:s4+$0xA0F0] =	vst v4;
	v3 =	vld [tilespmem:s16+$0x1470]  }
0x5e2: {  	v4 =	vld [tilespmem:s5+$0x1800]  }
0x5e3: {  	[tilespmem:s28+$0xA0E0] =	vst v6  }
0x5e4: {  	[tilespmem:s15+$0xA0F0] =	vst v5;
	v60 =	vld [tilespmem:s9+$0x1470]  }
0x5e5: {  	[tilespmem:s31+$0xA490] =	vst v2;
	v5 =	vld [tilespmem:s11+$0x1800]  }
0x5e6: {  	v2 =	vld [tilespmem:s0+$0x1820];
	[tilespmem:s19+$0xA0F0] =	vst v3  }
0x5e7: {  	[tilespmem:s4+$0xA480] =	vst v4;
	v3 =	vld [tilespmem:s16+$0x1800]  }
0x5e8: {  	[tilespmem:s22+$0xCD0] =	vst v1;
	v4 =	vld [tilespmem:s5+$0x1810]  }
0x5e9: {  	[tilespmem:s28+$0xA0F0] =	vst v60  }
0x5ea: {  	[tilespmem:s15+$0xA480] =	vst v5;
	v1 =	vld [tilespmem:s9+$0x1800]  }
0x5eb: {  	[tilespmem:s31+$0xA4A0] =	vst v2;
	v5 =	vld [tilespmem:s11+$0x1810]  }
0x5ec: {  	v2 =	vld [tilespmem:s0+$0x1830];
	[tilespmem:s19+$0xA480] =	vst v3  }
0x5ed: {  	[tilespmem:s4+$0xA490] =	vst v4;
	v3 =	vld [tilespmem:s16+$0x1810]  }
0x5ee: {  	v4 =	vld [tilespmem:s5+$0x1820]  }
0x5ef: {  	[tilespmem:s28+$0xA480] =	vst v1  }
0x5f0: {  	[tilespmem:s15+$0xA490] =	vst v5;
	v1 =	vld [tilespmem:s9+$0x1810]  }
0x5f1: {  	[tilespmem:s31+$0xA4B0] =	vst v2;
	v5 =	vld [tilespmem:s11+$0x1820]  }
0x5f2: {  	v2 =	vld [tilespmem:s0+$0x1840];
	[tilespmem:s19+$0xA490] =	vst v3  }
0x5f3: {  	[tilespmem:s4+$0xA4A0] =	vst v4;
	v3 =	vld [tilespmem:s16+$0x1820]  }
0x5f4: {  	[tilespmem:s25+$0xA4A0] =	vst v0;
	v4 =	vld [tilespmem:s5+$0x1830]  }
0x5f5: {  	v63 =	vld [tilespmem:s24+$0x1830];
	[tilespmem:s28+$0xA490] =	vst v1  }
0x5f6: {  	[tilespmem:s15+$0xA4A0] =	vst v5;
	v62 =	vld [tilespmem:s9+$0x1820]  }
0x5f7: {  	[tilespmem:s31+$0xA4C0] =	vst v2;
	v5 =	vld [tilespmem:s11+$0x1830]  }
0x5f8: {  	v2 =	vld [tilespmem:s0+$0x1850];
	[tilespmem:s19+$0xA4A0] =	vst v3  }
0x5f9: {  	[tilespmem:s4+$0xA4B0] =	vst v4;
	v3 =	vld [tilespmem:s16+$0x1830]  }
0x5fa: {  	[tilespmem:s25+$0xA4B0] =	vst v63;
	v4 =	vld [tilespmem:s5+$0x1840]  }
0x5fb: {  	v1 =	vld [tilespmem:s24+$0x1840];
	[tilespmem:s28+$0xA4A0] =	vst v62  }
0x5fc: {  	[tilespmem:s15+$0xA4B0] =	vst v5;
	v0 =	vld [tilespmem:s9+$0x1830]  }
0x5fd: {  	[tilespmem:s31+$0xA4D0] =	vst v2;
	v5 =	vld [tilespmem:s11+$0x1840]  }
0x5fe: {  	v2 =	vld [tilespmem:s0+$0x1860];
	[tilespmem:s19+$0xA4B0] =	vst v3  }
0x5ff: {  	[tilespmem:s4+$0xA4C0] =	vst v4;
	v3 =	vld [tilespmem:s16+$0x1840]  }
0x600: {  	v4 =	vld [tilespmem:s5+$0x1850];
	[tilespmem:s25+$0xA4C0] =	vst v1  }
0x601: {  	v1 =	vld [tilespmem:s24+$0x1850];
	[tilespmem:s28+$0xA4B0] =	vst v0  }
0x602: {  	[tilespmem:s15+$0xA4C0] =	vst v5;
	v0 =	vld [tilespmem:s9+$0x1840]  }
0x603: {  	[tilespmem:s31+$0xA4E0] =	vst v2;
	s10 =	sor.u32 $0x1C60, s20;
	v5 =	vld [tilespmem:s11+$0x1850]  }
0x604: {  	v61 =	vld [tilespmem:s10+$0x10C80];
	[tilespmem:s19+$0xA4C0] =	vst v3  }
0x605: {  	[tilespmem:s4+$0xA4D0] =	vst v4;
	v3 =	vld [tilespmem:s16+$0x1850]  }
0x606: {  	v4 =	vld [tilespmem:s5+$0x1860];
	[tilespmem:s25+$0xA4D0] =	vst v1  }
0x607: {  	v1 =	vld [tilespmem:s24+$0x1860];
	[tilespmem:s28+$0xA4C0] =	vst v0  }
0x608: {  	[tilespmem:s15+$0xA4D0] =	vst v5;
	v0 =	vld [tilespmem:s9+$0x1850]  }
0x609: {  	[tilespmem:s22+$0xCE0] =	vst v61;
	s21 =	sor.u32 $0x1C70, s20;
	v5 =	vld [tilespmem:s11+$0x1860]  }
0x60a: {  	v6 =	vld [tilespmem:s21+$0x10C80];
	[tilespmem:s19+$0xA4D0] =	vst v3  }
0x60b: {  	[tilespmem:s4+$0xA4E0] =	vst v4;
	v3 =	vld [tilespmem:s16+$0x1860]  }
0x60c: {  	[tilespmem:s25+$0xA4E0] =	vst v1  }
0x60d: {  	v1 =	vld [tilespmem:s24+$0x1870];
	[tilespmem:s28+$0xA4D0] =	vst v0  }
0x60e: {  	[tilespmem:s15+$0xA4E0] =	vst v5;
	v0 =	vld [tilespmem:s9+$0x1860]  }
0x60f: {  	v2 =	vld [tilespmem:s0+$0x1870];
	[tilespmem:s22+$0xCF0] =	vst v6  }
0x610: {  	[tilespmem:s19+$0xA4E0] =	vst v3  }
0x611: {  	v4 =	vld [tilespmem:s5+$0x1870];
	s23 =	rddreg [dreg:$0x3]  }
0x612: {  	s24 =	rddreg [dreg:$0x6];
	[tilespmem:s25+$0xA4F0] =	vst v1  }
0x613: {  	v5 =	vld [tilespmem:s11+$0x1870];
	[tilespmem:s28+$0xA4E0] =	vst v0  }
0x614: {  	s25 =	rddreg [dreg:$0x8];
	[tilespmem:s31+$0xA4F0] =	vst v2  }
0x615: {  	v3 =	vld [tilespmem:s16+$0x1870];
	s3 =	rddreg [dreg:$0x9]  }
0x616: {  	v0 =	vld [tilespmem:s9+$0x1870];
	s9 =	rddreg [dreg:$0xa];
	[tilespmem:s4+$0xA4F0] =	vst v4  }
0x617: {  	s11 =	rddreg [dreg:$0xd]  }
0x618: {  	s0 =	sor.u32 s23, s24;
	s5 =	sor.u32 s25, s13;
	s13 =	rddreg [dreg:$0xe];
	[tilespmem:s15+$0xA4F0] =	vst v5  }
0x619: {  	s26 =	sor.u32 $0x1C00, s0;
	s22 =	rddreg [dreg:$0x4]  }
0x61a: {  	s2 =	sor.u32 s2, s6;
	v1 =	vld [tilespmem:s26+$0x10C80];
	s10 =	sor.u32 $0x1C00, s5;
	s23 =	rddreg [dreg:$0x5];
	[tilespmem:s19+$0xA4F0] =	vst v3  }
0x61b: {  	s26 =	sor.u32 $0x1C00, s2;
	s16 =	sor.u32 s3, s9;
	v2 =	vld [tilespmem:s10+$0x10C80];
	s25 =	rddreg [dreg:$0x1a]  }
0x61c: {  	s4 =	sor.u32 s11, s13;
	s20 =	sor.u32 $0x1C00, s16;
	s10 =	rddreg [dreg:$0xc]  }
0x61d: {  	s24 =	sor.u32 s23, s22;
	v3 =	vld [tilespmem:s26+$0x10C80];
	s6 =	sor.u32 s30, s25;
	s30 =	rddreg [dreg:$0x7]  }
0x61e: {  	v4 =	vld [tilespmem:s20+$0x10C80];
	s21 =	sor.u32 $0x1C00, s4;
	s9 =	sor.u32 $0x9C00, s24;
	[tilespmem:s28+$0xA4F0] =	vst v0;
	s10 =	sor.u32 s30, s10  }
0x61f: {  	v5 =	vld [tilespmem:s21+$0x10C80];
	s31 =	sor.u32 $0x1C00, s6;
	[tilespmem:s9+$0xC80] =	vst v1;
	s1 =	sor.u32 $0x9C00, s10  }
0x620: {  	s8 =	sor.u32 s14, s8;
	s18 =	sor.u32 s12, s18;
	s3 =	sor.u32 $0x1C10, s0;
	v0 =	vld [tilespmem:s31+$0x10C80];
	[tilespmem:s1+$0xC80] =	vst v2  }
0x621: {  	s15 =	sor.u32 $0x1C10, s5;
	v1 =	vld [tilespmem:s3+$0x10C80];
	s10 =	sor.u32 $0x9C00, s18;
	s13 =	rddreg [dreg:$0xb]  }
0x622: {  	s22 =	sor.u32 $0x1C10, s2;
	v2 =	vld [tilespmem:s15+$0x10C80];
	[tilespmem:s10+$0xC80] =	vst v3;
	s14 =	sor.u32 s13, s7;
	s7 =	sor.u32 $0x9C00, s8  }
0x623: {  	s19 =	sor.u32 $0x1C10, s16;
	s20 =	sor.u32 s17, s29;
	v3 =	vld [tilespmem:s22+$0x10C80];
	[tilespmem:s7+$0xC80] =	vst v4;
	s8 =	sor.u32 $0x9C00, s14  }
0x624: {  	s21 =	sor.u32 $0x1C10, s4;
	s11 =	sor.u32 $0x9C00, s20;
	v4 =	vld [tilespmem:s19+$0x10C80];
	[tilespmem:s8+$0xC80] =	vst v5  }
0x625: {  	s23 =	sor.u32 $0x1C10, s6;
	[tilespmem:s11+$0xC80] =	vst v0;
	v5 =	vld [tilespmem:s21+$0x10C80]  }
0x626: {  	s24 =	sor.u32 $0x1C20, s0;
	[tilespmem:s9+$0xC90] =	vst v1;
	v0 =	vld [tilespmem:s23+$0x10C80]  }
0x627: {  	s25 =	sor.u32 $0x1C20, s5;
	v1 =	vld [tilespmem:s24+$0x10C80];
	[tilespmem:s1+$0xC90] =	vst v2  }
0x628: {  	s30 =	sor.u32 $0x1C20, s2;
	v2 =	vld [tilespmem:s25+$0x10C80];
	[tilespmem:s10+$0xC90] =	vst v3  }
0x629: {  	s26 =	sor.u32 $0x1C20, s16;
	v3 =	vld [tilespmem:s30+$0x10C80];
	[tilespmem:s7+$0xC90] =	vst v4  }
0x62a: {  	s28 =	sor.u32 $0x1C20, s4;
	v4 =	vld [tilespmem:s26+$0x10C80];
	[tilespmem:s8+$0xC90] =	vst v5  }
0x62b: {  	s31 =	sor.u32 $0x1C20, s6;
	[tilespmem:s11+$0xC90] =	vst v0;
	v5 =	vld [tilespmem:s28+$0x10C80]  }
0x62c: {  	s3 =	sor.u32 $0x1C30, s0;
	[tilespmem:s9+$0xCA0] =	vst v1;
	v0 =	vld [tilespmem:s31+$0x10C80]  }
0x62d: {  	s13 =	sor.u32 $0x1C30, s5;
	v1 =	vld [tilespmem:s3+$0x10C80];
	[tilespmem:s1+$0xCA0] =	vst v2  }
0x62e: {  	s17 =	sor.u32 $0x1C30, s2;
	v2 =	vld [tilespmem:s13+$0x10C80];
	[tilespmem:s10+$0xCA0] =	vst v3  }
0x62f: {  	s14 =	sor.u32 $0x1C30, s16;
	v3 =	vld [tilespmem:s17+$0x10C80];
	[tilespmem:s7+$0xCA0] =	vst v4  }
0x630: {  	s15 =	sor.u32 $0x1C30, s4;
	v4 =	vld [tilespmem:s14+$0x10C80];
	[tilespmem:s8+$0xCA0] =	vst v5  }
0x631: {  	s18 =	sor.u32 $0x1C30, s6;
	[tilespmem:s11+$0xCA0] =	vst v0;
	v5 =	vld [tilespmem:s15+$0x10C80]  }
0x632: {  	s19 =	sor.u32 $0x1C40, s0;
	[tilespmem:s9+$0xCB0] =	vst v1;
	v0 =	vld [tilespmem:s18+$0x10C80]  }
0x633: {  	s20 =	sor.u32 $0x1C40, s5;
	v1 =	vld [tilespmem:s19+$0x10C80];
	[tilespmem:s1+$0xCB0] =	vst v2  }
0x634: {  	s23 =	sor.u32 $0x1C40, s2;
	v2 =	vld [tilespmem:s20+$0x10C80];
	[tilespmem:s10+$0xCB0] =	vst v3  }
0x635: {  	s21 =	sor.u32 $0x1C40, s16;
	v3 =	vld [tilespmem:s23+$0x10C80];
	[tilespmem:s7+$0xCB0] =	vst v4  }
0x636: {  	s22 =	sor.u32 $0x1C40, s4;
	v4 =	vld [tilespmem:s21+$0x10C80];
	[tilespmem:s8+$0xCB0] =	vst v5  }
0x637: {  	s24 =	sor.u32 $0x1C40, s6;
	[tilespmem:s11+$0xCB0] =	vst v0;
	v5 =	vld [tilespmem:s22+$0x10C80]  }
0x638: {  	s25 =	sor.u32 $0x1C50, s0;
	[tilespmem:s9+$0xCC0] =	vst v1;
	v0 =	vld [tilespmem:s24+$0x10C80]  }
0x639: {  	s26 =	sor.u32 $0x1C50, s5;
	v1 =	vld [tilespmem:s25+$0x10C80];
	[tilespmem:s1+$0xCC0] =	vst v2  }
0x63a: {  	s31 =	sor.u32 $0x1C50, s2;
	v2 =	vld [tilespmem:s26+$0x10C80];
	[tilespmem:s10+$0xCC0] =	vst v3  }
0x63b: {  	s28 =	sor.u32 $0x1C50, s16;
	v3 =	vld [tilespmem:s31+$0x10C80];
	[tilespmem:s7+$0xCC0] =	vst v4  }
0x63c: {  	s30 =	sor.u32 $0x1C50, s4;
	v4 =	vld [tilespmem:s28+$0x10C80];
	[tilespmem:s8+$0xCC0] =	vst v5  }
0x63d: {  	s3 =	sor.u32 $0x1C50, s6;
	[tilespmem:s11+$0xCC0] =	vst v0;
	v5 =	vld [tilespmem:s30+$0x10C80]  }
0x63e: {  	s13 =	sor.u32 $0x1C60, s0;
	[tilespmem:s9+$0xCD0] =	vst v1;
	v0 =	vld [tilespmem:s3+$0x10C80]  }
0x63f: {  	s14 =	sor.u32 $0x1C60, s5;
	v1 =	vld [tilespmem:s13+$0x10C80];
	[tilespmem:s1+$0xCD0] =	vst v2  }
0x640: {  	s18 =	sor.u32 $0x1C60, s2;
	v2 =	vld [tilespmem:s14+$0x10C80];
	[tilespmem:s10+$0xCD0] =	vst v3  }
0x641: {  	s15 =	sor.u32 $0x1C60, s16;
	v3 =	vld [tilespmem:s18+$0x10C80];
	[tilespmem:s7+$0xCD0] =	vst v4  }
0x642: {  	s17 =	sor.u32 $0x1C60, s4;
	v4 =	vld [tilespmem:s15+$0x10C80];
	[tilespmem:s8+$0xCD0] =	vst v5  }
0x643: {  	s19 =	sor.u32 $0x1C60, s6;
	[tilespmem:s11+$0xCD0] =	vst v0;
	v5 =	vld [tilespmem:s17+$0x10C80]  }
0x644: {  	s0 =	sor.u32 $0x1C70, s0;
	[tilespmem:s9+$0xCE0] =	vst v1;
	v0 =	vld [tilespmem:s19+$0x10C80]  }
0x645: {  	s20 =	sor.u32 $0x1C70, s5;
	v1 =	vld [tilespmem:s0+$0x10C80];
	[tilespmem:s1+$0xCE0] =	vst v2  }
0x646: {  	s23 =	sor.u32 $0x1C70, s2;
	v2 =	vld [tilespmem:s20+$0x10C80];
	[tilespmem:s10+$0xCE0] =	vst v3  }
0x647: {  	s21 =	sor.u32 $0x1C70, s16;
	v3 =	vld [tilespmem:s23+$0x10C80];
	[tilespmem:s7+$0xCE0] =	vst v4  }
0x648: {  	s22 =	sor.u32 $0x1C70, s4;
	v4 =	vld [tilespmem:s21+$0x10C80];
	[tilespmem:s8+$0xCE0] =	vst v5  }
0x649: {  	s24 =	sor.u32 $0x1C70, s6;
	[tilespmem:s11+$0xCE0] =	vst v0;
	v5 =	vld [tilespmem:s22+$0x10C80]  }
0x64a: {  	[tilespmem:s9+$0xCF0] =	vst v1;
	v0 =	vld [tilespmem:s24+$0x10C80]  }
0x64b: {  	[tilespmem:s1+$0xCF0] =	vst v2  }
0x64c: {  	[tilespmem:s10+$0xCF0] =	vst v3  }
0x64d: {  	[tilespmem:s7+$0xCF0] =	vst v4  }
0x64e: {  	[tilespmem:s8+$0xCF0] =	vst v5  }
0x64f: {  	s25 =	rddreg [dreg:$0x19];
	[tilespmem:s11+$0xCF0] =	vst v0  }
0x650: {  	s29 =	rddreg [dreg:$0x17]  }
0x651: {  	s29 =	sadd.s32 $0x1, s29  }
0x652: {  	s26 =	simm.s32 $0x0;
	p0 =	sne.s32 s29, $0x10  }
.Ltmp2:
0x653: {  	s0 =	sshll.u32 s25, $0xC;
	s1 =	rddreg [dreg:$0x12];
	(pc) =	sbr.rel @p0 .LBB2_2-.Ltmp2, $4  }
0x654: {  	s28 =	simm.s32 $0x8C80;
	s31 =	rddreg [dreg:$0x16];
	s0 =	sadd.s32 s0, s1  }
0x655: {  	[hbm4b:s0+s26] =	stream.linear.scatter [tilespmem:s28], [sflag:$0x2], $0x8000, $0x38;
	[tilespmem:$0x18C80] =	vst v63  }
0x656: {  	s30 =	rddreg [dreg:$0x15];
	s0 =	sadd.s32 $0x40, s31  }
0x657: {  	s4 =	sadd.s32 $0x40, s30;
	[dreg:$0x16] =	wrdreg s0  }
0x658: {  	s0 =	simm.s32 $0x1  }
0x659: {  	_ =	swait.ge [sflag:s0], $0x8000  }
0x65a: {  	[sflag:s0] =	ssyncset.done $0x0  }
0x65b: {  	s1 =	simm.s32 $0x2;
	[sflag:s0] =	ssyncadd.s32 $0xFFFF8000  }
0x65c: {  	_ =	swait.ge [sflag:s1], $0x8000  }
0x65d: {  	s2 =	rddreg [dreg:$0x14]  }
0x65e: {  	s31 =	rddreg [dreg:$0x13];
	s2 =	sadd.s32 $0x1, s2  }
0x65f: {  	p0 =	sne.s32 s2, s31  }
.Ltmp3:
0x660: {  	_ = 	snop;
	(pc) =	sbr.rel @p0 .LBB2_1-.Ltmp3, $3  }
0x661: {  	_ =	sdelay $0x1  }
0x662: {  	[sflag:s1] =	ssyncset.done $0x0  }
0x663: {  	[sflag:s1] =	ssyncadd.s32 $0xFFFF8000  }
0x664: {  	_ =	sfence.sel $0x180000  }
0x665: {  	[bflag:$0x0] =	sbarrier.arrive $0xFFFF  }
0x666: {  	_ =	strace $0x90000047  }
0x667: {  	s0 =	stileid.u32;
	[bflag:$0x2] =	sbarrier.arrive $0xFFFF  }
0x668: {  	p0 =	sne.s32 s0, $0x0;
	s0 =	rddreg [dreg:$0x2]  }
0x669: {  	s0 =	sadd.s32 @!p0 $0x100000, s0  }
0x66a: {  	[sflag:s0] =	ssyncadd.tile.s32 @!p0 $0x1;
	_ =	shalt  }
.Lfunc_end2:
_tile_overlayer_lowered:
.L_overlay_start_2:
0x66b: {  	(tag) =	ssettag $0x2  }
0x66c: {  	s0 =	rddreg [dreg:$0x0];
	s2 =	stileid.u32  }
0x66d: {  	s1 =	rddreg [dreg:$0x1];
	p0 =	sne.s32 s2, $0x0  }
0x66e: {  	s3 =	rddreg [dreg:$0x2];
	[bflag:$0x3] =	sbarrier.arrive $0xFFFF;
	s2 =	simm.s32 @!p0 $0x1C03  }
0x66f: {  	[timem:s3], [sflag:s2] =	dma.local @!p0 [hbm:s0], s1  }
0x670: {  	s0 =	simm.s32 @!p0 $0x3  }
0x671: {  	_ =	swait.ge @!p0 [sflag:s0], s1  }
0x672: {  	s1 =	ssub.s32 @!p0 $0x0, s1;
	[sflag:s0] =	ssyncset.done @!p0 $0x0  }
0x673: {  	[sflag:s0] =	ssyncadd.s32 @!p0 s1  }
0x674: {  	[bflag:$0x3] =	sbarrier.arrive $0xFFFF  }
0x675: {  	_ =	shalt  }

</sc_bundles>
